<compile_context>
chip_gen: v7x
topology: tpu7x:2x2x1
jax: 0.10.2.dev20260603
libtpu: 0.0.44.dev20260713+nightly
codegen_flags: <defaults>
</compile_context>

<pallas_src>
import functools

import jax
import jax.numpy as jnp
from jax import lax
from jax.experimental import pallas as pl
from jax.experimental.pallas import tpu as pltpu
from jax.experimental.pallas import tpu_sc as plsc

N = 10000
E = 320000
D_IN = 128
H = 64

NC = 2
NS = 16
NW = NC * NS
L = 16

CB = 128
C_TOT = 2560
E_PAD = C_TOT * CB
NCU = 2
Q0 = C_TOT // NW
N_ACC = 10240
CH_PER_SUB = N_ACC // CB // NS
N_SUB = N_ACC // NS
NBUF = 5
PF = 4

BLK = 2048
NBLK = N_ACC // BLK


@functools.lru_cache(maxsize=None)
def _make_sc_agg(D, with_count, two_tables=False):
    mesh = plsc.VectorSubcoreMesh(core_axis_name="c", subcore_axis_name="s",
                                  num_cores=NCU)
    QMAX = C_TOT // NS if two_tables else Q0
    outs = [jax.ShapeDtypeStruct((NCU, N_ACC, D), jnp.float32)]
    if with_count:
        outs.append(jax.ShapeDtypeStruct((NCU, N_ACC), jnp.float32))
    scratch = [
        pltpu.VMEM((QMAX, CB), jnp.int32),
        pltpu.VMEM((QMAX, CB), jnp.int32),
    ]
    scratch += [pltpu.VMEM((CB, D), jnp.float32) for _ in range(NBUF)]
    scratch.append(pltpu.VMEM_SHARED((N_ACC, D), jnp.float32))
    if with_count:
        scratch.append(pltpu.VMEM((CB,), jnp.float32))
        scratch.append(pltpu.VMEM((N_SUB,), jnp.float32))
        scratch.append(pltpu.VMEM_SHARED((N_ACC,), jnp.float32))
    scratch += [pltpu.SemaphoreType.DMA for _ in range(2 * NBUF)]
    if with_count:
        scratch.append(pltpu.SemaphoreType.DMA)

    @functools.partial(
        pl.kernel,
        mesh=mesh,
        out_type=tuple(outs) if with_count else outs[0],
        scratch_types=scratch,
        compiler_params=pltpu.CompilerParams(use_tc_tiling_on_sc=False),
    )
    def agg(*args):
        tab, srcs, dsts, *rest = args
        if with_count:
            (out, cnt_out, src_v, dst_v, *bufs, acc, ones_v, zc_v, cacc) = (
                rest[:-(2 * NBUF + 1)])
            sems = rest[-(2 * NBUF + 1):]
            gs, ss, csem = sems[:NBUF], sems[NBUF:2 * NBUF], sems[-1]
        else:
            (out, src_v, dst_v, *bufs, acc) = rest[:-(2 * NBUF)]
            sems = rest[-(2 * NBUF):]
            gs, ss = sems[:NBUF], sems[NBUF:]
            cnt_out = ones_v = zc_v = cacc = csem = None

        c = lax.axis_index("c")
        s = lax.axis_index("s")

        with jax.named_scope("agg_zero"):
            @pl.loop(0, CB)
            def _(i):
                @pl.loop(0, D // L)
                def _(k):
                    bufs[0][i, pl.ds(k * L, L)] = jnp.zeros((L,), jnp.float32)

            if with_count:
                @pl.loop(0, CB // L)
                def _(k):
                    ones_v[pl.ds(k * L, L)] = jnp.full((L,), 1.0, jnp.float32)

                @pl.loop(0, N_SUB // L)
                def _(k):
                    zc_v[pl.ds(k * L, L)] = jnp.zeros((L,), jnp.float32)

            for t in range(CH_PER_SUB):
                ch = s * CH_PER_SUB + t
                pltpu.sync_copy(bufs[0], acc.at[pl.ds(ch * CB, CB)])
            if with_count:
                pltpu.sync_copy(zc_v, cacc.at[pl.ds(s * N_SUB, N_SUB)])

        with jax.named_scope("agg_barrier1"):
            plsc.subcore_barrier()

        def run(nch, base, do_count):
            with jax.named_scope("agg_idx"):
                pltpu.sync_copy(srcs.at[pl.ds(base, nch)],
                                src_v.at[pl.ds(0, nch)])
                pltpu.sync_copy(dsts.at[pl.ds(base, nch)],
                                dst_v.at[pl.ds(0, nch)])
                if two_tables:
                    @pl.loop(0, nch)
                    def _(j):
                        @pl.loop(0, CB // L)
                        def _(k):
                            v = src_v[j, pl.ds(k * L, L)]
                            src_v[j, pl.ds(k * L, L)] = v + v + c

            for k in range(PF):
                pltpu.async_copy(tab.at[src_v.at[k]], bufs[k], gs[k])

            def ring_body(g):
                for b in range(NBUF):
                    j = g + b
                    b2 = (b + PF) % NBUF

                    @pl.when(j >= NBUF - PF)
                    def _():
                        pltpu.make_async_copy(
                            bufs[b2], acc.at[dst_v.at[j - (NBUF - PF)]],
                            ss[b2]).wait()

                    @pl.when(j + PF < nch)
                    def _():
                        pltpu.async_copy(tab.at[src_v.at[j + PF]], bufs[b2],
                                         gs[b2])

                    pltpu.make_async_copy(tab.at[src_v.at[j]], bufs[b],
                                          gs[b]).wait()
                    pltpu.async_copy(bufs[b], acc.at[dst_v.at[j]], ss[b],
                                     add=True)
                    if do_count:
                        pltpu.async_copy(ones_v, cacc.at[dst_v.at[j]], csem,
                                         add=True)

            with jax.named_scope("agg_ring"):
                @pl.loop(0, nch, step=NBUF)
                def _(g):
                    ring_body(g)

            with jax.named_scope("agg_drain"):
                for k in range(nch - NBUF + PF, nch):
                    pltpu.make_async_copy(bufs[k % NBUF],
                                          acc.at[dst_v.at[k]],
                                          ss[k % NBUF]).wait()
                if do_count:
                    @pl.loop(0, nch)
                    def _(j):
                        pltpu.make_async_copy(ones_v, cacc.at[dst_v.at[j]],
                                              csem).wait()

        if two_tables:
            if with_count:
                @pl.when(c == 0)
                def _():
                    run(QMAX, s * QMAX, True)

                @pl.when(c == 1)
                def _():
                    run(QMAX, s * QMAX, False)
            else:
                run(QMAX, s * QMAX, False)
        else:
            run(Q0, (c * NS + s) * Q0, with_count)

        with jax.named_scope("agg_barrier2"):
            plsc.subcore_barrier()

        with jax.named_scope("agg_dump"):
            for t in range(CH_PER_SUB):
                ch = s * CH_PER_SUB + t
                pltpu.sync_copy(acc.at[pl.ds(ch * CB, CB)],
                                out.at[c, pl.ds(ch * CB, CB)])
            if with_count:
                pltpu.sync_copy(cacc.at[pl.ds(s * N_SUB, N_SUB)],
                                cnt_out.at[c, pl.ds(s * N_SUB, N_SUB)])

    return agg



def _tc_a_body(x_ref, w_ref, b_ref, o_ref):
    o_ref[...] = (jnp.dot(x_ref[...], w_ref[...],
                          preferred_element_type=jnp.float32) + b_ref[...])


def _tc_a(x, W1_l, b1):
    return pl.pallas_call(
        _tc_a_body,
        grid=(NBLK,),
        in_specs=[
            pl.BlockSpec((BLK, D_IN), lambda i: (i, 0)),
            pl.BlockSpec((D_IN, 2 * H), lambda i: (0, 0)),
            pl.BlockSpec((1, 2 * H), lambda i: (0, 0)),
        ],
        out_specs=pl.BlockSpec((BLK, 2 * H), lambda i: (i, 0)),
        out_shape=jax.ShapeDtypeStruct((N, 2 * H), jnp.float32),
    )(x, W1_l, b1.reshape(1, 2 * H))


def _rcnt(c_ref):
    cnt = jnp.maximum(c_ref[0] + c_ref[1], 1.0)
    return (1.0 / cnt)[:, None]


def _tc_b_body(p_ref, a_ref, c_ref, w1ra_ref, w1rb_ref, w2_ref,
               b2_ref, o1_ref, o2_ref):
    rc = _rcnt(c_ref)
    m1a = a_ref[0] * rc
    m1b = a_ref[1] * rc
    h1 = jnp.maximum(
        p_ref[...]
        + jnp.dot(m1a, w1ra_ref[...], preferred_element_type=jnp.float32)
        + jnp.dot(m1b, w1rb_ref[...], preferred_element_type=jnp.float32),
        0.0)
    y2 = (jnp.dot(h1, w2_ref[...], preferred_element_type=jnp.float32)
          + b2_ref[...])
    o1_ref[...] = y2[:, :H]
    o2_ref[...] = y2[:, H:]


def _tc_b(p_l1, agg1, cntp, W1r_a, W1r_b, W2cat, b2cat):
    return pl.pallas_call(
        _tc_b_body,
        grid=(NBLK,),
        in_specs=[
            pl.BlockSpec((BLK, 2 * H), lambda i: (i, 0)),
            pl.BlockSpec((NCU, BLK, H), lambda i: (0, i, 0)),
            pl.BlockSpec((NCU, BLK), lambda i: (0, i)),
            pl.BlockSpec((H, 2 * H), lambda i: (0, 0)),
            pl.BlockSpec((H, 2 * H), lambda i: (0, 0)),
            pl.BlockSpec((2 * H, 2 * H), lambda i: (0, 0)),
            pl.BlockSpec((1, 2 * H), lambda i: (0, 0)),
        ],
        out_specs=[
            pl.BlockSpec((BLK, H), lambda i: (i, 0)),
            pl.BlockSpec((BLK, H), lambda i: (i, 0)),
        ],
        out_shape=[
            jax.ShapeDtypeStruct((N, H), jnp.float32),
            jax.ShapeDtypeStruct((N, H), jnp.float32),
        ],
    )(p_l1, agg1, cntp, W1r_a, W1r_b, W2cat, b2cat)


def _tc_c_body(p_ref, a_ref, c_ref, w_ref, b_ref, oh_ref, op_ref):
    m2 = (a_ref[0] + a_ref[1]) * _rcnt(c_ref)
    h2 = jnp.maximum(p_ref[...] + m2, 0.0)
    oh_ref[...] = h2
    op_ref[...] = (jnp.dot(h2, w_ref[...],
                           preferred_element_type=jnp.float32) + b_ref[...])


def _tc_c(p_l2b, agg2, cntp, Wmulv_l, bmulv):
    return pl.pallas_call(
        _tc_c_body,
        grid=(NBLK,),
        in_specs=[
            pl.BlockSpec((BLK, H), lambda i: (i, 0)),
            pl.BlockSpec((NCU, BLK, H), lambda i: (0, i, 0)),
            pl.BlockSpec((NCU, BLK), lambda i: (0, i)),
            pl.BlockSpec((H, 2 * H), lambda i: (0, 0)),
            pl.BlockSpec((1, 2 * H), lambda i: (0, 0)),
        ],
        out_specs=[
            pl.BlockSpec((BLK, H), lambda i: (i, 0)),
            pl.BlockSpec((BLK, 2 * H), lambda i: (i, 0)),
        ],
        out_shape=[
            jax.ShapeDtypeStruct((N, H), jnp.float32),
            jax.ShapeDtypeStruct((N, 2 * H), jnp.float32),
        ],
    )(p_l2b, agg2, cntp, Wmulv_l, bmulv)


def _tc_d_body(p_ref, a_ref, c_ref, w_ref, omu_ref, olv_ref):
    m3 = (a_ref[0] + a_ref[1]) * _rcnt(c_ref)
    res = p_ref[...] + jnp.dot(m3, w_ref[...],
                               preferred_element_type=jnp.float32)
    omu_ref[...] = res[:, :H]
    olv_ref[...] = res[:, H:]


def _tc_d(p_mulv, agg3, cntp, Wmulv_r):
    return pl.pallas_call(
        _tc_d_body,
        grid=(NBLK,),
        in_specs=[
            pl.BlockSpec((BLK, 2 * H), lambda i: (i, 0)),
            pl.BlockSpec((NCU, BLK, H), lambda i: (0, i, 0)),
            pl.BlockSpec((NCU, BLK), lambda i: (0, i)),
            pl.BlockSpec((H, 2 * H), lambda i: (0, 0)),
        ],
        out_specs=[
            pl.BlockSpec((BLK, H), lambda i: (i, 0)),
            pl.BlockSpec((BLK, H), lambda i: (i, 0)),
        ],
        out_shape=[
            jax.ShapeDtypeStruct((N, H), jnp.float32),
            jax.ShapeDtypeStruct((N, H), jnp.float32),
        ],
    )(p_mulv, agg3, cntp, Wmulv_r)


def kernel(x, edge_index, W1_l, b1, W1_r, W2_l, b2, W2_r,
           Wmu_l, bmu, Wmu_r, Wlv_l, blv, Wlv_r):
    src = edge_index[0].astype(jnp.int32)
    dst = edge_index[1].astype(jnp.int32)
    pad = E_PAD - E
    it = jnp.arange(pad, dtype=jnp.int32)
    srcs = jnp.concatenate([src, it % N]).reshape(C_TOT, CB)
    dsts = jnp.concatenate([dst, N + it % (N_ACC - N)]).reshape(C_TOT, CB)

    W2cat = jnp.concatenate([W2_l, W2_r], axis=1)
    b2cat = jnp.concatenate([b2, jnp.zeros((H,), jnp.float32)]).reshape(1, 2 * H)
    Wmulv_l = jnp.concatenate([Wmu_l, Wlv_l], axis=1)
    bmulv = jnp.concatenate([bmu, blv]).reshape(1, 2 * H)
    Wmulv_r = jnp.concatenate([Wmu_r, Wlv_r], axis=1)

    agg1, cntp = _make_sc_agg(H, True, True)(x.reshape(2 * N, H), srcs, dsts)
    p_l1 = _tc_a(x, W1_l, b1)
    p_l2b, t2 = _tc_b(p_l1, agg1, cntp, W1_r[:H], W1_r[H:], W2cat, b2cat)
    agg2 = _make_sc_agg(H, False)(t2, srcs, dsts)
    h2, p_mulv = _tc_c(p_l2b, agg2, cntp, Wmulv_l, bmulv)
    agg3 = _make_sc_agg(H, False)(h2, srcs, dsts)
    mu, lv = _tc_d(p_mulv, agg3, cntp, Wmulv_r)
    return (mu, lv)

# --- scband reference (transcript-rebuilt; emitter-appended) ---
"""Pipeline reference for scband-gcnencoder-sage-68281390072111 (READ-ONLY COPY).

The authoritative reference and input builder live on the scoring server;
editing this copy changes nothing except your own understanding.
"""

import jax, jax.numpy as jnp
import numpy as np

N = 10000
E = 320000
D_IN = 128
H = 64
D_OUT = 64


def sage_conv(x, edge_index, W_l, b_l, W_r, num_nodes):
    # PyG SAGEConv (aggr='mean', root_weight=True, normalize=False):
    #   out_i = lin_l(x_i) + lin_r( mean_{j in N(i)} x_j )
    src = edge_index[0]
    dst = edge_index[1]
    msgs = jnp.take(x, src, axis=0)
    agg = jax.ops.segment_sum(msgs, dst, num_segments=num_nodes)
    cnt = jax.ops.segment_sum(jnp.ones((src.shape[0],), x.dtype), dst, num_segments=num_nodes)
    mean = agg / jnp.clip(cnt, 1.0, None)[:, None]
    return x @ W_l + b_l + mean @ W_r


def setup_inputs(seed: int = 0) -> dict:
    key = jax.random.key(seed)
    ks = jax.random.split(key, 16)
    x = jax.random.normal(ks[0], (N, D_IN), dtype=jnp.float32)
    edge_index = jax.random.randint(ks[1], (2, E), 0, N)
    s = 0.05
    return {
        "x": x,
        "edge_index": edge_index,
        "W1_l": jax.random.normal(ks[2], (D_IN, 2 * H), jnp.float32) * s,
        "b1": jnp.zeros((2 * H,), jnp.float32),
        "W1_r": jax.random.normal(ks[3], (D_IN, 2 * H), jnp.float32) * s,
        "W2_l": jax.random.normal(ks[4], (2 * H, H), jnp.float32) * s,
        "b2": jnp.zeros((H,), jnp.float32),
        "W2_r": jax.random.normal(ks[5], (2 * H, H), jnp.float32) * s,
        "Wmu_l": jax.random.normal(ks[6], (H, D_OUT), jnp.float32) * s,
        "bmu": jnp.zeros((D_OUT,), jnp.float32),
        "Wmu_r": jax.random.normal(ks[7], (H, D_OUT), jnp.float32) * s,
        "Wlv_l": jax.random.normal(ks[8], (H, D_OUT), jnp.float32) * s,
        "blv": jnp.zeros((D_OUT,), jnp.float32),
        "Wlv_r": jax.random.normal(ks[9], (H, D_OUT), jnp.float32) * s,
    }


def reference(x, edge_index, W1_l, b1, W1_r, W2_l, b2, W2_r, Wmu_l, bmu, Wmu_r, Wlv_l, blv, Wlv_r):
    h = jax.nn.relu(sage_conv(x, edge_index, W1_l, b1, W1_r, N))
    h = jax.nn.relu(sage_conv(h, edge_index, W2_l, b2, W2_r, N))
    mu = sage_conv(h, edge_index, Wmu_l, bmu, Wmu_r, N)
    logvar = sage_conv(h, edge_index, Wlv_l, blv, Wlv_r, N)
    return (mu, logvar)

if __name__ == "__main__":
    import jax
    _d = setup_inputs()
    print(jax.jit(kernel)(*tuple(_d.values())))

</pallas_src>

<mosaic_0001>
#map = affine_map<(d0, d1) -> (0, 0)>
#map1 = affine_map<(d0, d1) -> (0, 0, 0)>
module attributes {stable_mosaic.version = 14 : i64} {
  func.func @agg(%arg0: i32, %arg1: i32, %arg2: memref<20000x64xf32, #tpu.memory_space<hbm>>, %arg3: memref<2560x128xi32, #tpu.memory_space<hbm>>, %arg4: memref<2560x128xi32, #tpu.memory_space<hbm>>, %arg5: memref<2x10240x64xf32, #tpu.memory_space<hbm>>, %arg6: memref<2x10240xf32, #tpu.memory_space<hbm>>, %arg7: memref<160x128xi32, #tpu.memory_space<vmem>>, %arg8: memref<160x128xi32, #tpu.memory_space<vmem>>, %arg9: memref<128x64xf32, #tpu.memory_space<vmem>>, %arg10: memref<128x64xf32, #tpu.memory_space<vmem>>, %arg11: memref<128x64xf32, #tpu.memory_space<vmem>>, %arg12: memref<128x64xf32, #tpu.memory_space<vmem>>, %arg13: memref<128x64xf32, #tpu.memory_space<vmem>>, %arg14: memref<10240x64xf32, #tpu.memory_space<vmem_shared>>, %arg15: memref<128xf32, #tpu.memory_space<vmem>>, %arg16: memref<640xf32, #tpu.memory_space<vmem>>, %arg17: memref<10240xf32, #tpu.memory_space<vmem_shared>>, %arg18: memref<!tpu.dma_semaphore, #tpu.memory_space<semaphore_mem>>, %arg19: memref<!tpu.dma_semaphore, #tpu.memory_space<semaphore_mem>>, %arg20: memref<!tpu.dma_semaphore, #tpu.memory_space<semaphore_mem>>, %arg21: memref<!tpu.dma_semaphore, #tpu.memory_space<semaphore_mem>>, %arg22: memref<!tpu.dma_semaphore, #tpu.memory_space<semaphore_mem>>, %arg23: memref<!tpu.dma_semaphore, #tpu.memory_space<semaphore_mem>>, %arg24: memref<!tpu.dma_semaphore, #tpu.memory_space<semaphore_mem>>, %arg25: memref<!tpu.dma_semaphore, #tpu.memory_space<semaphore_mem>>, %arg26: memref<!tpu.dma_semaphore, #tpu.memory_space<semaphore_mem>>, %arg27: memref<!tpu.dma_semaphore, #tpu.memory_space<semaphore_mem>>, %arg28: memref<!tpu.dma_semaphore, #tpu.memory_space<semaphore_mem>>) attributes {dimension_semantics = [#tpu.dimension_semantics<core_parallel>, #tpu.dimension_semantics<subcore_parallel>], iteration_bounds = array<i64: 2, 16>, scalar_prefetch = 0 : i64, scratch_operands = 22 : i64, tpu.core_type = #tpu.core_type<sc_vector_subcore>, window_params = [{transform_indices = #map}, {transform_indices = #map}, {transform_indices = #map}, {transform_indices = #map1}, {transform_indices = #map}]} {
    "tpu.trace_start"() <{level = 10 : i32, message = "agg_zero"}> : () -> ()
    %scan3A = arith.constant 0 : i32
    %scan3A_0 = arith.constant 128 : i32
    %scan3A_1 = arith.addi %scan3A, %scan3A_0 : i32
    %scan3A_2 = arith.constant 1 : i32
    scf.for %scan3A_96 = %scan3A to %scan3A_1 step %scan3A_2  : i32 {
      %mul3A_97 = arith.constant 1 : i32
      %mul3A_98 = arith.muli %scan3A_96, %mul3A_97 : i32
      %add3A_99 = arith.constant 0 : i32
      %add3A_100 = arith.addi %add3A_99, %mul3A_98 : i32
      %scan3A_101 = arith.constant 0 : i32
      %scan3A_102 = arith.constant 4 : i32
      %scan3A_103 = arith.addi %scan3A_101, %scan3A_102 : i32
      %scan3A_104 = arith.constant 1 : i32
      scf.for %scan3A_106 = %scan3A_101 to %scan3A_103 step %scan3A_104  : i32 {
        %mul3A_107 = arith.constant 1 : i32
        %mul3A_108 = arith.muli %scan3A_106, %mul3A_107 : i32
        %add3A_109 = arith.constant 0 : i32
        %add3A_110 = arith.addi %add3A_109, %mul3A_108 : i32
        %broadcast_in_dim3A = arith.constant 0.000000e+00 : f32
        %broadcast_in_dim3A_111 = vector.broadcast %broadcast_in_dim3A : f32 to vector<16xf32>
        %mul3A_112 = arith.constant 16 : i32
        %mul3A_113 = arith.muli %add3A_110, %mul3A_112 : i32
        %swap3A = arith.index_cast %add3A_100 : i32 to index
        %swap3A_114 = arith.index_cast %mul3A_113 : i32 to index
        %swap3A_115 = tpu.vector_load %arg9[%swap3A, %swap3A_114] {strides = array<i32>} : memref<128x64xf32, #tpu.memory_space<vmem>>, vector<1x16xf32>,
        %swap3A_116 = vector.shape_cast %swap3A_115 : vector<1x16xf32> to vector<16xf32>
        %swap3A_117 = vector.shape_cast %broadcast_in_dim3A_111 : vector<16xf32> to vector<1x16xf32>
        tpu.vector_store %arg9[%swap3A, %swap3A_114], %swap3A_117 {strides = array<i32>} : memref<128x64xf32, #tpu.memory_space<vmem>>, vector<1x16xf32>,
      }
      %scan3A_105 = arith.constant 4 : i32
    }
    %scan3A_3 = arith.constant 128 : i32
    %scan3A_4 = arith.constant 0 : i32
    %scan3A_5 = arith.constant 8 : i32
    %scan3A_6 = arith.addi %scan3A_4, %scan3A_5 : i32
    %scan3A_7 = arith.constant 1 : i32
    scf.for %scan3A_96 = %scan3A_4 to %scan3A_6 step %scan3A_7  : i32 {
      %mul3A_97 = arith.constant 1 : i32
      %mul3A_98 = arith.muli %scan3A_96, %mul3A_97 : i32
      %add3A_99 = arith.constant 0 : i32
      %add3A_100 = arith.addi %add3A_99, %mul3A_98 : i32
      %broadcast_in_dim3A = arith.constant 1.000000e+00 : f32
      %broadcast_in_dim3A_101 = vector.broadcast %broadcast_in_dim3A : f32 to vector<16xf32>
      %mul3A_102 = arith.constant 16 : i32
      %mul3A_103 = arith.muli %add3A_100, %mul3A_102 : i32
      %swap3A = arith.index_cast %mul3A_103 : i32 to index
      %swap3A_104 = tpu.vector_load %arg15[%swap3A] {strides = array<i32>} : memref<128xf32, #tpu.memory_space<vmem>>, vector<16xf32>,
      %swap3A_105 = vector.shape_cast %swap3A_104 : vector<16xf32> to vector<16xf32>
      %swap3A_106 = vector.shape_cast %broadcast_in_dim3A_101 : vector<16xf32> to vector<16xf32>
      tpu.vector_store %arg15[%swap3A], %swap3A_106 {strides = array<i32>} : memref<128xf32, #tpu.memory_space<vmem>>, vector<16xf32>,
    }
    %scan3A_8 = arith.constant 8 : i32
    %scan3A_9 = arith.constant 0 : i32
    %scan3A_10 = arith.constant 40 : i32
    %scan3A_11 = arith.addi %scan3A_9, %scan3A_10 : i32
    %scan3A_12 = arith.constant 1 : i32
    scf.for %scan3A_96 = %scan3A_9 to %scan3A_11 step %scan3A_12  : i32 {
      %mul3A_97 = arith.constant 1 : i32
      %mul3A_98 = arith.muli %scan3A_96, %mul3A_97 : i32
      %add3A_99 = arith.constant 0 : i32
      %add3A_100 = arith.addi %add3A_99, %mul3A_98 : i32
      %broadcast_in_dim3A = arith.constant 0.000000e+00 : f32
      %broadcast_in_dim3A_101 = vector.broadcast %broadcast_in_dim3A : f32 to vector<16xf32>
      %mul3A_102 = arith.constant 16 : i32
      %mul3A_103 = arith.muli %add3A_100, %mul3A_102 : i32
      %swap3A = arith.index_cast %mul3A_103 : i32 to index
      %swap3A_104 = tpu.vector_load %arg16[%swap3A] {strides = array<i32>} : memref<640xf32, #tpu.memory_space<vmem>>, vector<16xf32>,
      %swap3A_105 = vector.shape_cast %swap3A_104 : vector<16xf32> to vector<16xf32>
      %swap3A_106 = vector.shape_cast %broadcast_in_dim3A_101 : vector<16xf32> to vector<16xf32>
      tpu.vector_store %arg16[%swap3A], %swap3A_106 {strides = array<i32>} : memref<640xf32, #tpu.memory_space<vmem>>, vector<16xf32>,
    }
    %scan3A_13 = arith.constant 40 : i32
    %mul3A = arith.constant 5 : i32
    %mul3A_14 = arith.muli %arg1, %mul3A : i32
    %add3A = arith.constant 0 : i32
    %add3A_15 = arith.addi %mul3A_14, %add3A : i32
    %mul3A_16 = arith.constant 128 : i32
    %mul3A_17 = arith.muli %add3A_15, %mul3A_16 : i32
    "tpu.region"() ({
      %run_scoped3A = tpu.sem_alloc : memref<!tpu.dma_semaphore, #tpu.memory_space<semaphore_mem>>
      %dma_start3A = arith.constant 0 : i32
      %dma_start3A_96 = tpu.memref_slice %arg14[%mul3A_17, %dma_start3A] : memref<10240x64xf32, #tpu.memory_space<vmem_shared>> -> memref<128x64xf32, #tpu.memory_space<vmem_shared>>
      %dma_start3A_97 = arith.constant 0 : i32
      %dma_start3A_98 = tpu.memref_slice %arg14[%mul3A_17, %dma_start3A_97] : memref<10240x64xf32, #tpu.memory_space<vmem_shared>> -> memref<128x64xf32, #tpu.memory_space<vmem_shared>>
      tpu.enqueue_dma source(%arg9 : memref<128x64xf32, #tpu.memory_space<vmem>>) target(%dma_start3A_98 : memref<128x64xf32, #tpu.memory_space<vmem_shared>>) target_semaphore(%run_scoped3A : memref<!tpu.dma_semaphore, #tpu.memory_space<semaphore_mem>>)
      %dma_wait3A = arith.constant 0 : i32
      %dma_wait3A_99 = tpu.memref_slice %arg14[%mul3A_17, %dma_wait3A] : memref<10240x64xf32, #tpu.memory_space<vmem_shared>> -> memref<128x64xf32, #tpu.memory_space<vmem_shared>>
      %dma_wait3A_100 = arith.constant 0 : i32
      %dma_wait3A_101 = tpu.memref_slice %arg14[%mul3A_17, %dma_wait3A_100] : memref<10240x64xf32, #tpu.memory_space<vmem_shared>> -> memref<128x64xf32, #tpu.memory_space<vmem_shared>>
      tpu.wait_dma2 semaphore(%run_scoped3A : memref<!tpu.dma_semaphore, #tpu.memory_space<semaphore_mem>>) src(%arg9 : memref<128x64xf32, #tpu.memory_space<vmem>>) dst(%dma_wait3A_101 : memref<128x64xf32, #tpu.memory_space<vmem_shared>>)
      tpu.yield
    }) : () -> ()
    %mul3A_18 = arith.constant 5 : i32
    %mul3A_19 = arith.muli %arg1, %mul3A_18 : i32
    %add3A_20 = arith.constant 1 : i32
    %add3A_21 = arith.addi %mul3A_19, %add3A_20 : i32
    %mul3A_22 = arith.constant 128 : i32
    %mul3A_23 = arith.muli %add3A_21, %mul3A_22 : i32
    "tpu.region"() ({
      %run_scoped3A = tpu.sem_alloc : memref<!tpu.dma_semaphore, #tpu.memory_space<semaphore_mem>>
      %dma_start3A = arith.constant 0 : i32
      %dma_start3A_96 = tpu.memref_slice %arg14[%mul3A_23, %dma_start3A] : memref<10240x64xf32, #tpu.memory_space<vmem_shared>> -> memref<128x64xf32, #tpu.memory_space<vmem_shared>>
      %dma_start3A_97 = arith.constant 0 : i32
      %dma_start3A_98 = tpu.memref_slice %arg14[%mul3A_23, %dma_start3A_97] : memref<10240x64xf32, #tpu.memory_space<vmem_shared>> -> memref<128x64xf32, #tpu.memory_space<vmem_shared>>
      tpu.enqueue_dma source(%arg9 : memref<128x64xf32, #tpu.memory_space<vmem>>) target(%dma_start3A_98 : memref<128x64xf32, #tpu.memory_space<vmem_shared>>) target_semaphore(%run_scoped3A : memref<!tpu.dma_semaphore, #tpu.memory_space<semaphore_mem>>)
      %dma_wait3A = arith.constant 0 : i32
      %dma_wait3A_99 = tpu.memref_slice %arg14[%mul3A_23, %dma_wait3A] : memref<10240x64xf32, #tpu.memory_space<vmem_shared>> -> memref<128x64xf32, #tpu.memory_space<vmem_shared>>
      %dma_wait3A_100 = arith.constant 0 : i32
      %dma_wait3A_101 = tpu.memref_slice %arg14[%mul3A_23, %dma_wait3A_100] : memref<10240x64xf32, #tpu.memory_space<vmem_shared>> -> memref<128x64xf32, #tpu.memory_space<vmem_shared>>
      tpu.wait_dma2 semaphore(%run_scoped3A : memref<!tpu.dma_semaphore, #tpu.memory_space<semaphore_mem>>) src(%arg9 : memref<128x64xf32, #tpu.memory_space<vmem>>) dst(%dma_wait3A_101 : memref<128x64xf32, #tpu.memory_space<vmem_shared>>)
      tpu.yield
    }) : () -> ()
    %mul3A_24 = arith.constant 5 : i32
    %mul3A_25 = arith.muli %arg1, %mul3A_24 : i32
    %add3A_26 = arith.constant 2 : i32
    %add3A_27 = arith.addi %mul3A_25, %add3A_26 : i32
    %mul3A_28 = arith.constant 128 : i32
    %mul3A_29 = arith.muli %add3A_27, %mul3A_28 : i32
    "tpu.region"() ({
      %run_scoped3A = tpu.sem_alloc : memref<!tpu.dma_semaphore, #tpu.memory_space<semaphore_mem>>
      %dma_start3A = arith.constant 0 : i32
      %dma_start3A_96 = tpu.memref_slice %arg14[%mul3A_29, %dma_start3A] : memref<10240x64xf32, #tpu.memory_space<vmem_shared>> -> memref<128x64xf32, #tpu.memory_space<vmem_shared>>
      %dma_start3A_97 = arith.constant 0 : i32
      %dma_start3A_98 = tpu.memref_slice %arg14[%mul3A_29, %dma_start3A_97] : memref<10240x64xf32, #tpu.memory_space<vmem_shared>> -> memref<128x64xf32, #tpu.memory_space<vmem_shared>>
      tpu.enqueue_dma source(%arg9 : memref<128x64xf32, #tpu.memory_space<vmem>>) target(%dma_start3A_98 : memref<128x64xf32, #tpu.memory_space<vmem_shared>>) target_semaphore(%run_scoped3A : memref<!tpu.dma_semaphore, #tpu.memory_space<semaphore_mem>>)
      %dma_wait3A = arith.constant 0 : i32
      %dma_wait3A_99 = tpu.memref_slice %arg14[%mul3A_29, %dma_wait3A] : memref<10240x64xf32, #tpu.memory_space<vmem_shared>> -> memref<128x64xf32, #tpu.memory_space<vmem_shared>>
      %dma_wait3A_100 = arith.constant 0 : i32
      %dma_wait3A_101 = tpu.memref_slice %arg14[%mul3A_29, %dma_wait3A_100] : memref<10240x64xf32, #tpu.memory_space<vmem_shared>> -> memref<128x64xf32, #tpu.memory_space<vmem_shared>>
      tpu.wait_dma2 semaphore(%run_scoped3A : memref<!tpu.dma_semaphore, #tpu.memory_space<semaphore_mem>>) src(%arg9 : memref<128x64xf32, #tpu.memory_space<vmem>>) dst(%dma_wait3A_101 : memref<128x64xf32, #tpu.memory_space<vmem_shared>>)
      tpu.yield
    }) : () -> ()
    %mul3A_30 = arith.constant 5 : i32
    %mul3A_31 = arith.muli %arg1, %mul3A_30 : i32
    %add3A_32 = arith.constant 3 : i32
    %add3A_33 = arith.addi %mul3A_31, %add3A_32 : i32
    %mul3A_34 = arith.constant 128 : i32
    %mul3A_35 = arith.muli %add3A_33, %mul3A_34 : i32
    "tpu.region"() ({
      %run_scoped3A = tpu.sem_alloc : memref<!tpu.dma_semaphore, #tpu.memory_space<semaphore_mem>>
      %dma_start3A = arith.constant 0 : i32
      %dma_start3A_96 = tpu.memref_slice %arg14[%mul3A_35, %dma_start3A] : memref<10240x64xf32, #tpu.memory_space<vmem_shared>> -> memref<128x64xf32, #tpu.memory_space<vmem_shared>>
      %dma_start3A_97 = arith.constant 0 : i32
      %dma_start3A_98 = tpu.memref_slice %arg14[%mul3A_35, %dma_start3A_97] : memref<10240x64xf32, #tpu.memory_space<vmem_shared>> -> memref<128x64xf32, #tpu.memory_space<vmem_shared>>
      tpu.enqueue_dma source(%arg9 : memref<128x64xf32, #tpu.memory_space<vmem>>) target(%dma_start3A_98 : memref<128x64xf32, #tpu.memory_space<vmem_shared>>) target_semaphore(%run_scoped3A : memref<!tpu.dma_semaphore, #tpu.memory_space<semaphore_mem>>)
      %dma_wait3A = arith.constant 0 : i32
      %dma_wait3A_99 = tpu.memref_slice %arg14[%mul3A_35, %dma_wait3A] : memref<10240x64xf32, #tpu.memory_space<vmem_shared>> -> memref<128x64xf32, #tpu.memory_space<vmem_shared>>
      %dma_wait3A_100 = arith.constant 0 : i32
      %dma_wait3A_101 = tpu.memref_slice %arg14[%mul3A_35, %dma_wait3A_100] : memref<10240x64xf32, #tpu.memory_space<vmem_shared>> -> memref<128x64xf32, #tpu.memory_space<vmem_shared>>
      tpu.wait_dma2 semaphore(%run_scoped3A : memref<!tpu.dma_semaphore, #tpu.memory_space<semaphore_mem>>) src(%arg9 : memref<128x64xf32, #tpu.memory_space<vmem>>) dst(%dma_wait3A_101 : memref<128x64xf32, #tpu.memory_space<vmem_shared>>)
      tpu.yield
    }) : () -> ()
    %mul3A_36 = arith.constant 5 : i32
    %mul3A_37 = arith.muli %arg1, %mul3A_36 : i32
    %add3A_38 = arith.constant 4 : i32
    %add3A_39 = arith.addi %mul3A_37, %add3A_38 : i32
    %mul3A_40 = arith.constant 128 : i32
    %mul3A_41 = arith.muli %add3A_39, %mul3A_40 : i32
    "tpu.region"() ({
      %run_scoped3A = tpu.sem_alloc : memref<!tpu.dma_semaphore, #tpu.memory_space<semaphore_mem>>
      %dma_start3A = arith.constant 0 : i32
      %dma_start3A_96 = tpu.memref_slice %arg14[%mul3A_41, %dma_start3A] : memref<10240x64xf32, #tpu.memory_space<vmem_shared>> -> memref<128x64xf32, #tpu.memory_space<vmem_shared>>
      %dma_start3A_97 = arith.constant 0 : i32
      %dma_start3A_98 = tpu.memref_slice %arg14[%mul3A_41, %dma_start3A_97] : memref<10240x64xf32, #tpu.memory_space<vmem_shared>> -> memref<128x64xf32, #tpu.memory_space<vmem_shared>>
      tpu.enqueue_dma source(%arg9 : memref<128x64xf32, #tpu.memory_space<vmem>>) target(%dma_start3A_98 : memref<128x64xf32, #tpu.memory_space<vmem_shared>>) target_semaphore(%run_scoped3A : memref<!tpu.dma_semaphore, #tpu.memory_space<semaphore_mem>>)
      %dma_wait3A = arith.constant 0 : i32
      %dma_wait3A_99 = tpu.memref_slice %arg14[%mul3A_41, %dma_wait3A] : memref<10240x64xf32, #tpu.memory_space<vmem_shared>> -> memref<128x64xf32, #tpu.memory_space<vmem_shared>>
      %dma_wait3A_100 = arith.constant 0 : i32
      %dma_wait3A_101 = tpu.memref_slice %arg14[%mul3A_41, %dma_wait3A_100] : memref<10240x64xf32, #tpu.memory_space<vmem_shared>> -> memref<128x64xf32, #tpu.memory_space<vmem_shared>>
      tpu.wait_dma2 semaphore(%run_scoped3A : memref<!tpu.dma_semaphore, #tpu.memory_space<semaphore_mem>>) src(%arg9 : memref<128x64xf32, #tpu.memory_space<vmem>>) dst(%dma_wait3A_101 : memref<128x64xf32, #tpu.memory_space<vmem_shared>>)
      tpu.yield
    }) : () -> ()
    %mul3A_42 = arith.constant 640 : i32
    %mul3A_43 = arith.muli %arg1, %mul3A_42 : i32
    "tpu.region"() ({
      %run_scoped3A = tpu.sem_alloc : memref<!tpu.dma_semaphore, #tpu.memory_space<semaphore_mem>>
      %dma_start3A = tpu.memref_slice %arg17[%mul3A_43] : memref<10240xf32, #tpu.memory_space<vmem_shared>> -> memref<640xf32, #tpu.memory_space<vmem_shared>>
      %dma_start3A_96 = tpu.memref_slice %arg17[%mul3A_43] : memref<10240xf32, #tpu.memory_space<vmem_shared>> -> memref<640xf32, #tpu.memory_space<vmem_shared>>
      tpu.enqueue_dma source(%arg16 : memref<640xf32, #tpu.memory_space<vmem>>) target(%dma_start3A_96 : memref<640xf32, #tpu.memory_space<vmem_shared>>) target_semaphore(%run_scoped3A : memref<!tpu.dma_semaphore, #tpu.memory_space<semaphore_mem>>)
      %dma_wait3A = tpu.memref_slice %arg17[%mul3A_43] : memref<10240xf32, #tpu.memory_space<vmem_shared>> -> memref<640xf32, #tpu.memory_space<vmem_shared>>
      %dma_wait3A_97 = tpu.memref_slice %arg17[%mul3A_43] : memref<10240xf32, #tpu.memory_space<vmem_shared>> -> memref<640xf32, #tpu.memory_space<vmem_shared>>
      tpu.wait_dma2 semaphore(%run_scoped3A : memref<!tpu.dma_semaphore, #tpu.memory_space<semaphore_mem>>) src(%arg16 : memref<640xf32, #tpu.memory_space<vmem>>) dst(%dma_wait3A_97 : memref<640xf32, #tpu.memory_space<vmem_shared>>)
      tpu.yield
    }) : () -> ()
    "tpu.trace_stop"() : () -> ()
    "tpu.trace_start"() <{level = 10 : i32, message = "agg_barrier1"}> : () -> ()
    %barrier3A = arith.constant 0 : index
    tpu.barrier barrier_id(%barrier3A)
    %eq3A = arith.constant 0 : i32
    "tpu.trace_stop"() : () -> ()
    %eq3A_44 = arith.cmpi eq, %arg0, %eq3A : i32
    %convert_element_type3A = arith.extui %eq3A_44 : i1 to i32
    %cond3A = arith.constant 0 : i32
    %cond3A_45 = arith.cmpi ne, %convert_element_type3A, %cond3A : i32
    scf.if %cond3A_45 {
      %mul3A_96 = arith.constant 160 : i32
      %mul3A_97 = arith.muli %arg1, %mul3A_96 : i32
      "tpu.trace_start"() <{level = 10 : i32, message = "agg_idx"}> : () -> ()
      "tpu.region"() ({
        %run_scoped3A = tpu.sem_alloc : memref<!tpu.dma_semaphore, #tpu.memory_space<semaphore_mem>>
        %dma_start3A_146 = arith.constant 0 : i32
        %dma_start3A_147 = arith.constant 0 : i32
        %dma_start3A_148 = tpu.memref_slice %arg7[%dma_start3A_146, %dma_start3A_147] : memref<160x128xi32, #tpu.memory_space<vmem>> -> memref<160x128xi32, #tpu.memory_space<vmem>>
        %dma_start3A_149 = arith.constant 0 : i32
        %dma_start3A_150 = tpu.memref_slice %arg3[%mul3A_97, %dma_start3A_149] : memref<2560x128xi32, #tpu.memory_space<hbm>> -> memref<160x128xi32, #tpu.memory_space<hbm>>
        %dma_start3A_151 = arith.constant 0 : i32
        %dma_start3A_152 = arith.constant 0 : i32
        %dma_start3A_153 = tpu.memref_slice %arg7[%dma_start3A_151, %dma_start3A_152] : memref<160x128xi32, #tpu.memory_space<vmem>> -> memref<160x128xi32, #tpu.memory_space<vmem>>
        %dma_start3A_154 = arith.constant 0 : i32
        %dma_start3A_155 = tpu.memref_slice %arg3[%mul3A_97, %dma_start3A_154] : memref<2560x128xi32, #tpu.memory_space<hbm>> -> memref<160x128xi32, #tpu.memory_space<hbm>>
        tpu.enqueue_dma source(%dma_start3A_155 : memref<160x128xi32, #tpu.memory_space<hbm>>) target(%dma_start3A_153 : memref<160x128xi32, #tpu.memory_space<vmem>>) target_semaphore(%run_scoped3A : memref<!tpu.dma_semaphore, #tpu.memory_space<semaphore_mem>>)
        %dma_wait3A_156 = arith.constant 0 : i32
        %dma_wait3A_157 = arith.constant 0 : i32
        %dma_wait3A_158 = tpu.memref_slice %arg7[%dma_wait3A_156, %dma_wait3A_157] : memref<160x128xi32, #tpu.memory_space<vmem>> -> memref<160x128xi32, #tpu.memory_space<vmem>>
        %dma_wait3A_159 = arith.constant 0 : i32
        %dma_wait3A_160 = tpu.memref_slice %arg3[%mul3A_97, %dma_wait3A_159] : memref<2560x128xi32, #tpu.memory_space<hbm>> -> memref<160x128xi32, #tpu.memory_space<hbm>>
        %dma_wait3A_161 = arith.constant 0 : i32
        %dma_wait3A_162 = arith.constant 0 : i32
        %dma_wait3A_163 = tpu.memref_slice %arg7[%dma_wait3A_161, %dma_wait3A_162] : memref<160x128xi32, #tpu.memory_space<vmem>> -> memref<160x128xi32, #tpu.memory_space<vmem>>
        %dma_wait3A_164 = arith.constant 0 : i32
        %dma_wait3A_165 = tpu.memref_slice %arg3[%mul3A_97, %dma_wait3A_164] : memref<2560x128xi32, #tpu.memory_space<hbm>> -> memref<160x128xi32, #tpu.memory_space<hbm>>
        tpu.wait_dma2 semaphore(%run_scoped3A : memref<!tpu.dma_semaphore, #tpu.memory_space<semaphore_mem>>) src(%dma_wait3A_165 : memref<160x128xi32, #tpu.memory_space<hbm>>) dst(%dma_wait3A_163 : memref<160x128xi32, #tpu.memory_space<vmem>>)
        tpu.yield
      }) : () -> ()
      "tpu.region"() ({
        %run_scoped3A = tpu.sem_alloc : memref<!tpu.dma_semaphore, #tpu.memory_space<semaphore_mem>>
        %dma_start3A_146 = arith.constant 0 : i32
        %dma_start3A_147 = arith.constant 0 : i32
        %dma_start3A_148 = tpu.memref_slice %arg8[%dma_start3A_146, %dma_start3A_147] : memref<160x128xi32, #tpu.memory_space<vmem>> -> memref<160x128xi32, #tpu.memory_space<vmem>>
        %dma_start3A_149 = arith.constant 0 : i32
        %dma_start3A_150 = tpu.memref_slice %arg4[%mul3A_97, %dma_start3A_149] : memref<2560x128xi32, #tpu.memory_space<hbm>> -> memref<160x128xi32, #tpu.memory_space<hbm>>
        %dma_start3A_151 = arith.constant 0 : i32
        %dma_start3A_152 = arith.constant 0 : i32
        %dma_start3A_153 = tpu.memref_slice %arg8[%dma_start3A_151, %dma_start3A_152] : memref<160x128xi32, #tpu.memory_space<vmem>> -> memref<160x128xi32, #tpu.memory_space<vmem>>
        %dma_start3A_154 = arith.constant 0 : i32
        %dma_start3A_155 = tpu.memref_slice %arg4[%mul3A_97, %dma_start3A_154] : memref<2560x128xi32, #tpu.memory_space<hbm>> -> memref<160x128xi32, #tpu.memory_space<hbm>>
        tpu.enqueue_dma source(%dma_start3A_155 : memref<160x128xi32, #tpu.memory_space<hbm>>) target(%dma_start3A_153 : memref<160x128xi32, #tpu.memory_space<vmem>>) target_semaphore(%run_scoped3A : memref<!tpu.dma_semaphore, #tpu.memory_space<semaphore_mem>>)
        %dma_wait3A_156 = arith.constant 0 : i32
        %dma_wait3A_157 = arith.constant 0 : i32
        %dma_wait3A_158 = tpu.memref_slice %arg8[%dma_wait3A_156, %dma_wait3A_157] : memref<160x128xi32, #tpu.memory_space<vmem>> -> memref<160x128xi32, #tpu.memory_space<vmem>>
        %dma_wait3A_159 = arith.constant 0 : i32
        %dma_wait3A_160 = tpu.memref_slice %arg4[%mul3A_97, %dma_wait3A_159] : memref<2560x128xi32, #tpu.memory_space<hbm>> -> memref<160x128xi32, #tpu.memory_space<hbm>>
        %dma_wait3A_161 = arith.constant 0 : i32
        %dma_wait3A_162 = arith.constant 0 : i32
        %dma_wait3A_163 = tpu.memref_slice %arg8[%dma_wait3A_161, %dma_wait3A_162] : memref<160x128xi32, #tpu.memory_space<vmem>> -> memref<160x128xi32, #tpu.memory_space<vmem>>
        %dma_wait3A_164 = arith.constant 0 : i32
        %dma_wait3A_165 = tpu.memref_slice %arg4[%mul3A_97, %dma_wait3A_164] : memref<2560x128xi32, #tpu.memory_space<hbm>> -> memref<160x128xi32, #tpu.memory_space<hbm>>
        tpu.wait_dma2 semaphore(%run_scoped3A : memref<!tpu.dma_semaphore, #tpu.memory_space<semaphore_mem>>) src(%dma_wait3A_165 : memref<160x128xi32, #tpu.memory_space<hbm>>) dst(%dma_wait3A_163 : memref<160x128xi32, #tpu.memory_space<vmem>>)
        tpu.yield
      }) : () -> ()
      %scan3A_98 = arith.constant 0 : i32
      %scan3A_99 = arith.constant 160 : i32
      %scan3A_100 = arith.addi %scan3A_98, %scan3A_99 : i32
      %scan3A_101 = arith.constant 1 : i32
      scf.for %scan3A_146 = %scan3A_98 to %scan3A_100 step %scan3A_101  : i32 {
        %mul3A_147 = arith.constant 1 : i32
        %mul3A_148 = arith.muli %scan3A_146, %mul3A_147 : i32
        %add3A_149 = arith.constant 0 : i32
        %add3A_150 = arith.addi %add3A_149, %mul3A_148 : i32
        %scan3A_151 = arith.constant 0 : i32
        %scan3A_152 = arith.constant 8 : i32
        %scan3A_153 = arith.addi %scan3A_151, %scan3A_152 : i32
        %scan3A_154 = arith.constant 1 : i32
        scf.for %scan3A_156 = %scan3A_151 to %scan3A_153 step %scan3A_154  : i32 {
          %mul3A_157 = arith.constant 1 : i32
          %mul3A_158 = arith.muli %scan3A_156, %mul3A_157 : i32
          %add3A_159 = arith.constant 0 : i32
          %add3A_160 = arith.addi %add3A_159, %mul3A_158 : i32
          %mul3A_161 = arith.constant 16 : i32
          %mul3A_162 = arith.muli %add3A_160, %mul3A_161 : i32
          %get3A = arith.index_cast %add3A_150 : i32 to index
          %get3A_163 = arith.index_cast %mul3A_162 : i32 to index
          %get3A_164 = tpu.vector_load %arg7[%get3A, %get3A_163] {strides = array<i32>} : memref<160x128xi32, #tpu.memory_space<vmem>>, vector<1x16xi32>,
          %get3A_165 = vector.shape_cast %get3A_164 : vector<1x16xi32> to vector<16xi32>
          %add3A_166 = arith.addi %get3A_165, %get3A_165 : vector<16xi32>
          %add3A_167 = vector.broadcast %arg0 : i32 to vector<16xi32>
          %add3A_168 = arith.addi %add3A_166, %add3A_167 : vector<16xi32>
          %mul3A_169 = arith.constant 16 : i32
          %mul3A_170 = arith.muli %add3A_160, %mul3A_169 : i32
          %swap3A = arith.index_cast %add3A_150 : i32 to index
          %swap3A_171 = arith.index_cast %mul3A_170 : i32 to index
          %swap3A_172 = tpu.vector_load %arg7[%swap3A, %swap3A_171] {strides = array<i32>} : memref<160x128xi32, #tpu.memory_space<vmem>>, vector<1x16xi32>,
          %swap3A_173 = vector.shape_cast %swap3A_172 : vector<1x16xi32> to vector<16xi32>
          %swap3A_174 = vector.shape_cast %add3A_168 : vector<16xi32> to vector<1x16xi32>
          tpu.vector_store %arg7[%swap3A, %swap3A_171], %swap3A_174 {strides = array<i32>} : memref<160x128xi32, #tpu.memory_space<vmem>>, vector<1x16xi32>,
        }
        %scan3A_155 = arith.constant 8 : i32
      }
      %scan3A_102 = arith.constant 160 : i32
      %dma_start3A = arith.constant 0 : i32
      "tpu.trace_stop"() : () -> ()
      %dma_start3A_103 = arith.constant 0 : i32
      %dma_start3A_104 = tpu.memref_slice %arg7[%dma_start3A, %dma_start3A_103] : memref<160x128xi32, #tpu.memory_space<vmem>> -> memref<1x128xi32, #tpu.memory_space<vmem>>
      %dma_start3A_105 = tpu.memref_squeeze %dma_start3A_104 : memref<1x128xi32, #tpu.memory_space<vmem>> -> memref<128xi32, #tpu.memory_space<vmem>>
      %dma_start3A_106 = arith.constant 0 : i32
      %dma_start3A_107 = arith.constant 0 : i32
      %dma_start3A_108 = tpu.memref_slice %arg2[%dma_start3A_106, %dma_start3A_107] : memref<20000x64xf32, #tpu.memory_space<hbm>> -> memref<20000x64xf32, #tpu.memory_space<hbm>>
      tpu.enqueue_indirect_dma source(%dma_start3A_108 : memref<20000x64xf32, #tpu.memory_space<hbm>>) target(%arg9 : memref<128x64xf32, #tpu.memory_space<vmem>>) offsets(%dma_start3A_105 : memref<128xi32, #tpu.memory_space<vmem>>) semaphore(%arg18 : memref<!tpu.dma_semaphore, #tpu.memory_space<semaphore_mem>>)
      %dma_start3A_109 = arith.constant 1 : i32
      %dma_start3A_110 = arith.constant 0 : i32
      %dma_start3A_111 = tpu.memref_slice %arg7[%dma_start3A_109, %dma_start3A_110] : memref<160x128xi32, #tpu.memory_space<vmem>> -> memref<1x128xi32, #tpu.memory_space<vmem>>
      %dma_start3A_112 = tpu.memref_squeeze %dma_start3A_111 : memref<1x128xi32, #tpu.memory_space<vmem>> -> memref<128xi32, #tpu.memory_space<vmem>>
      %dma_start3A_113 = arith.constant 0 : i32
      %dma_start3A_114 = arith.constant 0 : i32
      %dma_start3A_115 = tpu.memref_slice %arg2[%dma_start3A_113, %dma_start3A_114] : memref<20000x64xf32, #tpu.memory_space<hbm>> -> memref<20000x64xf32, #tpu.memory_space<hbm>>
      tpu.enqueue_indirect_dma source(%dma_start3A_115 : memref<20000x64xf32, #tpu.memory_space<hbm>>) target(%arg10 : memref<128x64xf32, #tpu.memory_space<vmem>>) offsets(%dma_start3A_112 : memref<128xi32, #tpu.memory_space<vmem>>) semaphore(%arg19 : memref<!tpu.dma_semaphore, #tpu.memory_space<semaphore_mem>>)
      %dma_start3A_116 = arith.constant 2 : i32
      %dma_start3A_117 = arith.constant 0 : i32
      %dma_start3A_118 = tpu.memref_slice %arg7[%dma_start3A_116, %dma_start3A_117] : memref<160x128xi32, #tpu.memory_space<vmem>> -> memref<1x128xi32, #tpu.memory_space<vmem>>
      %dma_start3A_119 = tpu.memref_squeeze %dma_start3A_118 : memref<1x128xi32, #tpu.memory_space<vmem>> -> memref<128xi32, #tpu.memory_space<vmem>>
      %dma_start3A_120 = arith.constant 0 : i32
      %dma_start3A_121 = arith.constant 0 : i32
      %dma_start3A_122 = tpu.memref_slice %arg2[%dma_start3A_120, %dma_start3A_121] : memref<20000x64xf32, #tpu.memory_space<hbm>> -> memref<20000x64xf32, #tpu.memory_space<hbm>>
      tpu.enqueue_indirect_dma source(%dma_start3A_122 : memref<20000x64xf32, #tpu.memory_space<hbm>>) target(%arg11 : memref<128x64xf32, #tpu.memory_space<vmem>>) offsets(%dma_start3A_119 : memref<128xi32, #tpu.memory_space<vmem>>) semaphore(%arg20 : memref<!tpu.dma_semaphore, #tpu.memory_space<semaphore_mem>>)
      %dma_start3A_123 = arith.constant 3 : i32
      %dma_start3A_124 = arith.constant 0 : i32
      %dma_start3A_125 = tpu.memref_slice %arg7[%dma_start3A_123, %dma_start3A_124] : memref<160x128xi32, #tpu.memory_space<vmem>> -> memref<1x128xi32, #tpu.memory_space<vmem>>
      %dma_start3A_126 = tpu.memref_squeeze %dma_start3A_125 : memref<1x128xi32, #tpu.memory_space<vmem>> -> memref<128xi32, #tpu.memory_space<vmem>>
      %dma_start3A_127 = arith.constant 0 : i32
      %dma_start3A_128 = arith.constant 0 : i32
      %dma_start3A_129 = tpu.memref_slice %arg2[%dma_start3A_127, %dma_start3A_128] : memref<20000x64xf32, #tpu.memory_space<hbm>> -> memref<20000x64xf32, #tpu.memory_space<hbm>>
      tpu.enqueue_indirect_dma source(%dma_start3A_129 : memref<20000x64xf32, #tpu.memory_space<hbm>>) target(%arg12 : memref<128x64xf32, #tpu.memory_space<vmem>>) offsets(%dma_start3A_126 : memref<128xi32, #tpu.memory_space<vmem>>) semaphore(%arg21 : memref<!tpu.dma_semaphore, #tpu.memory_space<semaphore_mem>>)
      "tpu.trace_start"() <{level = 10 : i32, message = "agg_ring"}> : () -> ()
      %scan3A_130 = arith.constant 0 : i32
      %scan3A_131 = arith.constant 32 : i32
      %scan3A_132 = arith.addi %scan3A_130, %scan3A_131 : i32
      %scan3A_133 = arith.constant 1 : i32
      scf.for %scan3A_146 = %scan3A_130 to %scan3A_132 step %scan3A_133  : i32 {
        %mul3A_147 = arith.constant 5 : i32
        %mul3A_148 = arith.muli %scan3A_146, %mul3A_147 : i32
        %add3A_149 = arith.constant 0 : i32
        %add3A_150 = arith.addi %add3A_149, %mul3A_148 : i32
        %add3A_151 = arith.constant 0 : i32
        %add3A_152 = arith.addi %add3A_150, %add3A_151 : i32
        %ge3A = arith.constant 1 : i32
        %ge3A_153 = arith.cmpi sge, %add3A_152, %ge3A : i32
        %convert_element_type3A_154 = arith.extui %ge3A_153 : i1 to i32
        %cond3A_155 = arith.constant 0 : i32
        %cond3A_156 = arith.cmpi ne, %convert_element_type3A_154, %cond3A_155 : i32
        scf.if %cond3A_156 {
          %sub3A = arith.constant 1 : i32
          %sub3A_304 = arith.subi %add3A_152, %sub3A : i32
          %dma_wait3A_305 = arith.constant 0 : i32
          %dma_wait3A_306 = tpu.memref_slice %arg8[%sub3A_304, %dma_wait3A_305] : memref<160x128xi32, #tpu.memory_space<vmem>> -> memref<1x128xi32, #tpu.memory_space<vmem>>
          %dma_wait3A_307 = tpu.memref_squeeze %dma_wait3A_306 : memref<1x128xi32, #tpu.memory_space<vmem>> -> memref<128xi32, #tpu.memory_space<vmem>>
          %dma_wait3A_308 = arith.constant 0 : i32
          %dma_wait3A_309 = arith.constant 0 : i32
          %dma_wait3A_310 = tpu.memref_slice %arg14[%dma_wait3A_308, %dma_wait3A_309] : memref<10240x64xf32, #tpu.memory_space<vmem_shared>> -> memref<10240x64xf32, #tpu.memory_space<vmem_shared>>
          tpu.wait_indirect_dma semaphore(%arg27 : memref<!tpu.dma_semaphore, #tpu.memory_space<semaphore_mem>>) src(%arg13 : memref<128x64xf32, #tpu.memory_space<vmem>>) dst(%dma_wait3A_310 : memref<10240x64xf32, #tpu.memory_space<vmem_shared>>)
        } else {
        }
        %add3A_157 = arith.constant 4 : i32
        %add3A_158 = arith.addi %add3A_152, %add3A_157 : i32
        %lt3A = arith.constant 160 : i32
        %lt3A_159 = arith.cmpi slt, %add3A_158, %lt3A : i32
        %convert_element_type3A_160 = arith.extui %lt3A_159 : i1 to i32
        %cond3A_161 = arith.constant 0 : i32
        %cond3A_162 = arith.cmpi ne, %convert_element_type3A_160, %cond3A_161 : i32
        scf.if %cond3A_162 {
          %add3A_304 = arith.constant 4 : i32
          %add3A_305 = arith.addi %add3A_152, %add3A_304 : i32
          %dma_start3A_306 = arith.constant 0 : i32
          %dma_start3A_307 = tpu.memref_slice %arg7[%add3A_305, %dma_start3A_306] : memref<160x128xi32, #tpu.memory_space<vmem>> -> memref<1x128xi32, #tpu.memory_space<vmem>>
          %dma_start3A_308 = tpu.memref_squeeze %dma_start3A_307 : memref<1x128xi32, #tpu.memory_space<vmem>> -> memref<128xi32, #tpu.memory_space<vmem>>
          %dma_start3A_309 = arith.constant 0 : i32
          %dma_start3A_310 = arith.constant 0 : i32
          %dma_start3A_311 = tpu.memref_slice %arg2[%dma_start3A_309, %dma_start3A_310] : memref<20000x64xf32, #tpu.memory_space<hbm>> -> memref<20000x64xf32, #tpu.memory_space<hbm>>
          tpu.enqueue_indirect_dma source(%dma_start3A_311 : memref<20000x64xf32, #tpu.memory_space<hbm>>) target(%arg13 : memref<128x64xf32, #tpu.memory_space<vmem>>) offsets(%dma_start3A_308 : memref<128xi32, #tpu.memory_space<vmem>>) semaphore(%arg22 : memref<!tpu.dma_semaphore, #tpu.memory_space<semaphore_mem>>)
        } else {
        }
        %dma_wait3A_163 = arith.constant 0 : i32
        %dma_wait3A_164 = tpu.memref_slice %arg7[%add3A_152, %dma_wait3A_163] : memref<160x128xi32, #tpu.memory_space<vmem>> -> memref<1x128xi32, #tpu.memory_space<vmem>>
        %dma_wait3A_165 = tpu.memref_squeeze %dma_wait3A_164 : memref<1x128xi32, #tpu.memory_space<vmem>> -> memref<128xi32, #tpu.memory_space<vmem>>
        %dma_wait3A_166 = arith.constant 0 : i32
        %dma_wait3A_167 = arith.constant 0 : i32
        %dma_wait3A_168 = tpu.memref_slice %arg2[%dma_wait3A_166, %dma_wait3A_167] : memref<20000x64xf32, #tpu.memory_space<hbm>> -> memref<20000x64xf32, #tpu.memory_space<hbm>>
        tpu.wait_indirect_dma semaphore(%arg18 : memref<!tpu.dma_semaphore, #tpu.memory_space<semaphore_mem>>) src(%dma_wait3A_168 : memref<20000x64xf32, #tpu.memory_space<hbm>>) dst(%arg9 : memref<128x64xf32, #tpu.memory_space<vmem>>)
        %dma_start3A_169 = arith.constant 0 : i32
        %dma_start3A_170 = tpu.memref_slice %arg8[%add3A_152, %dma_start3A_169] : memref<160x128xi32, #tpu.memory_space<vmem>> -> memref<1x128xi32, #tpu.memory_space<vmem>>
        %dma_start3A_171 = tpu.memref_squeeze %dma_start3A_170 : memref<1x128xi32, #tpu.memory_space<vmem>> -> memref<128xi32, #tpu.memory_space<vmem>>
        %dma_start3A_172 = arith.constant 0 : i32
        %dma_start3A_173 = arith.constant 0 : i32
        %dma_start3A_174 = tpu.memref_slice %arg14[%dma_start3A_172, %dma_start3A_173] : memref<10240x64xf32, #tpu.memory_space<vmem_shared>> -> memref<10240x64xf32, #tpu.memory_space<vmem_shared>>
        tpu.enqueue_indirect_dma source(%arg9 : memref<128x64xf32, #tpu.memory_space<vmem>>) target(%dma_start3A_174 : memref<10240x64xf32, #tpu.memory_space<vmem_shared>>) offsets(%dma_start3A_171 : memref<128xi32, #tpu.memory_space<vmem>>) semaphore(%arg23 : memref<!tpu.dma_semaphore, #tpu.memory_space<semaphore_mem>>) {add = true}
        %dma_start3A_175 = arith.constant 0 : i32
        %dma_start3A_176 = tpu.memref_slice %arg8[%add3A_152, %dma_start3A_175] : memref<160x128xi32, #tpu.memory_space<vmem>> -> memref<1x128xi32, #tpu.memory_space<vmem>>
        %dma_start3A_177 = tpu.memref_squeeze %dma_start3A_176 : memref<1x128xi32, #tpu.memory_space<vmem>> -> memref<128xi32, #tpu.memory_space<vmem>>
        %dma_start3A_178 = arith.constant 0 : i32
        %dma_start3A_179 = tpu.memref_slice %arg17[%dma_start3A_178] : memref<10240xf32, #tpu.memory_space<vmem_shared>> -> memref<10240xf32, #tpu.memory_space<vmem_shared>>
        tpu.enqueue_indirect_dma source(%arg15 : memref<128xf32, #tpu.memory_space<vmem>>) target(%dma_start3A_179 : memref<10240xf32, #tpu.memory_space<vmem_shared>>) offsets(%dma_start3A_177 : memref<128xi32, #tpu.memory_space<vmem>>) semaphore(%arg28 : memref<!tpu.dma_semaphore, #tpu.memory_space<semaphore_mem>>) {add = true}
        %add3A_180 = arith.constant 1 : i32
        %add3A_181 = arith.addi %add3A_150, %add3A_180 : i32
        %ge3A_182 = arith.constant 1 : i32
        %ge3A_183 = arith.cmpi sge, %add3A_181, %ge3A_182 : i32
        %convert_element_type3A_184 = arith.extui %ge3A_183 : i1 to i32
        %cond3A_185 = arith.constant 0 : i32
        %cond3A_186 = arith.cmpi ne, %convert_element_type3A_184, %cond3A_185 : i32
        scf.if %cond3A_186 {
          %sub3A = arith.constant 1 : i32
          %sub3A_304 = arith.subi %add3A_181, %sub3A : i32
          %dma_wait3A_305 = arith.constant 0 : i32
          %dma_wait3A_306 = tpu.memref_slice %arg8[%sub3A_304, %dma_wait3A_305] : memref<160x128xi32, #tpu.memory_space<vmem>> -> memref<1x128xi32, #tpu.memory_space<vmem>>
          %dma_wait3A_307 = tpu.memref_squeeze %dma_wait3A_306 : memref<1x128xi32, #tpu.memory_space<vmem>> -> memref<128xi32, #tpu.memory_space<vmem>>
          %dma_wait3A_308 = arith.constant 0 : i32
          %dma_wait3A_309 = arith.constant 0 : i32
          %dma_wait3A_310 = tpu.memref_slice %arg14[%dma_wait3A_308, %dma_wait3A_309] : memref<10240x64xf32, #tpu.memory_space<vmem_shared>> -> memref<10240x64xf32, #tpu.memory_space<vmem_shared>>
          tpu.wait_indirect_dma semaphore(%arg23 : memref<!tpu.dma_semaphore, #tpu.memory_space<semaphore_mem>>) src(%arg9 : memref<128x64xf32, #tpu.memory_space<vmem>>) dst(%dma_wait3A_310 : memref<10240x64xf32, #tpu.memory_space<vmem_shared>>)
        } else {
        }
        %add3A_187 = arith.constant 4 : i32
        %add3A_188 = arith.addi %add3A_181, %add3A_187 : i32
        %lt3A_189 = arith.constant 160 : i32
        %lt3A_190 = arith.cmpi slt, %add3A_188, %lt3A_189 : i32
        %convert_element_type3A_191 = arith.extui %lt3A_190 : i1 to i32
        %cond3A_192 = arith.constant 0 : i32
        %cond3A_193 = arith.cmpi ne, %convert_element_type3A_191, %cond3A_192 : i32
        scf.if %cond3A_193 {
          %add3A_304 = arith.constant 4 : i32
          %add3A_305 = arith.addi %add3A_181, %add3A_304 : i32
          %dma_start3A_306 = arith.constant 0 : i32
          %dma_start3A_307 = tpu.memref_slice %arg7[%add3A_305, %dma_start3A_306] : memref<160x128xi32, #tpu.memory_space<vmem>> -> memref<1x128xi32, #tpu.memory_space<vmem>>
          %dma_start3A_308 = tpu.memref_squeeze %dma_start3A_307 : memref<1x128xi32, #tpu.memory_space<vmem>> -> memref<128xi32, #tpu.memory_space<vmem>>
          %dma_start3A_309 = arith.constant 0 : i32
          %dma_start3A_310 = arith.constant 0 : i32
          %dma_start3A_311 = tpu.memref_slice %arg2[%dma_start3A_309, %dma_start3A_310] : memref<20000x64xf32, #tpu.memory_space<hbm>> -> memref<20000x64xf32, #tpu.memory_space<hbm>>
          tpu.enqueue_indirect_dma source(%dma_start3A_311 : memref<20000x64xf32, #tpu.memory_space<hbm>>) target(%arg9 : memref<128x64xf32, #tpu.memory_space<vmem>>) offsets(%dma_start3A_308 : memref<128xi32, #tpu.memory_space<vmem>>) semaphore(%arg18 : memref<!tpu.dma_semaphore, #tpu.memory_space<semaphore_mem>>)
        } else {
        }
        %dma_wait3A_194 = arith.constant 0 : i32
        %dma_wait3A_195 = tpu.memref_slice %arg7[%add3A_181, %dma_wait3A_194] : memref<160x128xi32, #tpu.memory_space<vmem>> -> memref<1x128xi32, #tpu.memory_space<vmem>>
        %dma_wait3A_196 = tpu.memref_squeeze %dma_wait3A_195 : memref<1x128xi32, #tpu.memory_space<vmem>> -> memref<128xi32, #tpu.memory_space<vmem>>
        %dma_wait3A_197 = arith.constant 0 : i32
        %dma_wait3A_198 = arith.constant 0 : i32
        %dma_wait3A_199 = tpu.memref_slice %arg2[%dma_wait3A_197, %dma_wait3A_198] : memref<20000x64xf32, #tpu.memory_space<hbm>> -> memref<20000x64xf32, #tpu.memory_space<hbm>>
        tpu.wait_indirect_dma semaphore(%arg19 : memref<!tpu.dma_semaphore, #tpu.memory_space<semaphore_mem>>) src(%dma_wait3A_199 : memref<20000x64xf32, #tpu.memory_space<hbm>>) dst(%arg10 : memref<128x64xf32, #tpu.memory_space<vmem>>)
        %dma_start3A_200 = arith.constant 0 : i32
        %dma_start3A_201 = tpu.memref_slice %arg8[%add3A_181, %dma_start3A_200] : memref<160x128xi32, #tpu.memory_space<vmem>> -> memref<1x128xi32, #tpu.memory_space<vmem>>
        %dma_start3A_202 = tpu.memref_squeeze %dma_start3A_201 : memref<1x128xi32, #tpu.memory_space<vmem>> -> memref<128xi32, #tpu.memory_space<vmem>>
        %dma_start3A_203 = arith.constant 0 : i32
        %dma_start3A_204 = arith.constant 0 : i32
        %dma_start3A_205 = tpu.memref_slice %arg14[%dma_start3A_203, %dma_start3A_204] : memref<10240x64xf32, #tpu.memory_space<vmem_shared>> -> memref<10240x64xf32, #tpu.memory_space<vmem_shared>>
        tpu.enqueue_indirect_dma source(%arg10 : memref<128x64xf32, #tpu.memory_space<vmem>>) target(%dma_start3A_205 : memref<10240x64xf32, #tpu.memory_space<vmem_shared>>) offsets(%dma_start3A_202 : memref<128xi32, #tpu.memory_space<vmem>>) semaphore(%arg24 : memref<!tpu.dma_semaphore, #tpu.memory_space<semaphore_mem>>) {add = true}
        %dma_start3A_206 = arith.constant 0 : i32
        %dma_start3A_207 = tpu.memref_slice %arg8[%add3A_181, %dma_start3A_206] : memref<160x128xi32, #tpu.memory_space<vmem>> -> memref<1x128xi32, #tpu.memory_space<vmem>>
        %dma_start3A_208 = tpu.memref_squeeze %dma_start3A_207 : memref<1x128xi32, #tpu.memory_space<vmem>> -> memref<128xi32, #tpu.memory_space<vmem>>
        %dma_start3A_209 = arith.constant 0 : i32
        %dma_start3A_210 = tpu.memref_slice %arg17[%dma_start3A_209] : memref<10240xf32, #tpu.memory_space<vmem_shared>> -> memref<10240xf32, #tpu.memory_space<vmem_shared>>
        tpu.enqueue_indirect_dma source(%arg15 : memref<128xf32, #tpu.memory_space<vmem>>) target(%dma_start3A_210 : memref<10240xf32, #tpu.memory_space<vmem_shared>>) offsets(%dma_start3A_208 : memref<128xi32, #tpu.memory_space<vmem>>) semaphore(%arg28 : memref<!tpu.dma_semaphore, #tpu.memory_space<semaphore_mem>>) {add = true}
        %add3A_211 = arith.constant 2 : i32
        %add3A_212 = arith.addi %add3A_150, %add3A_211 : i32
        %ge3A_213 = arith.constant 1 : i32
        %ge3A_214 = arith.cmpi sge, %add3A_212, %ge3A_213 : i32
        %convert_element_type3A_215 = arith.extui %ge3A_214 : i1 to i32
        %cond3A_216 = arith.constant 0 : i32
        %cond3A_217 = arith.cmpi ne, %convert_element_type3A_215, %cond3A_216 : i32
        scf.if %cond3A_217 {
          %sub3A = arith.constant 1 : i32
          %sub3A_304 = arith.subi %add3A_212, %sub3A : i32
          %dma_wait3A_305 = arith.constant 0 : i32
          %dma_wait3A_306 = tpu.memref_slice %arg8[%sub3A_304, %dma_wait3A_305] : memref<160x128xi32, #tpu.memory_space<vmem>> -> memref<1x128xi32, #tpu.memory_space<vmem>>
          %dma_wait3A_307 = tpu.memref_squeeze %dma_wait3A_306 : memref<1x128xi32, #tpu.memory_space<vmem>> -> memref<128xi32, #tpu.memory_space<vmem>>
          %dma_wait3A_308 = arith.constant 0 : i32
          %dma_wait3A_309 = arith.constant 0 : i32
          %dma_wait3A_310 = tpu.memref_slice %arg14[%dma_wait3A_308, %dma_wait3A_309] : memref<10240x64xf32, #tpu.memory_space<vmem_shared>> -> memref<10240x64xf32, #tpu.memory_space<vmem_shared>>
          tpu.wait_indirect_dma semaphore(%arg24 : memref<!tpu.dma_semaphore, #tpu.memory_space<semaphore_mem>>) src(%arg10 : memref<128x64xf32, #tpu.memory_space<vmem>>) dst(%dma_wait3A_310 : memref<10240x64xf32, #tpu.memory_space<vmem_shared>>)
        } else {
        }
        %add3A_218 = arith.constant 4 : i32
        %add3A_219 = arith.addi %add3A_212, %add3A_218 : i32
        %lt3A_220 = arith.constant 160 : i32
        %lt3A_221 = arith.cmpi slt, %add3A_219, %lt3A_220 : i32
        %convert_element_type3A_222 = arith.extui %lt3A_221 : i1 to i32
        %cond3A_223 = arith.constant 0 : i32
        %cond3A_224 = arith.cmpi ne, %convert_element_type3A_222, %cond3A_223 : i32
        scf.if %cond3A_224 {
          %add3A_304 = arith.constant 4 : i32
          %add3A_305 = arith.addi %add3A_212, %add3A_304 : i32
          %dma_start3A_306 = arith.constant 0 : i32
          %dma_start3A_307 = tpu.memref_slice %arg7[%add3A_305, %dma_start3A_306] : memref<160x128xi32, #tpu.memory_space<vmem>> -> memref<1x128xi32, #tpu.memory_space<vmem>>
          %dma_start3A_308 = tpu.memref_squeeze %dma_start3A_307 : memref<1x128xi32, #tpu.memory_space<vmem>> -> memref<128xi32, #tpu.memory_space<vmem>>
          %dma_start3A_309 = arith.constant 0 : i32
          %dma_start3A_310 = arith.constant 0 : i32
          %dma_start3A_311 = tpu.memref_slice %arg2[%dma_start3A_309, %dma_start3A_310] : memref<20000x64xf32, #tpu.memory_space<hbm>> -> memref<20000x64xf32, #tpu.memory_space<hbm>>
          tpu.enqueue_indirect_dma source(%dma_start3A_311 : memref<20000x64xf32, #tpu.memory_space<hbm>>) target(%arg10 : memref<128x64xf32, #tpu.memory_space<vmem>>) offsets(%dma_start3A_308 : memref<128xi32, #tpu.memory_space<vmem>>) semaphore(%arg19 : memref<!tpu.dma_semaphore, #tpu.memory_space<semaphore_mem>>)
        } else {
        }
        %dma_wait3A_225 = arith.constant 0 : i32
        %dma_wait3A_226 = tpu.memref_slice %arg7[%add3A_212, %dma_wait3A_225] : memref<160x128xi32, #tpu.memory_space<vmem>> -> memref<1x128xi32, #tpu.memory_space<vmem>>
        %dma_wait3A_227 = tpu.memref_squeeze %dma_wait3A_226 : memref<1x128xi32, #tpu.memory_space<vmem>> -> memref<128xi32, #tpu.memory_space<vmem>>
        %dma_wait3A_228 = arith.constant 0 : i32
        %dma_wait3A_229 = arith.constant 0 : i32
        %dma_wait3A_230 = tpu.memref_slice %arg2[%dma_wait3A_228, %dma_wait3A_229] : memref<20000x64xf32, #tpu.memory_space<hbm>> -> memref<20000x64xf32, #tpu.memory_space<hbm>>
        tpu.wait_indirect_dma semaphore(%arg20 : memref<!tpu.dma_semaphore, #tpu.memory_space<semaphore_mem>>) src(%dma_wait3A_230 : memref<20000x64xf32, #tpu.memory_space<hbm>>) dst(%arg11 : memref<128x64xf32, #tpu.memory_space<vmem>>)
        %dma_start3A_231 = arith.constant 0 : i32
        %dma_start3A_232 = tpu.memref_slice %arg8[%add3A_212, %dma_start3A_231] : memref<160x128xi32, #tpu.memory_space<vmem>> -> memref<1x128xi32, #tpu.memory_space<vmem>>
        %dma_start3A_233 = tpu.memref_squeeze %dma_start3A_232 : memref<1x128xi32, #tpu.memory_space<vmem>> -> memref<128xi32, #tpu.memory_space<vmem>>
        %dma_start3A_234 = arith.constant 0 : i32
        %dma_start3A_235 = arith.constant 0 : i32
        %dma_start3A_236 = tpu.memref_slice %arg14[%dma_start3A_234, %dma_start3A_235] : memref<10240x64xf32, #tpu.memory_space<vmem_shared>> -> memref<10240x64xf32, #tpu.memory_space<vmem_shared>>
        tpu.enqueue_indirect_dma source(%arg11 : memref<128x64xf32, #tpu.memory_space<vmem>>) target(%dma_start3A_236 : memref<10240x64xf32, #tpu.memory_space<vmem_shared>>) offsets(%dma_start3A_233 : memref<128xi32, #tpu.memory_space<vmem>>) semaphore(%arg25 : memref<!tpu.dma_semaphore, #tpu.memory_space<semaphore_mem>>) {add = true}
        %dma_start3A_237 = arith.constant 0 : i32
        %dma_start3A_238 = tpu.memref_slice %arg8[%add3A_212, %dma_start3A_237] : memref<160x128xi32, #tpu.memory_space<vmem>> -> memref<1x128xi32, #tpu.memory_space<vmem>>
        %dma_start3A_239 = tpu.memref_squeeze %dma_start3A_238 : memref<1x128xi32, #tpu.memory_space<vmem>> -> memref<128xi32, #tpu.memory_space<vmem>>
        %dma_start3A_240 = arith.constant 0 : i32
        %dma_start3A_241 = tpu.memref_slice %arg17[%dma_start3A_240] : memref<10240xf32, #tpu.memory_space<vmem_shared>> -> memref<10240xf32, #tpu.memory_space<vmem_shared>>
        tpu.enqueue_indirect_dma source(%arg15 : memref<128xf32, #tpu.memory_space<vmem>>) target(%dma_start3A_241 : memref<10240xf32, #tpu.memory_space<vmem_shared>>) offsets(%dma_start3A_239 : memref<128xi32, #tpu.memory_space<vmem>>) semaphore(%arg28 : memref<!tpu.dma_semaphore, #tpu.memory_space<semaphore_mem>>) {add = true}
        %add3A_242 = arith.constant 3 : i32
        %add3A_243 = arith.addi %add3A_150, %add3A_242 : i32
        %ge3A_244 = arith.constant 1 : i32
        %ge3A_245 = arith.cmpi sge, %add3A_243, %ge3A_244 : i32
        %convert_element_type3A_246 = arith.extui %ge3A_245 : i1 to i32
        %cond3A_247 = arith.constant 0 : i32
        %cond3A_248 = arith.cmpi ne, %convert_element_type3A_246, %cond3A_247 : i32
        scf.if %cond3A_248 {
          %sub3A = arith.constant 1 : i32
          %sub3A_304 = arith.subi %add3A_243, %sub3A : i32
          %dma_wait3A_305 = arith.constant 0 : i32
          %dma_wait3A_306 = tpu.memref_slice %arg8[%sub3A_304, %dma_wait3A_305] : memref<160x128xi32, #tpu.memory_space<vmem>> -> memref<1x128xi32, #tpu.memory_space<vmem>>
          %dma_wait3A_307 = tpu.memref_squeeze %dma_wait3A_306 : memref<1x128xi32, #tpu.memory_space<vmem>> -> memref<128xi32, #tpu.memory_space<vmem>>
          %dma_wait3A_308 = arith.constant 0 : i32
          %dma_wait3A_309 = arith.constant 0 : i32
          %dma_wait3A_310 = tpu.memref_slice %arg14[%dma_wait3A_308, %dma_wait3A_309] : memref<10240x64xf32, #tpu.memory_space<vmem_shared>> -> memref<10240x64xf32, #tpu.memory_space<vmem_shared>>
          tpu.wait_indirect_dma semaphore(%arg25 : memref<!tpu.dma_semaphore, #tpu.memory_space<semaphore_mem>>) src(%arg11 : memref<128x64xf32, #tpu.memory_space<vmem>>) dst(%dma_wait3A_310 : memref<10240x64xf32, #tpu.memory_space<vmem_shared>>)
        } else {
        }
        %add3A_249 = arith.constant 4 : i32
        %add3A_250 = arith.addi %add3A_243, %add3A_249 : i32
        %lt3A_251 = arith.constant 160 : i32
        %lt3A_252 = arith.cmpi slt, %add3A_250, %lt3A_251 : i32
        %convert_element_type3A_253 = arith.extui %lt3A_252 : i1 to i32
        %cond3A_254 = arith.constant 0 : i32
        %cond3A_255 = arith.cmpi ne, %convert_element_type3A_253, %cond3A_254 : i32
        scf.if %cond3A_255 {
          %add3A_304 = arith.constant 4 : i32
          %add3A_305 = arith.addi %add3A_243, %add3A_304 : i32
          %dma_start3A_306 = arith.constant 0 : i32
          %dma_start3A_307 = tpu.memref_slice %arg7[%add3A_305, %dma_start3A_306] : memref<160x128xi32, #tpu.memory_space<vmem>> -> memref<1x128xi32, #tpu.memory_space<vmem>>
          %dma_start3A_308 = tpu.memref_squeeze %dma_start3A_307 : memref<1x128xi32, #tpu.memory_space<vmem>> -> memref<128xi32, #tpu.memory_space<vmem>>
          %dma_start3A_309 = arith.constant 0 : i32
          %dma_start3A_310 = arith.constant 0 : i32
          %dma_start3A_311 = tpu.memref_slice %arg2[%dma_start3A_309, %dma_start3A_310] : memref<20000x64xf32, #tpu.memory_space<hbm>> -> memref<20000x64xf32, #tpu.memory_space<hbm>>
          tpu.enqueue_indirect_dma source(%dma_start3A_311 : memref<20000x64xf32, #tpu.memory_space<hbm>>) target(%arg11 : memref<128x64xf32, #tpu.memory_space<vmem>>) offsets(%dma_start3A_308 : memref<128xi32, #tpu.memory_space<vmem>>) semaphore(%arg20 : memref<!tpu.dma_semaphore, #tpu.memory_space<semaphore_mem>>)
        } else {
        }
        %dma_wait3A_256 = arith.constant 0 : i32
        %dma_wait3A_257 = tpu.memref_slice %arg7[%add3A_243, %dma_wait3A_256] : memref<160x128xi32, #tpu.memory_space<vmem>> -> memref<1x128xi32, #tpu.memory_space<vmem>>
        %dma_wait3A_258 = tpu.memref_squeeze %dma_wait3A_257 : memref<1x128xi32, #tpu.memory_space<vmem>> -> memref<128xi32, #tpu.memory_space<vmem>>
        %dma_wait3A_259 = arith.constant 0 : i32
        %dma_wait3A_260 = arith.constant 0 : i32
        %dma_wait3A_261 = tpu.memref_slice %arg2[%dma_wait3A_259, %dma_wait3A_260] : memref<20000x64xf32, #tpu.memory_space<hbm>> -> memref<20000x64xf32, #tpu.memory_space<hbm>>
        tpu.wait_indirect_dma semaphore(%arg21 : memref<!tpu.dma_semaphore, #tpu.memory_space<semaphore_mem>>) src(%dma_wait3A_261 : memref<20000x64xf32, #tpu.memory_space<hbm>>) dst(%arg12 : memref<128x64xf32, #tpu.memory_space<vmem>>)
        %dma_start3A_262 = arith.constant 0 : i32
        %dma_start3A_263 = tpu.memref_slice %arg8[%add3A_243, %dma_start3A_262] : memref<160x128xi32, #tpu.memory_space<vmem>> -> memref<1x128xi32, #tpu.memory_space<vmem>>
        %dma_start3A_264 = tpu.memref_squeeze %dma_start3A_263 : memref<1x128xi32, #tpu.memory_space<vmem>> -> memref<128xi32, #tpu.memory_space<vmem>>
        %dma_start3A_265 = arith.constant 0 : i32
        %dma_start3A_266 = arith.constant 0 : i32
        %dma_start3A_267 = tpu.memref_slice %arg14[%dma_start3A_265, %dma_start3A_266] : memref<10240x64xf32, #tpu.memory_space<vmem_shared>> -> memref<10240x64xf32, #tpu.memory_space<vmem_shared>>
        tpu.enqueue_indirect_dma source(%arg12 : memref<128x64xf32, #tpu.memory_space<vmem>>) target(%dma_start3A_267 : memref<10240x64xf32, #tpu.memory_space<vmem_shared>>) offsets(%dma_start3A_264 : memref<128xi32, #tpu.memory_space<vmem>>) semaphore(%arg26 : memref<!tpu.dma_semaphore, #tpu.memory_space<semaphore_mem>>) {add = true}
        %dma_start3A_268 = arith.constant 0 : i32
        %dma_start3A_269 = tpu.memref_slice %arg8[%add3A_243, %dma_start3A_268] : memref<160x128xi32, #tpu.memory_space<vmem>> -> memref<1x128xi32, #tpu.memory_space<vmem>>
        %dma_start3A_270 = tpu.memref_squeeze %dma_start3A_269 : memref<1x128xi32, #tpu.memory_space<vmem>> -> memref<128xi32, #tpu.memory_space<vmem>>
        %dma_start3A_271 = arith.constant 0 : i32
        %dma_start3A_272 = tpu.memref_slice %arg17[%dma_start3A_271] : memref<10240xf32, #tpu.memory_space<vmem_shared>> -> memref<10240xf32, #tpu.memory_space<vmem_shared>>
        tpu.enqueue_indirect_dma source(%arg15 : memref<128xf32, #tpu.memory_space<vmem>>) target(%dma_start3A_272 : memref<10240xf32, #tpu.memory_space<vmem_shared>>) offsets(%dma_start3A_270 : memref<128xi32, #tpu.memory_space<vmem>>) semaphore(%arg28 : memref<!tpu.dma_semaphore, #tpu.memory_space<semaphore_mem>>) {add = true}
        %add3A_273 = arith.constant 4 : i32
        %add3A_274 = arith.addi %add3A_150, %add3A_273 : i32
        %ge3A_275 = arith.constant 1 : i32
        %ge3A_276 = arith.cmpi sge, %add3A_274, %ge3A_275 : i32
        %convert_element_type3A_277 = arith.extui %ge3A_276 : i1 to i32
        %cond3A_278 = arith.constant 0 : i32
        %cond3A_279 = arith.cmpi ne, %convert_element_type3A_277, %cond3A_278 : i32
        scf.if %cond3A_279 {
          %sub3A = arith.constant 1 : i32
          %sub3A_304 = arith.subi %add3A_274, %sub3A : i32
          %dma_wait3A_305 = arith.constant 0 : i32
          %dma_wait3A_306 = tpu.memref_slice %arg8[%sub3A_304, %dma_wait3A_305] : memref<160x128xi32, #tpu.memory_space<vmem>> -> memref<1x128xi32, #tpu.memory_space<vmem>>
          %dma_wait3A_307 = tpu.memref_squeeze %dma_wait3A_306 : memref<1x128xi32, #tpu.memory_space<vmem>> -> memref<128xi32, #tpu.memory_space<vmem>>
          %dma_wait3A_308 = arith.constant 0 : i32
          %dma_wait3A_309 = arith.constant 0 : i32
          %dma_wait3A_310 = tpu.memref_slice %arg14[%dma_wait3A_308, %dma_wait3A_309] : memref<10240x64xf32, #tpu.memory_space<vmem_shared>> -> memref<10240x64xf32, #tpu.memory_space<vmem_shared>>
          tpu.wait_indirect_dma semaphore(%arg26 : memref<!tpu.dma_semaphore, #tpu.memory_space<semaphore_mem>>) src(%arg12 : memref<128x64xf32, #tpu.memory_space<vmem>>) dst(%dma_wait3A_310 : memref<10240x64xf32, #tpu.memory_space<vmem_shared>>)
        } else {
        }
        %add3A_280 = arith.constant 4 : i32
        %add3A_281 = arith.addi %add3A_274, %add3A_280 : i32
        %lt3A_282 = arith.constant 160 : i32
        %lt3A_283 = arith.cmpi slt, %add3A_281, %lt3A_282 : i32
        %convert_element_type3A_284 = arith.extui %lt3A_283 : i1 to i32
        %cond3A_285 = arith.constant 0 : i32
        %cond3A_286 = arith.cmpi ne, %convert_element_type3A_284, %cond3A_285 : i32
        scf.if %cond3A_286 {
          %add3A_304 = arith.constant 4 : i32
          %add3A_305 = arith.addi %add3A_274, %add3A_304 : i32
          %dma_start3A_306 = arith.constant 0 : i32
          %dma_start3A_307 = tpu.memref_slice %arg7[%add3A_305, %dma_start3A_306] : memref<160x128xi32, #tpu.memory_space<vmem>> -> memref<1x128xi32, #tpu.memory_space<vmem>>
          %dma_start3A_308 = tpu.memref_squeeze %dma_start3A_307 : memref<1x128xi32, #tpu.memory_space<vmem>> -> memref<128xi32, #tpu.memory_space<vmem>>
          %dma_start3A_309 = arith.constant 0 : i32
          %dma_start3A_310 = arith.constant 0 : i32
          %dma_start3A_311 = tpu.memref_slice %arg2[%dma_start3A_309, %dma_start3A_310] : memref<20000x64xf32, #tpu.memory_space<hbm>> -> memref<20000x64xf32, #tpu.memory_space<hbm>>
          tpu.enqueue_indirect_dma source(%dma_start3A_311 : memref<20000x64xf32, #tpu.memory_space<hbm>>) target(%arg12 : memref<128x64xf32, #tpu.memory_space<vmem>>) offsets(%dma_start3A_308 : memref<128xi32, #tpu.memory_space<vmem>>) semaphore(%arg21 : memref<!tpu.dma_semaphore, #tpu.memory_space<semaphore_mem>>)
        } else {
        }
        %dma_wait3A_287 = arith.constant 0 : i32
        %dma_wait3A_288 = tpu.memref_slice %arg7[%add3A_274, %dma_wait3A_287] : memref<160x128xi32, #tpu.memory_space<vmem>> -> memref<1x128xi32, #tpu.memory_space<vmem>>
        %dma_wait3A_289 = tpu.memref_squeeze %dma_wait3A_288 : memref<1x128xi32, #tpu.memory_space<vmem>> -> memref<128xi32, #tpu.memory_space<vmem>>
        %dma_wait3A_290 = arith.constant 0 : i32
        %dma_wait3A_291 = arith.constant 0 : i32
        %dma_wait3A_292 = tpu.memref_slice %arg2[%dma_wait3A_290, %dma_wait3A_291] : memref<20000x64xf32, #tpu.memory_space<hbm>> -> memref<20000x64xf32, #tpu.memory_space<hbm>>
        tpu.wait_indirect_dma semaphore(%arg22 : memref<!tpu.dma_semaphore, #tpu.memory_space<semaphore_mem>>) src(%dma_wait3A_292 : memref<20000x64xf32, #tpu.memory_space<hbm>>) dst(%arg13 : memref<128x64xf32, #tpu.memory_space<vmem>>)
        %dma_start3A_293 = arith.constant 0 : i32
        %dma_start3A_294 = tpu.memref_slice %arg8[%add3A_274, %dma_start3A_293] : memref<160x128xi32, #tpu.memory_space<vmem>> -> memref<1x128xi32, #tpu.memory_space<vmem>>
        %dma_start3A_295 = tpu.memref_squeeze %dma_start3A_294 : memref<1x128xi32, #tpu.memory_space<vmem>> -> memref<128xi32, #tpu.memory_space<vmem>>
        %dma_start3A_296 = arith.constant 0 : i32
        %dma_start3A_297 = arith.constant 0 : i32
        %dma_start3A_298 = tpu.memref_slice %arg14[%dma_start3A_296, %dma_start3A_297] : memref<10240x64xf32, #tpu.memory_space<vmem_shared>> -> memref<10240x64xf32, #tpu.memory_space<vmem_shared>>
        tpu.enqueue_indirect_dma source(%arg13 : memref<128x64xf32, #tpu.memory_space<vmem>>) target(%dma_start3A_298 : memref<10240x64xf32, #tpu.memory_space<vmem_shared>>) offsets(%dma_start3A_295 : memref<128xi32, #tpu.memory_space<vmem>>) semaphore(%arg27 : memref<!tpu.dma_semaphore, #tpu.memory_space<semaphore_mem>>) {add = true}
        %dma_start3A_299 = arith.constant 0 : i32
        %dma_start3A_300 = tpu.memref_slice %arg8[%add3A_274, %dma_start3A_299] : memref<160x128xi32, #tpu.memory_space<vmem>> -> memref<1x128xi32, #tpu.memory_space<vmem>>
        %dma_start3A_301 = tpu.memref_squeeze %dma_start3A_300 : memref<1x128xi32, #tpu.memory_space<vmem>> -> memref<128xi32, #tpu.memory_space<vmem>>
        %dma_start3A_302 = arith.constant 0 : i32
        %dma_start3A_303 = tpu.memref_slice %arg17[%dma_start3A_302] : memref<10240xf32, #tpu.memory_space<vmem_shared>> -> memref<10240xf32, #tpu.memory_space<vmem_shared>>
        tpu.enqueue_indirect_dma source(%arg15 : memref<128xf32, #tpu.memory_space<vmem>>) target(%dma_start3A_303 : memref<10240xf32, #tpu.memory_space<vmem_shared>>) offsets(%dma_start3A_301 : memref<128xi32, #tpu.memory_space<vmem>>) semaphore(%arg28 : memref<!tpu.dma_semaphore, #tpu.memory_space<semaphore_mem>>) {add = true}
      }
      %scan3A_134 = arith.constant 32 : i32
      %dma_wait3A = arith.constant 159 : i32
      "tpu.trace_stop"() : () -> ()
      "tpu.trace_start"() <{level = 10 : i32, message = "agg_drain"}> : () -> ()
      %dma_wait3A_135 = arith.constant 0 : i32
      %dma_wait3A_136 = tpu.memref_slice %arg8[%dma_wait3A, %dma_wait3A_135] : memref<160x128xi32, #tpu.memory_space<vmem>> -> memref<1x128xi32, #tpu.memory_space<vmem>>
      %dma_wait3A_137 = tpu.memref_squeeze %dma_wait3A_136 : memref<1x128xi32, #tpu.memory_space<vmem>> -> memref<128xi32, #tpu.memory_space<vmem>>
      %dma_wait3A_138 = arith.constant 0 : i32
      %dma_wait3A_139 = arith.constant 0 : i32
      %dma_wait3A_140 = tpu.memref_slice %arg14[%dma_wait3A_138, %dma_wait3A_139] : memref<10240x64xf32, #tpu.memory_space<vmem_shared>> -> memref<10240x64xf32, #tpu.memory_space<vmem_shared>>
      tpu.wait_indirect_dma semaphore(%arg27 : memref<!tpu.dma_semaphore, #tpu.memory_space<semaphore_mem>>) src(%arg13 : memref<128x64xf32, #tpu.memory_space<vmem>>) dst(%dma_wait3A_140 : memref<10240x64xf32, #tpu.memory_space<vmem_shared>>)
      %scan3A_141 = arith.constant 0 : i32
      %scan3A_142 = arith.constant 160 : i32
      %scan3A_143 = arith.addi %scan3A_141, %scan3A_142 : i32
      %scan3A_144 = arith.constant 1 : i32
      scf.for %scan3A_146 = %scan3A_141 to %scan3A_143 step %scan3A_144  : i32 {
        %mul3A_147 = arith.constant 1 : i32
        %mul3A_148 = arith.muli %scan3A_146, %mul3A_147 : i32
        %add3A_149 = arith.constant 0 : i32
        %add3A_150 = arith.addi %add3A_149, %mul3A_148 : i32
        %dma_wait3A_151 = arith.constant 0 : i32
        %dma_wait3A_152 = tpu.memref_slice %arg8[%add3A_150, %dma_wait3A_151] : memref<160x128xi32, #tpu.memory_space<vmem>> -> memref<1x128xi32, #tpu.memory_space<vmem>>
        %dma_wait3A_153 = tpu.memref_squeeze %dma_wait3A_152 : memref<1x128xi32, #tpu.memory_space<vmem>> -> memref<128xi32, #tpu.memory_space<vmem>>
        %dma_wait3A_154 = arith.constant 0 : i32
        %dma_wait3A_155 = tpu.memref_slice %arg17[%dma_wait3A_154] : memref<10240xf32, #tpu.memory_space<vmem_shared>> -> memref<10240xf32, #tpu.memory_space<vmem_shared>>
        tpu.wait_indirect_dma semaphore(%arg28 : memref<!tpu.dma_semaphore, #tpu.memory_space<semaphore_mem>>) src(%arg15 : memref<128xf32, #tpu.memory_space<vmem>>) dst(%dma_wait3A_155 : memref<10240xf32, #tpu.memory_space<vmem_shared>>)
      }
      %scan3A_145 = arith.constant 160 : i32
      "tpu.trace_stop"() : () -> ()
    } else {
    }
    %eq3A_46 = arith.constant 1 : i32
    %eq3A_47 = arith.cmpi eq, %arg0, %eq3A_46 : i32
    %convert_element_type3A_48 = arith.extui %eq3A_47 : i1 to i32
    %cond3A_49 = arith.constant 0 : i32
    %cond3A_50 = arith.cmpi ne, %convert_element_type3A_48, %cond3A_49 : i32
    scf.if %cond3A_50 {
      %mul3A_96 = arith.constant 160 : i32
      %mul3A_97 = arith.muli %arg1, %mul3A_96 : i32
      "tpu.trace_start"() <{level = 10 : i32, message = "agg_idx"}> : () -> ()
      "tpu.region"() ({
        %run_scoped3A = tpu.sem_alloc : memref<!tpu.dma_semaphore, #tpu.memory_space<semaphore_mem>>
        %dma_start3A_141 = arith.constant 0 : i32
        %dma_start3A_142 = arith.constant 0 : i32
        %dma_start3A_143 = tpu.memref_slice %arg7[%dma_start3A_141, %dma_start3A_142] : memref<160x128xi32, #tpu.memory_space<vmem>> -> memref<160x128xi32, #tpu.memory_space<vmem>>
        %dma_start3A_144 = arith.constant 0 : i32
        %dma_start3A_145 = tpu.memref_slice %arg3[%mul3A_97, %dma_start3A_144] : memref<2560x128xi32, #tpu.memory_space<hbm>> -> memref<160x128xi32, #tpu.memory_space<hbm>>
        %dma_start3A_146 = arith.constant 0 : i32
        %dma_start3A_147 = arith.constant 0 : i32
        %dma_start3A_148 = tpu.memref_slice %arg7[%dma_start3A_146, %dma_start3A_147] : memref<160x128xi32, #tpu.memory_space<vmem>> -> memref<160x128xi32, #tpu.memory_space<vmem>>
        %dma_start3A_149 = arith.constant 0 : i32
        %dma_start3A_150 = tpu.memref_slice %arg3[%mul3A_97, %dma_start3A_149] : memref<2560x128xi32, #tpu.memory_space<hbm>> -> memref<160x128xi32, #tpu.memory_space<hbm>>
        tpu.enqueue_dma source(%dma_start3A_150 : memref<160x128xi32, #tpu.memory_space<hbm>>) target(%dma_start3A_148 : memref<160x128xi32, #tpu.memory_space<vmem>>) target_semaphore(%run_scoped3A : memref<!tpu.dma_semaphore, #tpu.memory_space<semaphore_mem>>)
        %dma_wait3A_151 = arith.constant 0 : i32
        %dma_wait3A_152 = arith.constant 0 : i32
        %dma_wait3A_153 = tpu.memref_slice %arg7[%dma_wait3A_151, %dma_wait3A_152] : memref<160x128xi32, #tpu.memory_space<vmem>> -> memref<160x128xi32, #tpu.memory_space<vmem>>
        %dma_wait3A_154 = arith.constant 0 : i32
        %dma_wait3A_155 = tpu.memref_slice %arg3[%mul3A_97, %dma_wait3A_154] : memref<2560x128xi32, #tpu.memory_space<hbm>> -> memref<160x128xi32, #tpu.memory_space<hbm>>
        %dma_wait3A_156 = arith.constant 0 : i32
        %dma_wait3A_157 = arith.constant 0 : i32
        %dma_wait3A_158 = tpu.memref_slice %arg7[%dma_wait3A_156, %dma_wait3A_157] : memref<160x128xi32, #tpu.memory_space<vmem>> -> memref<160x128xi32, #tpu.memory_space<vmem>>
        %dma_wait3A_159 = arith.constant 0 : i32
        %dma_wait3A_160 = tpu.memref_slice %arg3[%mul3A_97, %dma_wait3A_159] : memref<2560x128xi32, #tpu.memory_space<hbm>> -> memref<160x128xi32, #tpu.memory_space<hbm>>
        tpu.wait_dma2 semaphore(%run_scoped3A : memref<!tpu.dma_semaphore, #tpu.memory_space<semaphore_mem>>) src(%dma_wait3A_160 : memref<160x128xi32, #tpu.memory_space<hbm>>) dst(%dma_wait3A_158 : memref<160x128xi32, #tpu.memory_space<vmem>>)
        tpu.yield
      }) : () -> ()
      "tpu.region"() ({
        %run_scoped3A = tpu.sem_alloc : memref<!tpu.dma_semaphore, #tpu.memory_space<semaphore_mem>>
        %dma_start3A_141 = arith.constant 0 : i32
        %dma_start3A_142 = arith.constant 0 : i32
        %dma_start3A_143 = tpu.memref_slice %arg8[%dma_start3A_141, %dma_start3A_142] : memref<160x128xi32, #tpu.memory_space<vmem>> -> memref<160x128xi32, #tpu.memory_space<vmem>>
        %dma_start3A_144 = arith.constant 0 : i32
        %dma_start3A_145 = tpu.memref_slice %arg4[%mul3A_97, %dma_start3A_144] : memref<2560x128xi32, #tpu.memory_space<hbm>> -> memref<160x128xi32, #tpu.memory_space<hbm>>
        %dma_start3A_146 = arith.constant 0 : i32
        %dma_start3A_147 = arith.constant 0 : i32
        %dma_start3A_148 = tpu.memref_slice %arg8[%dma_start3A_146, %dma_start3A_147] : memref<160x128xi32, #tpu.memory_space<vmem>> -> memref<160x128xi32, #tpu.memory_space<vmem>>
        %dma_start3A_149 = arith.constant 0 : i32
        %dma_start3A_150 = tpu.memref_slice %arg4[%mul3A_97, %dma_start3A_149] : memref<2560x128xi32, #tpu.memory_space<hbm>> -> memref<160x128xi32, #tpu.memory_space<hbm>>
        tpu.enqueue_dma source(%dma_start3A_150 : memref<160x128xi32, #tpu.memory_space<hbm>>) target(%dma_start3A_148 : memref<160x128xi32, #tpu.memory_space<vmem>>) target_semaphore(%run_scoped3A : memref<!tpu.dma_semaphore, #tpu.memory_space<semaphore_mem>>)
        %dma_wait3A_151 = arith.constant 0 : i32
        %dma_wait3A_152 = arith.constant 0 : i32
        %dma_wait3A_153 = tpu.memref_slice %arg8[%dma_wait3A_151, %dma_wait3A_152] : memref<160x128xi32, #tpu.memory_space<vmem>> -> memref<160x128xi32, #tpu.memory_space<vmem>>
        %dma_wait3A_154 = arith.constant 0 : i32
        %dma_wait3A_155 = tpu.memref_slice %arg4[%mul3A_97, %dma_wait3A_154] : memref<2560x128xi32, #tpu.memory_space<hbm>> -> memref<160x128xi32, #tpu.memory_space<hbm>>
        %dma_wait3A_156 = arith.constant 0 : i32
        %dma_wait3A_157 = arith.constant 0 : i32
        %dma_wait3A_158 = tpu.memref_slice %arg8[%dma_wait3A_156, %dma_wait3A_157] : memref<160x128xi32, #tpu.memory_space<vmem>> -> memref<160x128xi32, #tpu.memory_space<vmem>>
        %dma_wait3A_159 = arith.constant 0 : i32
        %dma_wait3A_160 = tpu.memref_slice %arg4[%mul3A_97, %dma_wait3A_159] : memref<2560x128xi32, #tpu.memory_space<hbm>> -> memref<160x128xi32, #tpu.memory_space<hbm>>
        tpu.wait_dma2 semaphore(%run_scoped3A : memref<!tpu.dma_semaphore, #tpu.memory_space<semaphore_mem>>) src(%dma_wait3A_160 : memref<160x128xi32, #tpu.memory_space<hbm>>) dst(%dma_wait3A_158 : memref<160x128xi32, #tpu.memory_space<vmem>>)
        tpu.yield
      }) : () -> ()
      %scan3A_98 = arith.constant 0 : i32
      %scan3A_99 = arith.constant 160 : i32
      %scan3A_100 = arith.addi %scan3A_98, %scan3A_99 : i32
      %scan3A_101 = arith.constant 1 : i32
      scf.for %scan3A_141 = %scan3A_98 to %scan3A_100 step %scan3A_101  : i32 {
        %mul3A_142 = arith.constant 1 : i32
        %mul3A_143 = arith.muli %scan3A_141, %mul3A_142 : i32
        %add3A_144 = arith.constant 0 : i32
        %add3A_145 = arith.addi %add3A_144, %mul3A_143 : i32
        %scan3A_146 = arith.constant 0 : i32
        %scan3A_147 = arith.constant 8 : i32
        %scan3A_148 = arith.addi %scan3A_146, %scan3A_147 : i32
        %scan3A_149 = arith.constant 1 : i32
        scf.for %scan3A_151 = %scan3A_146 to %scan3A_148 step %scan3A_149  : i32 {
          %mul3A_152 = arith.constant 1 : i32
          %mul3A_153 = arith.muli %scan3A_151, %mul3A_152 : i32
          %add3A_154 = arith.constant 0 : i32
          %add3A_155 = arith.addi %add3A_154, %mul3A_153 : i32
          %mul3A_156 = arith.constant 16 : i32
          %mul3A_157 = arith.muli %add3A_155, %mul3A_156 : i32
          %get3A = arith.index_cast %add3A_145 : i32 to index
          %get3A_158 = arith.index_cast %mul3A_157 : i32 to index
          %get3A_159 = tpu.vector_load %arg7[%get3A, %get3A_158] {strides = array<i32>} : memref<160x128xi32, #tpu.memory_space<vmem>>, vector<1x16xi32>,
          %get3A_160 = vector.shape_cast %get3A_159 : vector<1x16xi32> to vector<16xi32>
          %add3A_161 = arith.addi %get3A_160, %get3A_160 : vector<16xi32>
          %add3A_162 = vector.broadcast %arg0 : i32 to vector<16xi32>
          %add3A_163 = arith.addi %add3A_161, %add3A_162 : vector<16xi32>
          %mul3A_164 = arith.constant 16 : i32
          %mul3A_165 = arith.muli %add3A_155, %mul3A_164 : i32
          %swap3A = arith.index_cast %add3A_145 : i32 to index
          %swap3A_166 = arith.index_cast %mul3A_165 : i32 to index
          %swap3A_167 = tpu.vector_load %arg7[%swap3A, %swap3A_166] {strides = array<i32>} : memref<160x128xi32, #tpu.memory_space<vmem>>, vector<1x16xi32>,
          %swap3A_168 = vector.shape_cast %swap3A_167 : vector<1x16xi32> to vector<16xi32>
          %swap3A_169 = vector.shape_cast %add3A_163 : vector<16xi32> to vector<1x16xi32>
          tpu.vector_store %arg7[%swap3A, %swap3A_166], %swap3A_169 {strides = array<i32>} : memref<160x128xi32, #tpu.memory_space<vmem>>, vector<1x16xi32>,
        }
        %scan3A_150 = arith.constant 8 : i32
      }
      %scan3A_102 = arith.constant 160 : i32
      %dma_start3A = arith.constant 0 : i32
      "tpu.trace_stop"() : () -> ()
      %dma_start3A_103 = arith.constant 0 : i32
      %dma_start3A_104 = tpu.memref_slice %arg7[%dma_start3A, %dma_start3A_103] : memref<160x128xi32, #tpu.memory_space<vmem>> -> memref<1x128xi32, #tpu.memory_space<vmem>>
      %dma_start3A_105 = tpu.memref_squeeze %dma_start3A_104 : memref<1x128xi32, #tpu.memory_space<vmem>> -> memref<128xi32, #tpu.memory_space<vmem>>
      %dma_start3A_106 = arith.constant 0 : i32
      %dma_start3A_107 = arith.constant 0 : i32
      %dma_start3A_108 = tpu.memref_slice %arg2[%dma_start3A_106, %dma_start3A_107] : memref<20000x64xf32, #tpu.memory_space<hbm>> -> memref<20000x64xf32, #tpu.memory_space<hbm>>
      tpu.enqueue_indirect_dma source(%dma_start3A_108 : memref<20000x64xf32, #tpu.memory_space<hbm>>) target(%arg9 : memref<128x64xf32, #tpu.memory_space<vmem>>) offsets(%dma_start3A_105 : memref<128xi32, #tpu.memory_space<vmem>>) semaphore(%arg18 : memref<!tpu.dma_semaphore, #tpu.memory_space<semaphore_mem>>)
      %dma_start3A_109 = arith.constant 1 : i32
      %dma_start3A_110 = arith.constant 0 : i32
      %dma_start3A_111 = tpu.memref_slice %arg7[%dma_start3A_109, %dma_start3A_110] : memref<160x128xi32, #tpu.memory_space<vmem>> -> memref<1x128xi32, #tpu.memory_space<vmem>>
      %dma_start3A_112 = tpu.memref_squeeze %dma_start3A_111 : memref<1x128xi32, #tpu.memory_space<vmem>> -> memref<128xi32, #tpu.memory_space<vmem>>
      %dma_start3A_113 = arith.constant 0 : i32
      %dma_start3A_114 = arith.constant 0 : i32
      %dma_start3A_115 = tpu.memref_slice %arg2[%dma_start3A_113, %dma_start3A_114] : memref<20000x64xf32, #tpu.memory_space<hbm>> -> memref<20000x64xf32, #tpu.memory_space<hbm>>
      tpu.enqueue_indirect_dma source(%dma_start3A_115 : memref<20000x64xf32, #tpu.memory_space<hbm>>) target(%arg10 : memref<128x64xf32, #tpu.memory_space<vmem>>) offsets(%dma_start3A_112 : memref<128xi32, #tpu.memory_space<vmem>>) semaphore(%arg19 : memref<!tpu.dma_semaphore, #tpu.memory_space<semaphore_mem>>)
      %dma_start3A_116 = arith.constant 2 : i32
      %dma_start3A_117 = arith.constant 0 : i32
      %dma_start3A_118 = tpu.memref_slice %arg7[%dma_start3A_116, %dma_start3A_117] : memref<160x128xi32, #tpu.memory_space<vmem>> -> memref<1x128xi32, #tpu.memory_space<vmem>>
      %dma_start3A_119 = tpu.memref_squeeze %dma_start3A_118 : memref<1x128xi32, #tpu.memory_space<vmem>> -> memref<128xi32, #tpu.memory_space<vmem>>
      %dma_start3A_120 = arith.constant 0 : i32
      %dma_start3A_121 = arith.constant 0 : i32
      %dma_start3A_122 = tpu.memref_slice %arg2[%dma_start3A_120, %dma_start3A_121] : memref<20000x64xf32, #tpu.memory_space<hbm>> -> memref<20000x64xf32, #tpu.memory_space<hbm>>
      tpu.enqueue_indirect_dma source(%dma_start3A_122 : memref<20000x64xf32, #tpu.memory_space<hbm>>) target(%arg11 : memref<128x64xf32, #tpu.memory_space<vmem>>) offsets(%dma_start3A_119 : memref<128xi32, #tpu.memory_space<vmem>>) semaphore(%arg20 : memref<!tpu.dma_semaphore, #tpu.memory_space<semaphore_mem>>)
      %dma_start3A_123 = arith.constant 3 : i32
      %dma_start3A_124 = arith.constant 0 : i32
      %dma_start3A_125 = tpu.memref_slice %arg7[%dma_start3A_123, %dma_start3A_124] : memref<160x128xi32, #tpu.memory_space<vmem>> -> memref<1x128xi32, #tpu.memory_space<vmem>>
      %dma_start3A_126 = tpu.memref_squeeze %dma_start3A_125 : memref<1x128xi32, #tpu.memory_space<vmem>> -> memref<128xi32, #tpu.memory_space<vmem>>
      %dma_start3A_127 = arith.constant 0 : i32
      %dma_start3A_128 = arith.constant 0 : i32
      %dma_start3A_129 = tpu.memref_slice %arg2[%dma_start3A_127, %dma_start3A_128] : memref<20000x64xf32, #tpu.memory_space<hbm>> -> memref<20000x64xf32, #tpu.memory_space<hbm>>
      tpu.enqueue_indirect_dma source(%dma_start3A_129 : memref<20000x64xf32, #tpu.memory_space<hbm>>) target(%arg12 : memref<128x64xf32, #tpu.memory_space<vmem>>) offsets(%dma_start3A_126 : memref<128xi32, #tpu.memory_space<vmem>>) semaphore(%arg21 : memref<!tpu.dma_semaphore, #tpu.memory_space<semaphore_mem>>)
      "tpu.trace_start"() <{level = 10 : i32, message = "agg_ring"}> : () -> ()
      %scan3A_130 = arith.constant 0 : i32
      %scan3A_131 = arith.constant 32 : i32
      %scan3A_132 = arith.addi %scan3A_130, %scan3A_131 : i32
      %scan3A_133 = arith.constant 1 : i32
      scf.for %scan3A_141 = %scan3A_130 to %scan3A_132 step %scan3A_133  : i32 {
        %mul3A_142 = arith.constant 5 : i32
        %mul3A_143 = arith.muli %scan3A_141, %mul3A_142 : i32
        %add3A_144 = arith.constant 0 : i32
        %add3A_145 = arith.addi %add3A_144, %mul3A_143 : i32
        %add3A_146 = arith.constant 0 : i32
        %add3A_147 = arith.addi %add3A_145, %add3A_146 : i32
        %ge3A = arith.constant 1 : i32
        %ge3A_148 = arith.cmpi sge, %add3A_147, %ge3A : i32
        %convert_element_type3A_149 = arith.extui %ge3A_148 : i1 to i32
        %cond3A_150 = arith.constant 0 : i32
        %cond3A_151 = arith.cmpi ne, %convert_element_type3A_149, %cond3A_150 : i32
        scf.if %cond3A_151 {
          %sub3A = arith.constant 1 : i32
          %sub3A_274 = arith.subi %add3A_147, %sub3A : i32
          %dma_wait3A_275 = arith.constant 0 : i32
          %dma_wait3A_276 = tpu.memref_slice %arg8[%sub3A_274, %dma_wait3A_275] : memref<160x128xi32, #tpu.memory_space<vmem>> -> memref<1x128xi32, #tpu.memory_space<vmem>>
          %dma_wait3A_277 = tpu.memref_squeeze %dma_wait3A_276 : memref<1x128xi32, #tpu.memory_space<vmem>> -> memref<128xi32, #tpu.memory_space<vmem>>
          %dma_wait3A_278 = arith.constant 0 : i32
          %dma_wait3A_279 = arith.constant 0 : i32
          %dma_wait3A_280 = tpu.memref_slice %arg14[%dma_wait3A_278, %dma_wait3A_279] : memref<10240x64xf32, #tpu.memory_space<vmem_shared>> -> memref<10240x64xf32, #tpu.memory_space<vmem_shared>>
          tpu.wait_indirect_dma semaphore(%arg27 : memref<!tpu.dma_semaphore, #tpu.memory_space<semaphore_mem>>) src(%arg13 : memref<128x64xf32, #tpu.memory_space<vmem>>) dst(%dma_wait3A_280 : memref<10240x64xf32, #tpu.memory_space<vmem_shared>>)
        } else {
        }
        %add3A_152 = arith.constant 4 : i32
        %add3A_153 = arith.addi %add3A_147, %add3A_152 : i32
        %lt3A = arith.constant 160 : i32
        %lt3A_154 = arith.cmpi slt, %add3A_153, %lt3A : i32
        %convert_element_type3A_155 = arith.extui %lt3A_154 : i1 to i32
        %cond3A_156 = arith.constant 0 : i32
        %cond3A_157 = arith.cmpi ne, %convert_element_type3A_155, %cond3A_156 : i32
        scf.if %cond3A_157 {
          %add3A_274 = arith.constant 4 : i32
          %add3A_275 = arith.addi %add3A_147, %add3A_274 : i32
          %dma_start3A_276 = arith.constant 0 : i32
          %dma_start3A_277 = tpu.memref_slice %arg7[%add3A_275, %dma_start3A_276] : memref<160x128xi32, #tpu.memory_space<vmem>> -> memref<1x128xi32, #tpu.memory_space<vmem>>
          %dma_start3A_278 = tpu.memref_squeeze %dma_start3A_277 : memref<1x128xi32, #tpu.memory_space<vmem>> -> memref<128xi32, #tpu.memory_space<vmem>>
          %dma_start3A_279 = arith.constant 0 : i32
          %dma_start3A_280 = arith.constant 0 : i32
          %dma_start3A_281 = tpu.memref_slice %arg2[%dma_start3A_279, %dma_start3A_280] : memref<20000x64xf32, #tpu.memory_space<hbm>> -> memref<20000x64xf32, #tpu.memory_space<hbm>>
          tpu.enqueue_indirect_dma source(%dma_start3A_281 : memref<20000x64xf32, #tpu.memory_space<hbm>>) target(%arg13 : memref<128x64xf32, #tpu.memory_space<vmem>>) offsets(%dma_start3A_278 : memref<128xi32, #tpu.memory_space<vmem>>) semaphore(%arg22 : memref<!tpu.dma_semaphore, #tpu.memory_space<semaphore_mem>>)
        } else {
        }
        %dma_wait3A_158 = arith.constant 0 : i32
        %dma_wait3A_159 = tpu.memref_slice %arg7[%add3A_147, %dma_wait3A_158] : memref<160x128xi32, #tpu.memory_space<vmem>> -> memref<1x128xi32, #tpu.memory_space<vmem>>
        %dma_wait3A_160 = tpu.memref_squeeze %dma_wait3A_159 : memref<1x128xi32, #tpu.memory_space<vmem>> -> memref<128xi32, #tpu.memory_space<vmem>>
        %dma_wait3A_161 = arith.constant 0 : i32
        %dma_wait3A_162 = arith.constant 0 : i32
        %dma_wait3A_163 = tpu.memref_slice %arg2[%dma_wait3A_161, %dma_wait3A_162] : memref<20000x64xf32, #tpu.memory_space<hbm>> -> memref<20000x64xf32, #tpu.memory_space<hbm>>
        tpu.wait_indirect_dma semaphore(%arg18 : memref<!tpu.dma_semaphore, #tpu.memory_space<semaphore_mem>>) src(%dma_wait3A_163 : memref<20000x64xf32, #tpu.memory_space<hbm>>) dst(%arg9 : memref<128x64xf32, #tpu.memory_space<vmem>>)
        %dma_start3A_164 = arith.constant 0 : i32
        %dma_start3A_165 = tpu.memref_slice %arg8[%add3A_147, %dma_start3A_164] : memref<160x128xi32, #tpu.memory_space<vmem>> -> memref<1x128xi32, #tpu.memory_space<vmem>>
        %dma_start3A_166 = tpu.memref_squeeze %dma_start3A_165 : memref<1x128xi32, #tpu.memory_space<vmem>> -> memref<128xi32, #tpu.memory_space<vmem>>
        %dma_start3A_167 = arith.constant 0 : i32
        %dma_start3A_168 = arith.constant 0 : i32
        %dma_start3A_169 = tpu.memref_slice %arg14[%dma_start3A_167, %dma_start3A_168] : memref<10240x64xf32, #tpu.memory_space<vmem_shared>> -> memref<10240x64xf32, #tpu.memory_space<vmem_shared>>
        tpu.enqueue_indirect_dma source(%arg9 : memref<128x64xf32, #tpu.memory_space<vmem>>) target(%dma_start3A_169 : memref<10240x64xf32, #tpu.memory_space<vmem_shared>>) offsets(%dma_start3A_166 : memref<128xi32, #tpu.memory_space<vmem>>) semaphore(%arg23 : memref<!tpu.dma_semaphore, #tpu.memory_space<semaphore_mem>>) {add = true}
        %add3A_170 = arith.constant 1 : i32
        %add3A_171 = arith.addi %add3A_145, %add3A_170 : i32
        %ge3A_172 = arith.constant 1 : i32
        %ge3A_173 = arith.cmpi sge, %add3A_171, %ge3A_172 : i32
        %convert_element_type3A_174 = arith.extui %ge3A_173 : i1 to i32
        %cond3A_175 = arith.constant 0 : i32
        %cond3A_176 = arith.cmpi ne, %convert_element_type3A_174, %cond3A_175 : i32
        scf.if %cond3A_176 {
          %sub3A = arith.constant 1 : i32
          %sub3A_274 = arith.subi %add3A_171, %sub3A : i32
          %dma_wait3A_275 = arith.constant 0 : i32
          %dma_wait3A_276 = tpu.memref_slice %arg8[%sub3A_274, %dma_wait3A_275] : memref<160x128xi32, #tpu.memory_space<vmem>> -> memref<1x128xi32, #tpu.memory_space<vmem>>
          %dma_wait3A_277 = tpu.memref_squeeze %dma_wait3A_276 : memref<1x128xi32, #tpu.memory_space<vmem>> -> memref<128xi32, #tpu.memory_space<vmem>>
          %dma_wait3A_278 = arith.constant 0 : i32
          %dma_wait3A_279 = arith.constant 0 : i32
          %dma_wait3A_280 = tpu.memref_slice %arg14[%dma_wait3A_278, %dma_wait3A_279] : memref<10240x64xf32, #tpu.memory_space<vmem_shared>> -> memref<10240x64xf32, #tpu.memory_space<vmem_shared>>
          tpu.wait_indirect_dma semaphore(%arg23 : memref<!tpu.dma_semaphore, #tpu.memory_space<semaphore_mem>>) src(%arg9 : memref<128x64xf32, #tpu.memory_space<vmem>>) dst(%dma_wait3A_280 : memref<10240x64xf32, #tpu.memory_space<vmem_shared>>)
        } else {
        }
        %add3A_177 = arith.constant 4 : i32
        %add3A_178 = arith.addi %add3A_171, %add3A_177 : i32
        %lt3A_179 = arith.constant 160 : i32
        %lt3A_180 = arith.cmpi slt, %add3A_178, %lt3A_179 : i32
        %convert_element_type3A_181 = arith.extui %lt3A_180 : i1 to i32
        %cond3A_182 = arith.constant 0 : i32
        %cond3A_183 = arith.cmpi ne, %convert_element_type3A_181, %cond3A_182 : i32
        scf.if %cond3A_183 {
          %add3A_274 = arith.constant 4 : i32
          %add3A_275 = arith.addi %add3A_171, %add3A_274 : i32
          %dma_start3A_276 = arith.constant 0 : i32
          %dma_start3A_277 = tpu.memref_slice %arg7[%add3A_275, %dma_start3A_276] : memref<160x128xi32, #tpu.memory_space<vmem>> -> memref<1x128xi32, #tpu.memory_space<vmem>>
          %dma_start3A_278 = tpu.memref_squeeze %dma_start3A_277 : memref<1x128xi32, #tpu.memory_space<vmem>> -> memref<128xi32, #tpu.memory_space<vmem>>
          %dma_start3A_279 = arith.constant 0 : i32
          %dma_start3A_280 = arith.constant 0 : i32
          %dma_start3A_281 = tpu.memref_slice %arg2[%dma_start3A_279, %dma_start3A_280] : memref<20000x64xf32, #tpu.memory_space<hbm>> -> memref<20000x64xf32, #tpu.memory_space<hbm>>
          tpu.enqueue_indirect_dma source(%dma_start3A_281 : memref<20000x64xf32, #tpu.memory_space<hbm>>) target(%arg9 : memref<128x64xf32, #tpu.memory_space<vmem>>) offsets(%dma_start3A_278 : memref<128xi32, #tpu.memory_space<vmem>>) semaphore(%arg18 : memref<!tpu.dma_semaphore, #tpu.memory_space<semaphore_mem>>)
        } else {
        }
        %dma_wait3A_184 = arith.constant 0 : i32
        %dma_wait3A_185 = tpu.memref_slice %arg7[%add3A_171, %dma_wait3A_184] : memref<160x128xi32, #tpu.memory_space<vmem>> -> memref<1x128xi32, #tpu.memory_space<vmem>>
        %dma_wait3A_186 = tpu.memref_squeeze %dma_wait3A_185 : memref<1x128xi32, #tpu.memory_space<vmem>> -> memref<128xi32, #tpu.memory_space<vmem>>
        %dma_wait3A_187 = arith.constant 0 : i32
        %dma_wait3A_188 = arith.constant 0 : i32
        %dma_wait3A_189 = tpu.memref_slice %arg2[%dma_wait3A_187, %dma_wait3A_188] : memref<20000x64xf32, #tpu.memory_space<hbm>> -> memref<20000x64xf32, #tpu.memory_space<hbm>>
        tpu.wait_indirect_dma semaphore(%arg19 : memref<!tpu.dma_semaphore, #tpu.memory_space<semaphore_mem>>) src(%dma_wait3A_189 : memref<20000x64xf32, #tpu.memory_space<hbm>>) dst(%arg10 : memref<128x64xf32, #tpu.memory_space<vmem>>)
        %dma_start3A_190 = arith.constant 0 : i32
        %dma_start3A_191 = tpu.memref_slice %arg8[%add3A_171, %dma_start3A_190] : memref<160x128xi32, #tpu.memory_space<vmem>> -> memref<1x128xi32, #tpu.memory_space<vmem>>
        %dma_start3A_192 = tpu.memref_squeeze %dma_start3A_191 : memref<1x128xi32, #tpu.memory_space<vmem>> -> memref<128xi32, #tpu.memory_space<vmem>>
        %dma_start3A_193 = arith.constant 0 : i32
        %dma_start3A_194 = arith.constant 0 : i32
        %dma_start3A_195 = tpu.memref_slice %arg14[%dma_start3A_193, %dma_start3A_194] : memref<10240x64xf32, #tpu.memory_space<vmem_shared>> -> memref<10240x64xf32, #tpu.memory_space<vmem_shared>>
        tpu.enqueue_indirect_dma source(%arg10 : memref<128x64xf32, #tpu.memory_space<vmem>>) target(%dma_start3A_195 : memref<10240x64xf32, #tpu.memory_space<vmem_shared>>) offsets(%dma_start3A_192 : memref<128xi32, #tpu.memory_space<vmem>>) semaphore(%arg24 : memref<!tpu.dma_semaphore, #tpu.memory_space<semaphore_mem>>) {add = true}
        %add3A_196 = arith.constant 2 : i32
        %add3A_197 = arith.addi %add3A_145, %add3A_196 : i32
        %ge3A_198 = arith.constant 1 : i32
        %ge3A_199 = arith.cmpi sge, %add3A_197, %ge3A_198 : i32
        %convert_element_type3A_200 = arith.extui %ge3A_199 : i1 to i32
        %cond3A_201 = arith.constant 0 : i32
        %cond3A_202 = arith.cmpi ne, %convert_element_type3A_200, %cond3A_201 : i32
        scf.if %cond3A_202 {
          %sub3A = arith.constant 1 : i32
          %sub3A_274 = arith.subi %add3A_197, %sub3A : i32
          %dma_wait3A_275 = arith.constant 0 : i32
          %dma_wait3A_276 = tpu.memref_slice %arg8[%sub3A_274, %dma_wait3A_275] : memref<160x128xi32, #tpu.memory_space<vmem>> -> memref<1x128xi32, #tpu.memory_space<vmem>>
          %dma_wait3A_277 = tpu.memref_squeeze %dma_wait3A_276 : memref<1x128xi32, #tpu.memory_space<vmem>> -> memref<128xi32, #tpu.memory_space<vmem>>
          %dma_wait3A_278 = arith.constant 0 : i32
          %dma_wait3A_279 = arith.constant 0 : i32
          %dma_wait3A_280 = tpu.memref_slice %arg14[%dma_wait3A_278, %dma_wait3A_279] : memref<10240x64xf32, #tpu.memory_space<vmem_shared>> -> memref<10240x64xf32, #tpu.memory_space<vmem_shared>>
          tpu.wait_indirect_dma semaphore(%arg24 : memref<!tpu.dma_semaphore, #tpu.memory_space<semaphore_mem>>) src(%arg10 : memref<128x64xf32, #tpu.memory_space<vmem>>) dst(%dma_wait3A_280 : memref<10240x64xf32, #tpu.memory_space<vmem_shared>>)
        } else {
        }
        %add3A_203 = arith.constant 4 : i32
        %add3A_204 = arith.addi %add3A_197, %add3A_203 : i32
        %lt3A_205 = arith.constant 160 : i32
        %lt3A_206 = arith.cmpi slt, %add3A_204, %lt3A_205 : i32
        %convert_element_type3A_207 = arith.extui %lt3A_206 : i1 to i32
        %cond3A_208 = arith.constant 0 : i32
        %cond3A_209 = arith.cmpi ne, %convert_element_type3A_207, %cond3A_208 : i32
        scf.if %cond3A_209 {
          %add3A_274 = arith.constant 4 : i32
          %add3A_275 = arith.addi %add3A_197, %add3A_274 : i32
          %dma_start3A_276 = arith.constant 0 : i32
          %dma_start3A_277 = tpu.memref_slice %arg7[%add3A_275, %dma_start3A_276] : memref<160x128xi32, #tpu.memory_space<vmem>> -> memref<1x128xi32, #tpu.memory_space<vmem>>
          %dma_start3A_278 = tpu.memref_squeeze %dma_start3A_277 : memref<1x128xi32, #tpu.memory_space<vmem>> -> memref<128xi32, #tpu.memory_space<vmem>>
          %dma_start3A_279 = arith.constant 0 : i32
          %dma_start3A_280 = arith.constant 0 : i32
          %dma_start3A_281 = tpu.memref_slice %arg2[%dma_start3A_279, %dma_start3A_280] : memref<20000x64xf32, #tpu.memory_space<hbm>> -> memref<20000x64xf32, #tpu.memory_space<hbm>>
          tpu.enqueue_indirect_dma source(%dma_start3A_281 : memref<20000x64xf32, #tpu.memory_space<hbm>>) target(%arg10 : memref<128x64xf32, #tpu.memory_space<vmem>>) offsets(%dma_start3A_278 : memref<128xi32, #tpu.memory_space<vmem>>) semaphore(%arg19 : memref<!tpu.dma_semaphore, #tpu.memory_space<semaphore_mem>>)
        } else {
        }
        %dma_wait3A_210 = arith.constant 0 : i32
        %dma_wait3A_211 = tpu.memref_slice %arg7[%add3A_197, %dma_wait3A_210] : memref<160x128xi32, #tpu.memory_space<vmem>> -> memref<1x128xi32, #tpu.memory_space<vmem>>
        %dma_wait3A_212 = tpu.memref_squeeze %dma_wait3A_211 : memref<1x128xi32, #tpu.memory_space<vmem>> -> memref<128xi32, #tpu.memory_space<vmem>>
        %dma_wait3A_213 = arith.constant 0 : i32
        %dma_wait3A_214 = arith.constant 0 : i32
        %dma_wait3A_215 = tpu.memref_slice %arg2[%dma_wait3A_213, %dma_wait3A_214] : memref<20000x64xf32, #tpu.memory_space<hbm>> -> memref<20000x64xf32, #tpu.memory_space<hbm>>
        tpu.wait_indirect_dma semaphore(%arg20 : memref<!tpu.dma_semaphore, #tpu.memory_space<semaphore_mem>>) src(%dma_wait3A_215 : memref<20000x64xf32, #tpu.memory_space<hbm>>) dst(%arg11 : memref<128x64xf32, #tpu.memory_space<vmem>>)
        %dma_start3A_216 = arith.constant 0 : i32
        %dma_start3A_217 = tpu.memref_slice %arg8[%add3A_197, %dma_start3A_216] : memref<160x128xi32, #tpu.memory_space<vmem>> -> memref<1x128xi32, #tpu.memory_space<vmem>>
        %dma_start3A_218 = tpu.memref_squeeze %dma_start3A_217 : memref<1x128xi32, #tpu.memory_space<vmem>> -> memref<128xi32, #tpu.memory_space<vmem>>
        %dma_start3A_219 = arith.constant 0 : i32
        %dma_start3A_220 = arith.constant 0 : i32
        %dma_start3A_221 = tpu.memref_slice %arg14[%dma_start3A_219, %dma_start3A_220] : memref<10240x64xf32, #tpu.memory_space<vmem_shared>> -> memref<10240x64xf32, #tpu.memory_space<vmem_shared>>
        tpu.enqueue_indirect_dma source(%arg11 : memref<128x64xf32, #tpu.memory_space<vmem>>) target(%dma_start3A_221 : memref<10240x64xf32, #tpu.memory_space<vmem_shared>>) offsets(%dma_start3A_218 : memref<128xi32, #tpu.memory_space<vmem>>) semaphore(%arg25 : memref<!tpu.dma_semaphore, #tpu.memory_space<semaphore_mem>>) {add = true}
        %add3A_222 = arith.constant 3 : i32
        %add3A_223 = arith.addi %add3A_145, %add3A_222 : i32
        %ge3A_224 = arith.constant 1 : i32
        %ge3A_225 = arith.cmpi sge, %add3A_223, %ge3A_224 : i32
        %convert_element_type3A_226 = arith.extui %ge3A_225 : i1 to i32
        %cond3A_227 = arith.constant 0 : i32
        %cond3A_228 = arith.cmpi ne, %convert_element_type3A_226, %cond3A_227 : i32
        scf.if %cond3A_228 {
          %sub3A = arith.constant 1 : i32
          %sub3A_274 = arith.subi %add3A_223, %sub3A : i32
          %dma_wait3A_275 = arith.constant 0 : i32
          %dma_wait3A_276 = tpu.memref_slice %arg8[%sub3A_274, %dma_wait3A_275] : memref<160x128xi32, #tpu.memory_space<vmem>> -> memref<1x128xi32, #tpu.memory_space<vmem>>
          %dma_wait3A_277 = tpu.memref_squeeze %dma_wait3A_276 : memref<1x128xi32, #tpu.memory_space<vmem>> -> memref<128xi32, #tpu.memory_space<vmem>>
          %dma_wait3A_278 = arith.constant 0 : i32
          %dma_wait3A_279 = arith.constant 0 : i32
          %dma_wait3A_280 = tpu.memref_slice %arg14[%dma_wait3A_278, %dma_wait3A_279] : memref<10240x64xf32, #tpu.memory_space<vmem_shared>> -> memref<10240x64xf32, #tpu.memory_space<vmem_shared>>
          tpu.wait_indirect_dma semaphore(%arg25 : memref<!tpu.dma_semaphore, #tpu.memory_space<semaphore_mem>>) src(%arg11 : memref<128x64xf32, #tpu.memory_space<vmem>>) dst(%dma_wait3A_280 : memref<10240x64xf32, #tpu.memory_space<vmem_shared>>)
        } else {
        }
        %add3A_229 = arith.constant 4 : i32
        %add3A_230 = arith.addi %add3A_223, %add3A_229 : i32
        %lt3A_231 = arith.constant 160 : i32
        %lt3A_232 = arith.cmpi slt, %add3A_230, %lt3A_231 : i32
        %convert_element_type3A_233 = arith.extui %lt3A_232 : i1 to i32
        %cond3A_234 = arith.constant 0 : i32
        %cond3A_235 = arith.cmpi ne, %convert_element_type3A_233, %cond3A_234 : i32
        scf.if %cond3A_235 {
          %add3A_274 = arith.constant 4 : i32
          %add3A_275 = arith.addi %add3A_223, %add3A_274 : i32
          %dma_start3A_276 = arith.constant 0 : i32
          %dma_start3A_277 = tpu.memref_slice %arg7[%add3A_275, %dma_start3A_276] : memref<160x128xi32, #tpu.memory_space<vmem>> -> memref<1x128xi32, #tpu.memory_space<vmem>>
          %dma_start3A_278 = tpu.memref_squeeze %dma_start3A_277 : memref<1x128xi32, #tpu.memory_space<vmem>> -> memref<128xi32, #tpu.memory_space<vmem>>
          %dma_start3A_279 = arith.constant 0 : i32
          %dma_start3A_280 = arith.constant 0 : i32
          %dma_start3A_281 = tpu.memref_slice %arg2[%dma_start3A_279, %dma_start3A_280] : memref<20000x64xf32, #tpu.memory_space<hbm>> -> memref<20000x64xf32, #tpu.memory_space<hbm>>
          tpu.enqueue_indirect_dma source(%dma_start3A_281 : memref<20000x64xf32, #tpu.memory_space<hbm>>) target(%arg11 : memref<128x64xf32, #tpu.memory_space<vmem>>) offsets(%dma_start3A_278 : memref<128xi32, #tpu.memory_space<vmem>>) semaphore(%arg20 : memref<!tpu.dma_semaphore, #tpu.memory_space<semaphore_mem>>)
        } else {
        }
        %dma_wait3A_236 = arith.constant 0 : i32
        %dma_wait3A_237 = tpu.memref_slice %arg7[%add3A_223, %dma_wait3A_236] : memref<160x128xi32, #tpu.memory_space<vmem>> -> memref<1x128xi32, #tpu.memory_space<vmem>>
        %dma_wait3A_238 = tpu.memref_squeeze %dma_wait3A_237 : memref<1x128xi32, #tpu.memory_space<vmem>> -> memref<128xi32, #tpu.memory_space<vmem>>
        %dma_wait3A_239 = arith.constant 0 : i32
        %dma_wait3A_240 = arith.constant 0 : i32
        %dma_wait3A_241 = tpu.memref_slice %arg2[%dma_wait3A_239, %dma_wait3A_240] : memref<20000x64xf32, #tpu.memory_space<hbm>> -> memref<20000x64xf32, #tpu.memory_space<hbm>>
        tpu.wait_indirect_dma semaphore(%arg21 : memref<!tpu.dma_semaphore, #tpu.memory_space<semaphore_mem>>) src(%dma_wait3A_241 : memref<20000x64xf32, #tpu.memory_space<hbm>>) dst(%arg12 : memref<128x64xf32, #tpu.memory_space<vmem>>)
        %dma_start3A_242 = arith.constant 0 : i32
        %dma_start3A_243 = tpu.memref_slice %arg8[%add3A_223, %dma_start3A_242] : memref<160x128xi32, #tpu.memory_space<vmem>> -> memref<1x128xi32, #tpu.memory_space<vmem>>
        %dma_start3A_244 = tpu.memref_squeeze %dma_start3A_243 : memref<1x128xi32, #tpu.memory_space<vmem>> -> memref<128xi32, #tpu.memory_space<vmem>>
        %dma_start3A_245 = arith.constant 0 : i32
        %dma_start3A_246 = arith.constant 0 : i32
        %dma_start3A_247 = tpu.memref_slice %arg14[%dma_start3A_245, %dma_start3A_246] : memref<10240x64xf32, #tpu.memory_space<vmem_shared>> -> memref<10240x64xf32, #tpu.memory_space<vmem_shared>>
        tpu.enqueue_indirect_dma source(%arg12 : memref<128x64xf32, #tpu.memory_space<vmem>>) target(%dma_start3A_247 : memref<10240x64xf32, #tpu.memory_space<vmem_shared>>) offsets(%dma_start3A_244 : memref<128xi32, #tpu.memory_space<vmem>>) semaphore(%arg26 : memref<!tpu.dma_semaphore, #tpu.memory_space<semaphore_mem>>) {add = true}
        %add3A_248 = arith.constant 4 : i32
        %add3A_249 = arith.addi %add3A_145, %add3A_248 : i32
        %ge3A_250 = arith.constant 1 : i32
        %ge3A_251 = arith.cmpi sge, %add3A_249, %ge3A_250 : i32
        %convert_element_type3A_252 = arith.extui %ge3A_251 : i1 to i32
        %cond3A_253 = arith.constant 0 : i32
        %cond3A_254 = arith.cmpi ne, %convert_element_type3A_252, %cond3A_253 : i32
        scf.if %cond3A_254 {
          %sub3A = arith.constant 1 : i32
          %sub3A_274 = arith.subi %add3A_249, %sub3A : i32
          %dma_wait3A_275 = arith.constant 0 : i32
          %dma_wait3A_276 = tpu.memref_slice %arg8[%sub3A_274, %dma_wait3A_275] : memref<160x128xi32, #tpu.memory_space<vmem>> -> memref<1x128xi32, #tpu.memory_space<vmem>>
          %dma_wait3A_277 = tpu.memref_squeeze %dma_wait3A_276 : memref<1x128xi32, #tpu.memory_space<vmem>> -> memref<128xi32, #tpu.memory_space<vmem>>
          %dma_wait3A_278 = arith.constant 0 : i32
          %dma_wait3A_279 = arith.constant 0 : i32
          %dma_wait3A_280 = tpu.memref_slice %arg14[%dma_wait3A_278, %dma_wait3A_279] : memref<10240x64xf32, #tpu.memory_space<vmem_shared>> -> memref<10240x64xf32, #tpu.memory_space<vmem_shared>>
          tpu.wait_indirect_dma semaphore(%arg26 : memref<!tpu.dma_semaphore, #tpu.memory_space<semaphore_mem>>) src(%arg12 : memref<128x64xf32, #tpu.memory_space<vmem>>) dst(%dma_wait3A_280 : memref<10240x64xf32, #tpu.memory_space<vmem_shared>>)
        } else {
        }
        %add3A_255 = arith.constant 4 : i32
        %add3A_256 = arith.addi %add3A_249, %add3A_255 : i32
        %lt3A_257 = arith.constant 160 : i32
        %lt3A_258 = arith.cmpi slt, %add3A_256, %lt3A_257 : i32
        %convert_element_type3A_259 = arith.extui %lt3A_258 : i1 to i32
        %cond3A_260 = arith.constant 0 : i32
        %cond3A_261 = arith.cmpi ne, %convert_element_type3A_259, %cond3A_260 : i32
        scf.if %cond3A_261 {
          %add3A_274 = arith.constant 4 : i32
          %add3A_275 = arith.addi %add3A_249, %add3A_274 : i32
          %dma_start3A_276 = arith.constant 0 : i32
          %dma_start3A_277 = tpu.memref_slice %arg7[%add3A_275, %dma_start3A_276] : memref<160x128xi32, #tpu.memory_space<vmem>> -> memref<1x128xi32, #tpu.memory_space<vmem>>
          %dma_start3A_278 = tpu.memref_squeeze %dma_start3A_277 : memref<1x128xi32, #tpu.memory_space<vmem>> -> memref<128xi32, #tpu.memory_space<vmem>>
          %dma_start3A_279 = arith.constant 0 : i32
          %dma_start3A_280 = arith.constant 0 : i32
          %dma_start3A_281 = tpu.memref_slice %arg2[%dma_start3A_279, %dma_start3A_280] : memref<20000x64xf32, #tpu.memory_space<hbm>> -> memref<20000x64xf32, #tpu.memory_space<hbm>>
          tpu.enqueue_indirect_dma source(%dma_start3A_281 : memref<20000x64xf32, #tpu.memory_space<hbm>>) target(%arg12 : memref<128x64xf32, #tpu.memory_space<vmem>>) offsets(%dma_start3A_278 : memref<128xi32, #tpu.memory_space<vmem>>) semaphore(%arg21 : memref<!tpu.dma_semaphore, #tpu.memory_space<semaphore_mem>>)
        } else {
        }
        %dma_wait3A_262 = arith.constant 0 : i32
        %dma_wait3A_263 = tpu.memref_slice %arg7[%add3A_249, %dma_wait3A_262] : memref<160x128xi32, #tpu.memory_space<vmem>> -> memref<1x128xi32, #tpu.memory_space<vmem>>
        %dma_wait3A_264 = tpu.memref_squeeze %dma_wait3A_263 : memref<1x128xi32, #tpu.memory_space<vmem>> -> memref<128xi32, #tpu.memory_space<vmem>>
        %dma_wait3A_265 = arith.constant 0 : i32
        %dma_wait3A_266 = arith.constant 0 : i32
        %dma_wait3A_267 = tpu.memref_slice %arg2[%dma_wait3A_265, %dma_wait3A_266] : memref<20000x64xf32, #tpu.memory_space<hbm>> -> memref<20000x64xf32, #tpu.memory_space<hbm>>
        tpu.wait_indirect_dma semaphore(%arg22 : memref<!tpu.dma_semaphore, #tpu.memory_space<semaphore_mem>>) src(%dma_wait3A_267 : memref<20000x64xf32, #tpu.memory_space<hbm>>) dst(%arg13 : memref<128x64xf32, #tpu.memory_space<vmem>>)
        %dma_start3A_268 = arith.constant 0 : i32
        %dma_start3A_269 = tpu.memref_slice %arg8[%add3A_249, %dma_start3A_268] : memref<160x128xi32, #tpu.memory_space<vmem>> -> memref<1x128xi32, #tpu.memory_space<vmem>>
        %dma_start3A_270 = tpu.memref_squeeze %dma_start3A_269 : memref<1x128xi32, #tpu.memory_space<vmem>> -> memref<128xi32, #tpu.memory_space<vmem>>
        %dma_start3A_271 = arith.constant 0 : i32
        %dma_start3A_272 = arith.constant 0 : i32
        %dma_start3A_273 = tpu.memref_slice %arg14[%dma_start3A_271, %dma_start3A_272] : memref<10240x64xf32, #tpu.memory_space<vmem_shared>> -> memref<10240x64xf32, #tpu.memory_space<vmem_shared>>
        tpu.enqueue_indirect_dma source(%arg13 : memref<128x64xf32, #tpu.memory_space<vmem>>) target(%dma_start3A_273 : memref<10240x64xf32, #tpu.memory_space<vmem_shared>>) offsets(%dma_start3A_270 : memref<128xi32, #tpu.memory_space<vmem>>) semaphore(%arg27 : memref<!tpu.dma_semaphore, #tpu.memory_space<semaphore_mem>>) {add = true}
      }
      %scan3A_134 = arith.constant 32 : i32
      %dma_wait3A = arith.constant 159 : i32
      "tpu.trace_stop"() : () -> ()
      "tpu.trace_start"() <{level = 10 : i32, message = "agg_drain"}> : () -> ()
      %dma_wait3A_135 = arith.constant 0 : i32
      %dma_wait3A_136 = tpu.memref_slice %arg8[%dma_wait3A, %dma_wait3A_135] : memref<160x128xi32, #tpu.memory_space<vmem>> -> memref<1x128xi32, #tpu.memory_space<vmem>>
      %dma_wait3A_137 = tpu.memref_squeeze %dma_wait3A_136 : memref<1x128xi32, #tpu.memory_space<vmem>> -> memref<128xi32, #tpu.memory_space<vmem>>
      %dma_wait3A_138 = arith.constant 0 : i32
      %dma_wait3A_139 = arith.constant 0 : i32
      %dma_wait3A_140 = tpu.memref_slice %arg14[%dma_wait3A_138, %dma_wait3A_139] : memref<10240x64xf32, #tpu.memory_space<vmem_shared>> -> memref<10240x64xf32, #tpu.memory_space<vmem_shared>>
      tpu.wait_indirect_dma semaphore(%arg27 : memref<!tpu.dma_semaphore, #tpu.memory_space<semaphore_mem>>) src(%arg13 : memref<128x64xf32, #tpu.memory_space<vmem>>) dst(%dma_wait3A_140 : memref<10240x64xf32, #tpu.memory_space<vmem_shared>>)
      "tpu.trace_stop"() : () -> ()
    } else {
    }
    "tpu.trace_start"() <{level = 10 : i32, message = "agg_barrier2"}> : () -> ()
    %barrier3A_51 = arith.constant 0 : index
    tpu.barrier barrier_id(%barrier3A_51)
    "tpu.trace_stop"() : () -> ()
    "tpu.trace_start"() <{level = 10 : i32, message = "agg_dump"}> : () -> ()
    %mul3A_52 = arith.constant 5 : i32
    %mul3A_53 = arith.muli %arg1, %mul3A_52 : i32
    %add3A_54 = arith.constant 0 : i32
    %add3A_55 = arith.addi %mul3A_53, %add3A_54 : i32
    %mul3A_56 = arith.constant 128 : i32
    %mul3A_57 = arith.muli %add3A_55, %mul3A_56 : i32
    %mul3A_58 = arith.constant 128 : i32
    %mul3A_59 = arith.muli %add3A_55, %mul3A_58 : i32
    "tpu.region"() ({
      %run_scoped3A = tpu.sem_alloc : memref<!tpu.dma_semaphore, #tpu.memory_space<semaphore_mem>>
      %dma_start3A = arith.constant 0 : i32
      %dma_start3A_96 = tpu.memref_slice %arg5[%arg0, %mul3A_59, %dma_start3A] : memref<2x10240x64xf32, #tpu.memory_space<hbm>> -> memref<1x128x64xf32, #tpu.memory_space<hbm>>
      %dma_start3A_97 = tpu.memref_squeeze %dma_start3A_96 : memref<1x128x64xf32, #tpu.memory_space<hbm>> -> memref<128x64xf32, #tpu.memory_space<hbm>>
      %dma_start3A_98 = arith.constant 0 : i32
      %dma_start3A_99 = tpu.memref_slice %arg14[%mul3A_57, %dma_start3A_98] : memref<10240x64xf32, #tpu.memory_space<vmem_shared>> -> memref<128x64xf32, #tpu.memory_space<vmem_shared>>
      tpu.enqueue_dma source(%dma_start3A_99 : memref<128x64xf32, #tpu.memory_space<vmem_shared>>) target(%dma_start3A_97 : memref<128x64xf32, #tpu.memory_space<hbm>>) target_semaphore(%run_scoped3A : memref<!tpu.dma_semaphore, #tpu.memory_space<semaphore_mem>>)
      %dma_wait3A = arith.constant 0 : i32
      %dma_wait3A_100 = tpu.memref_slice %arg5[%arg0, %mul3A_59, %dma_wait3A] : memref<2x10240x64xf32, #tpu.memory_space<hbm>> -> memref<1x128x64xf32, #tpu.memory_space<hbm>>
      %dma_wait3A_101 = tpu.memref_squeeze %dma_wait3A_100 : memref<1x128x64xf32, #tpu.memory_space<hbm>> -> memref<128x64xf32, #tpu.memory_space<hbm>>
      %dma_wait3A_102 = arith.constant 0 : i32
      %dma_wait3A_103 = tpu.memref_slice %arg14[%mul3A_57, %dma_wait3A_102] : memref<10240x64xf32, #tpu.memory_space<vmem_shared>> -> memref<128x64xf32, #tpu.memory_space<vmem_shared>>
      tpu.wait_dma2 semaphore(%run_scoped3A : memref<!tpu.dma_semaphore, #tpu.memory_space<semaphore_mem>>) src(%dma_wait3A_103 : memref<128x64xf32, #tpu.memory_space<vmem_shared>>) dst(%dma_wait3A_101 : memref<128x64xf32, #tpu.memory_space<hbm>>)
      tpu.yield
    }) : () -> ()
    %mul3A_60 = arith.constant 5 : i32
    %mul3A_61 = arith.muli %arg1, %mul3A_60 : i32
    %add3A_62 = arith.constant 1 : i32
    %add3A_63 = arith.addi %mul3A_61, %add3A_62 : i32
    %mul3A_64 = arith.constant 128 : i32
    %mul3A_65 = arith.muli %add3A_63, %mul3A_64 : i32
    %mul3A_66 = arith.constant 128 : i32
    %mul3A_67 = arith.muli %add3A_63, %mul3A_66 : i32
    "tpu.region"() ({
      %run_scoped3A = tpu.sem_alloc : memref<!tpu.dma_semaphore, #tpu.memory_space<semaphore_mem>>
      %dma_start3A = arith.constant 0 : i32
      %dma_start3A_96 = tpu.memref_slice %arg5[%arg0, %mul3A_67, %dma_start3A] : memref<2x10240x64xf32, #tpu.memory_space<hbm>> -> memref<1x128x64xf32, #tpu.memory_space<hbm>>
      %dma_start3A_97 = tpu.memref_squeeze %dma_start3A_96 : memref<1x128x64xf32, #tpu.memory_space<hbm>> -> memref<128x64xf32, #tpu.memory_space<hbm>>
      %dma_start3A_98 = arith.constant 0 : i32
      %dma_start3A_99 = tpu.memref_slice %arg14[%mul3A_65, %dma_start3A_98] : memref<10240x64xf32, #tpu.memory_space<vmem_shared>> -> memref<128x64xf32, #tpu.memory_space<vmem_shared>>
      tpu.enqueue_dma source(%dma_start3A_99 : memref<128x64xf32, #tpu.memory_space<vmem_shared>>) target(%dma_start3A_97 : memref<128x64xf32, #tpu.memory_space<hbm>>) target_semaphore(%run_scoped3A : memref<!tpu.dma_semaphore, #tpu.memory_space<semaphore_mem>>)
      %dma_wait3A = arith.constant 0 : i32
      %dma_wait3A_100 = tpu.memref_slice %arg5[%arg0, %mul3A_67, %dma_wait3A] : memref<2x10240x64xf32, #tpu.memory_space<hbm>> -> memref<1x128x64xf32, #tpu.memory_space<hbm>>
      %dma_wait3A_101 = tpu.memref_squeeze %dma_wait3A_100 : memref<1x128x64xf32, #tpu.memory_space<hbm>> -> memref<128x64xf32, #tpu.memory_space<hbm>>
      %dma_wait3A_102 = arith.constant 0 : i32
      %dma_wait3A_103 = tpu.memref_slice %arg14[%mul3A_65, %dma_wait3A_102] : memref<10240x64xf32, #tpu.memory_space<vmem_shared>> -> memref<128x64xf32, #tpu.memory_space<vmem_shared>>
      tpu.wait_dma2 semaphore(%run_scoped3A : memref<!tpu.dma_semaphore, #tpu.memory_space<semaphore_mem>>) src(%dma_wait3A_103 : memref<128x64xf32, #tpu.memory_space<vmem_shared>>) dst(%dma_wait3A_101 : memref<128x64xf32, #tpu.memory_space<hbm>>)
      tpu.yield
    }) : () -> ()
    %mul3A_68 = arith.constant 5 : i32
    %mul3A_69 = arith.muli %arg1, %mul3A_68 : i32
    %add3A_70 = arith.constant 2 : i32
    %add3A_71 = arith.addi %mul3A_69, %add3A_70 : i32
    %mul3A_72 = arith.constant 128 : i32
    %mul3A_73 = arith.muli %add3A_71, %mul3A_72 : i32
    %mul3A_74 = arith.constant 128 : i32
    %mul3A_75 = arith.muli %add3A_71, %mul3A_74 : i32
    "tpu.region"() ({
      %run_scoped3A = tpu.sem_alloc : memref<!tpu.dma_semaphore, #tpu.memory_space<semaphore_mem>>
      %dma_start3A = arith.constant 0 : i32
      %dma_start3A_96 = tpu.memref_slice %arg5[%arg0, %mul3A_75, %dma_start3A] : memref<2x10240x64xf32, #tpu.memory_space<hbm>> -> memref<1x128x64xf32, #tpu.memory_space<hbm>>
      %dma_start3A_97 = tpu.memref_squeeze %dma_start3A_96 : memref<1x128x64xf32, #tpu.memory_space<hbm>> -> memref<128x64xf32, #tpu.memory_space<hbm>>
      %dma_start3A_98 = arith.constant 0 : i32
      %dma_start3A_99 = tpu.memref_slice %arg14[%mul3A_73, %dma_start3A_98] : memref<10240x64xf32, #tpu.memory_space<vmem_shared>> -> memref<128x64xf32, #tpu.memory_space<vmem_shared>>
      tpu.enqueue_dma source(%dma_start3A_99 : memref<128x64xf32, #tpu.memory_space<vmem_shared>>) target(%dma_start3A_97 : memref<128x64xf32, #tpu.memory_space<hbm>>) target_semaphore(%run_scoped3A : memref<!tpu.dma_semaphore, #tpu.memory_space<semaphore_mem>>)
      %dma_wait3A = arith.constant 0 : i32
      %dma_wait3A_100 = tpu.memref_slice %arg5[%arg0, %mul3A_75, %dma_wait3A] : memref<2x10240x64xf32, #tpu.memory_space<hbm>> -> memref<1x128x64xf32, #tpu.memory_space<hbm>>
      %dma_wait3A_101 = tpu.memref_squeeze %dma_wait3A_100 : memref<1x128x64xf32, #tpu.memory_space<hbm>> -> memref<128x64xf32, #tpu.memory_space<hbm>>
      %dma_wait3A_102 = arith.constant 0 : i32
      %dma_wait3A_103 = tpu.memref_slice %arg14[%mul3A_73, %dma_wait3A_102] : memref<10240x64xf32, #tpu.memory_space<vmem_shared>> -> memref<128x64xf32, #tpu.memory_space<vmem_shared>>
      tpu.wait_dma2 semaphore(%run_scoped3A : memref<!tpu.dma_semaphore, #tpu.memory_space<semaphore_mem>>) src(%dma_wait3A_103 : memref<128x64xf32, #tpu.memory_space<vmem_shared>>) dst(%dma_wait3A_101 : memref<128x64xf32, #tpu.memory_space<hbm>>)
      tpu.yield
    }) : () -> ()
    %mul3A_76 = arith.constant 5 : i32
    %mul3A_77 = arith.muli %arg1, %mul3A_76 : i32
    %add3A_78 = arith.constant 3 : i32
    %add3A_79 = arith.addi %mul3A_77, %add3A_78 : i32
    %mul3A_80 = arith.constant 128 : i32
    %mul3A_81 = arith.muli %add3A_79, %mul3A_80 : i32
    %mul3A_82 = arith.constant 128 : i32
    %mul3A_83 = arith.muli %add3A_79, %mul3A_82 : i32
    "tpu.region"() ({
      %run_scoped3A = tpu.sem_alloc : memref<!tpu.dma_semaphore, #tpu.memory_space<semaphore_mem>>
      %dma_start3A = arith.constant 0 : i32
      %dma_start3A_96 = tpu.memref_slice %arg5[%arg0, %mul3A_83, %dma_start3A] : memref<2x10240x64xf32, #tpu.memory_space<hbm>> -> memref<1x128x64xf32, #tpu.memory_space<hbm>>
      %dma_start3A_97 = tpu.memref_squeeze %dma_start3A_96 : memref<1x128x64xf32, #tpu.memory_space<hbm>> -> memref<128x64xf32, #tpu.memory_space<hbm>>
      %dma_start3A_98 = arith.constant 0 : i32
      %dma_start3A_99 = tpu.memref_slice %arg14[%mul3A_81, %dma_start3A_98] : memref<10240x64xf32, #tpu.memory_space<vmem_shared>> -> memref<128x64xf32, #tpu.memory_space<vmem_shared>>
      tpu.enqueue_dma source(%dma_start3A_99 : memref<128x64xf32, #tpu.memory_space<vmem_shared>>) target(%dma_start3A_97 : memref<128x64xf32, #tpu.memory_space<hbm>>) target_semaphore(%run_scoped3A : memref<!tpu.dma_semaphore, #tpu.memory_space<semaphore_mem>>)
      %dma_wait3A = arith.constant 0 : i32
      %dma_wait3A_100 = tpu.memref_slice %arg5[%arg0, %mul3A_83, %dma_wait3A] : memref<2x10240x64xf32, #tpu.memory_space<hbm>> -> memref<1x128x64xf32, #tpu.memory_space<hbm>>
      %dma_wait3A_101 = tpu.memref_squeeze %dma_wait3A_100 : memref<1x128x64xf32, #tpu.memory_space<hbm>> -> memref<128x64xf32, #tpu.memory_space<hbm>>
      %dma_wait3A_102 = arith.constant 0 : i32
      %dma_wait3A_103 = tpu.memref_slice %arg14[%mul3A_81, %dma_wait3A_102] : memref<10240x64xf32, #tpu.memory_space<vmem_shared>> -> memref<128x64xf32, #tpu.memory_space<vmem_shared>>
      tpu.wait_dma2 semaphore(%run_scoped3A : memref<!tpu.dma_semaphore, #tpu.memory_space<semaphore_mem>>) src(%dma_wait3A_103 : memref<128x64xf32, #tpu.memory_space<vmem_shared>>) dst(%dma_wait3A_101 : memref<128x64xf32, #tpu.memory_space<hbm>>)
      tpu.yield
    }) : () -> ()
    %mul3A_84 = arith.constant 5 : i32
    %mul3A_85 = arith.muli %arg1, %mul3A_84 : i32
    %add3A_86 = arith.constant 4 : i32
    %add3A_87 = arith.addi %mul3A_85, %add3A_86 : i32
    %mul3A_88 = arith.constant 128 : i32
    %mul3A_89 = arith.muli %add3A_87, %mul3A_88 : i32
    %mul3A_90 = arith.constant 128 : i32
    %mul3A_91 = arith.muli %add3A_87, %mul3A_90 : i32
    "tpu.region"() ({
      %run_scoped3A = tpu.sem_alloc : memref<!tpu.dma_semaphore, #tpu.memory_space<semaphore_mem>>
      %dma_start3A = arith.constant 0 : i32
      %dma_start3A_96 = tpu.memref_slice %arg5[%arg0, %mul3A_91, %dma_start3A] : memref<2x10240x64xf32, #tpu.memory_space<hbm>> -> memref<1x128x64xf32, #tpu.memory_space<hbm>>
      %dma_start3A_97 = tpu.memref_squeeze %dma_start3A_96 : memref<1x128x64xf32, #tpu.memory_space<hbm>> -> memref<128x64xf32, #tpu.memory_space<hbm>>
      %dma_start3A_98 = arith.constant 0 : i32
      %dma_start3A_99 = tpu.memref_slice %arg14[%mul3A_89, %dma_start3A_98] : memref<10240x64xf32, #tpu.memory_space<vmem_shared>> -> memref<128x64xf32, #tpu.memory_space<vmem_shared>>
      tpu.enqueue_dma source(%dma_start3A_99 : memref<128x64xf32, #tpu.memory_space<vmem_shared>>) target(%dma_start3A_97 : memref<128x64xf32, #tpu.memory_space<hbm>>) target_semaphore(%run_scoped3A : memref<!tpu.dma_semaphore, #tpu.memory_space<semaphore_mem>>)
      %dma_wait3A = arith.constant 0 : i32
      %dma_wait3A_100 = tpu.memref_slice %arg5[%arg0, %mul3A_91, %dma_wait3A] : memref<2x10240x64xf32, #tpu.memory_space<hbm>> -> memref<1x128x64xf32, #tpu.memory_space<hbm>>
      %dma_wait3A_101 = tpu.memref_squeeze %dma_wait3A_100 : memref<1x128x64xf32, #tpu.memory_space<hbm>> -> memref<128x64xf32, #tpu.memory_space<hbm>>
      %dma_wait3A_102 = arith.constant 0 : i32
      %dma_wait3A_103 = tpu.memref_slice %arg14[%mul3A_89, %dma_wait3A_102] : memref<10240x64xf32, #tpu.memory_space<vmem_shared>> -> memref<128x64xf32, #tpu.memory_space<vmem_shared>>
      tpu.wait_dma2 semaphore(%run_scoped3A : memref<!tpu.dma_semaphore, #tpu.memory_space<semaphore_mem>>) src(%dma_wait3A_103 : memref<128x64xf32, #tpu.memory_space<vmem_shared>>) dst(%dma_wait3A_101 : memref<128x64xf32, #tpu.memory_space<hbm>>)
      tpu.yield
    }) : () -> ()
    %mul3A_92 = arith.constant 640 : i32
    %mul3A_93 = arith.muli %arg1, %mul3A_92 : i32
    %mul3A_94 = arith.constant 640 : i32
    %mul3A_95 = arith.muli %arg1, %mul3A_94 : i32
    "tpu.region"() ({
      %run_scoped3A = tpu.sem_alloc : memref<!tpu.dma_semaphore, #tpu.memory_space<semaphore_mem>>
      %dma_start3A = tpu.memref_slice %arg6[%arg0, %mul3A_95] : memref<2x10240xf32, #tpu.memory_space<hbm>> -> memref<1x640xf32, #tpu.memory_space<hbm>>
      %dma_start3A_96 = tpu.memref_squeeze %dma_start3A : memref<1x640xf32, #tpu.memory_space<hbm>> -> memref<640xf32, #tpu.memory_space<hbm>>
      %dma_start3A_97 = tpu.memref_slice %arg17[%mul3A_93] : memref<10240xf32, #tpu.memory_space<vmem_shared>> -> memref<640xf32, #tpu.memory_space<vmem_shared>>
      tpu.enqueue_dma source(%dma_start3A_97 : memref<640xf32, #tpu.memory_space<vmem_shared>>) target(%dma_start3A_96 : memref<640xf32, #tpu.memory_space<hbm>>) target_semaphore(%run_scoped3A : memref<!tpu.dma_semaphore, #tpu.memory_space<semaphore_mem>>)
      %dma_wait3A = tpu.memref_slice %arg6[%arg0, %mul3A_95] : memref<2x10240xf32, #tpu.memory_space<hbm>> -> memref<1x640xf32, #tpu.memory_space<hbm>>
      %dma_wait3A_98 = tpu.memref_squeeze %dma_wait3A : memref<1x640xf32, #tpu.memory_space<hbm>> -> memref<640xf32, #tpu.memory_space<hbm>>
      %dma_wait3A_99 = tpu.memref_slice %arg17[%mul3A_93] : memref<10240xf32, #tpu.memory_space<vmem_shared>> -> memref<640xf32, #tpu.memory_space<vmem_shared>>
      tpu.wait_dma2 semaphore(%run_scoped3A : memref<!tpu.dma_semaphore, #tpu.memory_space<semaphore_mem>>) src(%dma_wait3A_99 : memref<640xf32, #tpu.memory_space<vmem_shared>>) dst(%dma_wait3A_98 : memref<640xf32, #tpu.memory_space<hbm>>)
      tpu.yield
    }) : () -> ()
    "tpu.trace_stop"() : () -> ()
    return
  }
}

#map = affine_map<(d0, d1) -> (0, 0)>
#map1 = affine_map<(d0, d1) -> (0, 0, 0)>
module attributes {stable_mosaic.version = 14 : i64} {
  func.func @agg(%arg0: i32, %arg1: i32, %arg2: memref<10000x64xf32, #tpu.memory_space<hbm>>, %arg3: memref<2560x128xi32, #tpu.memory_space<hbm>>, %arg4: memref<2560x128xi32, #tpu.memory_space<hbm>>, %arg5: memref<2x10240x64xf32, #tpu.memory_space<hbm>>, %arg6: memref<80x128xi32, #tpu.memory_space<vmem>>, %arg7: memref<80x128xi32, #tpu.memory_space<vmem>>, %arg8: memref<128x64xf32, #tpu.memory_space<vmem>>, %arg9: memref<128x64xf32, #tpu.memory_space<vmem>>, %arg10: memref<128x64xf32, #tpu.memory_space<vmem>>, %arg11: memref<128x64xf32, #tpu.memory_space<vmem>>, %arg12: memref<128x64xf32, #tpu.memory_space<vmem>>, %arg13: memref<10240x64xf32, #tpu.memory_space<vmem_shared>>, %arg14: memref<!tpu.dma_semaphore, #tpu.memory_space<semaphore_mem>>, %arg15: memref<!tpu.dma_semaphore, #tpu.memory_space<semaphore_mem>>, %arg16: memref<!tpu.dma_semaphore, #tpu.memory_space<semaphore_mem>>, %arg17: memref<!tpu.dma_semaphore, #tpu.memory_space<semaphore_mem>>, %arg18: memref<!tpu.dma_semaphore, #tpu.memory_space<semaphore_mem>>, %arg19: memref<!tpu.dma_semaphore, #tpu.memory_space<semaphore_mem>>, %arg20: memref<!tpu.dma_semaphore, #tpu.memory_space<semaphore_mem>>, %arg21: memref<!tpu.dma_semaphore, #tpu.memory_space<semaphore_mem>>, %arg22: memref<!tpu.dma_semaphore, #tpu.memory_space<semaphore_mem>>, %arg23: memref<!tpu.dma_semaphore, #tpu.memory_space<semaphore_mem>>) attributes {dimension_semantics = [#tpu.dimension_semantics<core_parallel>, #tpu.dimension_semantics<subcore_parallel>], iteration_bounds = array<i64: 2, 16>, scalar_prefetch = 0 : i64, scratch_operands = 18 : i64, tpu.core_type = #tpu.core_type<sc_vector_subcore>, window_params = [{transform_indices = #map}, {transform_indices = #map}, {transform_indices = #map}, {transform_indices = #map1}]} {
    "tpu.trace_start"() <{level = 10 : i32, message = "agg_zero"}> : () -> ()
    %scan3A = arith.constant 0 : i32
    %scan3A_0 = arith.constant 128 : i32
    %scan3A_1 = arith.addi %scan3A, %scan3A_0 : i32
    %scan3A_2 = arith.constant 1 : i32
    scf.for %scan3A_116 = %scan3A to %scan3A_1 step %scan3A_2  : i32 {
      %mul3A_117 = arith.constant 1 : i32
      %mul3A_118 = arith.muli %scan3A_116, %mul3A_117 : i32
      %add3A_119 = arith.constant 0 : i32
      %add3A_120 = arith.addi %add3A_119, %mul3A_118 : i32
      %scan3A_121 = arith.constant 0 : i32
      %scan3A_122 = arith.constant 4 : i32
      %scan3A_123 = arith.addi %scan3A_121, %scan3A_122 : i32
      %scan3A_124 = arith.constant 1 : i32
      scf.for %scan3A_126 = %scan3A_121 to %scan3A_123 step %scan3A_124  : i32 {
        %mul3A_127 = arith.constant 1 : i32
        %mul3A_128 = arith.muli %scan3A_126, %mul3A_127 : i32
        %add3A_129 = arith.constant 0 : i32
        %add3A_130 = arith.addi %add3A_129, %mul3A_128 : i32
        %broadcast_in_dim3A = arith.constant 0.000000e+00 : f32
        %broadcast_in_dim3A_131 = vector.broadcast %broadcast_in_dim3A : f32 to vector<16xf32>
        %mul3A_132 = arith.constant 16 : i32
        %mul3A_133 = arith.muli %add3A_130, %mul3A_132 : i32
        %swap3A = arith.index_cast %add3A_120 : i32 to index
        %swap3A_134 = arith.index_cast %mul3A_133 : i32 to index
        %swap3A_135 = tpu.vector_load %arg8[%swap3A, %swap3A_134] {strides = array<i32>} : memref<128x64xf32, #tpu.memory_space<vmem>>, vector<1x16xf32>,
        %swap3A_136 = vector.shape_cast %swap3A_135 : vector<1x16xf32> to vector<16xf32>
        %swap3A_137 = vector.shape_cast %broadcast_in_dim3A_131 : vector<16xf32> to vector<1x16xf32>
        tpu.vector_store %arg8[%swap3A, %swap3A_134], %swap3A_137 {strides = array<i32>} : memref<128x64xf32, #tpu.memory_space<vmem>>, vector<1x16xf32>,
      }
      %scan3A_125 = arith.constant 4 : i32
    }
    %scan3A_3 = arith.constant 128 : i32
    %mul3A = arith.constant 5 : i32
    %mul3A_4 = arith.muli %arg1, %mul3A : i32
    %add3A = arith.constant 0 : i32
    %add3A_5 = arith.addi %mul3A_4, %add3A : i32
    %mul3A_6 = arith.constant 128 : i32
    %mul3A_7 = arith.muli %add3A_5, %mul3A_6 : i32
    "tpu.region"() ({
      %run_scoped3A = tpu.sem_alloc : memref<!tpu.dma_semaphore, #tpu.memory_space<semaphore_mem>>
      %dma_start3A_116 = arith.constant 0 : i32
      %dma_start3A_117 = tpu.memref_slice %arg13[%mul3A_7, %dma_start3A_116] : memref<10240x64xf32, #tpu.memory_space<vmem_shared>> -> memref<128x64xf32, #tpu.memory_space<vmem_shared>>
      %dma_start3A_118 = arith.constant 0 : i32
      %dma_start3A_119 = tpu.memref_slice %arg13[%mul3A_7, %dma_start3A_118] : memref<10240x64xf32, #tpu.memory_space<vmem_shared>> -> memref<128x64xf32, #tpu.memory_space<vmem_shared>>
      tpu.enqueue_dma source(%arg8 : memref<128x64xf32, #tpu.memory_space<vmem>>) target(%dma_start3A_119 : memref<128x64xf32, #tpu.memory_space<vmem_shared>>) target_semaphore(%run_scoped3A : memref<!tpu.dma_semaphore, #tpu.memory_space<semaphore_mem>>)
      %dma_wait3A_120 = arith.constant 0 : i32
      %dma_wait3A_121 = tpu.memref_slice %arg13[%mul3A_7, %dma_wait3A_120] : memref<10240x64xf32, #tpu.memory_space<vmem_shared>> -> memref<128x64xf32, #tpu.memory_space<vmem_shared>>
      %dma_wait3A_122 = arith.constant 0 : i32
      %dma_wait3A_123 = tpu.memref_slice %arg13[%mul3A_7, %dma_wait3A_122] : memref<10240x64xf32, #tpu.memory_space<vmem_shared>> -> memref<128x64xf32, #tpu.memory_space<vmem_shared>>
      tpu.wait_dma2 semaphore(%run_scoped3A : memref<!tpu.dma_semaphore, #tpu.memory_space<semaphore_mem>>) src(%arg8 : memref<128x64xf32, #tpu.memory_space<vmem>>) dst(%dma_wait3A_123 : memref<128x64xf32, #tpu.memory_space<vmem_shared>>)
      tpu.yield
    }) : () -> ()
    %mul3A_8 = arith.constant 5 : i32
    %mul3A_9 = arith.muli %arg1, %mul3A_8 : i32
    %add3A_10 = arith.constant 1 : i32
    %add3A_11 = arith.addi %mul3A_9, %add3A_10 : i32
    %mul3A_12 = arith.constant 128 : i32
    %mul3A_13 = arith.muli %add3A_11, %mul3A_12 : i32
    "tpu.region"() ({
      %run_scoped3A = tpu.sem_alloc : memref<!tpu.dma_semaphore, #tpu.memory_space<semaphore_mem>>
      %dma_start3A_116 = arith.constant 0 : i32
      %dma_start3A_117 = tpu.memref_slice %arg13[%mul3A_13, %dma_start3A_116] : memref<10240x64xf32, #tpu.memory_space<vmem_shared>> -> memref<128x64xf32, #tpu.memory_space<vmem_shared>>
      %dma_start3A_118 = arith.constant 0 : i32
      %dma_start3A_119 = tpu.memref_slice %arg13[%mul3A_13, %dma_start3A_118] : memref<10240x64xf32, #tpu.memory_space<vmem_shared>> -> memref<128x64xf32, #tpu.memory_space<vmem_shared>>
      tpu.enqueue_dma source(%arg8 : memref<128x64xf32, #tpu.memory_space<vmem>>) target(%dma_start3A_119 : memref<128x64xf32, #tpu.memory_space<vmem_shared>>) target_semaphore(%run_scoped3A : memref<!tpu.dma_semaphore, #tpu.memory_space<semaphore_mem>>)
      %dma_wait3A_120 = arith.constant 0 : i32
      %dma_wait3A_121 = tpu.memref_slice %arg13[%mul3A_13, %dma_wait3A_120] : memref<10240x64xf32, #tpu.memory_space<vmem_shared>> -> memref<128x64xf32, #tpu.memory_space<vmem_shared>>
      %dma_wait3A_122 = arith.constant 0 : i32
      %dma_wait3A_123 = tpu.memref_slice %arg13[%mul3A_13, %dma_wait3A_122] : memref<10240x64xf32, #tpu.memory_space<vmem_shared>> -> memref<128x64xf32, #tpu.memory_space<vmem_shared>>
      tpu.wait_dma2 semaphore(%run_scoped3A : memref<!tpu.dma_semaphore, #tpu.memory_space<semaphore_mem>>) src(%arg8 : memref<128x64xf32, #tpu.memory_space<vmem>>) dst(%dma_wait3A_123 : memref<128x64xf32, #tpu.memory_space<vmem_shared>>)
      tpu.yield
    }) : () -> ()
    %mul3A_14 = arith.constant 5 : i32
    %mul3A_15 = arith.muli %arg1, %mul3A_14 : i32
    %add3A_16 = arith.constant 2 : i32
    %add3A_17 = arith.addi %mul3A_15, %add3A_16 : i32
    %mul3A_18 = arith.constant 128 : i32
    %mul3A_19 = arith.muli %add3A_17, %mul3A_18 : i32
    "tpu.region"() ({
      %run_scoped3A = tpu.sem_alloc : memref<!tpu.dma_semaphore, #tpu.memory_space<semaphore_mem>>
      %dma_start3A_116 = arith.constant 0 : i32
      %dma_start3A_117 = tpu.memref_slice %arg13[%mul3A_19, %dma_start3A_116] : memref<10240x64xf32, #tpu.memory_space<vmem_shared>> -> memref<128x64xf32, #tpu.memory_space<vmem_shared>>
      %dma_start3A_118 = arith.constant 0 : i32
      %dma_start3A_119 = tpu.memref_slice %arg13[%mul3A_19, %dma_start3A_118] : memref<10240x64xf32, #tpu.memory_space<vmem_shared>> -> memref<128x64xf32, #tpu.memory_space<vmem_shared>>
      tpu.enqueue_dma source(%arg8 : memref<128x64xf32, #tpu.memory_space<vmem>>) target(%dma_start3A_119 : memref<128x64xf32, #tpu.memory_space<vmem_shared>>) target_semaphore(%run_scoped3A : memref<!tpu.dma_semaphore, #tpu.memory_space<semaphore_mem>>)
      %dma_wait3A_120 = arith.constant 0 : i32
      %dma_wait3A_121 = tpu.memref_slice %arg13[%mul3A_19, %dma_wait3A_120] : memref<10240x64xf32, #tpu.memory_space<vmem_shared>> -> memref<128x64xf32, #tpu.memory_space<vmem_shared>>
      %dma_wait3A_122 = arith.constant 0 : i32
      %dma_wait3A_123 = tpu.memref_slice %arg13[%mul3A_19, %dma_wait3A_122] : memref<10240x64xf32, #tpu.memory_space<vmem_shared>> -> memref<128x64xf32, #tpu.memory_space<vmem_shared>>
      tpu.wait_dma2 semaphore(%run_scoped3A : memref<!tpu.dma_semaphore, #tpu.memory_space<semaphore_mem>>) src(%arg8 : memref<128x64xf32, #tpu.memory_space<vmem>>) dst(%dma_wait3A_123 : memref<128x64xf32, #tpu.memory_space<vmem_shared>>)
      tpu.yield
    }) : () -> ()
    %mul3A_20 = arith.constant 5 : i32
    %mul3A_21 = arith.muli %arg1, %mul3A_20 : i32
    %add3A_22 = arith.constant 3 : i32
    %add3A_23 = arith.addi %mul3A_21, %add3A_22 : i32
    %mul3A_24 = arith.constant 128 : i32
    %mul3A_25 = arith.muli %add3A_23, %mul3A_24 : i32
    "tpu.region"() ({
      %run_scoped3A = tpu.sem_alloc : memref<!tpu.dma_semaphore, #tpu.memory_space<semaphore_mem>>
      %dma_start3A_116 = arith.constant 0 : i32
      %dma_start3A_117 = tpu.memref_slice %arg13[%mul3A_25, %dma_start3A_116] : memref<10240x64xf32, #tpu.memory_space<vmem_shared>> -> memref<128x64xf32, #tpu.memory_space<vmem_shared>>
      %dma_start3A_118 = arith.constant 0 : i32
      %dma_start3A_119 = tpu.memref_slice %arg13[%mul3A_25, %dma_start3A_118] : memref<10240x64xf32, #tpu.memory_space<vmem_shared>> -> memref<128x64xf32, #tpu.memory_space<vmem_shared>>
      tpu.enqueue_dma source(%arg8 : memref<128x64xf32, #tpu.memory_space<vmem>>) target(%dma_start3A_119 : memref<128x64xf32, #tpu.memory_space<vmem_shared>>) target_semaphore(%run_scoped3A : memref<!tpu.dma_semaphore, #tpu.memory_space<semaphore_mem>>)
      %dma_wait3A_120 = arith.constant 0 : i32
      %dma_wait3A_121 = tpu.memref_slice %arg13[%mul3A_25, %dma_wait3A_120] : memref<10240x64xf32, #tpu.memory_space<vmem_shared>> -> memref<128x64xf32, #tpu.memory_space<vmem_shared>>
      %dma_wait3A_122 = arith.constant 0 : i32
      %dma_wait3A_123 = tpu.memref_slice %arg13[%mul3A_25, %dma_wait3A_122] : memref<10240x64xf32, #tpu.memory_space<vmem_shared>> -> memref<128x64xf32, #tpu.memory_space<vmem_shared>>
      tpu.wait_dma2 semaphore(%run_scoped3A : memref<!tpu.dma_semaphore, #tpu.memory_space<semaphore_mem>>) src(%arg8 : memref<128x64xf32, #tpu.memory_space<vmem>>) dst(%dma_wait3A_123 : memref<128x64xf32, #tpu.memory_space<vmem_shared>>)
      tpu.yield
    }) : () -> ()
    %mul3A_26 = arith.constant 5 : i32
    %mul3A_27 = arith.muli %arg1, %mul3A_26 : i32
    %add3A_28 = arith.constant 4 : i32
    %add3A_29 = arith.addi %mul3A_27, %add3A_28 : i32
    %mul3A_30 = arith.constant 128 : i32
    %mul3A_31 = arith.muli %add3A_29, %mul3A_30 : i32
    "tpu.region"() ({
      %run_scoped3A = tpu.sem_alloc : memref<!tpu.dma_semaphore, #tpu.memory_space<semaphore_mem>>
      %dma_start3A_116 = arith.constant 0 : i32
      %dma_start3A_117 = tpu.memref_slice %arg13[%mul3A_31, %dma_start3A_116] : memref<10240x64xf32, #tpu.memory_space<vmem_shared>> -> memref<128x64xf32, #tpu.memory_space<vmem_shared>>
      %dma_start3A_118 = arith.constant 0 : i32
      %dma_start3A_119 = tpu.memref_slice %arg13[%mul3A_31, %dma_start3A_118] : memref<10240x64xf32, #tpu.memory_space<vmem_shared>> -> memref<128x64xf32, #tpu.memory_space<vmem_shared>>
      tpu.enqueue_dma source(%arg8 : memref<128x64xf32, #tpu.memory_space<vmem>>) target(%dma_start3A_119 : memref<128x64xf32, #tpu.memory_space<vmem_shared>>) target_semaphore(%run_scoped3A : memref<!tpu.dma_semaphore, #tpu.memory_space<semaphore_mem>>)
      %dma_wait3A_120 = arith.constant 0 : i32
      %dma_wait3A_121 = tpu.memref_slice %arg13[%mul3A_31, %dma_wait3A_120] : memref<10240x64xf32, #tpu.memory_space<vmem_shared>> -> memref<128x64xf32, #tpu.memory_space<vmem_shared>>
      %dma_wait3A_122 = arith.constant 0 : i32
      %dma_wait3A_123 = tpu.memref_slice %arg13[%mul3A_31, %dma_wait3A_122] : memref<10240x64xf32, #tpu.memory_space<vmem_shared>> -> memref<128x64xf32, #tpu.memory_space<vmem_shared>>
      tpu.wait_dma2 semaphore(%run_scoped3A : memref<!tpu.dma_semaphore, #tpu.memory_space<semaphore_mem>>) src(%arg8 : memref<128x64xf32, #tpu.memory_space<vmem>>) dst(%dma_wait3A_123 : memref<128x64xf32, #tpu.memory_space<vmem_shared>>)
      tpu.yield
    }) : () -> ()
    "tpu.trace_stop"() : () -> ()
    "tpu.trace_start"() <{level = 10 : i32, message = "agg_barrier1"}> : () -> ()
    %barrier3A = arith.constant 0 : index
    tpu.barrier barrier_id(%barrier3A)
    "tpu.trace_stop"() : () -> ()
    %mul3A_32 = arith.constant 16 : i32
    %mul3A_33 = arith.muli %arg0, %mul3A_32 : i32
    %add3A_34 = arith.addi %mul3A_33, %arg1 : i32
    %mul3A_35 = arith.constant 80 : i32
    %mul3A_36 = arith.muli %add3A_34, %mul3A_35 : i32
    "tpu.trace_start"() <{level = 10 : i32, message = "agg_idx"}> : () -> ()
    "tpu.region"() ({
      %run_scoped3A = tpu.sem_alloc : memref<!tpu.dma_semaphore, #tpu.memory_space<semaphore_mem>>
      %dma_start3A_116 = arith.constant 0 : i32
      %dma_start3A_117 = arith.constant 0 : i32
      %dma_start3A_118 = tpu.memref_slice %arg6[%dma_start3A_116, %dma_start3A_117] : memref<80x128xi32, #tpu.memory_space<vmem>> -> memref<80x128xi32, #tpu.memory_space<vmem>>
      %dma_start3A_119 = arith.constant 0 : i32
      %dma_start3A_120 = tpu.memref_slice %arg3[%mul3A_36, %dma_start3A_119] : memref<2560x128xi32, #tpu.memory_space<hbm>> -> memref<80x128xi32, #tpu.memory_space<hbm>>
      %dma_start3A_121 = arith.constant 0 : i32
      %dma_start3A_122 = arith.constant 0 : i32
      %dma_start3A_123 = tpu.memref_slice %arg6[%dma_start3A_121, %dma_start3A_122] : memref<80x128xi32, #tpu.memory_space<vmem>> -> memref<80x128xi32, #tpu.memory_space<vmem>>
      %dma_start3A_124 = arith.constant 0 : i32
      %dma_start3A_125 = tpu.memref_slice %arg3[%mul3A_36, %dma_start3A_124] : memref<2560x128xi32, #tpu.memory_space<hbm>> -> memref<80x128xi32, #tpu.memory_space<hbm>>
      tpu.enqueue_dma source(%dma_start3A_125 : memref<80x128xi32, #tpu.memory_space<hbm>>) target(%dma_start3A_123 : memref<80x128xi32, #tpu.memory_space<vmem>>) target_semaphore(%run_scoped3A : memref<!tpu.dma_semaphore, #tpu.memory_space<semaphore_mem>>)
      %dma_wait3A_126 = arith.constant 0 : i32
      %dma_wait3A_127 = arith.constant 0 : i32
      %dma_wait3A_128 = tpu.memref_slice %arg6[%dma_wait3A_126, %dma_wait3A_127] : memref<80x128xi32, #tpu.memory_space<vmem>> -> memref<80x128xi32, #tpu.memory_space<vmem>>
      %dma_wait3A_129 = arith.constant 0 : i32
      %dma_wait3A_130 = tpu.memref_slice %arg3[%mul3A_36, %dma_wait3A_129] : memref<2560x128xi32, #tpu.memory_space<hbm>> -> memref<80x128xi32, #tpu.memory_space<hbm>>
      %dma_wait3A_131 = arith.constant 0 : i32
      %dma_wait3A_132 = arith.constant 0 : i32
      %dma_wait3A_133 = tpu.memref_slice %arg6[%dma_wait3A_131, %dma_wait3A_132] : memref<80x128xi32, #tpu.memory_space<vmem>> -> memref<80x128xi32, #tpu.memory_space<vmem>>
      %dma_wait3A_134 = arith.constant 0 : i32
      %dma_wait3A_135 = tpu.memref_slice %arg3[%mul3A_36, %dma_wait3A_134] : memref<2560x128xi32, #tpu.memory_space<hbm>> -> memref<80x128xi32, #tpu.memory_space<hbm>>
      tpu.wait_dma2 semaphore(%run_scoped3A : memref<!tpu.dma_semaphore, #tpu.memory_space<semaphore_mem>>) src(%dma_wait3A_135 : memref<80x128xi32, #tpu.memory_space<hbm>>) dst(%dma_wait3A_133 : memref<80x128xi32, #tpu.memory_space<vmem>>)
      tpu.yield
    }) : () -> ()
    "tpu.region"() ({
      %run_scoped3A = tpu.sem_alloc : memref<!tpu.dma_semaphore, #tpu.memory_space<semaphore_mem>>
      %dma_start3A_116 = arith.constant 0 : i32
      %dma_start3A_117 = arith.constant 0 : i32
      %dma_start3A_118 = tpu.memref_slice %arg7[%dma_start3A_116, %dma_start3A_117] : memref<80x128xi32, #tpu.memory_space<vmem>> -> memref<80x128xi32, #tpu.memory_space<vmem>>
      %dma_start3A_119 = arith.constant 0 : i32
      %dma_start3A_120 = tpu.memref_slice %arg4[%mul3A_36, %dma_start3A_119] : memref<2560x128xi32, #tpu.memory_space<hbm>> -> memref<80x128xi32, #tpu.memory_space<hbm>>
      %dma_start3A_121 = arith.constant 0 : i32
      %dma_start3A_122 = arith.constant 0 : i32
      %dma_start3A_123 = tpu.memref_slice %arg7[%dma_start3A_121, %dma_start3A_122] : memref<80x128xi32, #tpu.memory_space<vmem>> -> memref<80x128xi32, #tpu.memory_space<vmem>>
      %dma_start3A_124 = arith.constant 0 : i32
      %dma_start3A_125 = tpu.memref_slice %arg4[%mul3A_36, %dma_start3A_124] : memref<2560x128xi32, #tpu.memory_space<hbm>> -> memref<80x128xi32, #tpu.memory_space<hbm>>
      tpu.enqueue_dma source(%dma_start3A_125 : memref<80x128xi32, #tpu.memory_space<hbm>>) target(%dma_start3A_123 : memref<80x128xi32, #tpu.memory_space<vmem>>) target_semaphore(%run_scoped3A : memref<!tpu.dma_semaphore, #tpu.memory_space<semaphore_mem>>)
      %dma_wait3A_126 = arith.constant 0 : i32
      %dma_wait3A_127 = arith.constant 0 : i32
      %dma_wait3A_128 = tpu.memref_slice %arg7[%dma_wait3A_126, %dma_wait3A_127] : memref<80x128xi32, #tpu.memory_space<vmem>> -> memref<80x128xi32, #tpu.memory_space<vmem>>
      %dma_wait3A_129 = arith.constant 0 : i32
      %dma_wait3A_130 = tpu.memref_slice %arg4[%mul3A_36, %dma_wait3A_129] : memref<2560x128xi32, #tpu.memory_space<hbm>> -> memref<80x128xi32, #tpu.memory_space<hbm>>
      %dma_wait3A_131 = arith.constant 0 : i32
      %dma_wait3A_132 = arith.constant 0 : i32
      %dma_wait3A_133 = tpu.memref_slice %arg7[%dma_wait3A_131, %dma_wait3A_132] : memref<80x128xi32, #tpu.memory_space<vmem>> -> memref<80x128xi32, #tpu.memory_space<vmem>>
      %dma_wait3A_134 = arith.constant 0 : i32
      %dma_wait3A_135 = tpu.memref_slice %arg4[%mul3A_36, %dma_wait3A_134] : memref<2560x128xi32, #tpu.memory_space<hbm>> -> memref<80x128xi32, #tpu.memory_space<hbm>>
      tpu.wait_dma2 semaphore(%run_scoped3A : memref<!tpu.dma_semaphore, #tpu.memory_space<semaphore_mem>>) src(%dma_wait3A_135 : memref<80x128xi32, #tpu.memory_space<hbm>>) dst(%dma_wait3A_133 : memref<80x128xi32, #tpu.memory_space<vmem>>)
      tpu.yield
    }) : () -> ()
    %dma_start3A = arith.constant 0 : i32
    "tpu.trace_stop"() : () -> ()
    %dma_start3A_37 = arith.constant 0 : i32
    %dma_start3A_38 = tpu.memref_slice %arg6[%dma_start3A, %dma_start3A_37] : memref<80x128xi32, #tpu.memory_space<vmem>> -> memref<1x128xi32, #tpu.memory_space<vmem>>
    %dma_start3A_39 = tpu.memref_squeeze %dma_start3A_38 : memref<1x128xi32, #tpu.memory_space<vmem>> -> memref<128xi32, #tpu.memory_space<vmem>>
    %dma_start3A_40 = arith.constant 0 : i32
    %dma_start3A_41 = arith.constant 0 : i32
    %dma_start3A_42 = tpu.memref_slice %arg2[%dma_start3A_40, %dma_start3A_41] : memref<10000x64xf32, #tpu.memory_space<hbm>> -> memref<10000x64xf32, #tpu.memory_space<hbm>>
    tpu.enqueue_indirect_dma source(%dma_start3A_42 : memref<10000x64xf32, #tpu.memory_space<hbm>>) target(%arg8 : memref<128x64xf32, #tpu.memory_space<vmem>>) offsets(%dma_start3A_39 : memref<128xi32, #tpu.memory_space<vmem>>) semaphore(%arg14 : memref<!tpu.dma_semaphore, #tpu.memory_space<semaphore_mem>>)
    %dma_start3A_43 = arith.constant 1 : i32
    %dma_start3A_44 = arith.constant 0 : i32
    %dma_start3A_45 = tpu.memref_slice %arg6[%dma_start3A_43, %dma_start3A_44] : memref<80x128xi32, #tpu.memory_space<vmem>> -> memref<1x128xi32, #tpu.memory_space<vmem>>
    %dma_start3A_46 = tpu.memref_squeeze %dma_start3A_45 : memref<1x128xi32, #tpu.memory_space<vmem>> -> memref<128xi32, #tpu.memory_space<vmem>>
    %dma_start3A_47 = arith.constant 0 : i32
    %dma_start3A_48 = arith.constant 0 : i32
    %dma_start3A_49 = tpu.memref_slice %arg2[%dma_start3A_47, %dma_start3A_48] : memref<10000x64xf32, #tpu.memory_space<hbm>> -> memref<10000x64xf32, #tpu.memory_space<hbm>>
    tpu.enqueue_indirect_dma source(%dma_start3A_49 : memref<10000x64xf32, #tpu.memory_space<hbm>>) target(%arg9 : memref<128x64xf32, #tpu.memory_space<vmem>>) offsets(%dma_start3A_46 : memref<128xi32, #tpu.memory_space<vmem>>) semaphore(%arg15 : memref<!tpu.dma_semaphore, #tpu.memory_space<semaphore_mem>>)
    %dma_start3A_50 = arith.constant 2 : i32
    %dma_start3A_51 = arith.constant 0 : i32
    %dma_start3A_52 = tpu.memref_slice %arg6[%dma_start3A_50, %dma_start3A_51] : memref<80x128xi32, #tpu.memory_space<vmem>> -> memref<1x128xi32, #tpu.memory_space<vmem>>
    %dma_start3A_53 = tpu.memref_squeeze %dma_start3A_52 : memref<1x128xi32, #tpu.memory_space<vmem>> -> memref<128xi32, #tpu.memory_space<vmem>>
    %dma_start3A_54 = arith.constant 0 : i32
    %dma_start3A_55 = arith.constant 0 : i32
    %dma_start3A_56 = tpu.memref_slice %arg2[%dma_start3A_54, %dma_start3A_55] : memref<10000x64xf32, #tpu.memory_space<hbm>> -> memref<10000x64xf32, #tpu.memory_space<hbm>>
    tpu.enqueue_indirect_dma source(%dma_start3A_56 : memref<10000x64xf32, #tpu.memory_space<hbm>>) target(%arg10 : memref<128x64xf32, #tpu.memory_space<vmem>>) offsets(%dma_start3A_53 : memref<128xi32, #tpu.memory_space<vmem>>) semaphore(%arg16 : memref<!tpu.dma_semaphore, #tpu.memory_space<semaphore_mem>>)
    %dma_start3A_57 = arith.constant 3 : i32
    %dma_start3A_58 = arith.constant 0 : i32
    %dma_start3A_59 = tpu.memref_slice %arg6[%dma_start3A_57, %dma_start3A_58] : memref<80x128xi32, #tpu.memory_space<vmem>> -> memref<1x128xi32, #tpu.memory_space<vmem>>
    %dma_start3A_60 = tpu.memref_squeeze %dma_start3A_59 : memref<1x128xi32, #tpu.memory_space<vmem>> -> memref<128xi32, #tpu.memory_space<vmem>>
    %dma_start3A_61 = arith.constant 0 : i32
    %dma_start3A_62 = arith.constant 0 : i32
    %dma_start3A_63 = tpu.memref_slice %arg2[%dma_start3A_61, %dma_start3A_62] : memref<10000x64xf32, #tpu.memory_space<hbm>> -> memref<10000x64xf32, #tpu.memory_space<hbm>>
    tpu.enqueue_indirect_dma source(%dma_start3A_63 : memref<10000x64xf32, #tpu.memory_space<hbm>>) target(%arg11 : memref<128x64xf32, #tpu.memory_space<vmem>>) offsets(%dma_start3A_60 : memref<128xi32, #tpu.memory_space<vmem>>) semaphore(%arg17 : memref<!tpu.dma_semaphore, #tpu.memory_space<semaphore_mem>>)
    "tpu.trace_start"() <{level = 10 : i32, message = "agg_ring"}> : () -> ()
    %scan3A_64 = arith.constant 0 : i32
    %scan3A_65 = arith.constant 16 : i32
    %scan3A_66 = arith.addi %scan3A_64, %scan3A_65 : i32
    %scan3A_67 = arith.constant 1 : i32
    scf.for %scan3A_116 = %scan3A_64 to %scan3A_66 step %scan3A_67  : i32 {
      %mul3A_117 = arith.constant 5 : i32
      %mul3A_118 = arith.muli %scan3A_116, %mul3A_117 : i32
      %add3A_119 = arith.constant 0 : i32
      %add3A_120 = arith.addi %add3A_119, %mul3A_118 : i32
      %add3A_121 = arith.constant 0 : i32
      %add3A_122 = arith.addi %add3A_120, %add3A_121 : i32
      %ge3A = arith.constant 1 : i32
      %ge3A_123 = arith.cmpi sge, %add3A_122, %ge3A : i32
      %convert_element_type3A = arith.extui %ge3A_123 : i1 to i32
      %cond3A = arith.constant 0 : i32
      %cond3A_124 = arith.cmpi ne, %convert_element_type3A, %cond3A : i32
      scf.if %cond3A_124 {
        %sub3A = arith.constant 1 : i32
        %sub3A_247 = arith.subi %add3A_122, %sub3A : i32
        %dma_wait3A_248 = arith.constant 0 : i32
        %dma_wait3A_249 = tpu.memref_slice %arg7[%sub3A_247, %dma_wait3A_248] : memref<80x128xi32, #tpu.memory_space<vmem>> -> memref<1x128xi32, #tpu.memory_space<vmem>>
        %dma_wait3A_250 = tpu.memref_squeeze %dma_wait3A_249 : memref<1x128xi32, #tpu.memory_space<vmem>> -> memref<128xi32, #tpu.memory_space<vmem>>
        %dma_wait3A_251 = arith.constant 0 : i32
        %dma_wait3A_252 = arith.constant 0 : i32
        %dma_wait3A_253 = tpu.memref_slice %arg13[%dma_wait3A_251, %dma_wait3A_252] : memref<10240x64xf32, #tpu.memory_space<vmem_shared>> -> memref<10240x64xf32, #tpu.memory_space<vmem_shared>>
        tpu.wait_indirect_dma semaphore(%arg23 : memref<!tpu.dma_semaphore, #tpu.memory_space<semaphore_mem>>) src(%arg12 : memref<128x64xf32, #tpu.memory_space<vmem>>) dst(%dma_wait3A_253 : memref<10240x64xf32, #tpu.memory_space<vmem_shared>>)
      } else {
      }
      %add3A_125 = arith.constant 4 : i32
      %add3A_126 = arith.addi %add3A_122, %add3A_125 : i32
      %lt3A = arith.constant 80 : i32
      %lt3A_127 = arith.cmpi slt, %add3A_126, %lt3A : i32
      %convert_element_type3A_128 = arith.extui %lt3A_127 : i1 to i32
      %cond3A_129 = arith.constant 0 : i32
      %cond3A_130 = arith.cmpi ne, %convert_element_type3A_128, %cond3A_129 : i32
      scf.if %cond3A_130 {
        %add3A_247 = arith.constant 4 : i32
        %add3A_248 = arith.addi %add3A_122, %add3A_247 : i32
        %dma_start3A_249 = arith.constant 0 : i32
        %dma_start3A_250 = tpu.memref_slice %arg6[%add3A_248, %dma_start3A_249] : memref<80x128xi32, #tpu.memory_space<vmem>> -> memref<1x128xi32, #tpu.memory_space<vmem>>
        %dma_start3A_251 = tpu.memref_squeeze %dma_start3A_250 : memref<1x128xi32, #tpu.memory_space<vmem>> -> memref<128xi32, #tpu.memory_space<vmem>>
        %dma_start3A_252 = arith.constant 0 : i32
        %dma_start3A_253 = arith.constant 0 : i32
        %dma_start3A_254 = tpu.memref_slice %arg2[%dma_start3A_252, %dma_start3A_253] : memref<10000x64xf32, #tpu.memory_space<hbm>> -> memref<10000x64xf32, #tpu.memory_space<hbm>>
        tpu.enqueue_indirect_dma source(%dma_start3A_254 : memref<10000x64xf32, #tpu.memory_space<hbm>>) target(%arg12 : memref<128x64xf32, #tpu.memory_space<vmem>>) offsets(%dma_start3A_251 : memref<128xi32, #tpu.memory_space<vmem>>) semaphore(%arg18 : memref<!tpu.dma_semaphore, #tpu.memory_space<semaphore_mem>>)
      } else {
      }
      %dma_wait3A_131 = arith.constant 0 : i32
      %dma_wait3A_132 = tpu.memref_slice %arg6[%add3A_122, %dma_wait3A_131] : memref<80x128xi32, #tpu.memory_space<vmem>> -> memref<1x128xi32, #tpu.memory_space<vmem>>
      %dma_wait3A_133 = tpu.memref_squeeze %dma_wait3A_132 : memref<1x128xi32, #tpu.memory_space<vmem>> -> memref<128xi32, #tpu.memory_space<vmem>>
      %dma_wait3A_134 = arith.constant 0 : i32
      %dma_wait3A_135 = arith.constant 0 : i32
      %dma_wait3A_136 = tpu.memref_slice %arg2[%dma_wait3A_134, %dma_wait3A_135] : memref<10000x64xf32, #tpu.memory_space<hbm>> -> memref<10000x64xf32, #tpu.memory_space<hbm>>
      tpu.wait_indirect_dma semaphore(%arg14 : memref<!tpu.dma_semaphore, #tpu.memory_space<semaphore_mem>>) src(%dma_wait3A_136 : memref<10000x64xf32, #tpu.memory_space<hbm>>) dst(%arg8 : memref<128x64xf32, #tpu.memory_space<vmem>>)
      %dma_start3A_137 = arith.constant 0 : i32
      %dma_start3A_138 = tpu.memref_slice %arg7[%add3A_122, %dma_start3A_137] : memref<80x128xi32, #tpu.memory_space<vmem>> -> memref<1x128xi32, #tpu.memory_space<vmem>>
      %dma_start3A_139 = tpu.memref_squeeze %dma_start3A_138 : memref<1x128xi32, #tpu.memory_space<vmem>> -> memref<128xi32, #tpu.memory_space<vmem>>
      %dma_start3A_140 = arith.constant 0 : i32
      %dma_start3A_141 = arith.constant 0 : i32
      %dma_start3A_142 = tpu.memref_slice %arg13[%dma_start3A_140, %dma_start3A_141] : memref<10240x64xf32, #tpu.memory_space<vmem_shared>> -> memref<10240x64xf32, #tpu.memory_space<vmem_shared>>
      tpu.enqueue_indirect_dma source(%arg8 : memref<128x64xf32, #tpu.memory_space<vmem>>) target(%dma_start3A_142 : memref<10240x64xf32, #tpu.memory_space<vmem_shared>>) offsets(%dma_start3A_139 : memref<128xi32, #tpu.memory_space<vmem>>) semaphore(%arg19 : memref<!tpu.dma_semaphore, #tpu.memory_space<semaphore_mem>>) {add = true}
      %add3A_143 = arith.constant 1 : i32
      %add3A_144 = arith.addi %add3A_120, %add3A_143 : i32
      %ge3A_145 = arith.constant 1 : i32
      %ge3A_146 = arith.cmpi sge, %add3A_144, %ge3A_145 : i32
      %convert_element_type3A_147 = arith.extui %ge3A_146 : i1 to i32
      %cond3A_148 = arith.constant 0 : i32
      %cond3A_149 = arith.cmpi ne, %convert_element_type3A_147, %cond3A_148 : i32
      scf.if %cond3A_149 {
        %sub3A = arith.constant 1 : i32
        %sub3A_247 = arith.subi %add3A_144, %sub3A : i32
        %dma_wait3A_248 = arith.constant 0 : i32
        %dma_wait3A_249 = tpu.memref_slice %arg7[%sub3A_247, %dma_wait3A_248] : memref<80x128xi32, #tpu.memory_space<vmem>> -> memref<1x128xi32, #tpu.memory_space<vmem>>
        %dma_wait3A_250 = tpu.memref_squeeze %dma_wait3A_249 : memref<1x128xi32, #tpu.memory_space<vmem>> -> memref<128xi32, #tpu.memory_space<vmem>>
        %dma_wait3A_251 = arith.constant 0 : i32
        %dma_wait3A_252 = arith.constant 0 : i32
        %dma_wait3A_253 = tpu.memref_slice %arg13[%dma_wait3A_251, %dma_wait3A_252] : memref<10240x64xf32, #tpu.memory_space<vmem_shared>> -> memref<10240x64xf32, #tpu.memory_space<vmem_shared>>
        tpu.wait_indirect_dma semaphore(%arg19 : memref<!tpu.dma_semaphore, #tpu.memory_space<semaphore_mem>>) src(%arg8 : memref<128x64xf32, #tpu.memory_space<vmem>>) dst(%dma_wait3A_253 : memref<10240x64xf32, #tpu.memory_space<vmem_shared>>)
      } else {
      }
      %add3A_150 = arith.constant 4 : i32
      %add3A_151 = arith.addi %add3A_144, %add3A_150 : i32
      %lt3A_152 = arith.constant 80 : i32
      %lt3A_153 = arith.cmpi slt, %add3A_151, %lt3A_152 : i32
      %convert_element_type3A_154 = arith.extui %lt3A_153 : i1 to i32
      %cond3A_155 = arith.constant 0 : i32
      %cond3A_156 = arith.cmpi ne, %convert_element_type3A_154, %cond3A_155 : i32
      scf.if %cond3A_156 {
        %add3A_247 = arith.constant 4 : i32
        %add3A_248 = arith.addi %add3A_144, %add3A_247 : i32
        %dma_start3A_249 = arith.constant 0 : i32
        %dma_start3A_250 = tpu.memref_slice %arg6[%add3A_248, %dma_start3A_249] : memref<80x128xi32, #tpu.memory_space<vmem>> -> memref<1x128xi32, #tpu.memory_space<vmem>>
        %dma_start3A_251 = tpu.memref_squeeze %dma_start3A_250 : memref<1x128xi32, #tpu.memory_space<vmem>> -> memref<128xi32, #tpu.memory_space<vmem>>
        %dma_start3A_252 = arith.constant 0 : i32
        %dma_start3A_253 = arith.constant 0 : i32
        %dma_start3A_254 = tpu.memref_slice %arg2[%dma_start3A_252, %dma_start3A_253] : memref<10000x64xf32, #tpu.memory_space<hbm>> -> memref<10000x64xf32, #tpu.memory_space<hbm>>
        tpu.enqueue_indirect_dma source(%dma_start3A_254 : memref<10000x64xf32, #tpu.memory_space<hbm>>) target(%arg8 : memref<128x64xf32, #tpu.memory_space<vmem>>) offsets(%dma_start3A_251 : memref<128xi32, #tpu.memory_space<vmem>>) semaphore(%arg14 : memref<!tpu.dma_semaphore, #tpu.memory_space<semaphore_mem>>)
      } else {
      }
      %dma_wait3A_157 = arith.constant 0 : i32
      %dma_wait3A_158 = tpu.memref_slice %arg6[%add3A_144, %dma_wait3A_157] : memref<80x128xi32, #tpu.memory_space<vmem>> -> memref<1x128xi32, #tpu.memory_space<vmem>>
      %dma_wait3A_159 = tpu.memref_squeeze %dma_wait3A_158 : memref<1x128xi32, #tpu.memory_space<vmem>> -> memref<128xi32, #tpu.memory_space<vmem>>
      %dma_wait3A_160 = arith.constant 0 : i32
      %dma_wait3A_161 = arith.constant 0 : i32
      %dma_wait3A_162 = tpu.memref_slice %arg2[%dma_wait3A_160, %dma_wait3A_161] : memref<10000x64xf32, #tpu.memory_space<hbm>> -> memref<10000x64xf32, #tpu.memory_space<hbm>>
      tpu.wait_indirect_dma semaphore(%arg15 : memref<!tpu.dma_semaphore, #tpu.memory_space<semaphore_mem>>) src(%dma_wait3A_162 : memref<10000x64xf32, #tpu.memory_space<hbm>>) dst(%arg9 : memref<128x64xf32, #tpu.memory_space<vmem>>)
      %dma_start3A_163 = arith.constant 0 : i32
      %dma_start3A_164 = tpu.memref_slice %arg7[%add3A_144, %dma_start3A_163] : memref<80x128xi32, #tpu.memory_space<vmem>> -> memref<1x128xi32, #tpu.memory_space<vmem>>
      %dma_start3A_165 = tpu.memref_squeeze %dma_start3A_164 : memref<1x128xi32, #tpu.memory_space<vmem>> -> memref<128xi32, #tpu.memory_space<vmem>>
      %dma_start3A_166 = arith.constant 0 : i32
      %dma_start3A_167 = arith.constant 0 : i32
      %dma_start3A_168 = tpu.memref_slice %arg13[%dma_start3A_166, %dma_start3A_167] : memref<10240x64xf32, #tpu.memory_space<vmem_shared>> -> memref<10240x64xf32, #tpu.memory_space<vmem_shared>>
      tpu.enqueue_indirect_dma source(%arg9 : memref<128x64xf32, #tpu.memory_space<vmem>>) target(%dma_start3A_168 : memref<10240x64xf32, #tpu.memory_space<vmem_shared>>) offsets(%dma_start3A_165 : memref<128xi32, #tpu.memory_space<vmem>>) semaphore(%arg20 : memref<!tpu.dma_semaphore, #tpu.memory_space<semaphore_mem>>) {add = true}
      %add3A_169 = arith.constant 2 : i32
      %add3A_170 = arith.addi %add3A_120, %add3A_169 : i32
      %ge3A_171 = arith.constant 1 : i32
      %ge3A_172 = arith.cmpi sge, %add3A_170, %ge3A_171 : i32
      %convert_element_type3A_173 = arith.extui %ge3A_172 : i1 to i32
      %cond3A_174 = arith.constant 0 : i32
      %cond3A_175 = arith.cmpi ne, %convert_element_type3A_173, %cond3A_174 : i32
      scf.if %cond3A_175 {
        %sub3A = arith.constant 1 : i32
        %sub3A_247 = arith.subi %add3A_170, %sub3A : i32
        %dma_wait3A_248 = arith.constant 0 : i32
        %dma_wait3A_249 = tpu.memref_slice %arg7[%sub3A_247, %dma_wait3A_248] : memref<80x128xi32, #tpu.memory_space<vmem>> -> memref<1x128xi32, #tpu.memory_space<vmem>>
        %dma_wait3A_250 = tpu.memref_squeeze %dma_wait3A_249 : memref<1x128xi32, #tpu.memory_space<vmem>> -> memref<128xi32, #tpu.memory_space<vmem>>
        %dma_wait3A_251 = arith.constant 0 : i32
        %dma_wait3A_252 = arith.constant 0 : i32
        %dma_wait3A_253 = tpu.memref_slice %arg13[%dma_wait3A_251, %dma_wait3A_252] : memref<10240x64xf32, #tpu.memory_space<vmem_shared>> -> memref<10240x64xf32, #tpu.memory_space<vmem_shared>>
        tpu.wait_indirect_dma semaphore(%arg20 : memref<!tpu.dma_semaphore, #tpu.memory_space<semaphore_mem>>) src(%arg9 : memref<128x64xf32, #tpu.memory_space<vmem>>) dst(%dma_wait3A_253 : memref<10240x64xf32, #tpu.memory_space<vmem_shared>>)
      } else {
      }
      %add3A_176 = arith.constant 4 : i32
      %add3A_177 = arith.addi %add3A_170, %add3A_176 : i32
      %lt3A_178 = arith.constant 80 : i32
      %lt3A_179 = arith.cmpi slt, %add3A_177, %lt3A_178 : i32
      %convert_element_type3A_180 = arith.extui %lt3A_179 : i1 to i32
      %cond3A_181 = arith.constant 0 : i32
      %cond3A_182 = arith.cmpi ne, %convert_element_type3A_180, %cond3A_181 : i32
      scf.if %cond3A_182 {
        %add3A_247 = arith.constant 4 : i32
        %add3A_248 = arith.addi %add3A_170, %add3A_247 : i32
        %dma_start3A_249 = arith.constant 0 : i32
        %dma_start3A_250 = tpu.memref_slice %arg6[%add3A_248, %dma_start3A_249] : memref<80x128xi32, #tpu.memory_space<vmem>> -> memref<1x128xi32, #tpu.memory_space<vmem>>
        %dma_start3A_251 = tpu.memref_squeeze %dma_start3A_250 : memref<1x128xi32, #tpu.memory_space<vmem>> -> memref<128xi32, #tpu.memory_space<vmem>>
        %dma_start3A_252 = arith.constant 0 : i32
        %dma_start3A_253 = arith.constant 0 : i32
        %dma_start3A_254 = tpu.memref_slice %arg2[%dma_start3A_252, %dma_start3A_253] : memref<10000x64xf32, #tpu.memory_space<hbm>> -> memref<10000x64xf32, #tpu.memory_space<hbm>>
        tpu.enqueue_indirect_dma source(%dma_start3A_254 : memref<10000x64xf32, #tpu.memory_space<hbm>>) target(%arg9 : memref<128x64xf32, #tpu.memory_space<vmem>>) offsets(%dma_start3A_251 : memref<128xi32, #tpu.memory_space<vmem>>) semaphore(%arg15 : memref<!tpu.dma_semaphore, #tpu.memory_space<semaphore_mem>>)
      } else {
      }
      %dma_wait3A_183 = arith.constant 0 : i32
      %dma_wait3A_184 = tpu.memref_slice %arg6[%add3A_170, %dma_wait3A_183] : memref<80x128xi32, #tpu.memory_space<vmem>> -> memref<1x128xi32, #tpu.memory_space<vmem>>
      %dma_wait3A_185 = tpu.memref_squeeze %dma_wait3A_184 : memref<1x128xi32, #tpu.memory_space<vmem>> -> memref<128xi32, #tpu.memory_space<vmem>>
      %dma_wait3A_186 = arith.constant 0 : i32
      %dma_wait3A_187 = arith.constant 0 : i32
      %dma_wait3A_188 = tpu.memref_slice %arg2[%dma_wait3A_186, %dma_wait3A_187] : memref<10000x64xf32, #tpu.memory_space<hbm>> -> memref<10000x64xf32, #tpu.memory_space<hbm>>
      tpu.wait_indirect_dma semaphore(%arg16 : memref<!tpu.dma_semaphore, #tpu.memory_space<semaphore_mem>>) src(%dma_wait3A_188 : memref<10000x64xf32, #tpu.memory_space<hbm>>) dst(%arg10 : memref<128x64xf32, #tpu.memory_space<vmem>>)
      %dma_start3A_189 = arith.constant 0 : i32
      %dma_start3A_190 = tpu.memref_slice %arg7[%add3A_170, %dma_start3A_189] : memref<80x128xi32, #tpu.memory_space<vmem>> -> memref<1x128xi32, #tpu.memory_space<vmem>>
      %dma_start3A_191 = tpu.memref_squeeze %dma_start3A_190 : memref<1x128xi32, #tpu.memory_space<vmem>> -> memref<128xi32, #tpu.memory_space<vmem>>
      %dma_start3A_192 = arith.constant 0 : i32
      %dma_start3A_193 = arith.constant 0 : i32
      %dma_start3A_194 = tpu.memref_slice %arg13[%dma_start3A_192, %dma_start3A_193] : memref<10240x64xf32, #tpu.memory_space<vmem_shared>> -> memref<10240x64xf32, #tpu.memory_space<vmem_shared>>
      tpu.enqueue_indirect_dma source(%arg10 : memref<128x64xf32, #tpu.memory_space<vmem>>) target(%dma_start3A_194 : memref<10240x64xf32, #tpu.memory_space<vmem_shared>>) offsets(%dma_start3A_191 : memref<128xi32, #tpu.memory_space<vmem>>) semaphore(%arg21 : memref<!tpu.dma_semaphore, #tpu.memory_space<semaphore_mem>>) {add = true}
      %add3A_195 = arith.constant 3 : i32
      %add3A_196 = arith.addi %add3A_120, %add3A_195 : i32
      %ge3A_197 = arith.constant 1 : i32
      %ge3A_198 = arith.cmpi sge, %add3A_196, %ge3A_197 : i32
      %convert_element_type3A_199 = arith.extui %ge3A_198 : i1 to i32
      %cond3A_200 = arith.constant 0 : i32
      %cond3A_201 = arith.cmpi ne, %convert_element_type3A_199, %cond3A_200 : i32
      scf.if %cond3A_201 {
        %sub3A = arith.constant 1 : i32
        %sub3A_247 = arith.subi %add3A_196, %sub3A : i32
        %dma_wait3A_248 = arith.constant 0 : i32
        %dma_wait3A_249 = tpu.memref_slice %arg7[%sub3A_247, %dma_wait3A_248] : memref<80x128xi32, #tpu.memory_space<vmem>> -> memref<1x128xi32, #tpu.memory_space<vmem>>
        %dma_wait3A_250 = tpu.memref_squeeze %dma_wait3A_249 : memref<1x128xi32, #tpu.memory_space<vmem>> -> memref<128xi32, #tpu.memory_space<vmem>>
        %dma_wait3A_251 = arith.constant 0 : i32
        %dma_wait3A_252 = arith.constant 0 : i32
        %dma_wait3A_253 = tpu.memref_slice %arg13[%dma_wait3A_251, %dma_wait3A_252] : memref<10240x64xf32, #tpu.memory_space<vmem_shared>> -> memref<10240x64xf32, #tpu.memory_space<vmem_shared>>
        tpu.wait_indirect_dma semaphore(%arg21 : memref<!tpu.dma_semaphore, #tpu.memory_space<semaphore_mem>>) src(%arg10 : memref<128x64xf32, #tpu.memory_space<vmem>>) dst(%dma_wait3A_253 : memref<10240x64xf32, #tpu.memory_space<vmem_shared>>)
      } else {
      }
      %add3A_202 = arith.constant 4 : i32
      %add3A_203 = arith.addi %add3A_196, %add3A_202 : i32
      %lt3A_204 = arith.constant 80 : i32
      %lt3A_205 = arith.cmpi slt, %add3A_203, %lt3A_204 : i32
      %convert_element_type3A_206 = arith.extui %lt3A_205 : i1 to i32
      %cond3A_207 = arith.constant 0 : i32
      %cond3A_208 = arith.cmpi ne, %convert_element_type3A_206, %cond3A_207 : i32
      scf.if %cond3A_208 {
        %add3A_247 = arith.constant 4 : i32
        %add3A_248 = arith.addi %add3A_196, %add3A_247 : i32
        %dma_start3A_249 = arith.constant 0 : i32
        %dma_start3A_250 = tpu.memref_slice %arg6[%add3A_248, %dma_start3A_249] : memref<80x128xi32, #tpu.memory_space<vmem>> -> memref<1x128xi32, #tpu.memory_space<vmem>>
        %dma_start3A_251 = tpu.memref_squeeze %dma_start3A_250 : memref<1x128xi32, #tpu.memory_space<vmem>> -> memref<128xi32, #tpu.memory_space<vmem>>
        %dma_start3A_252 = arith.constant 0 : i32
        %dma_start3A_253 = arith.constant 0 : i32
        %dma_start3A_254 = tpu.memref_slice %arg2[%dma_start3A_252, %dma_start3A_253] : memref<10000x64xf32, #tpu.memory_space<hbm>> -> memref<10000x64xf32, #tpu.memory_space<hbm>>
        tpu.enqueue_indirect_dma source(%dma_start3A_254 : memref<10000x64xf32, #tpu.memory_space<hbm>>) target(%arg10 : memref<128x64xf32, #tpu.memory_space<vmem>>) offsets(%dma_start3A_251 : memref<128xi32, #tpu.memory_space<vmem>>) semaphore(%arg16 : memref<!tpu.dma_semaphore, #tpu.memory_space<semaphore_mem>>)
      } else {
      }
      %dma_wait3A_209 = arith.constant 0 : i32
      %dma_wait3A_210 = tpu.memref_slice %arg6[%add3A_196, %dma_wait3A_209] : memref<80x128xi32, #tpu.memory_space<vmem>> -> memref<1x128xi32, #tpu.memory_space<vmem>>
      %dma_wait3A_211 = tpu.memref_squeeze %dma_wait3A_210 : memref<1x128xi32, #tpu.memory_space<vmem>> -> memref<128xi32, #tpu.memory_space<vmem>>
      %dma_wait3A_212 = arith.constant 0 : i32
      %dma_wait3A_213 = arith.constant 0 : i32
      %dma_wait3A_214 = tpu.memref_slice %arg2[%dma_wait3A_212, %dma_wait3A_213] : memref<10000x64xf32, #tpu.memory_space<hbm>> -> memref<10000x64xf32, #tpu.memory_space<hbm>>
      tpu.wait_indirect_dma semaphore(%arg17 : memref<!tpu.dma_semaphore, #tpu.memory_space<semaphore_mem>>) src(%dma_wait3A_214 : memref<10000x64xf32, #tpu.memory_space<hbm>>) dst(%arg11 : memref<128x64xf32, #tpu.memory_space<vmem>>)
      %dma_start3A_215 = arith.constant 0 : i32
      %dma_start3A_216 = tpu.memref_slice %arg7[%add3A_196, %dma_start3A_215] : memref<80x128xi32, #tpu.memory_space<vmem>> -> memref<1x128xi32, #tpu.memory_space<vmem>>
      %dma_start3A_217 = tpu.memref_squeeze %dma_start3A_216 : memref<1x128xi32, #tpu.memory_space<vmem>> -> memref<128xi32, #tpu.memory_space<vmem>>
      %dma_start3A_218 = arith.constant 0 : i32
      %dma_start3A_219 = arith.constant 0 : i32
      %dma_start3A_220 = tpu.memref_slice %arg13[%dma_start3A_218, %dma_start3A_219] : memref<10240x64xf32, #tpu.memory_space<vmem_shared>> -> memref<10240x64xf32, #tpu.memory_space<vmem_shared>>
      tpu.enqueue_indirect_dma source(%arg11 : memref<128x64xf32, #tpu.memory_space<vmem>>) target(%dma_start3A_220 : memref<10240x64xf32, #tpu.memory_space<vmem_shared>>) offsets(%dma_start3A_217 : memref<128xi32, #tpu.memory_space<vmem>>) semaphore(%arg22 : memref<!tpu.dma_semaphore, #tpu.memory_space<semaphore_mem>>) {add = true}
      %add3A_221 = arith.constant 4 : i32
      %add3A_222 = arith.addi %add3A_120, %add3A_221 : i32
      %ge3A_223 = arith.constant 1 : i32
      %ge3A_224 = arith.cmpi sge, %add3A_222, %ge3A_223 : i32
      %convert_element_type3A_225 = arith.extui %ge3A_224 : i1 to i32
      %cond3A_226 = arith.constant 0 : i32
      %cond3A_227 = arith.cmpi ne, %convert_element_type3A_225, %cond3A_226 : i32
      scf.if %cond3A_227 {
        %sub3A = arith.constant 1 : i32
        %sub3A_247 = arith.subi %add3A_222, %sub3A : i32
        %dma_wait3A_248 = arith.constant 0 : i32
        %dma_wait3A_249 = tpu.memref_slice %arg7[%sub3A_247, %dma_wait3A_248] : memref<80x128xi32, #tpu.memory_space<vmem>> -> memref<1x128xi32, #tpu.memory_space<vmem>>
        %dma_wait3A_250 = tpu.memref_squeeze %dma_wait3A_249 : memref<1x128xi32, #tpu.memory_space<vmem>> -> memref<128xi32, #tpu.memory_space<vmem>>
        %dma_wait3A_251 = arith.constant 0 : i32
        %dma_wait3A_252 = arith.constant 0 : i32
        %dma_wait3A_253 = tpu.memref_slice %arg13[%dma_wait3A_251, %dma_wait3A_252] : memref<10240x64xf32, #tpu.memory_space<vmem_shared>> -> memref<10240x64xf32, #tpu.memory_space<vmem_shared>>
        tpu.wait_indirect_dma semaphore(%arg22 : memref<!tpu.dma_semaphore, #tpu.memory_space<semaphore_mem>>) src(%arg11 : memref<128x64xf32, #tpu.memory_space<vmem>>) dst(%dma_wait3A_253 : memref<10240x64xf32, #tpu.memory_space<vmem_shared>>)
      } else {
      }
      %add3A_228 = arith.constant 4 : i32
      %add3A_229 = arith.addi %add3A_222, %add3A_228 : i32
      %lt3A_230 = arith.constant 80 : i32
      %lt3A_231 = arith.cmpi slt, %add3A_229, %lt3A_230 : i32
      %convert_element_type3A_232 = arith.extui %lt3A_231 : i1 to i32
      %cond3A_233 = arith.constant 0 : i32
      %cond3A_234 = arith.cmpi ne, %convert_element_type3A_232, %cond3A_233 : i32
      scf.if %cond3A_234 {
        %add3A_247 = arith.constant 4 : i32
        %add3A_248 = arith.addi %add3A_222, %add3A_247 : i32
        %dma_start3A_249 = arith.constant 0 : i32
        %dma_start3A_250 = tpu.memref_slice %arg6[%add3A_248, %dma_start3A_249] : memref<80x128xi32, #tpu.memory_space<vmem>> -> memref<1x128xi32, #tpu.memory_space<vmem>>
        %dma_start3A_251 = tpu.memref_squeeze %dma_start3A_250 : memref<1x128xi32, #tpu.memory_space<vmem>> -> memref<128xi32, #tpu.memory_space<vmem>>
        %dma_start3A_252 = arith.constant 0 : i32
        %dma_start3A_253 = arith.constant 0 : i32
        %dma_start3A_254 = tpu.memref_slice %arg2[%dma_start3A_252, %dma_start3A_253] : memref<10000x64xf32, #tpu.memory_space<hbm>> -> memref<10000x64xf32, #tpu.memory_space<hbm>>
        tpu.enqueue_indirect_dma source(%dma_start3A_254 : memref<10000x64xf32, #tpu.memory_space<hbm>>) target(%arg11 : memref<128x64xf32, #tpu.memory_space<vmem>>) offsets(%dma_start3A_251 : memref<128xi32, #tpu.memory_space<vmem>>) semaphore(%arg17 : memref<!tpu.dma_semaphore, #tpu.memory_space<semaphore_mem>>)
      } else {
      }
      %dma_wait3A_235 = arith.constant 0 : i32
      %dma_wait3A_236 = tpu.memref_slice %arg6[%add3A_222, %dma_wait3A_235] : memref<80x128xi32, #tpu.memory_space<vmem>> -> memref<1x128xi32, #tpu.memory_space<vmem>>
      %dma_wait3A_237 = tpu.memref_squeeze %dma_wait3A_236 : memref<1x128xi32, #tpu.memory_space<vmem>> -> memref<128xi32, #tpu.memory_space<vmem>>
      %dma_wait3A_238 = arith.constant 0 : i32
      %dma_wait3A_239 = arith.constant 0 : i32
      %dma_wait3A_240 = tpu.memref_slice %arg2[%dma_wait3A_238, %dma_wait3A_239] : memref<10000x64xf32, #tpu.memory_space<hbm>> -> memref<10000x64xf32, #tpu.memory_space<hbm>>
      tpu.wait_indirect_dma semaphore(%arg18 : memref<!tpu.dma_semaphore, #tpu.memory_space<semaphore_mem>>) src(%dma_wait3A_240 : memref<10000x64xf32, #tpu.memory_space<hbm>>) dst(%arg12 : memref<128x64xf32, #tpu.memory_space<vmem>>)
      %dma_start3A_241 = arith.constant 0 : i32
      %dma_start3A_242 = tpu.memref_slice %arg7[%add3A_222, %dma_start3A_241] : memref<80x128xi32, #tpu.memory_space<vmem>> -> memref<1x128xi32, #tpu.memory_space<vmem>>
      %dma_start3A_243 = tpu.memref_squeeze %dma_start3A_242 : memref<1x128xi32, #tpu.memory_space<vmem>> -> memref<128xi32, #tpu.memory_space<vmem>>
      %dma_start3A_244 = arith.constant 0 : i32
      %dma_start3A_245 = arith.constant 0 : i32
      %dma_start3A_246 = tpu.memref_slice %arg13[%dma_start3A_244, %dma_start3A_245] : memref<10240x64xf32, #tpu.memory_space<vmem_shared>> -> memref<10240x64xf32, #tpu.memory_space<vmem_shared>>
      tpu.enqueue_indirect_dma source(%arg12 : memref<128x64xf32, #tpu.memory_space<vmem>>) target(%dma_start3A_246 : memref<10240x64xf32, #tpu.memory_space<vmem_shared>>) offsets(%dma_start3A_243 : memref<128xi32, #tpu.memory_space<vmem>>) semaphore(%arg23 : memref<!tpu.dma_semaphore, #tpu.memory_space<semaphore_mem>>) {add = true}
    }
    %scan3A_68 = arith.constant 16 : i32
    %dma_wait3A = arith.constant 79 : i32
    "tpu.trace_stop"() : () -> ()
    "tpu.trace_start"() <{level = 10 : i32, message = "agg_drain"}> : () -> ()
    %dma_wait3A_69 = arith.constant 0 : i32
    %dma_wait3A_70 = tpu.memref_slice %arg7[%dma_wait3A, %dma_wait3A_69] : memref<80x128xi32, #tpu.memory_space<vmem>> -> memref<1x128xi32, #tpu.memory_space<vmem>>
    %dma_wait3A_71 = tpu.memref_squeeze %dma_wait3A_70 : memref<1x128xi32, #tpu.memory_space<vmem>> -> memref<128xi32, #tpu.memory_space<vmem>>
    %dma_wait3A_72 = arith.constant 0 : i32
    %dma_wait3A_73 = arith.constant 0 : i32
    %dma_wait3A_74 = tpu.memref_slice %arg13[%dma_wait3A_72, %dma_wait3A_73] : memref<10240x64xf32, #tpu.memory_space<vmem_shared>> -> memref<10240x64xf32, #tpu.memory_space<vmem_shared>>
    tpu.wait_indirect_dma semaphore(%arg23 : memref<!tpu.dma_semaphore, #tpu.memory_space<semaphore_mem>>) src(%arg12 : memref<128x64xf32, #tpu.memory_space<vmem>>) dst(%dma_wait3A_74 : memref<10240x64xf32, #tpu.memory_space<vmem_shared>>)
    "tpu.trace_stop"() : () -> ()
    "tpu.trace_start"() <{level = 10 : i32, message = "agg_barrier2"}> : () -> ()
    %barrier3A_75 = arith.constant 0 : index
    tpu.barrier barrier_id(%barrier3A_75)
    "tpu.trace_stop"() : () -> ()
    "tpu.trace_start"() <{level = 10 : i32, message = "agg_dump"}> : () -> ()
    %mul3A_76 = arith.constant 5 : i32
    %mul3A_77 = arith.muli %arg1, %mul3A_76 : i32
    %add3A_78 = arith.constant 0 : i32
    %add3A_79 = arith.addi %mul3A_77, %add3A_78 : i32
    %mul3A_80 = arith.constant 128 : i32
    %mul3A_81 = arith.muli %add3A_79, %mul3A_80 : i32
    %mul3A_82 = arith.constant 128 : i32
    %mul3A_83 = arith.muli %add3A_79, %mul3A_82 : i32
    "tpu.region"() ({
      %run_scoped3A = tpu.sem_alloc : memref<!tpu.dma_semaphore, #tpu.memory_space<semaphore_mem>>
      %dma_start3A_116 = arith.constant 0 : i32
      %dma_start3A_117 = tpu.memref_slice %arg5[%arg0, %mul3A_83, %dma_start3A_116] : memref<2x10240x64xf32, #tpu.memory_space<hbm>> -> memref<1x128x64xf32, #tpu.memory_space<hbm>>
      %dma_start3A_118 = tpu.memref_squeeze %dma_start3A_117 : memref<1x128x64xf32, #tpu.memory_space<hbm>> -> memref<128x64xf32, #tpu.memory_space<hbm>>
      %dma_start3A_119 = arith.constant 0 : i32
      %dma_start3A_120 = tpu.memref_slice %arg13[%mul3A_81, %dma_start3A_119] : memref<10240x64xf32, #tpu.memory_space<vmem_shared>> -> memref<128x64xf32, #tpu.memory_space<vmem_shared>>
      tpu.enqueue_dma source(%dma_start3A_120 : memref<128x64xf32, #tpu.memory_space<vmem_shared>>) target(%dma_start3A_118 : memref<128x64xf32, #tpu.memory_space<hbm>>) target_semaphore(%run_scoped3A : memref<!tpu.dma_semaphore, #tpu.memory_space<semaphore_mem>>)
      %dma_wait3A_121 = arith.constant 0 : i32
      %dma_wait3A_122 = tpu.memref_slice %arg5[%arg0, %mul3A_83, %dma_wait3A_121] : memref<2x10240x64xf32, #tpu.memory_space<hbm>> -> memref<1x128x64xf32, #tpu.memory_space<hbm>>
      %dma_wait3A_123 = tpu.memref_squeeze %dma_wait3A_122 : memref<1x128x64xf32, #tpu.memory_space<hbm>> -> memref<128x64xf32, #tpu.memory_space<hbm>>
      %dma_wait3A_124 = arith.constant 0 : i32
      %dma_wait3A_125 = tpu.memref_slice %arg13[%mul3A_81, %dma_wait3A_124] : memref<10240x64xf32, #tpu.memory_space<vmem_shared>> -> memref<128x64xf32, #tpu.memory_space<vmem_shared>>
      tpu.wait_dma2 semaphore(%run_scoped3A : memref<!tpu.dma_semaphore, #tpu.memory_space<semaphore_mem>>) src(%dma_wait3A_125 : memref<128x64xf32, #tpu.memory_space<vmem_shared>>) dst(%dma_wait3A_123 : memref<128x64xf32, #tpu.memory_space<hbm>>)
      tpu.yield
    }) : () -> ()
    %mul3A_84 = arith.constant 5 : i32
    %mul3A_85 = arith.muli %arg1, %mul3A_84 : i32
    %add3A_86 = arith.constant 1 : i32
    %add3A_87 = arith.addi %mul3A_85, %add3A_86 : i32
    %mul3A_88 = arith.constant 128 : i32
    %mul3A_89 = arith.muli %add3A_87, %mul3A_88 : i32
    %mul3A_90 = arith.constant 128 : i32
    %mul3A_91 = arith.muli %add3A_87, %mul3A_90 : i32
    "tpu.region"() ({
      %run_scoped3A = tpu.sem_alloc : memref<!tpu.dma_semaphore, #tpu.memory_space<semaphore_mem>>
      %dma_start3A_116 = arith.constant 0 : i32
      %dma_start3A_117 = tpu.memref_slice %arg5[%arg0, %mul3A_91, %dma_start3A_116] : memref<2x10240x64xf32, #tpu.memory_space<hbm>> -> memref<1x128x64xf32, #tpu.memory_space<hbm>>
      %dma_start3A_118 = tpu.memref_squeeze %dma_start3A_117 : memref<1x128x64xf32, #tpu.memory_space<hbm>> -> memref<128x64xf32, #tpu.memory_space<hbm>>
      %dma_start3A_119 = arith.constant 0 : i32
      %dma_start3A_120 = tpu.memref_slice %arg13[%mul3A_89, %dma_start3A_119] : memref<10240x64xf32, #tpu.memory_space<vmem_shared>> -> memref<128x64xf32, #tpu.memory_space<vmem_shared>>
      tpu.enqueue_dma source(%dma_start3A_120 : memref<128x64xf32, #tpu.memory_space<vmem_shared>>) target(%dma_start3A_118 : memref<128x64xf32, #tpu.memory_space<hbm>>) target_semaphore(%run_scoped3A : memref<!tpu.dma_semaphore, #tpu.memory_space<semaphore_mem>>)
      %dma_wait3A_121 = arith.constant 0 : i32
      %dma_wait3A_122 = tpu.memref_slice %arg5[%arg0, %mul3A_91, %dma_wait3A_121] : memref<2x10240x64xf32, #tpu.memory_space<hbm>> -> memref<1x128x64xf32, #tpu.memory_space<hbm>>
      %dma_wait3A_123 = tpu.memref_squeeze %dma_wait3A_122 : memref<1x128x64xf32, #tpu.memory_space<hbm>> -> memref<128x64xf32, #tpu.memory_space<hbm>>
      %dma_wait3A_124 = arith.constant 0 : i32
      %dma_wait3A_125 = tpu.memref_slice %arg13[%mul3A_89, %dma_wait3A_124] : memref<10240x64xf32, #tpu.memory_space<vmem_shared>> -> memref<128x64xf32, #tpu.memory_space<vmem_shared>>
      tpu.wait_dma2 semaphore(%run_scoped3A : memref<!tpu.dma_semaphore, #tpu.memory_space<semaphore_mem>>) src(%dma_wait3A_125 : memref<128x64xf32, #tpu.memory_space<vmem_shared>>) dst(%dma_wait3A_123 : memref<128x64xf32, #tpu.memory_space<hbm>>)
      tpu.yield
    }) : () -> ()
    %mul3A_92 = arith.constant 5 : i32
    %mul3A_93 = arith.muli %arg1, %mul3A_92 : i32
    %add3A_94 = arith.constant 2 : i32
    %add3A_95 = arith.addi %mul3A_93, %add3A_94 : i32
    %mul3A_96 = arith.constant 128 : i32
    %mul3A_97 = arith.muli %add3A_95, %mul3A_96 : i32
    %mul3A_98 = arith.constant 128 : i32
    %mul3A_99 = arith.muli %add3A_95, %mul3A_98 : i32
    "tpu.region"() ({
      %run_scoped3A = tpu.sem_alloc : memref<!tpu.dma_semaphore, #tpu.memory_space<semaphore_mem>>
      %dma_start3A_116 = arith.constant 0 : i32
      %dma_start3A_117 = tpu.memref_slice %arg5[%arg0, %mul3A_99, %dma_start3A_116] : memref<2x10240x64xf32, #tpu.memory_space<hbm>> -> memref<1x128x64xf32, #tpu.memory_space<hbm>>
      %dma_start3A_118 = tpu.memref_squeeze %dma_start3A_117 : memref<1x128x64xf32, #tpu.memory_space<hbm>> -> memref<128x64xf32, #tpu.memory_space<hbm>>
      %dma_start3A_119 = arith.constant 0 : i32
      %dma_start3A_120 = tpu.memref_slice %arg13[%mul3A_97, %dma_start3A_119] : memref<10240x64xf32, #tpu.memory_space<vmem_shared>> -> memref<128x64xf32, #tpu.memory_space<vmem_shared>>
      tpu.enqueue_dma source(%dma_start3A_120 : memref<128x64xf32, #tpu.memory_space<vmem_shared>>) target(%dma_start3A_118 : memref<128x64xf32, #tpu.memory_space<hbm>>) target_semaphore(%run_scoped3A : memref<!tpu.dma_semaphore, #tpu.memory_space<semaphore_mem>>)
      %dma_wait3A_121 = arith.constant 0 : i32
      %dma_wait3A_122 = tpu.memref_slice %arg5[%arg0, %mul3A_99, %dma_wait3A_121] : memref<2x10240x64xf32, #tpu.memory_space<hbm>> -> memref<1x128x64xf32, #tpu.memory_space<hbm>>
      %dma_wait3A_123 = tpu.memref_squeeze %dma_wait3A_122 : memref<1x128x64xf32, #tpu.memory_space<hbm>> -> memref<128x64xf32, #tpu.memory_space<hbm>>
      %dma_wait3A_124 = arith.constant 0 : i32
      %dma_wait3A_125 = tpu.memref_slice %arg13[%mul3A_97, %dma_wait3A_124] : memref<10240x64xf32, #tpu.memory_space<vmem_shared>> -> memref<128x64xf32, #tpu.memory_space<vmem_shared>>
      tpu.wait_dma2 semaphore(%run_scoped3A : memref<!tpu.dma_semaphore, #tpu.memory_space<semaphore_mem>>) src(%dma_wait3A_125 : memref<128x64xf32, #tpu.memory_space<vmem_shared>>) dst(%dma_wait3A_123 : memref<128x64xf32, #tpu.memory_space<hbm>>)
      tpu.yield
    }) : () -> ()
    %mul3A_100 = arith.constant 5 : i32
    %mul3A_101 = arith.muli %arg1, %mul3A_100 : i32
    %add3A_102 = arith.constant 3 : i32
    %add3A_103 = arith.addi %mul3A_101, %add3A_102 : i32
    %mul3A_104 = arith.constant 128 : i32
    %mul3A_105 = arith.muli %add3A_103, %mul3A_104 : i32
    %mul3A_106 = arith.constant 128 : i32
    %mul3A_107 = arith.muli %add3A_103, %mul3A_106 : i32
    "tpu.region"() ({
      %run_scoped3A = tpu.sem_alloc : memref<!tpu.dma_semaphore, #tpu.memory_space<semaphore_mem>>
      %dma_start3A_116 = arith.constant 0 : i32
      %dma_start3A_117 = tpu.memref_slice %arg5[%arg0, %mul3A_107, %dma_start3A_116] : memref<2x10240x64xf32, #tpu.memory_space<hbm>> -> memref<1x128x64xf32, #tpu.memory_space<hbm>>
      %dma_start3A_118 = tpu.memref_squeeze %dma_start3A_117 : memref<1x128x64xf32, #tpu.memory_space<hbm>> -> memref<128x64xf32, #tpu.memory_space<hbm>>
      %dma_start3A_119 = arith.constant 0 : i32
      %dma_start3A_120 = tpu.memref_slice %arg13[%mul3A_105, %dma_start3A_119] : memref<10240x64xf32, #tpu.memory_space<vmem_shared>> -> memref<128x64xf32, #tpu.memory_space<vmem_shared>>
      tpu.enqueue_dma source(%dma_start3A_120 : memref<128x64xf32, #tpu.memory_space<vmem_shared>>) target(%dma_start3A_118 : memref<128x64xf32, #tpu.memory_space<hbm>>) target_semaphore(%run_scoped3A : memref<!tpu.dma_semaphore, #tpu.memory_space<semaphore_mem>>)
      %dma_wait3A_121 = arith.constant 0 : i32
      %dma_wait3A_122 = tpu.memref_slice %arg5[%arg0, %mul3A_107, %dma_wait3A_121] : memref<2x10240x64xf32, #tpu.memory_space<hbm>> -> memref<1x128x64xf32, #tpu.memory_space<hbm>>
      %dma_wait3A_123 = tpu.memref_squeeze %dma_wait3A_122 : memref<1x128x64xf32, #tpu.memory_space<hbm>> -> memref<128x64xf32, #tpu.memory_space<hbm>>
      %dma_wait3A_124 = arith.constant 0 : i32
      %dma_wait3A_125 = tpu.memref_slice %arg13[%mul3A_105, %dma_wait3A_124] : memref<10240x64xf32, #tpu.memory_space<vmem_shared>> -> memref<128x64xf32, #tpu.memory_space<vmem_shared>>
      tpu.wait_dma2 semaphore(%run_scoped3A : memref<!tpu.dma_semaphore, #tpu.memory_space<semaphore_mem>>) src(%dma_wait3A_125 : memref<128x64xf32, #tpu.memory_space<vmem_shared>>) dst(%dma_wait3A_123 : memref<128x64xf32, #tpu.memory_space<hbm>>)
      tpu.yield
    }) : () -> ()
    %mul3A_108 = arith.constant 5 : i32
    %mul3A_109 = arith.muli %arg1, %mul3A_108 : i32
    %add3A_110 = arith.constant 4 : i32
    %add3A_111 = arith.addi %mul3A_109, %add3A_110 : i32
    %mul3A_112 = arith.constant 128 : i32
    %mul3A_113 = arith.muli %add3A_111, %mul3A_112 : i32
    %mul3A_114 = arith.constant 128 : i32
    %mul3A_115 = arith.muli %add3A_111, %mul3A_114 : i32
    "tpu.region"() ({
      %run_scoped3A = tpu.sem_alloc : memref<!tpu.dma_semaphore, #tpu.memory_space<semaphore_mem>>
      %dma_start3A_116 = arith.constant 0 : i32
      %dma_start3A_117 = tpu.memref_slice %arg5[%arg0, %mul3A_115, %dma_start3A_116] : memref<2x10240x64xf32, #tpu.memory_space<hbm>> -> memref<1x128x64xf32, #tpu.memory_space<hbm>>
      %dma_start3A_118 = tpu.memref_squeeze %dma_start3A_117 : memref<1x128x64xf32, #tpu.memory_space<hbm>> -> memref<128x64xf32, #tpu.memory_space<hbm>>
      %dma_start3A_119 = arith.constant 0 : i32
      %dma_start3A_120 = tpu.memref_slice %arg13[%mul3A_113, %dma_start3A_119] : memref<10240x64xf32, #tpu.memory_space<vmem_shared>> -> memref<128x64xf32, #tpu.memory_space<vmem_shared>>
      tpu.enqueue_dma source(%dma_start3A_120 : memref<128x64xf32, #tpu.memory_space<vmem_shared>>) target(%dma_start3A_118 : memref<128x64xf32, #tpu.memory_space<hbm>>) target_semaphore(%run_scoped3A : memref<!tpu.dma_semaphore, #tpu.memory_space<semaphore_mem>>)
      %dma_wait3A_121 = arith.constant 0 : i32
      %dma_wait3A_122 = tpu.memref_slice %arg5[%arg0, %mul3A_115, %dma_wait3A_121] : memref<2x10240x64xf32, #tpu.memory_space<hbm>> -> memref<1x128x64xf32, #tpu.memory_space<hbm>>
      %dma_wait3A_123 = tpu.memref_squeeze %dma_wait3A_122 : memref<1x128x64xf32, #tpu.memory_space<hbm>> -> memref<128x64xf32, #tpu.memory_space<hbm>>
      %dma_wait3A_124 = arith.constant 0 : i32
      %dma_wait3A_125 = tpu.memref_slice %arg13[%mul3A_113, %dma_wait3A_124] : memref<10240x64xf32, #tpu.memory_space<vmem_shared>> -> memref<128x64xf32, #tpu.memory_space<vmem_shared>>
      tpu.wait_dma2 semaphore(%run_scoped3A : memref<!tpu.dma_semaphore, #tpu.memory_space<semaphore_mem>>) src(%dma_wait3A_125 : memref<128x64xf32, #tpu.memory_space<vmem_shared>>) dst(%dma_wait3A_123 : memref<128x64xf32, #tpu.memory_space<hbm>>)
      tpu.yield
    }) : () -> ()
    "tpu.trace_stop"() : () -> ()
    return
  }
}

#map = affine_map<(d0, d1) -> (0, 0)>
#map1 = affine_map<(d0, d1) -> (0, 0, 0)>
module attributes {stable_mosaic.version = 14 : i64} {
  func.func @agg(%arg0: i32, %arg1: i32, %arg2: memref<10000x64xf32, #tpu.memory_space<hbm>>, %arg3: memref<2560x128xi32, #tpu.memory_space<hbm>>, %arg4: memref<2560x128xi32, #tpu.memory_space<hbm>>, %arg5: memref<2x10240x64xf32, #tpu.memory_space<hbm>>, %arg6: memref<80x128xi32, #tpu.memory_space<vmem>>, %arg7: memref<80x128xi32, #tpu.memory_space<vmem>>, %arg8: memref<128x64xf32, #tpu.memory_space<vmem>>, %arg9: memref<128x64xf32, #tpu.memory_space<vmem>>, %arg10: memref<128x64xf32, #tpu.memory_space<vmem>>, %arg11: memref<128x64xf32, #tpu.memory_space<vmem>>, %arg12: memref<128x64xf32, #tpu.memory_space<vmem>>, %arg13: memref<10240x64xf32, #tpu.memory_space<vmem_shared>>, %arg14: memref<!tpu.dma_semaphore, #tpu.memory_space<semaphore_mem>>, %arg15: memref<!tpu.dma_semaphore, #tpu.memory_space<semaphore_mem>>, %arg16: memref<!tpu.dma_semaphore, #tpu.memory_space<semaphore_mem>>, %arg17: memref<!tpu.dma_semaphore, #tpu.memory_space<semaphore_mem>>, %arg18: memref<!tpu.dma_semaphore, #tpu.memory_space<semaphore_mem>>, %arg19: memref<!tpu.dma_semaphore, #tpu.memory_space<semaphore_mem>>, %arg20: memref<!tpu.dma_semaphore, #tpu.memory_space<semaphore_mem>>, %arg21: memref<!tpu.dma_semaphore, #tpu.memory_space<semaphore_mem>>, %arg22: memref<!tpu.dma_semaphore, #tpu.memory_space<semaphore_mem>>, %arg23: memref<!tpu.dma_semaphore, #tpu.memory_space<semaphore_mem>>) attributes {dimension_semantics = [#tpu.dimension_semantics<core_parallel>, #tpu.dimension_semantics<subcore_parallel>], iteration_bounds = array<i64: 2, 16>, scalar_prefetch = 0 : i64, scratch_operands = 18 : i64, tpu.core_type = #tpu.core_type<sc_vector_subcore>, window_params = [{transform_indices = #map}, {transform_indices = #map}, {transform_indices = #map}, {transform_indices = #map1}]} {
    "tpu.trace_start"() <{level = 10 : i32, message = "agg_zero"}> : () -> ()
    %scan3A = arith.constant 0 : i32
    %scan3A_0 = arith.constant 128 : i32
    %scan3A_1 = arith.addi %scan3A, %scan3A_0 : i32
    %scan3A_2 = arith.constant 1 : i32
    scf.for %scan3A_116 = %scan3A to %scan3A_1 step %scan3A_2  : i32 {
      %mul3A_117 = arith.constant 1 : i32
      %mul3A_118 = arith.muli %scan3A_116, %mul3A_117 : i32
      %add3A_119 = arith.constant 0 : i32
      %add3A_120 = arith.addi %add3A_119, %mul3A_118 : i32
      %scan3A_121 = arith.constant 0 : i32
      %scan3A_122 = arith.constant 4 : i32
      %scan3A_123 = arith.addi %scan3A_121, %scan3A_122 : i32
      %scan3A_124 = arith.constant 1 : i32
      scf.for %scan3A_126 = %scan3A_121 to %scan3A_123 step %scan3A_124  : i32 {
        %mul3A_127 = arith.constant 1 : i32
        %mul3A_128 = arith.muli %scan3A_126, %mul3A_127 : i32
        %add3A_129 = arith.constant 0 : i32
        %add3A_130 = arith.addi %add3A_129, %mul3A_128 : i32
        %broadcast_in_dim3A = arith.constant 0.000000e+00 : f32
        %broadcast_in_dim3A_131 = vector.broadcast %broadcast_in_dim3A : f32 to vector<16xf32>
        %mul3A_132 = arith.constant 16 : i32
        %mul3A_133 = arith.muli %add3A_130, %mul3A_132 : i32
        %swap3A = arith.index_cast %add3A_120 : i32 to index
        %swap3A_134 = arith.index_cast %mul3A_133 : i32 to index
        %swap3A_135 = tpu.vector_load %arg8[%swap3A, %swap3A_134] {strides = array<i32>} : memref<128x64xf32, #tpu.memory_space<vmem>>, vector<1x16xf32>,
        %swap3A_136 = vector.shape_cast %swap3A_135 : vector<1x16xf32> to vector<16xf32>
        %swap3A_137 = vector.shape_cast %broadcast_in_dim3A_131 : vector<16xf32> to vector<1x16xf32>
        tpu.vector_store %arg8[%swap3A, %swap3A_134], %swap3A_137 {strides = array<i32>} : memref<128x64xf32, #tpu.memory_space<vmem>>, vector<1x16xf32>,
      }
      %scan3A_125 = arith.constant 4 : i32
    }
    %scan3A_3 = arith.constant 128 : i32
    %mul3A = arith.constant 5 : i32
    %mul3A_4 = arith.muli %arg1, %mul3A : i32
    %add3A = arith.constant 0 : i32
    %add3A_5 = arith.addi %mul3A_4, %add3A : i32
    %mul3A_6 = arith.constant 128 : i32
    %mul3A_7 = arith.muli %add3A_5, %mul3A_6 : i32
    "tpu.region"() ({
      %run_scoped3A = tpu.sem_alloc : memref<!tpu.dma_semaphore, #tpu.memory_space<semaphore_mem>>
      %dma_start3A_116 = arith.constant 0 : i32
      %dma_start3A_117 = tpu.memref_slice %arg13[%mul3A_7, %dma_start3A_116] : memref<10240x64xf32, #tpu.memory_space<vmem_shared>> -> memref<128x64xf32, #tpu.memory_space<vmem_shared>>
      %dma_start3A_118 = arith.constant 0 : i32
      %dma_start3A_119 = tpu.memref_slice %arg13[%mul3A_7, %dma_start3A_118] : memref<10240x64xf32, #tpu.memory_space<vmem_shared>> -> memref<128x64xf32, #tpu.memory_space<vmem_shared>>
      tpu.enqueue_dma source(%arg8 : memref<128x64xf32, #tpu.memory_space<vmem>>) target(%dma_start3A_119 : memref<128x64xf32, #tpu.memory_space<vmem_shared>>) target_semaphore(%run_scoped3A : memref<!tpu.dma_semaphore, #tpu.memory_space<semaphore_mem>>)
      %dma_wait3A_120 = arith.constant 0 : i32
      %dma_wait3A_121 = tpu.memref_slice %arg13[%mul3A_7, %dma_wait3A_120] : memref<10240x64xf32, #tpu.memory_space<vmem_shared>> -> memref<128x64xf32, #tpu.memory_space<vmem_shared>>
      %dma_wait3A_122 = arith.constant 0 : i32
      %dma_wait3A_123 = tpu.memref_slice %arg13[%mul3A_7, %dma_wait3A_122] : memref<10240x64xf32, #tpu.memory_space<vmem_shared>> -> memref<128x64xf32, #tpu.memory_space<vmem_shared>>
      tpu.wait_dma2 semaphore(%run_scoped3A : memref<!tpu.dma_semaphore, #tpu.memory_space<semaphore_mem>>) src(%arg8 : memref<128x64xf32, #tpu.memory_space<vmem>>) dst(%dma_wait3A_123 : memref<128x64xf32, #tpu.memory_space<vmem_shared>>)
      tpu.yield
    }) : () -> ()
    %mul3A_8 = arith.constant 5 : i32
    %mul3A_9 = arith.muli %arg1, %mul3A_8 : i32
    %add3A_10 = arith.constant 1 : i32
    %add3A_11 = arith.addi %mul3A_9, %add3A_10 : i32
    %mul3A_12 = arith.constant 128 : i32
    %mul3A_13 = arith.muli %add3A_11, %mul3A_12 : i32
    "tpu.region"() ({
      %run_scoped3A = tpu.sem_alloc : memref<!tpu.dma_semaphore, #tpu.memory_space<semaphore_mem>>
      %dma_start3A_116 = arith.constant 0 : i32
      %dma_start3A_117 = tpu.memref_slice %arg13[%mul3A_13, %dma_start3A_116] : memref<10240x64xf32, #tpu.memory_space<vmem_shared>> -> memref<128x64xf32, #tpu.memory_space<vmem_shared>>
      %dma_start3A_118 = arith.constant 0 : i32
      %dma_start3A_119 = tpu.memref_slice %arg13[%mul3A_13, %dma_start3A_118] : memref<10240x64xf32, #tpu.memory_space<vmem_shared>> -> memref<128x64xf32, #tpu.memory_space<vmem_shared>>
      tpu.enqueue_dma source(%arg8 : memref<128x64xf32, #tpu.memory_space<vmem>>) target(%dma_start3A_119 : memref<128x64xf32, #tpu.memory_space<vmem_shared>>) target_semaphore(%run_scoped3A : memref<!tpu.dma_semaphore, #tpu.memory_space<semaphore_mem>>)
      %dma_wait3A_120 = arith.constant 0 : i32
      %dma_wait3A_121 = tpu.memref_slice %arg13[%mul3A_13, %dma_wait3A_120] : memref<10240x64xf32, #tpu.memory_space<vmem_shared>> -> memref<128x64xf32, #tpu.memory_space<vmem_shared>>
      %dma_wait3A_122 = arith.constant 0 : i32
      %dma_wait3A_123 = tpu.memref_slice %arg13[%mul3A_13, %dma_wait3A_122] : memref<10240x64xf32, #tpu.memory_space<vmem_shared>> -> memref<128x64xf32, #tpu.memory_space<vmem_shared>>
      tpu.wait_dma2 semaphore(%run_scoped3A : memref<!tpu.dma_semaphore, #tpu.memory_space<semaphore_mem>>) src(%arg8 : memref<128x64xf32, #tpu.memory_space<vmem>>) dst(%dma_wait3A_123 : memref<128x64xf32, #tpu.memory_space<vmem_shared>>)
      tpu.yield
    }) : () -> ()
    %mul3A_14 = arith.constant 5 : i32
    %mul3A_15 = arith.muli %arg1, %mul3A_14 : i32
    %add3A_16 = arith.constant 2 : i32
    %add3A_17 = arith.addi %mul3A_15, %add3A_16 : i32
    %mul3A_18 = arith.constant 128 : i32
    %mul3A_19 = arith.muli %add3A_17, %mul3A_18 : i32
    "tpu.region"() ({
      %run_scoped3A = tpu.sem_alloc : memref<!tpu.dma_semaphore, #tpu.memory_space<semaphore_mem>>
      %dma_start3A_116 = arith.constant 0 : i32
      %dma_start3A_117 = tpu.memref_slice %arg13[%mul3A_19, %dma_start3A_116] : memref<10240x64xf32, #tpu.memory_space<vmem_shared>> -> memref<128x64xf32, #tpu.memory_space<vmem_shared>>
      %dma_start3A_118 = arith.constant 0 : i32
      %dma_start3A_119 = tpu.memref_slice %arg13[%mul3A_19, %dma_start3A_118] : memref<10240x64xf32, #tpu.memory_space<vmem_shared>> -> memref<128x64xf32, #tpu.memory_space<vmem_shared>>
      tpu.enqueue_dma source(%arg8 : memref<128x64xf32, #tpu.memory_space<vmem>>) target(%dma_start3A_119 : memref<128x64xf32, #tpu.memory_space<vmem_shared>>) target_semaphore(%run_scoped3A : memref<!tpu.dma_semaphore, #tpu.memory_space<semaphore_mem>>)
      %dma_wait3A_120 = arith.constant 0 : i32
      %dma_wait3A_121 = tpu.memref_slice %arg13[%mul3A_19, %dma_wait3A_120] : memref<10240x64xf32, #tpu.memory_space<vmem_shared>> -> memref<128x64xf32, #tpu.memory_space<vmem_shared>>
      %dma_wait3A_122 = arith.constant 0 : i32
      %dma_wait3A_123 = tpu.memref_slice %arg13[%mul3A_19, %dma_wait3A_122] : memref<10240x64xf32, #tpu.memory_space<vmem_shared>> -> memref<128x64xf32, #tpu.memory_space<vmem_shared>>
      tpu.wait_dma2 semaphore(%run_scoped3A : memref<!tpu.dma_semaphore, #tpu.memory_space<semaphore_mem>>) src(%arg8 : memref<128x64xf32, #tpu.memory_space<vmem>>) dst(%dma_wait3A_123 : memref<128x64xf32, #tpu.memory_space<vmem_shared>>)
      tpu.yield
    }) : () -> ()
    %mul3A_20 = arith.constant 5 : i32
    %mul3A_21 = arith.muli %arg1, %mul3A_20 : i32
    %add3A_22 = arith.constant 3 : i32
    %add3A_23 = arith.addi %mul3A_21, %add3A_22 : i32
    %mul3A_24 = arith.constant 128 : i32
    %mul3A_25 = arith.muli %add3A_23, %mul3A_24 : i32
    "tpu.region"() ({
      %run_scoped3A = tpu.sem_alloc : memref<!tpu.dma_semaphore, #tpu.memory_space<semaphore_mem>>
      %dma_start3A_116 = arith.constant 0 : i32
      %dma_start3A_117 = tpu.memref_slice %arg13[%mul3A_25, %dma_start3A_116] : memref<10240x64xf32, #tpu.memory_space<vmem_shared>> -> memref<128x64xf32, #tpu.memory_space<vmem_shared>>
      %dma_start3A_118 = arith.constant 0 : i32
      %dma_start3A_119 = tpu.memref_slice %arg13[%mul3A_25, %dma_start3A_118] : memref<10240x64xf32, #tpu.memory_space<vmem_shared>> -> memref<128x64xf32, #tpu.memory_space<vmem_shared>>
      tpu.enqueue_dma source(%arg8 : memref<128x64xf32, #tpu.memory_space<vmem>>) target(%dma_start3A_119 : memref<128x64xf32, #tpu.memory_space<vmem_shared>>) target_semaphore(%run_scoped3A : memref<!tpu.dma_semaphore, #tpu.memory_space<semaphore_mem>>)
      %dma_wait3A_120 = arith.constant 0 : i32
      %dma_wait3A_121 = tpu.memref_slice %arg13[%mul3A_25, %dma_wait3A_120] : memref<10240x64xf32, #tpu.memory_space<vmem_shared>> -> memref<128x64xf32, #tpu.memory_space<vmem_shared>>
      %dma_wait3A_122 = arith.constant 0 : i32
      %dma_wait3A_123 = tpu.memref_slice %arg13[%mul3A_25, %dma_wait3A_122] : memref<10240x64xf32, #tpu.memory_space<vmem_shared>> -> memref<128x64xf32, #tpu.memory_space<vmem_shared>>
      tpu.wait_dma2 semaphore(%run_scoped3A : memref<!tpu.dma_semaphore, #tpu.memory_space<semaphore_mem>>) src(%arg8 : memref<128x64xf32, #tpu.memory_space<vmem>>) dst(%dma_wait3A_123 : memref<128x64xf32, #tpu.memory_space<vmem_shared>>)
      tpu.yield
    }) : () -> ()
    %mul3A_26 = arith.constant 5 : i32
    %mul3A_27 = arith.muli %arg1, %mul3A_26 : i32
    %add3A_28 = arith.constant 4 : i32
    %add3A_29 = arith.addi %mul3A_27, %add3A_28 : i32
    %mul3A_30 = arith.constant 128 : i32
    %mul3A_31 = arith.muli %add3A_29, %mul3A_30 : i32
    "tpu.region"() ({
      %run_scoped3A = tpu.sem_alloc : memref<!tpu.dma_semaphore, #tpu.memory_space<semaphore_mem>>
      %dma_start3A_116 = arith.constant 0 : i32
      %dma_start3A_117 = tpu.memref_slice %arg13[%mul3A_31, %dma_start3A_116] : memref<10240x64xf32, #tpu.memory_space<vmem_shared>> -> memref<128x64xf32, #tpu.memory_space<vmem_shared>>
      %dma_start3A_118 = arith.constant 0 : i32
      %dma_start3A_119 = tpu.memref_slice %arg13[%mul3A_31, %dma_start3A_118] : memref<10240x64xf32, #tpu.memory_space<vmem_shared>> -> memref<128x64xf32, #tpu.memory_space<vmem_shared>>
      tpu.enqueue_dma source(%arg8 : memref<128x64xf32, #tpu.memory_space<vmem>>) target(%dma_start3A_119 : memref<128x64xf32, #tpu.memory_space<vmem_shared>>) target_semaphore(%run_scoped3A : memref<!tpu.dma_semaphore, #tpu.memory_space<semaphore_mem>>)
      %dma_wait3A_120 = arith.constant 0 : i32
      %dma_wait3A_121 = tpu.memref_slice %arg13[%mul3A_31, %dma_wait3A_120] : memref<10240x64xf32, #tpu.memory_space<vmem_shared>> -> memref<128x64xf32, #tpu.memory_space<vmem_shared>>
      %dma_wait3A_122 = arith.constant 0 : i32
      %dma_wait3A_123 = tpu.memref_slice %arg13[%mul3A_31, %dma_wait3A_122] : memref<10240x64xf32, #tpu.memory_space<vmem_shared>> -> memref<128x64xf32, #tpu.memory_space<vmem_shared>>
      tpu.wait_dma2 semaphore(%run_scoped3A : memref<!tpu.dma_semaphore, #tpu.memory_space<semaphore_mem>>) src(%arg8 : memref<128x64xf32, #tpu.memory_space<vmem>>) dst(%dma_wait3A_123 : memref<128x64xf32, #tpu.memory_space<vmem_shared>>)
      tpu.yield
    }) : () -> ()
    "tpu.trace_stop"() : () -> ()
    "tpu.trace_start"() <{level = 10 : i32, message = "agg_barrier1"}> : () -> ()
    %barrier3A = arith.constant 0 : index
    tpu.barrier barrier_id(%barrier3A)
    "tpu.trace_stop"() : () -> ()
    %mul3A_32 = arith.constant 16 : i32
    %mul3A_33 = arith.muli %arg0, %mul3A_32 : i32
    %add3A_34 = arith.addi %mul3A_33, %arg1 : i32
    %mul3A_35 = arith.constant 80 : i32
    %mul3A_36 = arith.muli %add3A_34, %mul3A_35 : i32
    "tpu.trace_start"() <{level = 10 : i32, message = "agg_idx"}> : () -> ()
    "tpu.region"() ({
      %run_scoped3A = tpu.sem_alloc : memref<!tpu.dma_semaphore, #tpu.memory_space<semaphore_mem>>
      %dma_start3A_116 = arith.constant 0 : i32
      %dma_start3A_117 = arith.constant 0 : i32
      %dma_start3A_118 = tpu.memref_slice %arg6[%dma_start3A_116, %dma_start3A_117] : memref<80x128xi32, #tpu.memory_space<vmem>> -> memref<80x128xi32, #tpu.memory_space<vmem>>
      %dma_start3A_119 = arith.constant 0 : i32
      %dma_start3A_120 = tpu.memref_slice %arg3[%mul3A_36, %dma_start3A_119] : memref<2560x128xi32, #tpu.memory_space<hbm>> -> memref<80x128xi32, #tpu.memory_space<hbm>>
      %dma_start3A_121 = arith.constant 0 : i32
      %dma_start3A_122 = arith.constant 0 : i32
      %dma_start3A_123 = tpu.memref_slice %arg6[%dma_start3A_121, %dma_start3A_122] : memref<80x128xi32, #tpu.memory_space<vmem>> -> memref<80x128xi32, #tpu.memory_space<vmem>>
      %dma_start3A_124 = arith.constant 0 : i32
      %dma_start3A_125 = tpu.memref_slice %arg3[%mul3A_36, %dma_start3A_124] : memref<2560x128xi32, #tpu.memory_space<hbm>> -> memref<80x128xi32, #tpu.memory_space<hbm>>
      tpu.enqueue_dma source(%dma_start3A_125 : memref<80x128xi32, #tpu.memory_space<hbm>>) target(%dma_start3A_123 : memref<80x128xi32, #tpu.memory_space<vmem>>) target_semaphore(%run_scoped3A : memref<!tpu.dma_semaphore, #tpu.memory_space<semaphore_mem>>)
      %dma_wait3A_126 = arith.constant 0 : i32
      %dma_wait3A_127 = arith.constant 0 : i32
      %dma_wait3A_128 = tpu.memref_slice %arg6[%dma_wait3A_126, %dma_wait3A_127] : memref<80x128xi32, #tpu.memory_space<vmem>> -> memref<80x128xi32, #tpu.memory_space<vmem>>
      %dma_wait3A_129 = arith.constant 0 : i32
      %dma_wait3A_130 = tpu.memref_slice %arg3[%mul3A_36, %dma_wait3A_129] : memref<2560x128xi32, #tpu.memory_space<hbm>> -> memref<80x128xi32, #tpu.memory_space<hbm>>
      %dma_wait3A_131 = arith.constant 0 : i32
      %dma_wait3A_132 = arith.constant 0 : i32
      %dma_wait3A_133 = tpu.memref_slice %arg6[%dma_wait3A_131, %dma_wait3A_132] : memref<80x128xi32, #tpu.memory_space<vmem>> -> memref<80x128xi32, #tpu.memory_space<vmem>>
      %dma_wait3A_134 = arith.constant 0 : i32
      %dma_wait3A_135 = tpu.memref_slice %arg3[%mul3A_36, %dma_wait3A_134] : memref<2560x128xi32, #tpu.memory_space<hbm>> -> memref<80x128xi32, #tpu.memory_space<hbm>>
      tpu.wait_dma2 semaphore(%run_scoped3A : memref<!tpu.dma_semaphore, #tpu.memory_space<semaphore_mem>>) src(%dma_wait3A_135 : memref<80x128xi32, #tpu.memory_space<hbm>>) dst(%dma_wait3A_133 : memref<80x128xi32, #tpu.memory_space<vmem>>)
      tpu.yield
    }) : () -> ()
    "tpu.region"() ({
      %run_scoped3A = tpu.sem_alloc : memref<!tpu.dma_semaphore, #tpu.memory_space<semaphore_mem>>
      %dma_start3A_116 = arith.constant 0 : i32
      %dma_start3A_117 = arith.constant 0 : i32
      %dma_start3A_118 = tpu.memref_slice %arg7[%dma_start3A_116, %dma_start3A_117] : memref<80x128xi32, #tpu.memory_space<vmem>> -> memref<80x128xi32, #tpu.memory_space<vmem>>
      %dma_start3A_119 = arith.constant 0 : i32
      %dma_start3A_120 = tpu.memref_slice %arg4[%mul3A_36, %dma_start3A_119] : memref<2560x128xi32, #tpu.memory_space<hbm>> -> memref<80x128xi32, #tpu.memory_space<hbm>>
      %dma_start3A_121 = arith.constant 0 : i32
      %dma_start3A_122 = arith.constant 0 : i32
      %dma_start3A_123 = tpu.memref_slice %arg7[%dma_start3A_121, %dma_start3A_122] : memref<80x128xi32, #tpu.memory_space<vmem>> -> memref<80x128xi32, #tpu.memory_space<vmem>>
      %dma_start3A_124 = arith.constant 0 : i32
      %dma_start3A_125 = tpu.memref_slice %arg4[%mul3A_36, %dma_start3A_124] : memref<2560x128xi32, #tpu.memory_space<hbm>> -> memref<80x128xi32, #tpu.memory_space<hbm>>
      tpu.enqueue_dma source(%dma_start3A_125 : memref<80x128xi32, #tpu.memory_space<hbm>>) target(%dma_start3A_123 : memref<80x128xi32, #tpu.memory_space<vmem>>) target_semaphore(%run_scoped3A : memref<!tpu.dma_semaphore, #tpu.memory_space<semaphore_mem>>)
      %dma_wait3A_126 = arith.constant 0 : i32
      %dma_wait3A_127 = arith.constant 0 : i32
      %dma_wait3A_128 = tpu.memref_slice %arg7[%dma_wait3A_126, %dma_wait3A_127] : memref<80x128xi32, #tpu.memory_space<vmem>> -> memref<80x128xi32, #tpu.memory_space<vmem>>
      %dma_wait3A_129 = arith.constant 0 : i32
      %dma_wait3A_130 = tpu.memref_slice %arg4[%mul3A_36, %dma_wait3A_129] : memref<2560x128xi32, #tpu.memory_space<hbm>> -> memref<80x128xi32, #tpu.memory_space<hbm>>
      %dma_wait3A_131 = arith.constant 0 : i32
      %dma_wait3A_132 = arith.constant 0 : i32
      %dma_wait3A_133 = tpu.memref_slice %arg7[%dma_wait3A_131, %dma_wait3A_132] : memref<80x128xi32, #tpu.memory_space<vmem>> -> memref<80x128xi32, #tpu.memory_space<vmem>>
      %dma_wait3A_134 = arith.constant 0 : i32
      %dma_wait3A_135 = tpu.memref_slice %arg4[%mul3A_36, %dma_wait3A_134] : memref<2560x128xi32, #tpu.memory_space<hbm>> -> memref<80x128xi32, #tpu.memory_space<hbm>>
      tpu.wait_dma2 semaphore(%run_scoped3A : memref<!tpu.dma_semaphore, #tpu.memory_space<semaphore_mem>>) src(%dma_wait3A_135 : memref<80x128xi32, #tpu.memory_space<hbm>>) dst(%dma_wait3A_133 : memref<80x128xi32, #tpu.memory_space<vmem>>)
      tpu.yield
    }) : () -> ()
    %dma_start3A = arith.constant 0 : i32
    "tpu.trace_stop"() : () -> ()
    %dma_start3A_37 = arith.constant 0 : i32
    %dma_start3A_38 = tpu.memref_slice %arg6[%dma_start3A, %dma_start3A_37] : memref<80x128xi32, #tpu.memory_space<vmem>> -> memref<1x128xi32, #tpu.memory_space<vmem>>
    %dma_start3A_39 = tpu.memref_squeeze %dma_start3A_38 : memref<1x128xi32, #tpu.memory_space<vmem>> -> memref<128xi32, #tpu.memory_space<vmem>>
    %dma_start3A_40 = arith.constant 0 : i32
    %dma_start3A_41 = arith.constant 0 : i32
    %dma_start3A_42 = tpu.memref_slice %arg2[%dma_start3A_40, %dma_start3A_41] : memref<10000x64xf32, #tpu.memory_space<hbm>> -> memref<10000x64xf32, #tpu.memory_space<hbm>>
    tpu.enqueue_indirect_dma source(%dma_start3A_42 : memref<10000x64xf32, #tpu.memory_space<hbm>>) target(%arg8 : memref<128x64xf32, #tpu.memory_space<vmem>>) offsets(%dma_start3A_39 : memref<128xi32, #tpu.memory_space<vmem>>) semaphore(%arg14 : memref<!tpu.dma_semaphore, #tpu.memory_space<semaphore_mem>>)
    %dma_start3A_43 = arith.constant 1 : i32
    %dma_start3A_44 = arith.constant 0 : i32
    %dma_start3A_45 = tpu.memref_slice %arg6[%dma_start3A_43, %dma_start3A_44] : memref<80x128xi32, #tpu.memory_space<vmem>> -> memref<1x128xi32, #tpu.memory_space<vmem>>
    %dma_start3A_46 = tpu.memref_squeeze %dma_start3A_45 : memref<1x128xi32, #tpu.memory_space<vmem>> -> memref<128xi32, #tpu.memory_space<vmem>>
    %dma_start3A_47 = arith.constant 0 : i32
    %dma_start3A_48 = arith.constant 0 : i32
    %dma_start3A_49 = tpu.memref_slice %arg2[%dma_start3A_47, %dma_start3A_48] : memref<10000x64xf32, #tpu.memory_space<hbm>> -> memref<10000x64xf32, #tpu.memory_space<hbm>>
    tpu.enqueue_indirect_dma source(%dma_start3A_49 : memref<10000x64xf32, #tpu.memory_space<hbm>>) target(%arg9 : memref<128x64xf32, #tpu.memory_space<vmem>>) offsets(%dma_start3A_46 : memref<128xi32, #tpu.memory_space<vmem>>) semaphore(%arg15 : memref<!tpu.dma_semaphore, #tpu.memory_space<semaphore_mem>>)
    %dma_start3A_50 = arith.constant 2 : i32
    %dma_start3A_51 = arith.constant 0 : i32
    %dma_start3A_52 = tpu.memref_slice %arg6[%dma_start3A_50, %dma_start3A_51] : memref<80x128xi32, #tpu.memory_space<vmem>> -> memref<1x128xi32, #tpu.memory_space<vmem>>
    %dma_start3A_53 = tpu.memref_squeeze %dma_start3A_52 : memref<1x128xi32, #tpu.memory_space<vmem>> -> memref<128xi32, #tpu.memory_space<vmem>>
    %dma_start3A_54 = arith.constant 0 : i32
    %dma_start3A_55 = arith.constant 0 : i32
    %dma_start3A_56 = tpu.memref_slice %arg2[%dma_start3A_54, %dma_start3A_55] : memref<10000x64xf32, #tpu.memory_space<hbm>> -> memref<10000x64xf32, #tpu.memory_space<hbm>>
    tpu.enqueue_indirect_dma source(%dma_start3A_56 : memref<10000x64xf32, #tpu.memory_space<hbm>>) target(%arg10 : memref<128x64xf32, #tpu.memory_space<vmem>>) offsets(%dma_start3A_53 : memref<128xi32, #tpu.memory_space<vmem>>) semaphore(%arg16 : memref<!tpu.dma_semaphore, #tpu.memory_space<semaphore_mem>>)
    %dma_start3A_57 = arith.constant 3 : i32
    %dma_start3A_58 = arith.constant 0 : i32
    %dma_start3A_59 = tpu.memref_slice %arg6[%dma_start3A_57, %dma_start3A_58] : memref<80x128xi32, #tpu.memory_space<vmem>> -> memref<1x128xi32, #tpu.memory_space<vmem>>
    %dma_start3A_60 = tpu.memref_squeeze %dma_start3A_59 : memref<1x128xi32, #tpu.memory_space<vmem>> -> memref<128xi32, #tpu.memory_space<vmem>>
    %dma_start3A_61 = arith.constant 0 : i32
    %dma_start3A_62 = arith.constant 0 : i32
    %dma_start3A_63 = tpu.memref_slice %arg2[%dma_start3A_61, %dma_start3A_62] : memref<10000x64xf32, #tpu.memory_space<hbm>> -> memref<10000x64xf32, #tpu.memory_space<hbm>>
    tpu.enqueue_indirect_dma source(%dma_start3A_63 : memref<10000x64xf32, #tpu.memory_space<hbm>>) target(%arg11 : memref<128x64xf32, #tpu.memory_space<vmem>>) offsets(%dma_start3A_60 : memref<128xi32, #tpu.memory_space<vmem>>) semaphore(%arg17 : memref<!tpu.dma_semaphore, #tpu.memory_space<semaphore_mem>>)
    "tpu.trace_start"() <{level = 10 : i32, message = "agg_ring"}> : () -> ()
    %scan3A_64 = arith.constant 0 : i32
    %scan3A_65 = arith.constant 16 : i32
    %scan3A_66 = arith.addi %scan3A_64, %scan3A_65 : i32
    %scan3A_67 = arith.constant 1 : i32
    scf.for %scan3A_116 = %scan3A_64 to %scan3A_66 step %scan3A_67  : i32 {
      %mul3A_117 = arith.constant 5 : i32
      %mul3A_118 = arith.muli %scan3A_116, %mul3A_117 : i32
      %add3A_119 = arith.constant 0 : i32
      %add3A_120 = arith.addi %add3A_119, %mul3A_118 : i32
      %add3A_121 = arith.constant 0 : i32
      %add3A_122 = arith.addi %add3A_120, %add3A_121 : i32
      %ge3A = arith.constant 1 : i32
      %ge3A_123 = arith.cmpi sge, %add3A_122, %ge3A : i32
      %convert_element_type3A = arith.extui %ge3A_123 : i1 to i32
      %cond3A = arith.constant 0 : i32
      %cond3A_124 = arith.cmpi ne, %convert_element_type3A, %cond3A : i32
      scf.if %cond3A_124 {
        %sub3A = arith.constant 1 : i32
        %sub3A_247 = arith.subi %add3A_122, %sub3A : i32
        %dma_wait3A_248 = arith.constant 0 : i32
        %dma_wait3A_249 = tpu.memref_slice %arg7[%sub3A_247, %dma_wait3A_248] : memref<80x128xi32, #tpu.memory_space<vmem>> -> memref<1x128xi32, #tpu.memory_space<vmem>>
        %dma_wait3A_250 = tpu.memref_squeeze %dma_wait3A_249 : memref<1x128xi32, #tpu.memory_space<vmem>> -> memref<128xi32, #tpu.memory_space<vmem>>
        %dma_wait3A_251 = arith.constant 0 : i32
        %dma_wait3A_252 = arith.constant 0 : i32
        %dma_wait3A_253 = tpu.memref_slice %arg13[%dma_wait3A_251, %dma_wait3A_252] : memref<10240x64xf32, #tpu.memory_space<vmem_shared>> -> memref<10240x64xf32, #tpu.memory_space<vmem_shared>>
        tpu.wait_indirect_dma semaphore(%arg23 : memref<!tpu.dma_semaphore, #tpu.memory_space<semaphore_mem>>) src(%arg12 : memref<128x64xf32, #tpu.memory_space<vmem>>) dst(%dma_wait3A_253 : memref<10240x64xf32, #tpu.memory_space<vmem_shared>>)
      } else {
      }
      %add3A_125 = arith.constant 4 : i32
      %add3A_126 = arith.addi %add3A_122, %add3A_125 : i32
      %lt3A = arith.constant 80 : i32
      %lt3A_127 = arith.cmpi slt, %add3A_126, %lt3A : i32
      %convert_element_type3A_128 = arith.extui %lt3A_127 : i1 to i32
      %cond3A_129 = arith.constant 0 : i32
      %cond3A_130 = arith.cmpi ne, %convert_element_type3A_128, %cond3A_129 : i32
      scf.if %cond3A_130 {
        %add3A_247 = arith.constant 4 : i32
        %add3A_248 = arith.addi %add3A_122, %add3A_247 : i32
        %dma_start3A_249 = arith.constant 0 : i32
        %dma_start3A_250 = tpu.memref_slice %arg6[%add3A_248, %dma_start3A_249] : memref<80x128xi32, #tpu.memory_space<vmem>> -> memref<1x128xi32, #tpu.memory_space<vmem>>
        %dma_start3A_251 = tpu.memref_squeeze %dma_start3A_250 : memref<1x128xi32, #tpu.memory_space<vmem>> -> memref<128xi32, #tpu.memory_space<vmem>>
        %dma_start3A_252 = arith.constant 0 : i32
        %dma_start3A_253 = arith.constant 0 : i32
        %dma_start3A_254 = tpu.memref_slice %arg2[%dma_start3A_252, %dma_start3A_253] : memref<10000x64xf32, #tpu.memory_space<hbm>> -> memref<10000x64xf32, #tpu.memory_space<hbm>>
        tpu.enqueue_indirect_dma source(%dma_start3A_254 : memref<10000x64xf32, #tpu.memory_space<hbm>>) target(%arg12 : memref<128x64xf32, #tpu.memory_space<vmem>>) offsets(%dma_start3A_251 : memref<128xi32, #tpu.memory_space<vmem>>) semaphore(%arg18 : memref<!tpu.dma_semaphore, #tpu.memory_space<semaphore_mem>>)
      } else {
      }
      %dma_wait3A_131 = arith.constant 0 : i32
      %dma_wait3A_132 = tpu.memref_slice %arg6[%add3A_122, %dma_wait3A_131] : memref<80x128xi32, #tpu.memory_space<vmem>> -> memref<1x128xi32, #tpu.memory_space<vmem>>
      %dma_wait3A_133 = tpu.memref_squeeze %dma_wait3A_132 : memref<1x128xi32, #tpu.memory_space<vmem>> -> memref<128xi32, #tpu.memory_space<vmem>>
      %dma_wait3A_134 = arith.constant 0 : i32
      %dma_wait3A_135 = arith.constant 0 : i32
      %dma_wait3A_136 = tpu.memref_slice %arg2[%dma_wait3A_134, %dma_wait3A_135] : memref<10000x64xf32, #tpu.memory_space<hbm>> -> memref<10000x64xf32, #tpu.memory_space<hbm>>
      tpu.wait_indirect_dma semaphore(%arg14 : memref<!tpu.dma_semaphore, #tpu.memory_space<semaphore_mem>>) src(%dma_wait3A_136 : memref<10000x64xf32, #tpu.memory_space<hbm>>) dst(%arg8 : memref<128x64xf32, #tpu.memory_space<vmem>>)
      %dma_start3A_137 = arith.constant 0 : i32
      %dma_start3A_138 = tpu.memref_slice %arg7[%add3A_122, %dma_start3A_137] : memref<80x128xi32, #tpu.memory_space<vmem>> -> memref<1x128xi32, #tpu.memory_space<vmem>>
      %dma_start3A_139 = tpu.memref_squeeze %dma_start3A_138 : memref<1x128xi32, #tpu.memory_space<vmem>> -> memref<128xi32, #tpu.memory_space<vmem>>
      %dma_start3A_140 = arith.constant 0 : i32
      %dma_start3A_141 = arith.constant 0 : i32
      %dma_start3A_142 = tpu.memref_slice %arg13[%dma_start3A_140, %dma_start3A_141] : memref<10240x64xf32, #tpu.memory_space<vmem_shared>> -> memref<10240x64xf32, #tpu.memory_space<vmem_shared>>
      tpu.enqueue_indirect_dma source(%arg8 : memref<128x64xf32, #tpu.memory_space<vmem>>) target(%dma_start3A_142 : memref<10240x64xf32, #tpu.memory_space<vmem_shared>>) offsets(%dma_start3A_139 : memref<128xi32, #tpu.memory_space<vmem>>) semaphore(%arg19 : memref<!tpu.dma_semaphore, #tpu.memory_space<semaphore_mem>>) {add = true}
      %add3A_143 = arith.constant 1 : i32
      %add3A_144 = arith.addi %add3A_120, %add3A_143 : i32
      %ge3A_145 = arith.constant 1 : i32
      %ge3A_146 = arith.cmpi sge, %add3A_144, %ge3A_145 : i32
      %convert_element_type3A_147 = arith.extui %ge3A_146 : i1 to i32
      %cond3A_148 = arith.constant 0 : i32
      %cond3A_149 = arith.cmpi ne, %convert_element_type3A_147, %cond3A_148 : i32
      scf.if %cond3A_149 {
        %sub3A = arith.constant 1 : i32
        %sub3A_247 = arith.subi %add3A_144, %sub3A : i32
        %dma_wait3A_248 = arith.constant 0 : i32
        %dma_wait3A_249 = tpu.memref_slice %arg7[%sub3A_247, %dma_wait3A_248] : memref<80x128xi32, #tpu.memory_space<vmem>> -> memref<1x128xi32, #tpu.memory_space<vmem>>
        %dma_wait3A_250 = tpu.memref_squeeze %dma_wait3A_249 : memref<1x128xi32, #tpu.memory_space<vmem>> -> memref<128xi32, #tpu.memory_space<vmem>>
        %dma_wait3A_251 = arith.constant 0 : i32
        %dma_wait3A_252 = arith.constant 0 : i32
        %dma_wait3A_253 = tpu.memref_slice %arg13[%dma_wait3A_251, %dma_wait3A_252] : memref<10240x64xf32, #tpu.memory_space<vmem_shared>> -> memref<10240x64xf32, #tpu.memory_space<vmem_shared>>
        tpu.wait_indirect_dma semaphore(%arg19 : memref<!tpu.dma_semaphore, #tpu.memory_space<semaphore_mem>>) src(%arg8 : memref<128x64xf32, #tpu.memory_space<vmem>>) dst(%dma_wait3A_253 : memref<10240x64xf32, #tpu.memory_space<vmem_shared>>)
      } else {
      }
      %add3A_150 = arith.constant 4 : i32
      %add3A_151 = arith.addi %add3A_144, %add3A_150 : i32
      %lt3A_152 = arith.constant 80 : i32
      %lt3A_153 = arith.cmpi slt, %add3A_151, %lt3A_152 : i32
      %convert_element_type3A_154 = arith.extui %lt3A_153 : i1 to i32
      %cond3A_155 = arith.constant 0 : i32
      %cond3A_156 = arith.cmpi ne, %convert_element_type3A_154, %cond3A_155 : i32
      scf.if %cond3A_156 {
        %add3A_247 = arith.constant 4 : i32
        %add3A_248 = arith.addi %add3A_144, %add3A_247 : i32
        %dma_start3A_249 = arith.constant 0 : i32
        %dma_start3A_250 = tpu.memref_slice %arg6[%add3A_248, %dma_start3A_249] : memref<80x128xi32, #tpu.memory_space<vmem>> -> memref<1x128xi32, #tpu.memory_space<vmem>>
        %dma_start3A_251 = tpu.memref_squeeze %dma_start3A_250 : memref<1x128xi32, #tpu.memory_space<vmem>> -> memref<128xi32, #tpu.memory_space<vmem>>
        %dma_start3A_252 = arith.constant 0 : i32
        %dma_start3A_253 = arith.constant 0 : i32
        %dma_start3A_254 = tpu.memref_slice %arg2[%dma_start3A_252, %dma_start3A_253] : memref<10000x64xf32, #tpu.memory_space<hbm>> -> memref<10000x64xf32, #tpu.memory_space<hbm>>
        tpu.enqueue_indirect_dma source(%dma_start3A_254 : memref<10000x64xf32, #tpu.memory_space<hbm>>) target(%arg8 : memref<128x64xf32, #tpu.memory_space<vmem>>) offsets(%dma_start3A_251 : memref<128xi32, #tpu.memory_space<vmem>>) semaphore(%arg14 : memref<!tpu.dma_semaphore, #tpu.memory_space<semaphore_mem>>)
      } else {
      }
      %dma_wait3A_157 = arith.constant 0 : i32
      %dma_wait3A_158 = tpu.memref_slice %arg6[%add3A_144, %dma_wait3A_157] : memref<80x128xi32, #tpu.memory_space<vmem>> -> memref<1x128xi32, #tpu.memory_space<vmem>>
      %dma_wait3A_159 = tpu.memref_squeeze %dma_wait3A_158 : memref<1x128xi32, #tpu.memory_space<vmem>> -> memref<128xi32, #tpu.memory_space<vmem>>
      %dma_wait3A_160 = arith.constant 0 : i32
      %dma_wait3A_161 = arith.constant 0 : i32
      %dma_wait3A_162 = tpu.memref_slice %arg2[%dma_wait3A_160, %dma_wait3A_161] : memref<10000x64xf32, #tpu.memory_space<hbm>> -> memref<10000x64xf32, #tpu.memory_space<hbm>>
      tpu.wait_indirect_dma semaphore(%arg15 : memref<!tpu.dma_semaphore, #tpu.memory_space<semaphore_mem>>) src(%dma_wait3A_162 : memref<10000x64xf32, #tpu.memory_space<hbm>>) dst(%arg9 : memref<128x64xf32, #tpu.memory_space<vmem>>)
      %dma_start3A_163 = arith.constant 0 : i32
      %dma_start3A_164 = tpu.memref_slice %arg7[%add3A_144, %dma_start3A_163] : memref<80x128xi32, #tpu.memory_space<vmem>> -> memref<1x128xi32, #tpu.memory_space<vmem>>
      %dma_start3A_165 = tpu.memref_squeeze %dma_start3A_164 : memref<1x128xi32, #tpu.memory_space<vmem>> -> memref<128xi32, #tpu.memory_space<vmem>>
      %dma_start3A_166 = arith.constant 0 : i32
      %dma_start3A_167 = arith.constant 0 : i32
      %dma_start3A_168 = tpu.memref_slice %arg13[%dma_start3A_166, %dma_start3A_167] : memref<10240x64xf32, #tpu.memory_space<vmem_shared>> -> memref<10240x64xf32, #tpu.memory_space<vmem_shared>>
      tpu.enqueue_indirect_dma source(%arg9 : memref<128x64xf32, #tpu.memory_space<vmem>>) target(%dma_start3A_168 : memref<10240x64xf32, #tpu.memory_space<vmem_shared>>) offsets(%dma_start3A_165 : memref<128xi32, #tpu.memory_space<vmem>>) semaphore(%arg20 : memref<!tpu.dma_semaphore, #tpu.memory_space<semaphore_mem>>) {add = true}
      %add3A_169 = arith.constant 2 : i32
      %add3A_170 = arith.addi %add3A_120, %add3A_169 : i32
      %ge3A_171 = arith.constant 1 : i32
      %ge3A_172 = arith.cmpi sge, %add3A_170, %ge3A_171 : i32
      %convert_element_type3A_173 = arith.extui %ge3A_172 : i1 to i32
      %cond3A_174 = arith.constant 0 : i32
      %cond3A_175 = arith.cmpi ne, %convert_element_type3A_173, %cond3A_174 : i32
      scf.if %cond3A_175 {
        %sub3A = arith.constant 1 : i32
        %sub3A_247 = arith.subi %add3A_170, %sub3A : i32
        %dma_wait3A_248 = arith.constant 0 : i32
        %dma_wait3A_249 = tpu.memref_slice %arg7[%sub3A_247, %dma_wait3A_248] : memref<80x128xi32, #tpu.memory_space<vmem>> -> memref<1x128xi32, #tpu.memory_space<vmem>>
        %dma_wait3A_250 = tpu.memref_squeeze %dma_wait3A_249 : memref<1x128xi32, #tpu.memory_space<vmem>> -> memref<128xi32, #tpu.memory_space<vmem>>
        %dma_wait3A_251 = arith.constant 0 : i32
        %dma_wait3A_252 = arith.constant 0 : i32
        %dma_wait3A_253 = tpu.memref_slice %arg13[%dma_wait3A_251, %dma_wait3A_252] : memref<10240x64xf32, #tpu.memory_space<vmem_shared>> -> memref<10240x64xf32, #tpu.memory_space<vmem_shared>>
        tpu.wait_indirect_dma semaphore(%arg20 : memref<!tpu.dma_semaphore, #tpu.memory_space<semaphore_mem>>) src(%arg9 : memref<128x64xf32, #tpu.memory_space<vmem>>) dst(%dma_wait3A_253 : memref<10240x64xf32, #tpu.memory_space<vmem_shared>>)
      } else {
      }
      %add3A_176 = arith.constant 4 : i32
      %add3A_177 = arith.addi %add3A_170, %add3A_176 : i32
      %lt3A_178 = arith.constant 80 : i32
      %lt3A_179 = arith.cmpi slt, %add3A_177, %lt3A_178 : i32
      %convert_element_type3A_180 = arith.extui %lt3A_179 : i1 to i32
      %cond3A_181 = arith.constant 0 : i32
      %cond3A_182 = arith.cmpi ne, %convert_element_type3A_180, %cond3A_181 : i32
      scf.if %cond3A_182 {
        %add3A_247 = arith.constant 4 : i32
        %add3A_248 = arith.addi %add3A_170, %add3A_247 : i32
        %dma_start3A_249 = arith.constant 0 : i32
        %dma_start3A_250 = tpu.memref_slice %arg6[%add3A_248, %dma_start3A_249] : memref<80x128xi32, #tpu.memory_space<vmem>> -> memref<1x128xi32, #tpu.memory_space<vmem>>
        %dma_start3A_251 = tpu.memref_squeeze %dma_start3A_250 : memref<1x128xi32, #tpu.memory_space<vmem>> -> memref<128xi32, #tpu.memory_space<vmem>>
        %dma_start3A_252 = arith.constant 0 : i32
        %dma_start3A_253 = arith.constant 0 : i32
        %dma_start3A_254 = tpu.memref_slice %arg2[%dma_start3A_252, %dma_start3A_253] : memref<10000x64xf32, #tpu.memory_space<hbm>> -> memref<10000x64xf32, #tpu.memory_space<hbm>>
        tpu.enqueue_indirect_dma source(%dma_start3A_254 : memref<10000x64xf32, #tpu.memory_space<hbm>>) target(%arg9 : memref<128x64xf32, #tpu.memory_space<vmem>>) offsets(%dma_start3A_251 : memref<128xi32, #tpu.memory_space<vmem>>) semaphore(%arg15 : memref<!tpu.dma_semaphore, #tpu.memory_space<semaphore_mem>>)
      } else {
      }
      %dma_wait3A_183 = arith.constant 0 : i32
      %dma_wait3A_184 = tpu.memref_slice %arg6[%add3A_170, %dma_wait3A_183] : memref<80x128xi32, #tpu.memory_space<vmem>> -> memref<1x128xi32, #tpu.memory_space<vmem>>
      %dma_wait3A_185 = tpu.memref_squeeze %dma_wait3A_184 : memref<1x128xi32, #tpu.memory_space<vmem>> -> memref<128xi32, #tpu.memory_space<vmem>>
      %dma_wait3A_186 = arith.constant 0 : i32
      %dma_wait3A_187 = arith.constant 0 : i32
      %dma_wait3A_188 = tpu.memref_slice %arg2[%dma_wait3A_186, %dma_wait3A_187] : memref<10000x64xf32, #tpu.memory_space<hbm>> -> memref<10000x64xf32, #tpu.memory_space<hbm>>
      tpu.wait_indirect_dma semaphore(%arg16 : memref<!tpu.dma_semaphore, #tpu.memory_space<semaphore_mem>>) src(%dma_wait3A_188 : memref<10000x64xf32, #tpu.memory_space<hbm>>) dst(%arg10 : memref<128x64xf32, #tpu.memory_space<vmem>>)
      %dma_start3A_189 = arith.constant 0 : i32
      %dma_start3A_190 = tpu.memref_slice %arg7[%add3A_170, %dma_start3A_189] : memref<80x128xi32, #tpu.memory_space<vmem>> -> memref<1x128xi32, #tpu.memory_space<vmem>>
      %dma_start3A_191 = tpu.memref_squeeze %dma_start3A_190 : memref<1x128xi32, #tpu.memory_space<vmem>> -> memref<128xi32, #tpu.memory_space<vmem>>
      %dma_start3A_192 = arith.constant 0 : i32
      %dma_start3A_193 = arith.constant 0 : i32
      %dma_start3A_194 = tpu.memref_slice %arg13[%dma_start3A_192, %dma_start3A_193] : memref<10240x64xf32, #tpu.memory_space<vmem_shared>> -> memref<10240x64xf32, #tpu.memory_space<vmem_shared>>
      tpu.enqueue_indirect_dma source(%arg10 : memref<128x64xf32, #tpu.memory_space<vmem>>) target(%dma_start3A_194 : memref<10240x64xf32, #tpu.memory_space<vmem_shared>>) offsets(%dma_start3A_191 : memref<128xi32, #tpu.memory_space<vmem>>) semaphore(%arg21 : memref<!tpu.dma_semaphore, #tpu.memory_space<semaphore_mem>>) {add = true}
      %add3A_195 = arith.constant 3 : i32
      %add3A_196 = arith.addi %add3A_120, %add3A_195 : i32
      %ge3A_197 = arith.constant 1 : i32
      %ge3A_198 = arith.cmpi sge, %add3A_196, %ge3A_197 : i32
      %convert_element_type3A_199 = arith.extui %ge3A_198 : i1 to i32
      %cond3A_200 = arith.constant 0 : i32
      %cond3A_201 = arith.cmpi ne, %convert_element_type3A_199, %cond3A_200 : i32
      scf.if %cond3A_201 {
        %sub3A = arith.constant 1 : i32
        %sub3A_247 = arith.subi %add3A_196, %sub3A : i32
        %dma_wait3A_248 = arith.constant 0 : i32
        %dma_wait3A_249 = tpu.memref_slice %arg7[%sub3A_247, %dma_wait3A_248] : memref<80x128xi32, #tpu.memory_space<vmem>> -> memref<1x128xi32, #tpu.memory_space<vmem>>
        %dma_wait3A_250 = tpu.memref_squeeze %dma_wait3A_249 : memref<1x128xi32, #tpu.memory_space<vmem>> -> memref<128xi32, #tpu.memory_space<vmem>>
        %dma_wait3A_251 = arith.constant 0 : i32
        %dma_wait3A_252 = arith.constant 0 : i32
        %dma_wait3A_253 = tpu.memref_slice %arg13[%dma_wait3A_251, %dma_wait3A_252] : memref<10240x64xf32, #tpu.memory_space<vmem_shared>> -> memref<10240x64xf32, #tpu.memory_space<vmem_shared>>
        tpu.wait_indirect_dma semaphore(%arg21 : memref<!tpu.dma_semaphore, #tpu.memory_space<semaphore_mem>>) src(%arg10 : memref<128x64xf32, #tpu.memory_space<vmem>>) dst(%dma_wait3A_253 : memref<10240x64xf32, #tpu.memory_space<vmem_shared>>)
      } else {
      }
      %add3A_202 = arith.constant 4 : i32
      %add3A_203 = arith.addi %add3A_196, %add3A_202 : i32
      %lt3A_204 = arith.constant 80 : i32
      %lt3A_205 = arith.cmpi slt, %add3A_203, %lt3A_204 : i32
      %convert_element_type3A_206 = arith.extui %lt3A_205 : i1 to i32
      %cond3A_207 = arith.constant 0 : i32
      %cond3A_208 = arith.cmpi ne, %convert_element_type3A_206, %cond3A_207 : i32
      scf.if %cond3A_208 {
        %add3A_247 = arith.constant 4 : i32
        %add3A_248 = arith.addi %add3A_196, %add3A_247 : i32
        %dma_start3A_249 = arith.constant 0 : i32
        %dma_start3A_250 = tpu.memref_slice %arg6[%add3A_248, %dma_start3A_249] : memref<80x128xi32, #tpu.memory_space<vmem>> -> memref<1x128xi32, #tpu.memory_space<vmem>>
        %dma_start3A_251 = tpu.memref_squeeze %dma_start3A_250 : memref<1x128xi32, #tpu.memory_space<vmem>> -> memref<128xi32, #tpu.memory_space<vmem>>
        %dma_start3A_252 = arith.constant 0 : i32
        %dma_start3A_253 = arith.constant 0 : i32
        %dma_start3A_254 = tpu.memref_slice %arg2[%dma_start3A_252, %dma_start3A_253] : memref<10000x64xf32, #tpu.memory_space<hbm>> -> memref<10000x64xf32, #tpu.memory_space<hbm>>
        tpu.enqueue_indirect_dma source(%dma_start3A_254 : memref<10000x64xf32, #tpu.memory_space<hbm>>) target(%arg10 : memref<128x64xf32, #tpu.memory_space<vmem>>) offsets(%dma_start3A_251 : memref<128xi32, #tpu.memory_space<vmem>>) semaphore(%arg16 : memref<!tpu.dma_semaphore, #tpu.memory_space<semaphore_mem>>)
      } else {
      }
      %dma_wait3A_209 = arith.constant 0 : i32
      %dma_wait3A_210 = tpu.memref_slice %arg6[%add3A_196, %dma_wait3A_209] : memref<80x128xi32, #tpu.memory_space<vmem>> -> memref<1x128xi32, #tpu.memory_space<vmem>>
      %dma_wait3A_211 = tpu.memref_squeeze %dma_wait3A_210 : memref<1x128xi32, #tpu.memory_space<vmem>> -> memref<128xi32, #tpu.memory_space<vmem>>
      %dma_wait3A_212 = arith.constant 0 : i32
      %dma_wait3A_213 = arith.constant 0 : i32
      %dma_wait3A_214 = tpu.memref_slice %arg2[%dma_wait3A_212, %dma_wait3A_213] : memref<10000x64xf32, #tpu.memory_space<hbm>> -> memref<10000x64xf32, #tpu.memory_space<hbm>>
      tpu.wait_indirect_dma semaphore(%arg17 : memref<!tpu.dma_semaphore, #tpu.memory_space<semaphore_mem>>) src(%dma_wait3A_214 : memref<10000x64xf32, #tpu.memory_space<hbm>>) dst(%arg11 : memref<128x64xf32, #tpu.memory_space<vmem>>)
      %dma_start3A_215 = arith.constant 0 : i32
      %dma_start3A_216 = tpu.memref_slice %arg7[%add3A_196, %dma_start3A_215] : memref<80x128xi32, #tpu.memory_space<vmem>> -> memref<1x128xi32, #tpu.memory_space<vmem>>
      %dma_start3A_217 = tpu.memref_squeeze %dma_start3A_216 : memref<1x128xi32, #tpu.memory_space<vmem>> -> memref<128xi32, #tpu.memory_space<vmem>>
      %dma_start3A_218 = arith.constant 0 : i32
      %dma_start3A_219 = arith.constant 0 : i32
      %dma_start3A_220 = tpu.memref_slice %arg13[%dma_start3A_218, %dma_start3A_219] : memref<10240x64xf32, #tpu.memory_space<vmem_shared>> -> memref<10240x64xf32, #tpu.memory_space<vmem_shared>>
      tpu.enqueue_indirect_dma source(%arg11 : memref<128x64xf32, #tpu.memory_space<vmem>>) target(%dma_start3A_220 : memref<10240x64xf32, #tpu.memory_space<vmem_shared>>) offsets(%dma_start3A_217 : memref<128xi32, #tpu.memory_space<vmem>>) semaphore(%arg22 : memref<!tpu.dma_semaphore, #tpu.memory_space<semaphore_mem>>) {add = true}
      %add3A_221 = arith.constant 4 : i32
      %add3A_222 = arith.addi %add3A_120, %add3A_221 : i32
      %ge3A_223 = arith.constant 1 : i32
      %ge3A_224 = arith.cmpi sge, %add3A_222, %ge3A_223 : i32
      %convert_element_type3A_225 = arith.extui %ge3A_224 : i1 to i32
      %cond3A_226 = arith.constant 0 : i32
      %cond3A_227 = arith.cmpi ne, %convert_element_type3A_225, %cond3A_226 : i32
      scf.if %cond3A_227 {
        %sub3A = arith.constant 1 : i32
        %sub3A_247 = arith.subi %add3A_222, %sub3A : i32
        %dma_wait3A_248 = arith.constant 0 : i32
        %dma_wait3A_249 = tpu.memref_slice %arg7[%sub3A_247, %dma_wait3A_248] : memref<80x128xi32, #tpu.memory_space<vmem>> -> memref<1x128xi32, #tpu.memory_space<vmem>>
        %dma_wait3A_250 = tpu.memref_squeeze %dma_wait3A_249 : memref<1x128xi32, #tpu.memory_space<vmem>> -> memref<128xi32, #tpu.memory_space<vmem>>
        %dma_wait3A_251 = arith.constant 0 : i32
        %dma_wait3A_252 = arith.constant 0 : i32
        %dma_wait3A_253 = tpu.memref_slice %arg13[%dma_wait3A_251, %dma_wait3A_252] : memref<10240x64xf32, #tpu.memory_space<vmem_shared>> -> memref<10240x64xf32, #tpu.memory_space<vmem_shared>>
        tpu.wait_indirect_dma semaphore(%arg22 : memref<!tpu.dma_semaphore, #tpu.memory_space<semaphore_mem>>) src(%arg11 : memref<128x64xf32, #tpu.memory_space<vmem>>) dst(%dma_wait3A_253 : memref<10240x64xf32, #tpu.memory_space<vmem_shared>>)
      } else {
      }
      %add3A_228 = arith.constant 4 : i32
      %add3A_229 = arith.addi %add3A_222, %add3A_228 : i32
      %lt3A_230 = arith.constant 80 : i32
      %lt3A_231 = arith.cmpi slt, %add3A_229, %lt3A_230 : i32
      %convert_element_type3A_232 = arith.extui %lt3A_231 : i1 to i32
      %cond3A_233 = arith.constant 0 : i32
      %cond3A_234 = arith.cmpi ne, %convert_element_type3A_232, %cond3A_233 : i32
      scf.if %cond3A_234 {
        %add3A_247 = arith.constant 4 : i32
        %add3A_248 = arith.addi %add3A_222, %add3A_247 : i32
        %dma_start3A_249 = arith.constant 0 : i32
        %dma_start3A_250 = tpu.memref_slice %arg6[%add3A_248, %dma_start3A_249] : memref<80x128xi32, #tpu.memory_space<vmem>> -> memref<1x128xi32, #tpu.memory_space<vmem>>
        %dma_start3A_251 = tpu.memref_squeeze %dma_start3A_250 : memref<1x128xi32, #tpu.memory_space<vmem>> -> memref<128xi32, #tpu.memory_space<vmem>>
        %dma_start3A_252 = arith.constant 0 : i32
        %dma_start3A_253 = arith.constant 0 : i32
        %dma_start3A_254 = tpu.memref_slice %arg2[%dma_start3A_252, %dma_start3A_253] : memref<10000x64xf32, #tpu.memory_space<hbm>> -> memref<10000x64xf32, #tpu.memory_space<hbm>>
        tpu.enqueue_indirect_dma source(%dma_start3A_254 : memref<10000x64xf32, #tpu.memory_space<hbm>>) target(%arg11 : memref<128x64xf32, #tpu.memory_space<vmem>>) offsets(%dma_start3A_251 : memref<128xi32, #tpu.memory_space<vmem>>) semaphore(%arg17 : memref<!tpu.dma_semaphore, #tpu.memory_space<semaphore_mem>>)
      } else {
      }
      %dma_wait3A_235 = arith.constant 0 : i32
      %dma_wait3A_236 = tpu.memref_slice %arg6[%add3A_222, %dma_wait3A_235] : memref<80x128xi32, #tpu.memory_space<vmem>> -> memref<1x128xi32, #tpu.memory_space<vmem>>
      %dma_wait3A_237 = tpu.memref_squeeze %dma_wait3A_236 : memref<1x128xi32, #tpu.memory_space<vmem>> -> memref<128xi32, #tpu.memory_space<vmem>>
      %dma_wait3A_238 = arith.constant 0 : i32
      %dma_wait3A_239 = arith.constant 0 : i32
      %dma_wait3A_240 = tpu.memref_slice %arg2[%dma_wait3A_238, %dma_wait3A_239] : memref<10000x64xf32, #tpu.memory_space<hbm>> -> memref<10000x64xf32, #tpu.memory_space<hbm>>
      tpu.wait_indirect_dma semaphore(%arg18 : memref<!tpu.dma_semaphore, #tpu.memory_space<semaphore_mem>>) src(%dma_wait3A_240 : memref<10000x64xf32, #tpu.memory_space<hbm>>) dst(%arg12 : memref<128x64xf32, #tpu.memory_space<vmem>>)
      %dma_start3A_241 = arith.constant 0 : i32
      %dma_start3A_242 = tpu.memref_slice %arg7[%add3A_222, %dma_start3A_241] : memref<80x128xi32, #tpu.memory_space<vmem>> -> memref<1x128xi32, #tpu.memory_space<vmem>>
      %dma_start3A_243 = tpu.memref_squeeze %dma_start3A_242 : memref<1x128xi32, #tpu.memory_space<vmem>> -> memref<128xi32, #tpu.memory_space<vmem>>
      %dma_start3A_244 = arith.constant 0 : i32
      %dma_start3A_245 = arith.constant 0 : i32
      %dma_start3A_246 = tpu.memref_slice %arg13[%dma_start3A_244, %dma_start3A_245] : memref<10240x64xf32, #tpu.memory_space<vmem_shared>> -> memref<10240x64xf32, #tpu.memory_space<vmem_shared>>
      tpu.enqueue_indirect_dma source(%arg12 : memref<128x64xf32, #tpu.memory_space<vmem>>) target(%dma_start3A_246 : memref<10240x64xf32, #tpu.memory_space<vmem_shared>>) offsets(%dma_start3A_243 : memref<128xi32, #tpu.memory_space<vmem>>) semaphore(%arg23 : memref<!tpu.dma_semaphore, #tpu.memory_space<semaphore_mem>>) {add = true}
    }
    %scan3A_68 = arith.constant 16 : i32
    %dma_wait3A = arith.constant 79 : i32
    "tpu.trace_stop"() : () -> ()
    "tpu.trace_start"() <{level = 10 : i32, message = "agg_drain"}> : () -> ()
    %dma_wait3A_69 = arith.constant 0 : i32
    %dma_wait3A_70 = tpu.memref_slice %arg7[%dma_wait3A, %dma_wait3A_69] : memref<80x128xi32, #tpu.memory_space<vmem>> -> memref<1x128xi32, #tpu.memory_space<vmem>>
    %dma_wait3A_71 = tpu.memref_squeeze %dma_wait3A_70 : memref<1x128xi32, #tpu.memory_space<vmem>> -> memref<128xi32, #tpu.memory_space<vmem>>
    %dma_wait3A_72 = arith.constant 0 : i32
    %dma_wait3A_73 = arith.constant 0 : i32
    %dma_wait3A_74 = tpu.memref_slice %arg13[%dma_wait3A_72, %dma_wait3A_73] : memref<10240x64xf32, #tpu.memory_space<vmem_shared>> -> memref<10240x64xf32, #tpu.memory_space<vmem_shared>>
    tpu.wait_indirect_dma semaphore(%arg23 : memref<!tpu.dma_semaphore, #tpu.memory_space<semaphore_mem>>) src(%arg12 : memref<128x64xf32, #tpu.memory_space<vmem>>) dst(%dma_wait3A_74 : memref<10240x64xf32, #tpu.memory_space<vmem_shared>>)
    "tpu.trace_stop"() : () -> ()
    "tpu.trace_start"() <{level = 10 : i32, message = "agg_barrier2"}> : () -> ()
    %barrier3A_75 = arith.constant 0 : index
    tpu.barrier barrier_id(%barrier3A_75)
    "tpu.trace_stop"() : () -> ()
    "tpu.trace_start"() <{level = 10 : i32, message = "agg_dump"}> : () -> ()
    %mul3A_76 = arith.constant 5 : i32
    %mul3A_77 = arith.muli %arg1, %mul3A_76 : i32
    %add3A_78 = arith.constant 0 : i32
    %add3A_79 = arith.addi %mul3A_77, %add3A_78 : i32
    %mul3A_80 = arith.constant 128 : i32
    %mul3A_81 = arith.muli %add3A_79, %mul3A_80 : i32
    %mul3A_82 = arith.constant 128 : i32
    %mul3A_83 = arith.muli %add3A_79, %mul3A_82 : i32
    "tpu.region"() ({
      %run_scoped3A = tpu.sem_alloc : memref<!tpu.dma_semaphore, #tpu.memory_space<semaphore_mem>>
      %dma_start3A_116 = arith.constant 0 : i32
      %dma_start3A_117 = tpu.memref_slice %arg5[%arg0, %mul3A_83, %dma_start3A_116] : memref<2x10240x64xf32, #tpu.memory_space<hbm>> -> memref<1x128x64xf32, #tpu.memory_space<hbm>>
      %dma_start3A_118 = tpu.memref_squeeze %dma_start3A_117 : memref<1x128x64xf32, #tpu.memory_space<hbm>> -> memref<128x64xf32, #tpu.memory_space<hbm>>
      %dma_start3A_119 = arith.constant 0 : i32
      %dma_start3A_120 = tpu.memref_slice %arg13[%mul3A_81, %dma_start3A_119] : memref<10240x64xf32, #tpu.memory_space<vmem_shared>> -> memref<128x64xf32, #tpu.memory_space<vmem_shared>>
      tpu.enqueue_dma source(%dma_start3A_120 : memref<128x64xf32, #tpu.memory_space<vmem_shared>>) target(%dma_start3A_118 : memref<128x64xf32, #tpu.memory_space<hbm>>) target_semaphore(%run_scoped3A : memref<!tpu.dma_semaphore, #tpu.memory_space<semaphore_mem>>)
      %dma_wait3A_121 = arith.constant 0 : i32
      %dma_wait3A_122 = tpu.memref_slice %arg5[%arg0, %mul3A_83, %dma_wait3A_121] : memref<2x10240x64xf32, #tpu.memory_space<hbm>> -> memref<1x128x64xf32, #tpu.memory_space<hbm>>
      %dma_wait3A_123 = tpu.memref_squeeze %dma_wait3A_122 : memref<1x128x64xf32, #tpu.memory_space<hbm>> -> memref<128x64xf32, #tpu.memory_space<hbm>>
      %dma_wait3A_124 = arith.constant 0 : i32
      %dma_wait3A_125 = tpu.memref_slice %arg13[%mul3A_81, %dma_wait3A_124] : memref<10240x64xf32, #tpu.memory_space<vmem_shared>> -> memref<128x64xf32, #tpu.memory_space<vmem_shared>>
      tpu.wait_dma2 semaphore(%run_scoped3A : memref<!tpu.dma_semaphore, #tpu.memory_space<semaphore_mem>>) src(%dma_wait3A_125 : memref<128x64xf32, #tpu.memory_space<vmem_shared>>) dst(%dma_wait3A_123 : memref<128x64xf32, #tpu.memory_space<hbm>>)
      tpu.yield
    }) : () -> ()
    %mul3A_84 = arith.constant 5 : i32
    %mul3A_85 = arith.muli %arg1, %mul3A_84 : i32
    %add3A_86 = arith.constant 1 : i32
    %add3A_87 = arith.addi %mul3A_85, %add3A_86 : i32
    %mul3A_88 = arith.constant 128 : i32
    %mul3A_89 = arith.muli %add3A_87, %mul3A_88 : i32
    %mul3A_90 = arith.constant 128 : i32
    %mul3A_91 = arith.muli %add3A_87, %mul3A_90 : i32
    "tpu.region"() ({
      %run_scoped3A = tpu.sem_alloc : memref<!tpu.dma_semaphore, #tpu.memory_space<semaphore_mem>>
      %dma_start3A_116 = arith.constant 0 : i32
      %dma_start3A_117 = tpu.memref_slice %arg5[%arg0, %mul3A_91, %dma_start3A_116] : memref<2x10240x64xf32, #tpu.memory_space<hbm>> -> memref<1x128x64xf32, #tpu.memory_space<hbm>>
      %dma_start3A_118 = tpu.memref_squeeze %dma_start3A_117 : memref<1x128x64xf32, #tpu.memory_space<hbm>> -> memref<128x64xf32, #tpu.memory_space<hbm>>
      %dma_start3A_119 = arith.constant 0 : i32
      %dma_start3A_120 = tpu.memref_slice %arg13[%mul3A_89, %dma_start3A_119] : memref<10240x64xf32, #tpu.memory_space<vmem_shared>> -> memref<128x64xf32, #tpu.memory_space<vmem_shared>>
      tpu.enqueue_dma source(%dma_start3A_120 : memref<128x64xf32, #tpu.memory_space<vmem_shared>>) target(%dma_start3A_118 : memref<128x64xf32, #tpu.memory_space<hbm>>) target_semaphore(%run_scoped3A : memref<!tpu.dma_semaphore, #tpu.memory_space<semaphore_mem>>)
      %dma_wait3A_121 = arith.constant 0 : i32
      %dma_wait3A_122 = tpu.memref_slice %arg5[%arg0, %mul3A_91, %dma_wait3A_121] : memref<2x10240x64xf32, #tpu.memory_space<hbm>> -> memref<1x128x64xf32, #tpu.memory_space<hbm>>
      %dma_wait3A_123 = tpu.memref_squeeze %dma_wait3A_122 : memref<1x128x64xf32, #tpu.memory_space<hbm>> -> memref<128x64xf32, #tpu.memory_space<hbm>>
      %dma_wait3A_124 = arith.constant 0 : i32
      %dma_wait3A_125 = tpu.memref_slice %arg13[%mul3A_89, %dma_wait3A_124] : memref<10240x64xf32, #tpu.memory_space<vmem_shared>> -> memref<128x64xf32, #tpu.memory_space<vmem_shared>>
      tpu.wait_dma2 semaphore(%run_scoped3A : memref<!tpu.dma_semaphore, #tpu.memory_space<semaphore_mem>>) src(%dma_wait3A_125 : memref<128x64xf32, #tpu.memory_space<vmem_shared>>) dst(%dma_wait3A_123 : memref<128x64xf32, #tpu.memory_space<hbm>>)
      tpu.yield
    }) : () -> ()
    %mul3A_92 = arith.constant 5 : i32
    %mul3A_93 = arith.muli %arg1, %mul3A_92 : i32
    %add3A_94 = arith.constant 2 : i32
    %add3A_95 = arith.addi %mul3A_93, %add3A_94 : i32
    %mul3A_96 = arith.constant 128 : i32
    %mul3A_97 = arith.muli %add3A_95, %mul3A_96 : i32
    %mul3A_98 = arith.constant 128 : i32
    %mul3A_99 = arith.muli %add3A_95, %mul3A_98 : i32
    "tpu.region"() ({
      %run_scoped3A = tpu.sem_alloc : memref<!tpu.dma_semaphore, #tpu.memory_space<semaphore_mem>>
      %dma_start3A_116 = arith.constant 0 : i32
      %dma_start3A_117 = tpu.memref_slice %arg5[%arg0, %mul3A_99, %dma_start3A_116] : memref<2x10240x64xf32, #tpu.memory_space<hbm>> -> memref<1x128x64xf32, #tpu.memory_space<hbm>>
      %dma_start3A_118 = tpu.memref_squeeze %dma_start3A_117 : memref<1x128x64xf32, #tpu.memory_space<hbm>> -> memref<128x64xf32, #tpu.memory_space<hbm>>
      %dma_start3A_119 = arith.constant 0 : i32
      %dma_start3A_120 = tpu.memref_slice %arg13[%mul3A_97, %dma_start3A_119] : memref<10240x64xf32, #tpu.memory_space<vmem_shared>> -> memref<128x64xf32, #tpu.memory_space<vmem_shared>>
      tpu.enqueue_dma source(%dma_start3A_120 : memref<128x64xf32, #tpu.memory_space<vmem_shared>>) target(%dma_start3A_118 : memref<128x64xf32, #tpu.memory_space<hbm>>) target_semaphore(%run_scoped3A : memref<!tpu.dma_semaphore, #tpu.memory_space<semaphore_mem>>)
      %dma_wait3A_121 = arith.constant 0 : i32
      %dma_wait3A_122 = tpu.memref_slice %arg5[%arg0, %mul3A_99, %dma_wait3A_121] : memref<2x10240x64xf32, #tpu.memory_space<hbm>> -> memref<1x128x64xf32, #tpu.memory_space<hbm>>
      %dma_wait3A_123 = tpu.memref_squeeze %dma_wait3A_122 : memref<1x128x64xf32, #tpu.memory_space<hbm>> -> memref<128x64xf32, #tpu.memory_space<hbm>>
      %dma_wait3A_124 = arith.constant 0 : i32
      %dma_wait3A_125 = tpu.memref_slice %arg13[%mul3A_97, %dma_wait3A_124] : memref<10240x64xf32, #tpu.memory_space<vmem_shared>> -> memref<128x64xf32, #tpu.memory_space<vmem_shared>>
      tpu.wait_dma2 semaphore(%run_scoped3A : memref<!tpu.dma_semaphore, #tpu.memory_space<semaphore_mem>>) src(%dma_wait3A_125 : memref<128x64xf32, #tpu.memory_space<vmem_shared>>) dst(%dma_wait3A_123 : memref<128x64xf32, #tpu.memory_space<hbm>>)
      tpu.yield
    }) : () -> ()
    %mul3A_100 = arith.constant 5 : i32
    %mul3A_101 = arith.muli %arg1, %mul3A_100 : i32
    %add3A_102 = arith.constant 3 : i32
    %add3A_103 = arith.addi %mul3A_101, %add3A_102 : i32
    %mul3A_104 = arith.constant 128 : i32
    %mul3A_105 = arith.muli %add3A_103, %mul3A_104 : i32
    %mul3A_106 = arith.constant 128 : i32
    %mul3A_107 = arith.muli %add3A_103, %mul3A_106 : i32
    "tpu.region"() ({
      %run_scoped3A = tpu.sem_alloc : memref<!tpu.dma_semaphore, #tpu.memory_space<semaphore_mem>>
      %dma_start3A_116 = arith.constant 0 : i32
      %dma_start3A_117 = tpu.memref_slice %arg5[%arg0, %mul3A_107, %dma_start3A_116] : memref<2x10240x64xf32, #tpu.memory_space<hbm>> -> memref<1x128x64xf32, #tpu.memory_space<hbm>>
      %dma_start3A_118 = tpu.memref_squeeze %dma_start3A_117 : memref<1x128x64xf32, #tpu.memory_space<hbm>> -> memref<128x64xf32, #tpu.memory_space<hbm>>
      %dma_start3A_119 = arith.constant 0 : i32
      %dma_start3A_120 = tpu.memref_slice %arg13[%mul3A_105, %dma_start3A_119] : memref<10240x64xf32, #tpu.memory_space<vmem_shared>> -> memref<128x64xf32, #tpu.memory_space<vmem_shared>>
      tpu.enqueue_dma source(%dma_start3A_120 : memref<128x64xf32, #tpu.memory_space<vmem_shared>>) target(%dma_start3A_118 : memref<128x64xf32, #tpu.memory_space<hbm>>) target_semaphore(%run_scoped3A : memref<!tpu.dma_semaphore, #tpu.memory_space<semaphore_mem>>)
      %dma_wait3A_121 = arith.constant 0 : i32
      %dma_wait3A_122 = tpu.memref_slice %arg5[%arg0, %mul3A_107, %dma_wait3A_121] : memref<2x10240x64xf32, #tpu.memory_space<hbm>> -> memref<1x128x64xf32, #tpu.memory_space<hbm>>
      %dma_wait3A_123 = tpu.memref_squeeze %dma_wait3A_122 : memref<1x128x64xf32, #tpu.memory_space<hbm>> -> memref<128x64xf32, #tpu.memory_space<hbm>>
      %dma_wait3A_124 = arith.constant 0 : i32
      %dma_wait3A_125 = tpu.memref_slice %arg13[%mul3A_105, %dma_wait3A_124] : memref<10240x64xf32, #tpu.memory_space<vmem_shared>> -> memref<128x64xf32, #tpu.memory_space<vmem_shared>>
      tpu.wait_dma2 semaphore(%run_scoped3A : memref<!tpu.dma_semaphore, #tpu.memory_space<semaphore_mem>>) src(%dma_wait3A_125 : memref<128x64xf32, #tpu.memory_space<vmem_shared>>) dst(%dma_wait3A_123 : memref<128x64xf32, #tpu.memory_space<hbm>>)
      tpu.yield
    }) : () -> ()
    %mul3A_108 = arith.constant 5 : i32
    %mul3A_109 = arith.muli %arg1, %mul3A_108 : i32
    %add3A_110 = arith.constant 4 : i32
    %add3A_111 = arith.addi %mul3A_109, %add3A_110 : i32
    %mul3A_112 = arith.constant 128 : i32
    %mul3A_113 = arith.muli %add3A_111, %mul3A_112 : i32
    %mul3A_114 = arith.constant 128 : i32
    %mul3A_115 = arith.muli %add3A_111, %mul3A_114 : i32
    "tpu.region"() ({
      %run_scoped3A = tpu.sem_alloc : memref<!tpu.dma_semaphore, #tpu.memory_space<semaphore_mem>>
      %dma_start3A_116 = arith.constant 0 : i32
      %dma_start3A_117 = tpu.memref_slice %arg5[%arg0, %mul3A_115, %dma_start3A_116] : memref<2x10240x64xf32, #tpu.memory_space<hbm>> -> memref<1x128x64xf32, #tpu.memory_space<hbm>>
      %dma_start3A_118 = tpu.memref_squeeze %dma_start3A_117 : memref<1x128x64xf32, #tpu.memory_space<hbm>> -> memref<128x64xf32, #tpu.memory_space<hbm>>
      %dma_start3A_119 = arith.constant 0 : i32
      %dma_start3A_120 = tpu.memref_slice %arg13[%mul3A_113, %dma_start3A_119] : memref<10240x64xf32, #tpu.memory_space<vmem_shared>> -> memref<128x64xf32, #tpu.memory_space<vmem_shared>>
      tpu.enqueue_dma source(%dma_start3A_120 : memref<128x64xf32, #tpu.memory_space<vmem_shared>>) target(%dma_start3A_118 : memref<128x64xf32, #tpu.memory_space<hbm>>) target_semaphore(%run_scoped3A : memref<!tpu.dma_semaphore, #tpu.memory_space<semaphore_mem>>)
      %dma_wait3A_121 = arith.constant 0 : i32
      %dma_wait3A_122 = tpu.memref_slice %arg5[%arg0, %mul3A_115, %dma_wait3A_121] : memref<2x10240x64xf32, #tpu.memory_space<hbm>> -> memref<1x128x64xf32, #tpu.memory_space<hbm>>
      %dma_wait3A_123 = tpu.memref_squeeze %dma_wait3A_122 : memref<1x128x64xf32, #tpu.memory_space<hbm>> -> memref<128x64xf32, #tpu.memory_space<hbm>>
      %dma_wait3A_124 = arith.constant 0 : i32
      %dma_wait3A_125 = tpu.memref_slice %arg13[%mul3A_113, %dma_wait3A_124] : memref<10240x64xf32, #tpu.memory_space<vmem_shared>> -> memref<128x64xf32, #tpu.memory_space<vmem_shared>>
      tpu.wait_dma2 semaphore(%run_scoped3A : memref<!tpu.dma_semaphore, #tpu.memory_space<semaphore_mem>>) src(%dma_wait3A_125 : memref<128x64xf32, #tpu.memory_space<vmem_shared>>) dst(%dma_wait3A_123 : memref<128x64xf32, #tpu.memory_space<hbm>>)
      tpu.yield
    }) : () -> ()
    "tpu.trace_stop"() : () -> ()
    return
  }
}

module attributes {stable_mosaic.version = 14 : i64} {
  func.func @_tc_a_body(%arg0: i32, %arg1: memref<2048x128xf32, #tpu.memory_space<vmem>>, %arg2: memref<128x128xf32, #tpu.memory_space<vmem>>, %arg3: memref<1x128xf32, #tpu.memory_space<vmem>>, %arg4: memref<2048x128xf32, #tpu.memory_space<vmem>>) attributes {dimension_semantics = [#tpu.dimension_semantics<arbitrary>], iteration_bounds = array<i64: 5>, scalar_prefetch = 0 : i64, scratch_operands = 0 : i64, tpu.core_type = #tpu.core_type<tc>, window_params = [{transform_indices = @transform_0, window_bounds = array<i64: 2048, 128>}, {pipeline_mode = #tpu.pipeline_mode<synchronous>, transform_indices = @transform_1, window_bounds = array<i64: 128, 128>}, {pipeline_mode = #tpu.pipeline_mode<synchronous>, transform_indices = @transform_2, window_bounds = array<i64: 1, 128>}, {transform_indices = @transform_3, window_bounds = array<i64: 2048, 128>}]} {
    %get3A = arith.constant 0 : index
    %get3A_0 = arith.constant 0 : index
    %get3A_1 = vector.load %arg1[%get3A, %get3A_0] : memref<2048x128xf32, #tpu.memory_space<vmem>>, vector<2048x128xf32>
    %get3A_2 = arith.constant 0 : index
    %get3A_3 = arith.constant 0 : index
    %get3A_4 = vector.load %arg2[%get3A_2, %get3A_3] : memref<128x128xf32, #tpu.memory_space<vmem>>, vector<128x128xf32>
    %dot_general3A = arith.constant dense<0.000000e+00> : vector<2048x128xf32>
    %dot_general3A_5 = tpu.matmul %get3A_1, %get3A_4, %dot_general3A {dimension_numbers = #tpu.dot_dimension_numbers<[1], [0], [0], [1], [0, 0, 1, 1], [], []>, transpose_lhs_hint = false} : vector<2048x128xf32>, vector<128x128xf32>, vector<2048x128xf32> -> vector<2048x128xf32>
    %get3A_6 = arith.constant 0 : index
    %get3A_7 = arith.constant 0 : index
    %get3A_8 = vector.load %arg3[%get3A_6, %get3A_7] : memref<1x128xf32, #tpu.memory_space<vmem>>, vector<1x128xf32>
    %add3A = vector.broadcast %get3A_8 : vector<1x128xf32> to vector<2048x128xf32>
    %add3A_9 = arith.addf %dot_general3A_5, %add3A : vector<2048x128xf32>
    %swap3A = arith.constant 0 : index
    %swap3A_10 = arith.constant 0 : index
    %swap3A_11 = vector.load %arg4[%swap3A, %swap3A_10] : memref<2048x128xf32, #tpu.memory_space<vmem>>, vector<2048x128xf32>
    tpu.vector_store %arg4[%swap3A, %swap3A_10], %add3A_9 {strides = array<i32>} : memref<2048x128xf32, #tpu.memory_space<vmem>>, vector<2048x128xf32>,
    return
  }
  func.func @transform_0(%arg0: i32) -> (i32, i32) {
    %c0_i32 = arith.constant 0 : i32
    %c0_i32_0 = arith.constant 0 : i32
    return %arg0, %c0_i32 : i32, i32
  }
  func.func @transform_1(%arg0: i32) -> (i32, i32) {
    %c0_i32 = arith.constant 0 : i32
    %c0_i32_0 = arith.constant 0 : i32
    %c0_i32_1 = arith.constant 0 : i32
    return %c0_i32, %c0_i32_0 : i32, i32
  }
  func.func @transform_2(%arg0: i32) -> (i32, i32) {
    %c0_i32 = arith.constant 0 : i32
    %c0_i32_0 = arith.constant 0 : i32
    %c0_i32_1 = arith.constant 0 : i32
    return %c0_i32, %c0_i32_0 : i32, i32
  }
  func.func @transform_3(%arg0: i32) -> (i32, i32) {
    %c0_i32 = arith.constant 0 : i32
    %c0_i32_0 = arith.constant 0 : i32
    return %arg0, %c0_i32 : i32, i32
  }
}

module attributes {stable_mosaic.version = 14 : i64} {
  func.func @_tc_b_body(%arg0: i32, %arg1: memref<2048x128xf32, #tpu.memory_space<vmem>>, %arg2: memref<2x2048x64xf32, #tpu.memory_space<vmem>>, %arg3: memref<2x2048xf32, #tpu.memory_space<vmem>>, %arg4: memref<64x128xf32, #tpu.memory_space<vmem>>, %arg5: memref<64x128xf32, #tpu.memory_space<vmem>>, %arg6: memref<128x128xf32, #tpu.memory_space<vmem>>, %arg7: memref<1x128xf32, #tpu.memory_space<vmem>>, %arg8: memref<2048x64xf32, #tpu.memory_space<vmem>>, %arg9: memref<2048x64xf32, #tpu.memory_space<vmem>>) attributes {dimension_semantics = [#tpu.dimension_semantics<arbitrary>], iteration_bounds = array<i64: 5>, scalar_prefetch = 0 : i64, scratch_operands = 0 : i64, tpu.core_type = #tpu.core_type<tc>, window_params = [{transform_indices = @transform_0, window_bounds = array<i64: 2048, 128>}, {transform_indices = @transform_1, window_bounds = array<i64: 2, 2048, 64>}, {transform_indices = @transform_2, window_bounds = array<i64: 2, 2048>}, {pipeline_mode = #tpu.pipeline_mode<synchronous>, transform_indices = @transform_3, window_bounds = array<i64: 64, 128>}, {pipeline_mode = #tpu.pipeline_mode<synchronous>, transform_indices = @transform_4, window_bounds = array<i64: 64, 128>}, {pipeline_mode = #tpu.pipeline_mode<synchronous>, transform_indices = @transform_5, window_bounds = array<i64: 128, 128>}, {pipeline_mode = #tpu.pipeline_mode<synchronous>, transform_indices = @transform_6, window_bounds = array<i64: 1, 128>}, {transform_indices = @transform_7, window_bounds = array<i64: 2048, 64>}, {transform_indices = @transform_8, window_bounds = array<i64: 2048, 64>}]} {
    %get3A = arith.constant 0 : index
    %get3A_0 = arith.constant 0 : index
    %get3A_1 = vector.load %arg3[%get3A, %get3A_0] : memref<2x2048xf32, #tpu.memory_space<vmem>>, vector<1x2048xf32>
    %get3A_2 = vector.shape_cast %get3A_1 : vector<1x2048xf32> to vector<2048xf32>
    %get3A_3 = arith.constant 1 : index
    %get3A_4 = arith.constant 0 : index
    %get3A_5 = vector.load %arg3[%get3A_3, %get3A_4] : memref<2x2048xf32, #tpu.memory_space<vmem>>, vector<1x2048xf32>
    %get3A_6 = vector.shape_cast %get3A_5 : vector<1x2048xf32> to vector<2048xf32>
    %add3A = arith.addf %get3A_2, %get3A_6 : vector<2048xf32>
    %max3A = arith.constant 1.000000e+00 : f32
    %max3A_7 = vector.broadcast %max3A : f32 to vector<2048xf32>
    %max3A_8 = arith.maximumf %add3A, %max3A_7 : vector<2048xf32>
    %div3A = arith.constant 1.000000e+00 : f32
    %div3A_9 = vector.broadcast %div3A : f32 to vector<2048xf32>
    %div3A_10 = arith.divf %div3A_9, %max3A_8 : vector<2048xf32>
    %broadcast_in_dim3A = vector.shape_cast %div3A_10 : vector<2048xf32> to vector<2048x1xf32>
    %get3A_11 = arith.constant 0 : index
    %get3A_12 = arith.constant 0 : index
    %get3A_13 = arith.constant 0 : index
    %get3A_14 = vector.load %arg2[%get3A_11, %get3A_12, %get3A_13] : memref<2x2048x64xf32, #tpu.memory_space<vmem>>, vector<1x2048x64xf32>
    %get3A_15 = vector.shape_cast %get3A_14 : vector<1x2048x64xf32> to vector<2048x64xf32>
    %mul3A = vector.broadcast %broadcast_in_dim3A : vector<2048x1xf32> to vector<2048x64xf32>
    %mul3A_16 = arith.mulf %get3A_15, %mul3A : vector<2048x64xf32>
    %get3A_17 = arith.constant 1 : index
    %get3A_18 = arith.constant 0 : index
    %get3A_19 = arith.constant 0 : index
    %get3A_20 = vector.load %arg2[%get3A_17, %get3A_18, %get3A_19] : memref<2x2048x64xf32, #tpu.memory_space<vmem>>, vector<1x2048x64xf32>
    %get3A_21 = vector.shape_cast %get3A_20 : vector<1x2048x64xf32> to vector<2048x64xf32>
    %mul3A_22 = vector.broadcast %broadcast_in_dim3A : vector<2048x1xf32> to vector<2048x64xf32>
    %mul3A_23 = arith.mulf %get3A_21, %mul3A_22 : vector<2048x64xf32>
    %get3A_24 = arith.constant 0 : index
    %get3A_25 = arith.constant 0 : index
    %get3A_26 = vector.load %arg1[%get3A_24, %get3A_25] : memref<2048x128xf32, #tpu.memory_space<vmem>>, vector<2048x128xf32>
    %get3A_27 = arith.constant 0 : index
    %get3A_28 = arith.constant 0 : index
    %get3A_29 = vector.load %arg4[%get3A_27, %get3A_28] : memref<64x128xf32, #tpu.memory_space<vmem>>, vector<64x128xf32>
    %dot_general3A = arith.constant dense<0.000000e+00> : vector<2048x128xf32>
    %dot_general3A_30 = tpu.matmul %mul3A_16, %get3A_29, %dot_general3A {dimension_numbers = #tpu.dot_dimension_numbers<[1], [0], [0], [1], [0, 0, 1, 1], [], []>, transpose_lhs_hint = false} : vector<2048x64xf32>, vector<64x128xf32>, vector<2048x128xf32> -> vector<2048x128xf32>
    %add3A_31 = arith.addf %get3A_26, %dot_general3A_30 : vector<2048x128xf32>
    %get3A_32 = arith.constant 0 : index
    %get3A_33 = arith.constant 0 : index
    %get3A_34 = vector.load %arg5[%get3A_32, %get3A_33] : memref<64x128xf32, #tpu.memory_space<vmem>>, vector<64x128xf32>
    %dot_general3A_35 = arith.constant dense<0.000000e+00> : vector<2048x128xf32>
    %dot_general3A_36 = tpu.matmul %mul3A_23, %get3A_34, %dot_general3A_35 {dimension_numbers = #tpu.dot_dimension_numbers<[1], [0], [0], [1], [0, 0, 1, 1], [], []>, transpose_lhs_hint = false} : vector<2048x64xf32>, vector<64x128xf32>, vector<2048x128xf32> -> vector<2048x128xf32>
    %add3A_37 = arith.addf %add3A_31, %dot_general3A_36 : vector<2048x128xf32>
    %max3A_38 = arith.constant 0.000000e+00 : f32
    %max3A_39 = vector.broadcast %max3A_38 : f32 to vector<2048x128xf32>
    %max3A_40 = arith.maximumf %add3A_37, %max3A_39 : vector<2048x128xf32>
    %get3A_41 = arith.constant 0 : index
    %get3A_42 = arith.constant 0 : index
    %get3A_43 = vector.load %arg6[%get3A_41, %get3A_42] : memref<128x128xf32, #tpu.memory_space<vmem>>, vector<128x128xf32>
    %dot_general3A_44 = arith.constant dense<0.000000e+00> : vector<2048x128xf32>
    %dot_general3A_45 = tpu.matmul %max3A_40, %get3A_43, %dot_general3A_44 {dimension_numbers = #tpu.dot_dimension_numbers<[1], [0], [0], [1], [0, 0, 1, 1], [], []>, transpose_lhs_hint = false} : vector<2048x128xf32>, vector<128x128xf32>, vector<2048x128xf32> -> vector<2048x128xf32>
    %get3A_46 = arith.constant 0 : index
    %get3A_47 = arith.constant 0 : index
    %get3A_48 = vector.load %arg7[%get3A_46, %get3A_47] : memref<1x128xf32, #tpu.memory_space<vmem>>, vector<1x128xf32>
    %add3A_49 = vector.broadcast %get3A_48 : vector<1x128xf32> to vector<2048x128xf32>
    %add3A_50 = arith.addf %dot_general3A_45, %add3A_49 : vector<2048x128xf32>
    %slice3A = vector.extract_strided_slice %add3A_50 {offsets = [0, 0], sizes = [2048, 64], strides = [1, 1]} : vector<2048x128xf32> to vector<2048x64xf32>
    %swap3A = arith.constant 0 : index
    %swap3A_51 = arith.constant 0 : index
    %swap3A_52 = vector.load %arg8[%swap3A, %swap3A_51] : memref<2048x64xf32, #tpu.memory_space<vmem>>, vector<2048x64xf32>
    tpu.vector_store %arg8[%swap3A, %swap3A_51], %slice3A {strides = array<i32>} : memref<2048x64xf32, #tpu.memory_space<vmem>>, vector<2048x64xf32>,
    %slice3A_53 = vector.extract_strided_slice %add3A_50 {offsets = [0, 64], sizes = [2048, 64], strides = [1, 1]} : vector<2048x128xf32> to vector<2048x64xf32>
    %swap3A_54 = arith.constant 0 : index
    %swap3A_55 = arith.constant 0 : index
    %swap3A_56 = vector.load %arg9[%swap3A_54, %swap3A_55] : memref<2048x64xf32, #tpu.memory_space<vmem>>, vector<2048x64xf32>
    tpu.vector_store %arg9[%swap3A_54, %swap3A_55], %slice3A_53 {strides = array<i32>} : memref<2048x64xf32, #tpu.memory_space<vmem>>, vector<2048x64xf32>,
    return
  }
  func.func @transform_0(%arg0: i32) -> (i32, i32) {
    %c0_i32 = arith.constant 0 : i32
    %c0_i32_0 = arith.constant 0 : i32
    return %arg0, %c0_i32 : i32, i32
  }
  func.func @transform_1(%arg0: i32) -> (i32, i32, i32) {
    %c0_i32 = arith.constant 0 : i32
    %c0_i32_0 = arith.constant 0 : i32
    %c0_i32_1 = arith.constant 0 : i32
    return %c0_i32, %arg0, %c0_i32_0 : i32, i32, i32
  }
  func.func @transform_2(%arg0: i32) -> (i32, i32) {
    %c0_i32 = arith.constant 0 : i32
    %c0_i32_0 = arith.constant 0 : i32
    return %c0_i32, %arg0 : i32, i32
  }
  func.func @transform_3(%arg0: i32) -> (i32, i32) {
    %c0_i32 = arith.constant 0 : i32
    %c0_i32_0 = arith.constant 0 : i32
    %c0_i32_1 = arith.constant 0 : i32
    return %c0_i32, %c0_i32_0 : i32, i32
  }
  func.func @transform_4(%arg0: i32) -> (i32, i32) {
    %c0_i32 = arith.constant 0 : i32
    %c0_i32_0 = arith.constant 0 : i32
    %c0_i32_1 = arith.constant 0 : i32
    return %c0_i32, %c0_i32_0 : i32, i32
  }
  func.func @transform_5(%arg0: i32) -> (i32, i32) {
    %c0_i32 = arith.constant 0 : i32
    %c0_i32_0 = arith.constant 0 : i32
    %c0_i32_1 = arith.constant 0 : i32
    return %c0_i32, %c0_i32_0 : i32, i32
  }
  func.func @transform_6(%arg0: i32) -> (i32, i32) {
    %c0_i32 = arith.constant 0 : i32
    %c0_i32_0 = arith.constant 0 : i32
    %c0_i32_1 = arith.constant 0 : i32
    return %c0_i32, %c0_i32_0 : i32, i32
  }
  func.func @transform_7(%arg0: i32) -> (i32, i32) {
    %c0_i32 = arith.constant 0 : i32
    %c0_i32_0 = arith.constant 0 : i32
    return %arg0, %c0_i32 : i32, i32
  }
  func.func @transform_8(%arg0: i32) -> (i32, i32) {
    %c0_i32 = arith.constant 0 : i32
    %c0_i32_0 = arith.constant 0 : i32
    return %arg0, %c0_i32 : i32, i32
  }
}

module attributes {stable_mosaic.version = 14 : i64} {
  func.func @_tc_c_body(%arg0: i32, %arg1: memref<2048x64xf32, #tpu.memory_space<vmem>>, %arg2: memref<2x2048x64xf32, #tpu.memory_space<vmem>>, %arg3: memref<2x2048xf32, #tpu.memory_space<vmem>>, %arg4: memref<64x128xf32, #tpu.memory_space<vmem>>, %arg5: memref<1x128xf32, #tpu.memory_space<vmem>>, %arg6: memref<2048x64xf32, #tpu.memory_space<vmem>>, %arg7: memref<2048x128xf32, #tpu.memory_space<vmem>>) attributes {dimension_semantics = [#tpu.dimension_semantics<arbitrary>], iteration_bounds = array<i64: 5>, scalar_prefetch = 0 : i64, scratch_operands = 0 : i64, tpu.core_type = #tpu.core_type<tc>, window_params = [{transform_indices = @transform_0, window_bounds = array<i64: 2048, 64>}, {transform_indices = @transform_1, window_bounds = array<i64: 2, 2048, 64>}, {transform_indices = @transform_2, window_bounds = array<i64: 2, 2048>}, {pipeline_mode = #tpu.pipeline_mode<synchronous>, transform_indices = @transform_3, window_bounds = array<i64: 64, 128>}, {pipeline_mode = #tpu.pipeline_mode<synchronous>, transform_indices = @transform_4, window_bounds = array<i64: 1, 128>}, {transform_indices = @transform_5, window_bounds = array<i64: 2048, 64>}, {transform_indices = @transform_6, window_bounds = array<i64: 2048, 128>}]} {
    %get3A = arith.constant 0 : index
    %get3A_0 = arith.constant 0 : index
    %get3A_1 = arith.constant 0 : index
    %get3A_2 = vector.load %arg2[%get3A, %get3A_0, %get3A_1] : memref<2x2048x64xf32, #tpu.memory_space<vmem>>, vector<1x2048x64xf32>
    %get3A_3 = vector.shape_cast %get3A_2 : vector<1x2048x64xf32> to vector<2048x64xf32>
    %get3A_4 = arith.constant 1 : index
    %get3A_5 = arith.constant 0 : index
    %get3A_6 = arith.constant 0 : index
    %get3A_7 = vector.load %arg2[%get3A_4, %get3A_5, %get3A_6] : memref<2x2048x64xf32, #tpu.memory_space<vmem>>, vector<1x2048x64xf32>
    %get3A_8 = vector.shape_cast %get3A_7 : vector<1x2048x64xf32> to vector<2048x64xf32>
    %add3A = arith.addf %get3A_3, %get3A_8 : vector<2048x64xf32>
    %get3A_9 = arith.constant 0 : index
    %get3A_10 = arith.constant 0 : index
    %get3A_11 = vector.load %arg3[%get3A_9, %get3A_10] : memref<2x2048xf32, #tpu.memory_space<vmem>>, vector<1x2048xf32>
    %get3A_12 = vector.shape_cast %get3A_11 : vector<1x2048xf32> to vector<2048xf32>
    %get3A_13 = arith.constant 1 : index
    %get3A_14 = arith.constant 0 : index
    %get3A_15 = vector.load %arg3[%get3A_13, %get3A_14] : memref<2x2048xf32, #tpu.memory_space<vmem>>, vector<1x2048xf32>
    %get3A_16 = vector.shape_cast %get3A_15 : vector<1x2048xf32> to vector<2048xf32>
    %add3A_17 = arith.addf %get3A_12, %get3A_16 : vector<2048xf32>
    %max3A = arith.constant 1.000000e+00 : f32
    %max3A_18 = vector.broadcast %max3A : f32 to vector<2048xf32>
    %max3A_19 = arith.maximumf %add3A_17, %max3A_18 : vector<2048xf32>
    %div3A = arith.constant 1.000000e+00 : f32
    %div3A_20 = vector.broadcast %div3A : f32 to vector<2048xf32>
    %div3A_21 = arith.divf %div3A_20, %max3A_19 : vector<2048xf32>
    %broadcast_in_dim3A = vector.shape_cast %div3A_21 : vector<2048xf32> to vector<2048x1xf32>
    %mul3A = vector.broadcast %broadcast_in_dim3A : vector<2048x1xf32> to vector<2048x64xf32>
    %mul3A_22 = arith.mulf %add3A, %mul3A : vector<2048x64xf32>
    %get3A_23 = arith.constant 0 : index
    %get3A_24 = arith.constant 0 : index
    %get3A_25 = vector.load %arg1[%get3A_23, %get3A_24] : memref<2048x64xf32, #tpu.memory_space<vmem>>, vector<2048x64xf32>
    %add3A_26 = arith.addf %get3A_25, %mul3A_22 : vector<2048x64xf32>
    %max3A_27 = arith.constant 0.000000e+00 : f32
    %max3A_28 = vector.broadcast %max3A_27 : f32 to vector<2048x64xf32>
    %max3A_29 = arith.maximumf %add3A_26, %max3A_28 : vector<2048x64xf32>
    %swap3A = arith.constant 0 : index
    %swap3A_30 = arith.constant 0 : index
    %swap3A_31 = vector.load %arg6[%swap3A, %swap3A_30] : memref<2048x64xf32, #tpu.memory_space<vmem>>, vector<2048x64xf32>
    tpu.vector_store %arg6[%swap3A, %swap3A_30], %max3A_29 {strides = array<i32>} : memref<2048x64xf32, #tpu.memory_space<vmem>>, vector<2048x64xf32>,
    %get3A_32 = arith.constant 0 : index
    %get3A_33 = arith.constant 0 : index
    %get3A_34 = vector.load %arg4[%get3A_32, %get3A_33] : memref<64x128xf32, #tpu.memory_space<vmem>>, vector<64x128xf32>
    %dot_general3A = arith.constant dense<0.000000e+00> : vector<2048x128xf32>
    %dot_general3A_35 = tpu.matmul %max3A_29, %get3A_34, %dot_general3A {dimension_numbers = #tpu.dot_dimension_numbers<[1], [0], [0], [1], [0, 0, 1, 1], [], []>, transpose_lhs_hint = false} : vector<2048x64xf32>, vector<64x128xf32>, vector<2048x128xf32> -> vector<2048x128xf32>
    %get3A_36 = arith.constant 0 : index
    %get3A_37 = arith.constant 0 : index
    %get3A_38 = vector.load %arg5[%get3A_36, %get3A_37] : memref<1x128xf32, #tpu.memory_space<vmem>>, vector<1x128xf32>
    %add3A_39 = vector.broadcast %get3A_38 : vector<1x128xf32> to vector<2048x128xf32>
    %add3A_40 = arith.addf %dot_general3A_35, %add3A_39 : vector<2048x128xf32>
    %swap3A_41 = arith.constant 0 : index
    %swap3A_42 = arith.constant 0 : index
    %swap3A_43 = vector.load %arg7[%swap3A_41, %swap3A_42] : memref<2048x128xf32, #tpu.memory_space<vmem>>, vector<2048x128xf32>
    tpu.vector_store %arg7[%swap3A_41, %swap3A_42], %add3A_40 {strides = array<i32>} : memref<2048x128xf32, #tpu.memory_space<vmem>>, vector<2048x128xf32>,
    return
  }
  func.func @transform_0(%arg0: i32) -> (i32, i32) {
    %c0_i32 = arith.constant 0 : i32
    %c0_i32_0 = arith.constant 0 : i32
    return %arg0, %c0_i32 : i32, i32
  }
  func.func @transform_1(%arg0: i32) -> (i32, i32, i32) {
    %c0_i32 = arith.constant 0 : i32
    %c0_i32_0 = arith.constant 0 : i32
    %c0_i32_1 = arith.constant 0 : i32
    return %c0_i32, %arg0, %c0_i32_0 : i32, i32, i32
  }
  func.func @transform_2(%arg0: i32) -> (i32, i32) {
    %c0_i32 = arith.constant 0 : i32
    %c0_i32_0 = arith.constant 0 : i32
    return %c0_i32, %arg0 : i32, i32
  }
  func.func @transform_3(%arg0: i32) -> (i32, i32) {
    %c0_i32 = arith.constant 0 : i32
    %c0_i32_0 = arith.constant 0 : i32
    %c0_i32_1 = arith.constant 0 : i32
    return %c0_i32, %c0_i32_0 : i32, i32
  }
  func.func @transform_4(%arg0: i32) -> (i32, i32) {
    %c0_i32 = arith.constant 0 : i32
    %c0_i32_0 = arith.constant 0 : i32
    %c0_i32_1 = arith.constant 0 : i32
    return %c0_i32, %c0_i32_0 : i32, i32
  }
  func.func @transform_5(%arg0: i32) -> (i32, i32) {
    %c0_i32 = arith.constant 0 : i32
    %c0_i32_0 = arith.constant 0 : i32
    return %arg0, %c0_i32 : i32, i32
  }
  func.func @transform_6(%arg0: i32) -> (i32, i32) {
    %c0_i32 = arith.constant 0 : i32
    %c0_i32_0 = arith.constant 0 : i32
    return %arg0, %c0_i32 : i32, i32
  }
}

module attributes {stable_mosaic.version = 14 : i64} {
  func.func @_tc_d_body(%arg0: i32, %arg1: memref<2048x128xf32, #tpu.memory_space<vmem>>, %arg2: memref<2x2048x64xf32, #tpu.memory_space<vmem>>, %arg3: memref<2x2048xf32, #tpu.memory_space<vmem>>, %arg4: memref<64x128xf32, #tpu.memory_space<vmem>>, %arg5: memref<2048x64xf32, #tpu.memory_space<vmem>>, %arg6: memref<2048x64xf32, #tpu.memory_space<vmem>>) attributes {dimension_semantics = [#tpu.dimension_semantics<arbitrary>], iteration_bounds = array<i64: 5>, scalar_prefetch = 0 : i64, scratch_operands = 0 : i64, tpu.core_type = #tpu.core_type<tc>, window_params = [{transform_indices = @transform_0, window_bounds = array<i64: 2048, 128>}, {transform_indices = @transform_1, window_bounds = array<i64: 2, 2048, 64>}, {transform_indices = @transform_2, window_bounds = array<i64: 2, 2048>}, {pipeline_mode = #tpu.pipeline_mode<synchronous>, transform_indices = @transform_3, window_bounds = array<i64: 64, 128>}, {transform_indices = @transform_4, window_bounds = array<i64: 2048, 64>}, {transform_indices = @transform_5, window_bounds = array<i64: 2048, 64>}]} {
    %get3A = arith.constant 0 : index
    %get3A_0 = arith.constant 0 : index
    %get3A_1 = arith.constant 0 : index
    %get3A_2 = vector.load %arg2[%get3A, %get3A_0, %get3A_1] : memref<2x2048x64xf32, #tpu.memory_space<vmem>>, vector<1x2048x64xf32>
    %get3A_3 = vector.shape_cast %get3A_2 : vector<1x2048x64xf32> to vector<2048x64xf32>
    %get3A_4 = arith.constant 1 : index
    %get3A_5 = arith.constant 0 : index
    %get3A_6 = arith.constant 0 : index
    %get3A_7 = vector.load %arg2[%get3A_4, %get3A_5, %get3A_6] : memref<2x2048x64xf32, #tpu.memory_space<vmem>>, vector<1x2048x64xf32>
    %get3A_8 = vector.shape_cast %get3A_7 : vector<1x2048x64xf32> to vector<2048x64xf32>
    %add3A = arith.addf %get3A_3, %get3A_8 : vector<2048x64xf32>
    %get3A_9 = arith.constant 0 : index
    %get3A_10 = arith.constant 0 : index
    %get3A_11 = vector.load %arg3[%get3A_9, %get3A_10] : memref<2x2048xf32, #tpu.memory_space<vmem>>, vector<1x2048xf32>
    %get3A_12 = vector.shape_cast %get3A_11 : vector<1x2048xf32> to vector<2048xf32>
    %get3A_13 = arith.constant 1 : index
    %get3A_14 = arith.constant 0 : index
    %get3A_15 = vector.load %arg3[%get3A_13, %get3A_14] : memref<2x2048xf32, #tpu.memory_space<vmem>>, vector<1x2048xf32>
    %get3A_16 = vector.shape_cast %get3A_15 : vector<1x2048xf32> to vector<2048xf32>
    %add3A_17 = arith.addf %get3A_12, %get3A_16 : vector<2048xf32>
    %max3A = arith.constant 1.000000e+00 : f32
    %max3A_18 = vector.broadcast %max3A : f32 to vector<2048xf32>
    %max3A_19 = arith.maximumf %add3A_17, %max3A_18 : vector<2048xf32>
    %div3A = arith.constant 1.000000e+00 : f32
    %div3A_20 = vector.broadcast %div3A : f32 to vector<2048xf32>
    %div3A_21 = arith.divf %div3A_20, %max3A_19 : vector<2048xf32>
    %broadcast_in_dim3A = vector.shape_cast %div3A_21 : vector<2048xf32> to vector<2048x1xf32>
    %mul3A = vector.broadcast %broadcast_in_dim3A : vector<2048x1xf32> to vector<2048x64xf32>
    %mul3A_22 = arith.mulf %add3A, %mul3A : vector<2048x64xf32>
    %get3A_23 = arith.constant 0 : index
    %get3A_24 = arith.constant 0 : index
    %get3A_25 = vector.load %arg1[%get3A_23, %get3A_24] : memref<2048x128xf32, #tpu.memory_space<vmem>>, vector<2048x128xf32>
    %get3A_26 = arith.constant 0 : index
    %get3A_27 = arith.constant 0 : index
    %get3A_28 = vector.load %arg4[%get3A_26, %get3A_27] : memref<64x128xf32, #tpu.memory_space<vmem>>, vector<64x128xf32>
    %dot_general3A = arith.constant dense<0.000000e+00> : vector<2048x128xf32>
    %dot_general3A_29 = tpu.matmul %mul3A_22, %get3A_28, %dot_general3A {dimension_numbers = #tpu.dot_dimension_numbers<[1], [0], [0], [1], [0, 0, 1, 1], [], []>, transpose_lhs_hint = false} : vector<2048x64xf32>, vector<64x128xf32>, vector<2048x128xf32> -> vector<2048x128xf32>
    %add3A_30 = arith.addf %get3A_25, %dot_general3A_29 : vector<2048x128xf32>
    %slice3A = vector.extract_strided_slice %add3A_30 {offsets = [0, 0], sizes = [2048, 64], strides = [1, 1]} : vector<2048x128xf32> to vector<2048x64xf32>
    %swap3A = arith.constant 0 : index
    %swap3A_31 = arith.constant 0 : index
    %swap3A_32 = vector.load %arg5[%swap3A, %swap3A_31] : memref<2048x64xf32, #tpu.memory_space<vmem>>, vector<2048x64xf32>
    tpu.vector_store %arg5[%swap3A, %swap3A_31], %slice3A {strides = array<i32>} : memref<2048x64xf32, #tpu.memory_space<vmem>>, vector<2048x64xf32>,
    %slice3A_33 = vector.extract_strided_slice %add3A_30 {offsets = [0, 64], sizes = [2048, 64], strides = [1, 1]} : vector<2048x128xf32> to vector<2048x64xf32>
    %swap3A_34 = arith.constant 0 : index
    %swap3A_35 = arith.constant 0 : index
    %swap3A_36 = vector.load %arg6[%swap3A_34, %swap3A_35] : memref<2048x64xf32, #tpu.memory_space<vmem>>, vector<2048x64xf32>
    tpu.vector_store %arg6[%swap3A_34, %swap3A_35], %slice3A_33 {strides = array<i32>} : memref<2048x64xf32, #tpu.memory_space<vmem>>, vector<2048x64xf32>,
    return
  }
  func.func @transform_0(%arg0: i32) -> (i32, i32) {
    %c0_i32 = arith.constant 0 : i32
    %c0_i32_0 = arith.constant 0 : i32
    return %arg0, %c0_i32 : i32, i32
  }
  func.func @transform_1(%arg0: i32) -> (i32, i32, i32) {
    %c0_i32 = arith.constant 0 : i32
    %c0_i32_0 = arith.constant 0 : i32
    %c0_i32_1 = arith.constant 0 : i32
    return %c0_i32, %arg0, %c0_i32_0 : i32, i32, i32
  }
  func.func @transform_2(%arg0: i32) -> (i32, i32) {
    %c0_i32 = arith.constant 0 : i32
    %c0_i32_0 = arith.constant 0 : i32
    return %c0_i32, %arg0 : i32, i32
  }
  func.func @transform_3(%arg0: i32) -> (i32, i32) {
    %c0_i32 = arith.constant 0 : i32
    %c0_i32_0 = arith.constant 0 : i32
    %c0_i32_1 = arith.constant 0 : i32
    return %c0_i32, %c0_i32_0 : i32, i32
  }
  func.func @transform_4(%arg0: i32) -> (i32, i32) {
    %c0_i32 = arith.constant 0 : i32
    %c0_i32_0 = arith.constant 0 : i32
    return %arg0, %c0_i32 : i32, i32
  }
  func.func @transform_5(%arg0: i32) -> (i32, i32) {
    %c0_i32 = arith.constant 0 : i32
    %c0_i32_0 = arith.constant 0 : i32
    return %arg0, %c0_i32 : i32, i32
  }
}

</mosaic_0001>

<sc_bundles>
// kernel: kernel.12.cloned.1.call-start
scs
__scs_entry_jumppad:
0x0: {  	(pc) =	sbr.rel $0x88, $3  }
0x1: {  	(tag) =	ssettag $0x0;
	lr =	simm.s32 $0x1  }
0x2: {  	[smem:$0x3F93] =	sst lr;
	_ =	strace $0xD0000000  }
0x3: {  	_ = 	snop  }
0x4: {  	_ = 	snop  }
0x5: {  	_ = 	snop  }
0x6: {  	_ = 	snop  }
0x7: {  	_ = 	snop  }
__scs_overlays_trampoline_lowered:
0x8: {  	[smem:$0x3FA2] =	sst s0  }
0x9: {  	[smem:$0x3FA3] =	sst s1  }
0xa: {  	[smem:$0x3FA4] =	sst s2  }
0xb: {  	[smem:$0x3FA5] =	sst s3  }
0xc: {  	[smem:$0x3FA6] =	sst s4  }
0xd: {  	[smem:$0x3FA7] =	sst s5  }
0xe: {  	[smem:$0x3FA8] =	sst s6  }
0xf: {  	[smem:$0x3FA9] =	sst s7  }
0x10: {  	[smem:$0x3FAA] =	sst s8  }
0x11: {  	[smem:$0x3FAB] =	sst s9;
	s0 =	simm.s32 @!p0 $0x0  }
0x12: {  	s1 =	sld [smem:$0x3F91];
	s0 =	simm.s32 @p0 $0x1  }
0x13: {  	[smem:$0x3FAC] =	sst s0;
	s0 =	simm.s32 @!p1 $0x0  }
0x14: {  	s2 =	sld [smem:$0x3F90];
	s0 =	simm.s32 @p1 $0x1  }
0x15: {  	[smem:$0x3FAD] =	sst s0;
	s0 =	simm.s32 @!p2 $0x0  }
0x16: {  	s3 =	sld [smem:$0x3FDB];
	s0 =	simm.s32 @p2 $0x1  }
0x17: {  	s4 =	simm.s32 $0x1BF5;
	[smem:$0x3FAF] =	sst s0  }
0x18: {  	s0 =	sld [smem:$0x3F92];
	_ =	swait.ge [sflag:s4], $0x0  }
0x19: {  	s7 =	sld [smem:$0x3F93]  }
0x1a: {  	s8 =	sadd.s32 $0xFFFFE003, lr  }
0x1b: {  	s9 =	sadd.s32 $0xFFFFFEF7, lr;
	s5 =	simm.s32 $0xFFFFFFFF;
	p2 =	slt.u32 s8, $0xFFFFF086  }
0x1c: {  	p1 =	slt.u32 s9, $0xF7A;
	s5 =	simm.s32 @!p2 $0x0  }
0x1d: {  	s5 =	simm.s32 @p1 $0x1;
	p0 =	seq.s32 s7, s2  }
0x1e: {  	s7 =	smul.u32 @!p0 $0xF7A, s2;
	p2 =	seq.s32 @!p0 s5, $0x0  }
0x1f: {  	s9 =	smul.u32 $0xF7A, s1;
	s8 =	simm.s32 @!p0 $0x1BF5;
	p2 =	por !p2, p0  }
0x20: {  	[sflag:s8] =	ssyncset.s32 @!p0 $0xFFFFF086;
	s6 =	sadd.s32 @!p0 s3, s7;
	s7 =	simm.s32 @!p0 $0x108  }
0x21: {  	s3 =	sadd.s32 s3, s9;
	s6 =	sadd.s32 @!p0 $0x88, s6;
	s7 =	simm.s32 @p2 $0x1082  }
0x22: {  	[simem:s7], [sflag:s8] =	dma.local @!p0 [hbm:s6], $0xF7A  }
0x23: {  	s9 =	sor.u32 $0xD0000000, s2;
	s6 =	simm.s32 $0x108;
	_ =	swait.ge @!p0 [sflag:s8], $0x0  }
0x24: {  	s3 =	sadd.s32 $0x88, s3;
	s6 =	simm.s32 @!p1 $0x1082;
	[sflag:s4] =	ssyncset.s32 $0xFFFFF086  }
0x25: {  	[simem:s6], [sflag:s4] =	dma.local [hbm:s3], $0xF7A  }
0x26: {  	[smem:$0x3F93] =	sst s1;
	(tag) =	ssettag s2;
	_ =	strace s9  }
0x27: {  	s1 =	sld [smem:$0x3FA3]  }
0x28: {  	s2 =	sld [smem:$0x3FA4]  }
0x29: {  	s4 =	sld [smem:$0x3FA6]  }
0x2a: {  	p0 =	seq.s32 s5, $0x0;
	s5 =	sld [smem:$0x3FA7]  }
0x2b: {  	s6 =	sld [smem:$0x3FA8]  }
0x2c: {  	s7 =	sld [smem:$0x3FA9]  }
0x2d: {  	s3 =	simm.s32 $0x108;
	s8 =	sld [smem:$0x3FAA]  }
0x2e: {  	s3 =	simm.s32 @!p0 $0x1082;
	s9 =	sld [smem:$0x3FAB]  }
0x2f: {  	lr =	sadd.s32 s0, s3;
	s0 =	sld [smem:$0x3FA2]  }
0x30: {  	s3 =	sld [smem:$0x3FA5]  }
0x31: {  	[smem:$0x3FAE] =	sst s10  }
0x32: {  	s10 =	sld [smem:$0x3FAC];
	_ =	sdelay $0x3  }
0x33: {  	p0 =	seq.s32 s10, $0x1;
	s10 =	sld [smem:$0x3FAE];
	_ =	sdelay $0x3  }
0x34: {  	[smem:$0x3FAE] =	sst s10  }
0x35: {  	s10 =	sld [smem:$0x3FAD];
	_ =	sdelay $0x3  }
0x36: {  	p1 =	seq.s32 s10, $0x1;
	s10 =	sld [smem:$0x3FAE];
	_ =	sdelay $0x3  }
0x37: {  	[smem:$0x3FAE] =	sst s10  }
0x38: {  	s10 =	sld [smem:$0x3FAF]  }
0x39: {  	_ = 	snop;
	(pc) =	sbr.ind lr, $3  }
0x3a: {  	_ = 	snop  }
0x3b: {  	_ = 	snop  }
0x3c: {  	p2 =	seq.s32 s10, $0x1;
	s10 =	sld [smem:$0x3FAE]  }
0x3d: {  	_ =	shalt  }
0x3e: {  	_ =	shalt  }
0x3f: {  	_ =	shalt  }
0x40: {  	_ =	shalt  }
0x41: {  	_ =	shalt  }
0x42: {  	_ =	shalt  }
0x43: {  	_ =	shalt  }
0x44: {  	_ =	shalt  }
0x45: {  	_ =	shalt  }
0x46: {  	_ =	shalt  }
0x47: {  	_ =	shalt  }
0x48: {  	_ =	shalt  }
0x49: {  	_ =	shalt  }
0x4a: {  	_ =	shalt  }
0x4b: {  	_ =	shalt  }
0x4c: {  	_ =	shalt  }
0x4d: {  	_ =	shalt  }
0x4e: {  	_ =	shalt  }
0x4f: {  	_ =	shalt  }
0x50: {  	_ =	shalt  }
0x51: {  	_ =	shalt  }
0x52: {  	_ =	shalt  }
0x53: {  	_ =	shalt  }
0x54: {  	_ =	shalt  }
0x55: {  	_ =	shalt  }
0x56: {  	_ =	shalt  }
0x57: {  	_ =	shalt  }
0x58: {  	_ =	shalt  }
0x59: {  	_ =	shalt  }
0x5a: {  	_ =	shalt  }
0x5b: {  	_ =	shalt  }
0x5c: {  	_ =	shalt  }
0x5d: {  	_ =	shalt  }
0x5e: {  	_ =	shalt  }
0x5f: {  	_ =	shalt  }
0x60: {  	_ =	shalt  }
0x61: {  	_ =	shalt  }
0x62: {  	_ =	shalt  }
0x63: {  	_ =	shalt  }
0x64: {  	_ =	shalt  }
0x65: {  	_ =	shalt  }
0x66: {  	_ =	shalt  }
0x67: {  	_ =	shalt  }
0x68: {  	_ =	shalt  }
0x69: {  	_ =	shalt  }
0x6a: {  	_ =	shalt  }
0x6b: {  	_ =	shalt  }
0x6c: {  	_ =	shalt  }
0x6d: {  	_ =	shalt  }
0x6e: {  	_ =	shalt  }
0x6f: {  	_ =	shalt  }
0x70: {  	_ =	shalt  }
0x71: {  	_ =	shalt  }
0x72: {  	_ =	shalt  }
0x73: {  	_ =	shalt  }
0x74: {  	_ =	shalt  }
0x75: {  	_ =	shalt  }
0x76: {  	_ =	shalt  }
0x77: {  	_ =	shalt  }
0x78: {  	_ =	shalt  }
0x79: {  	_ =	shalt  }
0x7a: {  	_ =	shalt  }
0x7b: {  	_ =	shalt  }
0x7c: {  	_ =	shalt  }
0x7d: {  	_ =	shalt  }
0x7e: {  	_ =	shalt  }
0x7f: {  	_ =	shalt  }
0x80: {  	_ =	shalt  }
0x81: {  	_ =	shalt  }
0x82: {  	_ =	shalt  }
0x83: {  	_ =	shalt  }
0x84: {  	_ =	shalt  }
0x85: {  	_ =	shalt  }
0x86: {  	_ =	shalt  }
0x87: {  	_ =	shalt  }
.Lfunc_end0:
.L_simem_size_0:
called_computation.1_lowered:
.L_overlay_start_0:
0x88: {  	s2 =	sld [smem:$0x3FD9]  }
0x89: {  	s3 =	sld [smem:$0x3FFE];
	_ =	sdelay $0x1  }
0x8a: {  	s1 =	srdreg.scid  }
0x8b: {  	s0 =	sand.u32 $0x1, s1  }
0x8c: {  	s14 =	sshll.u32 s0, $0xA;
	s2 =	sadd.s32 s3, s2  }
0x8d: {  	s2 =	sadd.s32 s2, s14  }
0x8e: {  	[smem:$0x3FBA] =	sst s2  }
0x8f: {  	_ = 	snop  }
0x90: {  	s2 =	sld [smem:$0x3FD0];
	_ =	sdelay $0x2  }
0x91: {  	s15 =	simm.s32 $0xA;
	s4 =	simm.s32 $0x10  }
0x92: {  	[smem:s4], [sflag:s15] =	dma.local [hbm:s2], $0x1  }
0x93: {  	_ =	swait.eq [sflag:s15], $0x1  }
0x94: {  	[sflag:s15] =	ssyncset.done $0x0  }
0x95: {  	s16 =	sld [smem:$0x10];
	[sflag:s15] =	ssyncadd.s32 $0xFFFFFFFF  }
0x96: {  	s17 =	sld [smem:$0x11];
	(tm) =	ssettm $0x1  }
0x97: {  	s18 =	sld [smem:$0x3FFB];
	_ =	sdelay $0x3  }
0x98: {  	_ =	strace s18  }
0x99: {  	s4 =	sld [smem:$0x3FFC];
	_ =	sdelay $0x3  }
0x9a: {  	_ =	strace s4  }
0x9b: {  	s4 =	sld [smem:$0x3FFD];
	_ =	sdelay $0x3  }
0x9c: {  	_ =	strace s4  }
0x9d: {  	_ =	strace $0x8FFFFFFF  }
0x9e: {  	s19 =	sld [smem:$0x3FDB];
	_ =	sdelay $0x1  }
0x9f: {  	s5 =	simm.s32 $_scs_section_size  }
0xa0: {  	s6 =	simm.s32 $_size__tile_overlayer_lowered;
	s7 =	simm.s32 $_tile_overlayer_lowered  }
0xa1: {  	s22 =	simm.s32 $0x1BFF;
	s21 =	sshll.u32 s7, $0x1;
	s4 =	sadd.s32 s5, s19  }
0xa2: {  	s8 =	simm.s32 $0x0;
	s20 =	sshll.u32 s6, $0x1;
	s6 =	sadd.s32 s21, s4  }
0xa3: {  	[timem:s8], [sflag:s22] =	dma.local [hbm:s6], s20  }
0xa4: {  	_ =	swait.ge [sflag:s22], s20  }
0xa5: {  	s5 =	ssub.s32 $0x0, s20;
	[sflag:s22] =	ssyncset.done $0x0  }
0xa6: {  	[sflag:s22] =	ssyncadd.s32 s5;
	_ =	sdelay $0x1  }
0xa7: {  	s23 =	simm.s32 $0x1B8B  }
0xa8: {  	_ =	swait.ge [sflag:s23], $0x1  }
0xa9: {  	[sflag:s23] =	ssyncset.done $0x0  }
0xaa: {  	s25 =	simm.s32 $0x1B8E;
	s24 =	sld [smem:$0x3FFE];
	[sflag:s23] =	ssyncadd.s32 $0xFFFFFFFF  }
0xab: {  	s26 =	simm.s32 $execute0_lowered;
	[smem:$0x3FD2] =	sst s25  }
0xac: {  	s6 =	sshll.u32 s26, $0x1;
	_ =	strace $0x80000053;
	[dreg:$0x1] =	wrdreg $0xFFFFFFFF  }
0xad: {  	s28 =	simm.s32 $_size_execute0_lowered;
	s4 =	sadd.s32 s4, s6;
	[dreg:$0x0] =	wrdreg $0x0  }
0xae: {  	s6 =	sshll.u32 s28, $0x1;
	[dreg:$0x2] =	wrdreg s4  }
0xaf: {  	[dreg:$0x3] =	wrdreg s6  }
0xb0: {  	[dreg:$0x4] =	wrdreg $0xC0  }
0xb1: {  	_ =	task [dreg:s8], $0x5FFFF  }
0xb2: {  	[dreg:$0x1] =	wrdreg $0xFFFFFFFF  }
0xb3: {  	[dreg:$0x0] =	wrdreg $0x60  }
0xb4: {  	[dreg:$0x2] =	wrdreg s17  }
0xb5: {  	[dreg:$0x3] =	wrdreg s16  }
0xb6: {  	[dreg:$0x4] =	wrdreg s24  }
0xb7: {  	[dreg:$0x5] =	wrdreg $0xF0000  }
0xb8: {  	[dreg:$0x6] =	wrdreg $0x9  }
0xb9: {  	_ =	task.clear_ibuf [dreg:s8], $0x7FFFF;
	_ =	strace $0x90000053  }
0xba: {  	s29 =	simm.s32 $0x9;
	_ =	strace $0x8000005C  }
0xbb: {  	_ =	swait.ge [sflag:s29], $0x1  }
0xbc: {  	[sflag:s29] =	ssyncadd.s32 $0xFFFFFFFF  }
0xbd: {  	_ =	strace $0x9000005C  }
0xbe: {  	_ =	sfence  }
0xbf: {  	s30 =	sld [smem:$0x0];
	_ =	sdelay $0x2  }
0xc0: {  	s31 =	sshll.u32 s1, $0xD;
	s1 =	sshrl.u32 s1, $0x2  }
0xc1: {  	s3 =	sand.u32 $0x4000, s31;
	s1 =	sadd.s32 s1, s30  }
0xc2: {  	s0 =	sor.u32 s3, s0;
	s1 =	sshll.u32 s1, $0x11  }
0xc3: {  	s0 =	sor.u32 s1, s0  }
0xc4: {  	s0 =	sadd.s32 $0x8F2B, s0  }
0xc5: {  	[sflag:s0] =	ssyncadd.remote.s32 $0x1  }
0xc6: {  	_ =	sfence.sel $0xFFFF  }
0xc7: {  	[dreg:$0x0] =	wrdreg $0xFFFFFFFF;
	(pc) =	sbr.abs _section_cstart, $3  }
0xc8: {  	[dreg:$0x1] =	wrdreg $0xFFFFFFFF  }
0xc9: {  	_ =	task.clear_ibuf [dreg:s8], $0x2FFFF;
	_ =	strace $0x9FFFFFFF  }
0xca: {  	(tm) =	ssettm $0x7FFFFFFF  }
0xcb: {  	_ =	shalt  }
tec
execute0_lowered:
.L_overlay_start_1:
0x0: {  	(tag) =	ssettag $0x1  }
0x1: {  	s0 =	rddreg [dreg:$0x0]  }
0x2: {  	s1 =	rddreg [dreg:$0x1]  }
0x3: {  	s5 =	rddreg [dreg:$0x2]  }
0x4: {  	s2 =	srdreg.scid;
	s3 =	rddreg [dreg:$0x3]  }
0x5: {  	s7 =	stileid.u32;
	s4 =	simm.s32 $0x0;
	s29 =	simm.s32 $0xD000  }
0x6: {  	s30 =	simm.s32 $0x1;
	s31 =	simm.s32 $0x6;
	s28 =	simm.s32 $0x8  }
0x7: {  	s2 =	sand.u32 $0x1, s2;
	[smem:$0x7FF] =	sst s4;
	s11 =	smul.u32 $0xA000, s7  }
0x8: {  	s13 =	sadd.s32 $0xD200, s5;
	s6 =	sshll.u32 s2, $0x4;
	_ =	strace $0x80000054  }
0x9: {  	s17 =	ssub.s32 $0x2, s2;
	s2 =	smul.u32 $0xA0000, s2;
	s6 =	sor.u32 s7, s6  }
0xa: {  	s18 =	sshrl.u32 s17, $0x1;
	s15 =	sadd.s32 $0x2000, s11;
	s16 =	sadd.s32 $0x4000, s11  }
0xb: {  	s10 =	smul.u32 $0x500, s6;
	s14 =	ssub.s32 s17, s18;
	s6 =	sadd.s32 s15, s3  }
0xc: {  	s7 =	sadd.s32 s16, s3;
	s17 =	sadd.s32 $0x6000, s11;
	s18 =	sadd.s32 $0x8000, s11  }
0xd: {  	s20 =	sadd.s32 s2, s15;
	s23 =	sadd.s32 s2, s16;
	s8 =	sadd.s32 s17, s3  }
0xe: {  	s9 =	sadd.s32 s18, s3;
	s22 =	sshrl.u32 s20, $0x3;
	s24 =	sadd.s32 s2, s17  }
0xf: {  	s17 =	smax.u32 s14, $0x1;
	s20 =	simm.s32 $0x2800;
	s12 =	sadd.s32 s10, s5  }
0x10: {  	s5 =	sadd.s32 s11, s3;
	s11 =	sadd.s32 s11, s2;
	s1 =	sadd.s32 s1, s10  }
0x11: {  	s10 =	sshrl.u32 s24, $0x3;
	s2 =	sadd.s32 s2, s18;
	s18 =	simm.s32 $0x5000  }
0x12: {  	s24 =	simm.s32 $0x9000;
	[dreg:$0x5] =	wrdreg s1;
	s19 =	sshrl.u32 s11, $0x3  }
0x13: {  	s21 =	sadd.s32 $0x3200, s12;
	s25 =	sadd.s32 s13, s10;
	s26 =	sshrl.u32 s2, $0x3  }
0x14: {  	s2 =	simm.s32 $0x2;
	s10 =	simm.s32 $0x9;
	s11 =	simm.s32 $0x5  }
0x15: {  	s12 =	simm.s32 $0xA;
	[dreg:$0x6] =	wrdreg s21;
	s1 =	sadd.s32 s13, s19  }
0x16: {  	[dreg:$0xa] =	wrdreg s25;
	s16 =	sadd.s32 s13, s26;
	s19 =	simm.s32 $0xB  }
0x17: {  	s21 =	simm.s32 $0x80;
	[dreg:$0x7] =	wrdreg s1;
	s1 =	sadd.s32 s13, s22  }
0x18: {  	s26 =	simm.s32 $0xB000;
	[dreg:$0x8] =	wrdreg s1;
	s1 =	sshrl.u32 s23, $0x3  }
0x19: {  	s25 =	simm.s32 $0x7;
	s22 =	simm.s32 $0x7000;
	s1 =	sadd.s32 s13, s1  }
0x1a: {  	v0 =	vimm.f32 $0.0e+00;
	s23 =	simm.s32 $0x4;
	[dreg:$0x9] =	wrdreg s1;
	s1 =	simm.s32 $0x3  }
.LBB2_1:
0x1b: {  	_ =	strace $0x80000055;
	s14 =	simm.s32 $0x100;
	s13 =	simm.s32 $0x0  }
.LBB2_2:
0x1c: {  	p0 =	sne.s32 s14, $0x7F00;
	[tilespmem:s13+$0x5030] =	vst v0;
	s15 =	smov.u32 s14;
	s14 =	sadd.s32 $0x100, s14  }
.Ltmp0:
0x1d: {  	[tilespmem:s13+$0x5020] =	vst v0;
	(pc) =	sbr.rel @p0 .LBB2_2-.Ltmp0, $3  }
0x1e: {  	[tilespmem:s13+$0x5000] =	vst v0  }
0x1f: {  	[tilespmem:s13+$0x5010] =	vst v0;
	_ =	sdelay $0x1  }
0x20: {  	s13 =	sshra.s32 s15, $0x2  }
0x21: {  	[tilespmem:s13+$0x5030] =	vst v0  }
0x22: {  	[tilespmem:s13+$0x5020] =	vst v0  }
0x23: {  	[tilespmem:s13+$0x5000] =	vst v0  }
0x24: {  	[tilespmem:s13+$0x5010] =	vst v0  }
0x25: {  	[spmem:s5] =	stream.linear.scatter [tilespmem:s18], [sflag:$0xB], $0x2000, $0x200038;
	[tilespmem:$0x19000] =	vst v63  }
0x26: {  	_ =	swait.ge [sflag:s19], $0x2000  }
0x27: {  	[sflag:s19] =	ssyncset.done $0x0  }
0x28: {  	[sflag:s19] =	ssyncadd.s32 $0xFFFFE000  }
0x29: {  	[spmem:s6] =	stream.linear.scatter [tilespmem:s18], [sflag:$0xB], $0x2000, $0x200038;
	[tilespmem:$0x19000] =	vst v63  }
0x2a: {  	_ =	swait.ge [sflag:s19], $0x2000  }
0x2b: {  	[sflag:s19] =	ssyncset.done $0x0  }
0x2c: {  	[sflag:s19] =	ssyncadd.s32 $0xFFFFE000  }
0x2d: {  	[spmem:s7] =	stream.linear.scatter [tilespmem:s18], [sflag:$0xB], $0x2000, $0x200038;
	[tilespmem:$0x19000] =	vst v63  }
0x2e: {  	_ =	swait.ge [sflag:s19], $0x2000  }
0x2f: {  	[sflag:s19] =	ssyncset.done $0x0  }
0x30: {  	[sflag:s19] =	ssyncadd.s32 $0xFFFFE000  }
0x31: {  	[spmem:s8] =	stream.linear.scatter [tilespmem:s18], [sflag:$0xB], $0x2000, $0x200038;
	[tilespmem:$0x19000] =	vst v63  }
0x32: {  	_ =	swait.ge [sflag:s19], $0x2000  }
0x33: {  	[sflag:s19] =	ssyncset.done $0x0  }
0x34: {  	[sflag:s19] =	ssyncadd.s32 $0xFFFFE000  }
0x35: {  	[spmem:s9] =	stream.linear.scatter [tilespmem:s18], [sflag:$0xB], $0x2000, $0x200038;
	[tilespmem:$0x19000] =	vst v63  }
0x36: {  	_ =	swait.ge [sflag:s19], $0x2000  }
0x37: {  	[sflag:s19] =	ssyncset.done $0x0  }
0x38: {  	[sflag:s19] =	ssyncadd.s32 $0xFFFFE000  }
0x39: {  	_ =	strace $0x90000055  }
0x3a: {  	_ =	strace $0x80000056  }
0x3b: {  	[bflag:$0x0] =	sbarrier.arrive $0xFFFF  }
0x3c: {  	_ =	strace $0x90000056  }
0x3d: {  	_ =	strace $0x80000057  }
0x3e: {  	s13 =	simm.s32 $0x0;
	s14 =	rddreg [dreg:$0x5]  }
0x3f: {  	[tilespmem:s13], [sflag:$0xB] =	stream.linear.gather [hbm4b:s14+s13], $0x2800, $0x200038;
	[tilespmem:$0x19000] =	vst v63  }
0x40: {  	_ =	swait.ge [sflag:s19], $0x2800  }
0x41: {  	[sflag:s19] =	ssyncset.done $0x0  }
0x42: {  	s15 =	rddreg [dreg:$0x6];
	[sflag:s19] =	ssyncadd.s32 $0xFFFFD800  }
0x43: {  	[tilespmem:s20], [sflag:$0xB] =	stream.linear.gather [hbm4b:s15+s13], $0x2800, $0x200038;
	[tilespmem:$0x19000] =	vst v63  }
0x44: {  	_ =	swait.ge [sflag:s19], $0x2800  }
0x45: {  	[sflag:s19] =	ssyncset.done $0x0  }
0x46: {  	[sflag:s19] =	ssyncadd.s32 $0xFFFFD800  }
0x47: {  	_ =	strace $0x90000057  }
0x48: {  	[tilespmem:s18], [sflag:$0x1] =	stream.indirect.gather [hbm4b:s0+s21], $0x40, s13, s21, $0xb8;
	[tilespmem:$0x19000] =	vst v63  }
0x49: {  	_ = 	snop  }
0x4a: {  	[tilespmem:s22], [sflag:$0x2] =	stream.indirect.gather [hbm4b:s0+s21], $0x40, s21, s21, $0xb8;
	[tilespmem:$0x19000] =	vst v63  }
0x4b: {  	s14 =	simm.s32 $0x100  }
0x4c: {  	[tilespmem:s24], [sflag:$0x3] =	stream.indirect.gather [hbm4b:s0+s21], $0x40, s14, s21, $0xb8;
	[tilespmem:$0x19000] =	vst v63  }
0x4d: {  	s15 =	simm.s32 $0x180  }
0x4e: {  	[tilespmem:s26], [sflag:$0x4] =	stream.indirect.gather [hbm4b:s0+s21], $0x40, s15, s21, $0xb8;
	[tilespmem:$0x19000] =	vst v63  }
0x4f: {  	s14 =	simm.s32 $0x200;
	_ =	strace $0x80000058  }
0x50: {  	[tilespmem:s29], [sflag:$0x5] =	stream.indirect.gather [hbm4b:s0+s21], $0x40, s14, s21, $0x2000b8;
	[tilespmem:$0x19000] =	vst v63  }
0x51: {  	_ =	swait.ge [sflag:s30], $0x2000  }
0x52: {  	[sflag:s30] =	ssyncset.done $0x0  }
0x53: {  	[sflag:s30] =	ssyncadd.s32 $0xFFFFE000  }
0x54: {  	[spmem:s3] =	stream.indirect.scatter.add.f32 [tilespmem:s18], [sflag:$0x6], $0x40, s20, s21, $0x2000b8;
	[tilespmem:$0x19000] =	vst v63  }
0x55: {  	_ =	swait.ge [sflag:s31], $0x2000  }
0x56: {  	[sflag:s31] =	ssyncset.done $0x0  }
0x57: {  	s15 =	simm.s32 $0x280;
	[sflag:s31] =	ssyncadd.s32 $0xFFFFE000  }
0x58: {  	[tilespmem:s18], [sflag:$0x1] =	stream.indirect.gather [hbm4b:s0+s21], $0x40, s15, s21, $0x2000b8;
	[tilespmem:$0x19000] =	vst v63  }
0x59: {  	_ =	swait.ge [sflag:s2], $0x2000  }
0x5a: {  	[sflag:s2] =	ssyncset.done $0x0  }
0x5b: {  	s14 =	simm.s32 $0x2880;
	[sflag:s2] =	ssyncadd.s32 $0xFFFFE000  }
0x5c: {  	[spmem:s3] =	stream.indirect.scatter.add.f32 [tilespmem:s22], [sflag:$0x7], $0x40, s14, s21, $0x2000b8;
	[tilespmem:$0x19000] =	vst v63  }
0x5d: {  	_ =	swait.ge [sflag:s25], $0x2000  }
0x5e: {  	[sflag:s25] =	ssyncset.done $0x0  }
0x5f: {  	s15 =	simm.s32 $0x300;
	[sflag:s25] =	ssyncadd.s32 $0xFFFFE000  }
0x60: {  	[tilespmem:s22], [sflag:$0x2] =	stream.indirect.gather [hbm4b:s0+s21], $0x40, s15, s21, $0x2000b8;
	[tilespmem:$0x19000] =	vst v63  }
0x61: {  	_ =	swait.ge [sflag:s1], $0x2000  }
0x62: {  	[sflag:s1] =	ssyncset.done $0x0  }
0x63: {  	s14 =	simm.s32 $0x2900;
	[sflag:s1] =	ssyncadd.s32 $0xFFFFE000  }
0x64: {  	[spmem:s3] =	stream.indirect.scatter.add.f32 [tilespmem:s24], [sflag:$0x8], $0x40, s14, s21, $0x2000b8;
	[tilespmem:$0x19000] =	vst v63  }
0x65: {  	_ =	swait.ge [sflag:s28], $0x2000  }
0x66: {  	[sflag:s28] =	ssyncset.done $0x0  }
0x67: {  	s15 =	simm.s32 $0x380;
	[sflag:s28] =	ssyncadd.s32 $0xFFFFE000  }
0x68: {  	[tilespmem:s24], [sflag:$0x3] =	stream.indirect.gather [hbm4b:s0+s21], $0x40, s15, s21, $0x2000b8;
	[tilespmem:$0x19000] =	vst v63  }
0x69: {  	_ =	swait.ge [sflag:s23], $0x2000  }
0x6a: {  	[sflag:s23] =	ssyncset.done $0x0  }
0x6b: {  	s14 =	simm.s32 $0x2980;
	[sflag:s23] =	ssyncadd.s32 $0xFFFFE000  }
0x6c: {  	[spmem:s3] =	stream.indirect.scatter.add.f32 [tilespmem:s26], [sflag:$0x9], $0x40, s14, s21, $0x2000b8;
	[tilespmem:$0x19000] =	vst v63  }
0x6d: {  	_ =	swait.ge [sflag:s10], $0x2000  }
0x6e: {  	[sflag:s10] =	ssyncset.done $0x0  }
0x6f: {  	s15 =	simm.s32 $0x400;
	[sflag:s10] =	ssyncadd.s32 $0xFFFFE000  }
0x70: {  	[tilespmem:s26], [sflag:$0x4] =	stream.indirect.gather [hbm4b:s0+s21], $0x40, s15, s21, $0x2000b8;
	[tilespmem:$0x19000] =	vst v63  }
0x71: {  	_ =	swait.ge [sflag:s11], $0x2000  }
0x72: {  	[sflag:s11] =	ssyncset.done $0x0  }
0x73: {  	s14 =	simm.s32 $0x2A00;
	[sflag:s11] =	ssyncadd.s32 $0xFFFFE000  }
0x74: {  	[spmem:s3] =	stream.indirect.scatter.add.f32 [tilespmem:s29], [sflag:$0xA], $0x40, s14, s21, $0x2000b8;
	[tilespmem:$0x19000] =	vst v63  }
0x75: {  	_ =	swait.ge [sflag:s12], $0x2000  }
0x76: {  	[sflag:s12] =	ssyncset.done $0x0  }
0x77: {  	s15 =	simm.s32 $0x480;
	[sflag:s12] =	ssyncadd.s32 $0xFFFFE000  }
0x78: {  	[tilespmem:s29], [sflag:$0x5] =	stream.indirect.gather [hbm4b:s0+s21], $0x40, s15, s21, $0x2000b8;
	[tilespmem:$0x19000] =	vst v63  }
0x79: {  	_ =	swait.ge [sflag:s30], $0x2000  }
0x7a: {  	[sflag:s30] =	ssyncset.done $0x0  }
0x7b: {  	s14 =	simm.s32 $0x2A80;
	[sflag:s30] =	ssyncadd.s32 $0xFFFFE000  }
0x7c: {  	[spmem:s3] =	stream.indirect.scatter.add.f32 [tilespmem:s18], [sflag:$0x6], $0x40, s14, s21, $0x2000b8;
	[tilespmem:$0x19000] =	vst v63  }
0x7d: {  	_ =	swait.ge [sflag:s31], $0x2000  }
0x7e: {  	[sflag:s31] =	ssyncset.done $0x0  }
0x7f: {  	s15 =	simm.s32 $0x500;
	[sflag:s31] =	ssyncadd.s32 $0xFFFFE000  }
0x80: {  	[tilespmem:s18], [sflag:$0x1] =	stream.indirect.gather [hbm4b:s0+s21], $0x40, s15, s21, $0x2000b8;
	[tilespmem:$0x19000] =	vst v63  }
0x81: {  	_ =	swait.ge [sflag:s2], $0x2000  }
0x82: {  	[sflag:s2] =	ssyncset.done $0x0  }
0x83: {  	s14 =	simm.s32 $0x2B00;
	[sflag:s2] =	ssyncadd.s32 $0xFFFFE000  }
0x84: {  	[spmem:s3] =	stream.indirect.scatter.add.f32 [tilespmem:s22], [sflag:$0x7], $0x40, s14, s21, $0x2000b8;
	[tilespmem:$0x19000] =	vst v63  }
0x85: {  	_ =	swait.ge [sflag:s25], $0x2000  }
0x86: {  	[sflag:s25] =	ssyncset.done $0x0  }
0x87: {  	s15 =	simm.s32 $0x580;
	[sflag:s25] =	ssyncadd.s32 $0xFFFFE000  }
0x88: {  	[tilespmem:s22], [sflag:$0x2] =	stream.indirect.gather [hbm4b:s0+s21], $0x40, s15, s21, $0x2000b8;
	[tilespmem:$0x19000] =	vst v63  }
0x89: {  	_ =	swait.ge [sflag:s1], $0x2000  }
0x8a: {  	[sflag:s1] =	ssyncset.done $0x0  }
0x8b: {  	s14 =	simm.s32 $0x2B80;
	[sflag:s1] =	ssyncadd.s32 $0xFFFFE000  }
0x8c: {  	[spmem:s3] =	stream.indirect.scatter.add.f32 [tilespmem:s24], [sflag:$0x8], $0x40, s14, s21, $0x2000b8;
	[tilespmem:$0x19000] =	vst v63  }
0x8d: {  	_ =	swait.ge [sflag:s28], $0x2000  }
0x8e: {  	[sflag:s28] =	ssyncset.done $0x0  }
0x8f: {  	s15 =	simm.s32 $0x600;
	[sflag:s28] =	ssyncadd.s32 $0xFFFFE000  }
0x90: {  	[tilespmem:s24], [sflag:$0x3] =	stream.indirect.gather [hbm4b:s0+s21], $0x40, s15, s21, $0x2000b8;
	[tilespmem:$0x19000] =	vst v63  }
0x91: {  	_ =	swait.ge [sflag:s23], $0x2000  }
0x92: {  	[sflag:s23] =	ssyncset.done $0x0  }
0x93: {  	s14 =	simm.s32 $0x2C00;
	[sflag:s23] =	ssyncadd.s32 $0xFFFFE000  }
0x94: {  	[spmem:s3] =	stream.indirect.scatter.add.f32 [tilespmem:s26], [sflag:$0x9], $0x40, s14, s21, $0x2000b8;
	[tilespmem:$0x19000] =	vst v63  }
0x95: {  	_ =	swait.ge [sflag:s10], $0x2000  }
0x96: {  	[sflag:s10] =	ssyncset.done $0x0  }
0x97: {  	s15 =	simm.s32 $0x680;
	[sflag:s10] =	ssyncadd.s32 $0xFFFFE000  }
0x98: {  	[tilespmem:s26], [sflag:$0x4] =	stream.indirect.gather [hbm4b:s0+s21], $0x40, s15, s21, $0x2000b8;
	[tilespmem:$0x19000] =	vst v63  }
0x99: {  	_ =	swait.ge [sflag:s11], $0x2000  }
0x9a: {  	[sflag:s11] =	ssyncset.done $0x0  }
0x9b: {  	s13 =	simm.s32 $0xA00;
	s14 =	simm.s32 $0x2C80;
	[sflag:s11] =	ssyncadd.s32 $0xFFFFE000  }
.LBB2_4:
0x9c: {  	[spmem:s3] =	stream.indirect.scatter.add.f32 [tilespmem:s29], [sflag:$0xA], $0x40, s14, s21, $0x2000b8;
	[tilespmem:$0x19000] =	vst v63  }
0x9d: {  	s14 =	smov.u32 s13;
	s13 =	sadd.s32 $0xA00, s13;
	_ =	swait.ge [sflag:s12], $0x2000  }
0x9e: {  	s14 =	sshra.s32 s14, $0x2;
	p0 =	sne.s32 s13, $0x8C00;
	[sflag:s12] =	ssyncset.done $0x0  }
0x9f: {  	s15 =	sadd.s32 $0x480, s14;
	[sflag:s12] =	ssyncadd.s32 $0xFFFFE000  }
0xa0: {  	[tilespmem:s29], [sflag:$0x5] =	stream.indirect.gather [hbm4b:s0+s21], $0x40, s15, s21, $0x2000b8;
	[tilespmem:$0x19000] =	vst v63  }
0xa1: {  	_ =	swait.ge [sflag:s30], $0x2000  }
0xa2: {  	[sflag:s30] =	ssyncset.done $0x0  }
0xa3: {  	s15 =	sadd.s32 $0x2A80, s14;
	[sflag:s30] =	ssyncadd.s32 $0xFFFFE000  }
0xa4: {  	[spmem:s3] =	stream.indirect.scatter.add.f32 [tilespmem:s18], [sflag:$0x6], $0x40, s15, s21, $0x2000b8;
	[tilespmem:$0x19000] =	vst v63  }
0xa5: {  	_ =	swait.ge [sflag:s31], $0x2000  }
0xa6: {  	[sflag:s31] =	ssyncset.done $0x0  }
0xa7: {  	s15 =	sadd.s32 $0x500, s14;
	[sflag:s31] =	ssyncadd.s32 $0xFFFFE000  }
0xa8: {  	[tilespmem:s18], [sflag:$0x1] =	stream.indirect.gather [hbm4b:s0+s21], $0x40, s15, s21, $0x2000b8;
	[tilespmem:$0x19000] =	vst v63  }
0xa9: {  	_ =	swait.ge [sflag:s2], $0x2000  }
0xaa: {  	[sflag:s2] =	ssyncset.done $0x0  }
0xab: {  	s15 =	sadd.s32 $0x2B00, s14;
	[sflag:s2] =	ssyncadd.s32 $0xFFFFE000  }
0xac: {  	[spmem:s3] =	stream.indirect.scatter.add.f32 [tilespmem:s22], [sflag:$0x7], $0x40, s15, s21, $0x2000b8;
	[tilespmem:$0x19000] =	vst v63  }
0xad: {  	_ =	swait.ge [sflag:s25], $0x2000  }
0xae: {  	[sflag:s25] =	ssyncset.done $0x0  }
0xaf: {  	s15 =	sadd.s32 $0x580, s14;
	[sflag:s25] =	ssyncadd.s32 $0xFFFFE000  }
0xb0: {  	[tilespmem:s22], [sflag:$0x2] =	stream.indirect.gather [hbm4b:s0+s21], $0x40, s15, s21, $0x2000b8;
	[tilespmem:$0x19000] =	vst v63  }
0xb1: {  	_ =	swait.ge [sflag:s1], $0x2000  }
0xb2: {  	[sflag:s1] =	ssyncset.done $0x0  }
0xb3: {  	s15 =	sadd.s32 $0x2B80, s14;
	[sflag:s1] =	ssyncadd.s32 $0xFFFFE000  }
0xb4: {  	[spmem:s3] =	stream.indirect.scatter.add.f32 [tilespmem:s24], [sflag:$0x8], $0x40, s15, s21, $0x2000b8;
	[tilespmem:$0x19000] =	vst v63  }
0xb5: {  	_ =	swait.ge [sflag:s28], $0x2000  }
0xb6: {  	[sflag:s28] =	ssyncset.done $0x0  }
0xb7: {  	s15 =	sadd.s32 $0x600, s14;
	[sflag:s28] =	ssyncadd.s32 $0xFFFFE000  }
0xb8: {  	[tilespmem:s24], [sflag:$0x3] =	stream.indirect.gather [hbm4b:s0+s21], $0x40, s15, s21, $0x2000b8;
	[tilespmem:$0x19000] =	vst v63  }
0xb9: {  	_ =	swait.ge [sflag:s23], $0x2000  }
0xba: {  	[sflag:s23] =	ssyncset.done $0x0  }
0xbb: {  	s15 =	sadd.s32 $0x2C00, s14;
	[sflag:s23] =	ssyncadd.s32 $0xFFFFE000  }
0xbc: {  	[spmem:s3] =	stream.indirect.scatter.add.f32 [tilespmem:s26], [sflag:$0x9], $0x40, s15, s21, $0x2000b8;
	[tilespmem:$0x19000] =	vst v63  }
0xbd: {  	_ =	swait.ge [sflag:s10], $0x2000  }
0xbe: {  	[sflag:s10] =	ssyncset.done $0x0  }
.Ltmp1:
0xbf: {  	s15 =	sadd.s32 $0x680, s14;
	[sflag:s10] =	ssyncadd.s32 $0xFFFFE000;
	(pc) =	sbr.rel @p0 .LBB2_4-.Ltmp1, $4  }
0xc0: {  	[tilespmem:s26], [sflag:$0x4] =	stream.indirect.gather [hbm4b:s0+s21], $0x40, s15, s21, $0x2000b8;
	[tilespmem:$0x19000] =	vst v63  }
0xc1: {  	_ =	swait.ge [sflag:s11], $0x2000  }
0xc2: {  	[sflag:s11] =	ssyncset.done $0x0  }
0xc3: {  	s14 =	sadd.s32 $0x2C80, s14;
	[sflag:s11] =	ssyncadd.s32 $0xFFFFE000  }
0xc4: {  	[spmem:s3] =	stream.indirect.scatter.add.f32 [tilespmem:s29], [sflag:$0xA], $0x40, s14, s21, $0x2000b8;
	[tilespmem:$0x19000] =	vst v63  }
0xc5: {  	_ =	swait.ge [sflag:s12], $0x2000  }
0xc6: {  	[sflag:s12] =	ssyncset.done $0x0  }
0xc7: {  	s15 =	simm.s32 $0x2780;
	[sflag:s12] =	ssyncadd.s32 $0xFFFFE000  }
0xc8: {  	[tilespmem:s29], [sflag:$0x5] =	stream.indirect.gather [hbm4b:s0+s21], $0x40, s15, s21, $0x2000b8;
	[tilespmem:$0x19000] =	vst v63  }
0xc9: {  	_ =	swait.ge [sflag:s30], $0x2000  }
0xca: {  	s13 =	sshra.s32 s13, $0x2;
	[sflag:s30] =	ssyncset.done $0x0  }
0xcb: {  	s15 =	sadd.s32 $0x2A80, s13;
	[sflag:s30] =	ssyncadd.s32 $0xFFFFE000  }
0xcc: {  	[spmem:s3] =	stream.indirect.scatter.add.f32 [tilespmem:s18], [sflag:$0x6], $0x40, s15, s21, $0x2000b8;
	[tilespmem:$0x19000] =	vst v63  }
0xcd: {  	_ =	swait.ge [sflag:s31], $0x2000  }
0xce: {  	[sflag:s31] =	ssyncset.done $0x0  }
0xcf: {  	[sflag:s31] =	ssyncadd.s32 $0xFFFFE000  }
0xd0: {  	_ =	swait.ge [sflag:s2], $0x2000  }
0xd1: {  	[sflag:s2] =	ssyncset.done $0x0  }
0xd2: {  	s15 =	sadd.s32 $0x2B00, s13;
	[sflag:s2] =	ssyncadd.s32 $0xFFFFE000  }
0xd3: {  	[spmem:s3] =	stream.indirect.scatter.add.f32 [tilespmem:s22], [sflag:$0x7], $0x40, s15, s21, $0x2000b8;
	[tilespmem:$0x19000] =	vst v63  }
0xd4: {  	_ =	swait.ge [sflag:s25], $0x2000  }
0xd5: {  	[sflag:s25] =	ssyncset.done $0x0  }
0xd6: {  	[sflag:s25] =	ssyncadd.s32 $0xFFFFE000  }
0xd7: {  	_ =	swait.ge [sflag:s1], $0x2000  }
0xd8: {  	[sflag:s1] =	ssyncset.done $0x0  }
0xd9: {  	s15 =	sadd.s32 $0x2B80, s13;
	[sflag:s1] =	ssyncadd.s32 $0xFFFFE000  }
0xda: {  	[spmem:s3] =	stream.indirect.scatter.add.f32 [tilespmem:s24], [sflag:$0x8], $0x40, s15, s21, $0x2000b8;
	[tilespmem:$0x19000] =	vst v63  }
0xdb: {  	_ =	swait.ge [sflag:s28], $0x2000  }
0xdc: {  	[sflag:s28] =	ssyncset.done $0x0  }
0xdd: {  	[sflag:s28] =	ssyncadd.s32 $0xFFFFE000  }
0xde: {  	_ =	swait.ge [sflag:s23], $0x2000  }
0xdf: {  	[sflag:s23] =	ssyncset.done $0x0  }
0xe0: {  	s13 =	sadd.s32 $0x2C00, s13;
	[sflag:s23] =	ssyncadd.s32 $0xFFFFE000  }
0xe1: {  	[spmem:s3] =	stream.indirect.scatter.add.f32 [tilespmem:s26], [sflag:$0x9], $0x40, s13, s21, $0x2000b8;
	[tilespmem:$0x19000] =	vst v63  }
0xe2: {  	_ =	swait.ge [sflag:s10], $0x2000  }
0xe3: {  	[sflag:s10] =	ssyncset.done $0x0  }
0xe4: {  	[sflag:s10] =	ssyncadd.s32 $0xFFFFE000  }
0xe5: {  	_ =	swait.ge [sflag:s11], $0x2000  }
0xe6: {  	[sflag:s11] =	ssyncset.done $0x0  }
0xe7: {  	s15 =	simm.s32 $0x4F80;
	[sflag:s11] =	ssyncadd.s32 $0xFFFFE000  }
0xe8: {  	[spmem:s3] =	stream.indirect.scatter.add.f32 [tilespmem:s29], [sflag:$0xA], $0x40, s15, s21, $0x2000b8;
	[tilespmem:$0x19000] =	vst v63  }
0xe9: {  	_ =	strace $0x90000058  }
0xea: {  	_ =	strace $0x80000059  }
0xeb: {  	_ =	swait.ge [sflag:s12], $0x2000  }
0xec: {  	[sflag:s12] =	ssyncset.done $0x0  }
0xed: {  	[sflag:s12] =	ssyncadd.s32 $0xFFFFE000  }
0xee: {  	_ =	strace $0x90000059  }
0xef: {  	_ =	strace $0x8000005A  }
0xf0: {  	[bflag:$0x0] =	sbarrier.arrive $0xFFFF  }
0xf1: {  	s14 =	stileid.u32;
	_ =	strace $0x9000005A  }
0xf2: {  	s13 =	sshll.u32 s14, $0x6;
	_ =	strace $0x8000005B  }
0xf3: {  	s14 =	sshrl.u32 s5, $0x3;
	s13 =	sor.u32 $0x1C0B, s13;
	s15 =	rddreg [dreg:$0x7]  }
0xf4: {  	[hbm:s15], [sflag:s13] =	dma.local [spmem:s14], $0x400  }
0xf5: {  	_ =	swait.ge [sflag:s19], $0x400  }
0xf6: {  	[sflag:s19] =	ssyncset.done $0x0  }
0xf7: {  	s14 =	sshrl.u32 s6, $0x3;
	s15 =	rddreg [dreg:$0x8];
	[sflag:s19] =	ssyncadd.s32 $0xFFFFFC00  }
0xf8: {  	[hbm:s15], [sflag:s13] =	dma.local [spmem:s14], $0x400  }
0xf9: {  	_ =	swait.ge [sflag:s19], $0x400  }
0xfa: {  	[sflag:s19] =	ssyncset.done $0x0  }
0xfb: {  	s14 =	sshrl.u32 s7, $0x3;
	s15 =	rddreg [dreg:$0x9];
	[sflag:s19] =	ssyncadd.s32 $0xFFFFFC00  }
0xfc: {  	[hbm:s15], [sflag:s13] =	dma.local [spmem:s14], $0x400  }
0xfd: {  	_ =	swait.ge [sflag:s19], $0x400  }
0xfe: {  	[sflag:s19] =	ssyncset.done $0x0  }
0xff: {  	s14 =	sshrl.u32 s8, $0x3;
	s15 =	rddreg [dreg:$0xa];
	[sflag:s19] =	ssyncadd.s32 $0xFFFFFC00  }
0x100: {  	[hbm:s15], [sflag:s13] =	dma.local [spmem:s14], $0x400  }
0x101: {  	_ =	swait.ge [sflag:s19], $0x400  }
0x102: {  	s4 =	sadd.s32 $0x1, s4;
	[sflag:s19] =	ssyncset.done $0x0  }
0x103: {  	p0 =	sne.s32 s4, s17;
	s15 =	sshrl.u32 s9, $0x3;
	[sflag:s19] =	ssyncadd.s32 $0xFFFFFC00  }
0x104: {  	[hbm:s16], [sflag:s13] =	dma.local [spmem:s15], $0x400  }
.Ltmp2:
0x105: {  	_ = 	snop;
	(pc) =	sbr.rel @p0 .LBB2_1-.Ltmp2, $4  }
0x106: {  	_ =	swait.ge [sflag:s19], $0x400  }
0x107: {  	[sflag:s19] =	ssyncset.done $0x0  }
0x108: {  	[sflag:s19] =	ssyncadd.s32 $0xFFFFFC00  }
0x109: {  	_ =	strace $0x9000005B  }
0x10a: {  	_ =	sfence.sel $0x180000  }
0x10b: {  	[bflag:$0x0] =	sbarrier.arrive $0xFFFF  }
0x10c: {  	_ =	strace $0x90000054  }
0x10d: {  	s0 =	stileid.u32;
	[bflag:$0x2] =	sbarrier.arrive $0xFFFF  }
0x10e: {  	p0 =	sne.s32 s0, $0x0;
	s0 =	rddreg [dreg:$0x4]  }
0x10f: {  	s0 =	sadd.s32 @!p0 $0x100000, s0  }
0x110: {  	[sflag:s0] =	ssyncadd.tile.s32 @!p0 $0x1;
	_ =	shalt  }
.Lfunc_end2:
_tile_overlayer_lowered:
.L_overlay_start_2:
0x111: {  	(tag) =	ssettag $0x2  }
0x112: {  	s0 =	rddreg [dreg:$0x0];
	s2 =	stileid.u32  }
0x113: {  	s1 =	rddreg [dreg:$0x1];
	p0 =	sne.s32 s2, $0x0  }
0x114: {  	s3 =	rddreg [dreg:$0x2];
	[bflag:$0x3] =	sbarrier.arrive $0xFFFF;
	s2 =	simm.s32 @!p0 $0x1C0B  }
0x115: {  	[timem:s3], [sflag:s2] =	dma.local @!p0 [hbm:s0], s1  }
0x116: {  	s0 =	simm.s32 @!p0 $0xB  }
0x117: {  	_ =	swait.ge @!p0 [sflag:s0], s1  }
0x118: {  	s1 =	ssub.s32 @!p0 $0x0, s1;
	[sflag:s0] =	ssyncset.done @!p0 $0x0  }
0x119: {  	[sflag:s0] =	ssyncadd.s32 @!p0 s1  }
0x11a: {  	[bflag:$0x3] =	sbarrier.arrive $0xFFFF  }
0x11b: {  	_ =	shalt  }

// kernel: kernel.15.cloned.1.call-start
scs
__scs_entry_jumppad:
0x0: {  	(pc) =	sbr.rel $0x88, $3  }
0x1: {  	(tag) =	ssettag $0x0;
	lr =	simm.s32 $0x1  }
0x2: {  	[smem:$0x3F93] =	sst lr;
	_ =	strace $0xD0000000  }
0x3: {  	_ = 	snop  }
0x4: {  	_ = 	snop  }
0x5: {  	_ = 	snop  }
0x6: {  	_ = 	snop  }
0x7: {  	_ = 	snop  }
__scs_overlays_trampoline_lowered:
0x8: {  	[smem:$0x3FA2] =	sst s0  }
0x9: {  	[smem:$0x3FA3] =	sst s1  }
0xa: {  	[smem:$0x3FA4] =	sst s2  }
0xb: {  	[smem:$0x3FA5] =	sst s3  }
0xc: {  	[smem:$0x3FA6] =	sst s4  }
0xd: {  	[smem:$0x3FA7] =	sst s5  }
0xe: {  	[smem:$0x3FA8] =	sst s6  }
0xf: {  	[smem:$0x3FA9] =	sst s7  }
0x10: {  	[smem:$0x3FAA] =	sst s8  }
0x11: {  	[smem:$0x3FAB] =	sst s9;
	s0 =	simm.s32 @!p0 $0x0  }
0x12: {  	s1 =	sld [smem:$0x3F91];
	s0 =	simm.s32 @p0 $0x1  }
0x13: {  	[smem:$0x3FAC] =	sst s0;
	s0 =	simm.s32 @!p1 $0x0  }
0x14: {  	s2 =	sld [smem:$0x3F90];
	s0 =	simm.s32 @p1 $0x1  }
0x15: {  	[smem:$0x3FAD] =	sst s0;
	s0 =	simm.s32 @!p2 $0x0  }
0x16: {  	s3 =	sld [smem:$0x3FDB];
	s0 =	simm.s32 @p2 $0x1  }
0x17: {  	s4 =	simm.s32 $0x1BF5;
	[smem:$0x3FAF] =	sst s0  }
0x18: {  	s0 =	sld [smem:$0x3F92];
	_ =	swait.ge [sflag:s4], $0x0  }
0x19: {  	s7 =	sld [smem:$0x3F93]  }
0x1a: {  	s8 =	sadd.s32 $0xFFFFE003, lr  }
0x1b: {  	s9 =	sadd.s32 $0xFFFFFEF7, lr;
	s5 =	simm.s32 $0xFFFFFFFF;
	p2 =	slt.u32 s8, $0xFFFFF086  }
0x1c: {  	p1 =	slt.u32 s9, $0xF7A;
	s5 =	simm.s32 @!p2 $0x0  }
0x1d: {  	s5 =	simm.s32 @p1 $0x1;
	p0 =	seq.s32 s7, s2  }
0x1e: {  	s7 =	smul.u32 @!p0 $0xF7A, s2;
	p2 =	seq.s32 @!p0 s5, $0x0  }
0x1f: {  	s9 =	smul.u32 $0xF7A, s1;
	s8 =	simm.s32 @!p0 $0x1BF5;
	p2 =	por !p2, p0  }
0x20: {  	[sflag:s8] =	ssyncset.s32 @!p0 $0xFFFFF086;
	s6 =	sadd.s32 @!p0 s3, s7;
	s7 =	simm.s32 @!p0 $0x108  }
0x21: {  	s3 =	sadd.s32 s3, s9;
	s6 =	sadd.s32 @!p0 $0x88, s6;
	s7 =	simm.s32 @p2 $0x1082  }
0x22: {  	[simem:s7], [sflag:s8] =	dma.local @!p0 [hbm:s6], $0xF7A  }
0x23: {  	s9 =	sor.u32 $0xD0000000, s2;
	s6 =	simm.s32 $0x108;
	_ =	swait.ge @!p0 [sflag:s8], $0x0  }
0x24: {  	s3 =	sadd.s32 $0x88, s3;
	s6 =	simm.s32 @!p1 $0x1082;
	[sflag:s4] =	ssyncset.s32 $0xFFFFF086  }
0x25: {  	[simem:s6], [sflag:s4] =	dma.local [hbm:s3], $0xF7A  }
0x26: {  	[smem:$0x3F93] =	sst s1;
	(tag) =	ssettag s2;
	_ =	strace s9  }
0x27: {  	s1 =	sld [smem:$0x3FA3]  }
0x28: {  	s2 =	sld [smem:$0x3FA4]  }
0x29: {  	s4 =	sld [smem:$0x3FA6]  }
0x2a: {  	p0 =	seq.s32 s5, $0x0;
	s5 =	sld [smem:$0x3FA7]  }
0x2b: {  	s6 =	sld [smem:$0x3FA8]  }
0x2c: {  	s7 =	sld [smem:$0x3FA9]  }
0x2d: {  	s3 =	simm.s32 $0x108;
	s8 =	sld [smem:$0x3FAA]  }
0x2e: {  	s3 =	simm.s32 @!p0 $0x1082;
	s9 =	sld [smem:$0x3FAB]  }
0x2f: {  	lr =	sadd.s32 s0, s3;
	s0 =	sld [smem:$0x3FA2]  }
0x30: {  	s3 =	sld [smem:$0x3FA5]  }
0x31: {  	[smem:$0x3FAE] =	sst s10  }
0x32: {  	s10 =	sld [smem:$0x3FAC];
	_ =	sdelay $0x3  }
0x33: {  	p0 =	seq.s32 s10, $0x1;
	s10 =	sld [smem:$0x3FAE];
	_ =	sdelay $0x3  }
0x34: {  	[smem:$0x3FAE] =	sst s10  }
0x35: {  	s10 =	sld [smem:$0x3FAD];
	_ =	sdelay $0x3  }
0x36: {  	p1 =	seq.s32 s10, $0x1;
	s10 =	sld [smem:$0x3FAE];
	_ =	sdelay $0x3  }
0x37: {  	[smem:$0x3FAE] =	sst s10  }
0x38: {  	s10 =	sld [smem:$0x3FAF]  }
0x39: {  	_ = 	snop;
	(pc) =	sbr.ind lr, $3  }
0x3a: {  	_ = 	snop  }
0x3b: {  	_ = 	snop  }
0x3c: {  	p2 =	seq.s32 s10, $0x1;
	s10 =	sld [smem:$0x3FAE]  }
0x3d: {  	_ =	shalt  }
0x3e: {  	_ =	shalt  }
0x3f: {  	_ =	shalt  }
0x40: {  	_ =	shalt  }
0x41: {  	_ =	shalt  }
0x42: {  	_ =	shalt  }
0x43: {  	_ =	shalt  }
0x44: {  	_ =	shalt  }
0x45: {  	_ =	shalt  }
0x46: {  	_ =	shalt  }
0x47: {  	_ =	shalt  }
0x48: {  	_ =	shalt  }
0x49: {  	_ =	shalt  }
0x4a: {  	_ =	shalt  }
0x4b: {  	_ =	shalt  }
0x4c: {  	_ =	shalt  }
0x4d: {  	_ =	shalt  }
0x4e: {  	_ =	shalt  }
0x4f: {  	_ =	shalt  }
0x50: {  	_ =	shalt  }
0x51: {  	_ =	shalt  }
0x52: {  	_ =	shalt  }
0x53: {  	_ =	shalt  }
0x54: {  	_ =	shalt  }
0x55: {  	_ =	shalt  }
0x56: {  	_ =	shalt  }
0x57: {  	_ =	shalt  }
0x58: {  	_ =	shalt  }
0x59: {  	_ =	shalt  }
0x5a: {  	_ =	shalt  }
0x5b: {  	_ =	shalt  }
0x5c: {  	_ =	shalt  }
0x5d: {  	_ =	shalt  }
0x5e: {  	_ =	shalt  }
0x5f: {  	_ =	shalt  }
0x60: {  	_ =	shalt  }
0x61: {  	_ =	shalt  }
0x62: {  	_ =	shalt  }
0x63: {  	_ =	shalt  }
0x64: {  	_ =	shalt  }
0x65: {  	_ =	shalt  }
0x66: {  	_ =	shalt  }
0x67: {  	_ =	shalt  }
0x68: {  	_ =	shalt  }
0x69: {  	_ =	shalt  }
0x6a: {  	_ =	shalt  }
0x6b: {  	_ =	shalt  }
0x6c: {  	_ =	shalt  }
0x6d: {  	_ =	shalt  }
0x6e: {  	_ =	shalt  }
0x6f: {  	_ =	shalt  }
0x70: {  	_ =	shalt  }
0x71: {  	_ =	shalt  }
0x72: {  	_ =	shalt  }
0x73: {  	_ =	shalt  }
0x74: {  	_ =	shalt  }
0x75: {  	_ =	shalt  }
0x76: {  	_ =	shalt  }
0x77: {  	_ =	shalt  }
0x78: {  	_ =	shalt  }
0x79: {  	_ =	shalt  }
0x7a: {  	_ =	shalt  }
0x7b: {  	_ =	shalt  }
0x7c: {  	_ =	shalt  }
0x7d: {  	_ =	shalt  }
0x7e: {  	_ =	shalt  }
0x7f: {  	_ =	shalt  }
0x80: {  	_ =	shalt  }
0x81: {  	_ =	shalt  }
0x82: {  	_ =	shalt  }
0x83: {  	_ =	shalt  }
0x84: {  	_ =	shalt  }
0x85: {  	_ =	shalt  }
0x86: {  	_ =	shalt  }
0x87: {  	_ =	shalt  }
.Lfunc_end0:
.L_simem_size_0:
called_computation.2_lowered:
.L_overlay_start_0:
0x88: {  	s2 =	sld [smem:$0x3FD9]  }
0x89: {  	s3 =	sld [smem:$0x3FFE];
	_ =	sdelay $0x1  }
0x8a: {  	s1 =	srdreg.scid  }
0x8b: {  	s0 =	sand.u32 $0x1, s1  }
0x8c: {  	s14 =	sshll.u32 s0, $0xA;
	s2 =	sadd.s32 s3, s2  }
0x8d: {  	s2 =	sadd.s32 s2, s14  }
0x8e: {  	[smem:$0x3FBA] =	sst s2  }
0x8f: {  	_ = 	snop  }
0x90: {  	s2 =	sld [smem:$0x3FD0];
	_ =	sdelay $0x2  }
0x91: {  	s15 =	simm.s32 $0xA;
	s4 =	simm.s32 $0x10  }
0x92: {  	[smem:s4], [sflag:s15] =	dma.local [hbm:s2], $0x1  }
0x93: {  	_ =	swait.eq [sflag:s15], $0x1  }
0x94: {  	[sflag:s15] =	ssyncset.done $0x0  }
0x95: {  	s16 =	sld [smem:$0x10];
	[sflag:s15] =	ssyncadd.s32 $0xFFFFFFFF  }
0x96: {  	s17 =	sld [smem:$0x11];
	(tm) =	ssettm $0x1  }
0x97: {  	s18 =	sld [smem:$0x3FFB];
	_ =	sdelay $0x3  }
0x98: {  	_ =	strace s18  }
0x99: {  	s4 =	sld [smem:$0x3FFC];
	_ =	sdelay $0x3  }
0x9a: {  	_ =	strace s4  }
0x9b: {  	s4 =	sld [smem:$0x3FFD];
	_ =	sdelay $0x3  }
0x9c: {  	_ =	strace s4  }
0x9d: {  	_ =	strace $0x8FFFFFFF  }
0x9e: {  	s19 =	sld [smem:$0x3FDB];
	_ =	sdelay $0x1  }
0x9f: {  	s5 =	simm.s32 $_scs_section_size  }
0xa0: {  	s6 =	simm.s32 $_size__tile_overlayer_lowered;
	s7 =	simm.s32 $_tile_overlayer_lowered  }
0xa1: {  	s22 =	simm.s32 $0x1BFF;
	s21 =	sshll.u32 s7, $0x1;
	s4 =	sadd.s32 s5, s19  }
0xa2: {  	s8 =	simm.s32 $0x0;
	s20 =	sshll.u32 s6, $0x1;
	s6 =	sadd.s32 s21, s4  }
0xa3: {  	[timem:s8], [sflag:s22] =	dma.local [hbm:s6], s20  }
0xa4: {  	_ =	swait.ge [sflag:s22], s20  }
0xa5: {  	s5 =	ssub.s32 $0x0, s20;
	[sflag:s22] =	ssyncset.done $0x0  }
0xa6: {  	[sflag:s22] =	ssyncadd.s32 s5;
	_ =	sdelay $0x1  }
0xa7: {  	s23 =	simm.s32 $0x1B8B  }
0xa8: {  	_ =	swait.ge [sflag:s23], $0x1  }
0xa9: {  	[sflag:s23] =	ssyncset.done $0x0  }
0xaa: {  	s25 =	simm.s32 $0x1B8E;
	s24 =	sld [smem:$0x3FFE];
	[sflag:s23] =	ssyncadd.s32 $0xFFFFFFFF  }
0xab: {  	s26 =	simm.s32 $execute0_lowered;
	[smem:$0x3FD2] =	sst s25  }
0xac: {  	s6 =	sshll.u32 s26, $0x1;
	_ =	strace $0x8000005D;
	[dreg:$0x1] =	wrdreg $0xFFFFFFFF  }
0xad: {  	s28 =	simm.s32 $_size_execute0_lowered;
	s4 =	sadd.s32 s4, s6;
	[dreg:$0x0] =	wrdreg $0x0  }
0xae: {  	s6 =	sshll.u32 s28, $0x1;
	[dreg:$0x2] =	wrdreg s4  }
0xaf: {  	[dreg:$0x3] =	wrdreg s6  }
0xb0: {  	[dreg:$0x4] =	wrdreg $0xC0  }
0xb1: {  	_ =	task [dreg:s8], $0x5FFFF  }
0xb2: {  	[dreg:$0x1] =	wrdreg $0xFFFFFFFF  }
0xb3: {  	[dreg:$0x0] =	wrdreg $0x60  }
0xb4: {  	[dreg:$0x2] =	wrdreg s17  }
0xb5: {  	[dreg:$0x3] =	wrdreg s16  }
0xb6: {  	[dreg:$0x4] =	wrdreg s24  }
0xb7: {  	[dreg:$0x5] =	wrdreg $0xF0000  }
0xb8: {  	[dreg:$0x6] =	wrdreg $0x9  }
0xb9: {  	_ =	task.clear_ibuf [dreg:s8], $0x7FFFF;
	_ =	strace $0x9000005D  }
0xba: {  	s29 =	simm.s32 $0x9;
	_ =	strace $0x80000066  }
0xbb: {  	_ =	swait.ge [sflag:s29], $0x1  }
0xbc: {  	[sflag:s29] =	ssyncadd.s32 $0xFFFFFFFF  }
0xbd: {  	_ =	strace $0x90000066  }
0xbe: {  	_ =	sfence  }
0xbf: {  	s30 =	sld [smem:$0x0];
	_ =	sdelay $0x2  }
0xc0: {  	s31 =	sshll.u32 s1, $0xD;
	s1 =	sshrl.u32 s1, $0x2  }
0xc1: {  	s3 =	sand.u32 $0x4000, s31;
	s1 =	sadd.s32 s1, s30  }
0xc2: {  	s0 =	sor.u32 s3, s0;
	s1 =	sshll.u32 s1, $0x11  }
0xc3: {  	s0 =	sor.u32 s1, s0  }
0xc4: {  	s0 =	sadd.s32 $0x8F2B, s0  }
0xc5: {  	[sflag:s0] =	ssyncadd.remote.s32 $0x1  }
0xc6: {  	_ =	sfence.sel $0xFFFF  }
0xc7: {  	[dreg:$0x0] =	wrdreg $0xFFFFFFFF;
	(pc) =	sbr.abs _section_cstart, $3  }
0xc8: {  	[dreg:$0x1] =	wrdreg $0xFFFFFFFF  }
0xc9: {  	_ =	task.clear_ibuf [dreg:s8], $0x2FFFF;
	_ =	strace $0x9FFFFFFF  }
0xca: {  	(tm) =	ssettm $0x7FFFFFFF  }
0xcb: {  	_ =	shalt  }
tec
execute0_lowered:
.L_overlay_start_1:
0x0: {  	(tag) =	ssettag $0x1  }
0x1: {  	s0 =	rddreg [dreg:$0x0]  }
0x2: {  	s1 =	rddreg [dreg:$0x1]  }
0x3: {  	s5 =	rddreg [dreg:$0x2]  }
0x4: {  	s2 =	srdreg.scid;
	s3 =	rddreg [dreg:$0x3]  }
0x5: {  	s7 =	stileid.u32;
	s4 =	simm.s32 $0x0;
	s29 =	simm.s32 $0xD000  }
0x6: {  	s30 =	simm.s32 $0x1;
	s31 =	simm.s32 $0x6;
	s28 =	simm.s32 $0x8  }
0x7: {  	s2 =	sand.u32 $0x1, s2;
	[smem:$0x7FF] =	sst s4;
	s11 =	smul.u32 $0xA000, s7  }
0x8: {  	s13 =	sadd.s32 $0xD200, s5;
	s6 =	sshll.u32 s2, $0x4;
	_ =	strace $0x8000005E  }
0x9: {  	s17 =	ssub.s32 $0x2, s2;
	s2 =	smul.u32 $0xA0000, s2;
	s6 =	sor.u32 s7, s6  }
0xa: {  	s18 =	sshrl.u32 s17, $0x1;
	s15 =	sadd.s32 $0x2000, s11;
	s16 =	sadd.s32 $0x4000, s11  }
0xb: {  	s10 =	smul.u32 $0x500, s6;
	s14 =	ssub.s32 s17, s18;
	s6 =	sadd.s32 s15, s3  }
0xc: {  	s7 =	sadd.s32 s16, s3;
	s17 =	sadd.s32 $0x6000, s11;
	s18 =	sadd.s32 $0x8000, s11  }
0xd: {  	s20 =	sadd.s32 s2, s15;
	s23 =	sadd.s32 s2, s16;
	s8 =	sadd.s32 s17, s3  }
0xe: {  	s9 =	sadd.s32 s18, s3;
	s22 =	sshrl.u32 s20, $0x3;
	s24 =	sadd.s32 s2, s17  }
0xf: {  	s17 =	smax.u32 s14, $0x1;
	s20 =	simm.s32 $0x2800;
	s12 =	sadd.s32 s10, s5  }
0x10: {  	s5 =	sadd.s32 s11, s3;
	s11 =	sadd.s32 s11, s2;
	s1 =	sadd.s32 s1, s10  }
0x11: {  	s10 =	sshrl.u32 s24, $0x3;
	s2 =	sadd.s32 s2, s18;
	s18 =	simm.s32 $0x5000  }
0x12: {  	s24 =	simm.s32 $0x9000;
	[dreg:$0x5] =	wrdreg s1;
	s19 =	sshrl.u32 s11, $0x3  }
0x13: {  	s21 =	sadd.s32 $0x3200, s12;
	s25 =	sadd.s32 s13, s10;
	s26 =	sshrl.u32 s2, $0x3  }
0x14: {  	s2 =	simm.s32 $0x2;
	s10 =	simm.s32 $0x9;
	s11 =	simm.s32 $0x5  }
0x15: {  	s12 =	simm.s32 $0xA;
	[dreg:$0x6] =	wrdreg s21;
	s1 =	sadd.s32 s13, s19  }
0x16: {  	[dreg:$0xa] =	wrdreg s25;
	s16 =	sadd.s32 s13, s26;
	s19 =	simm.s32 $0xB  }
0x17: {  	s21 =	simm.s32 $0x80;
	[dreg:$0x7] =	wrdreg s1;
	s1 =	sadd.s32 s13, s22  }
0x18: {  	s26 =	simm.s32 $0xB000;
	[dreg:$0x8] =	wrdreg s1;
	s1 =	sshrl.u32 s23, $0x3  }
0x19: {  	s25 =	simm.s32 $0x7;
	s22 =	simm.s32 $0x7000;
	s1 =	sadd.s32 s13, s1  }
0x1a: {  	v0 =	vimm.f32 $0.0e+00;
	s23 =	simm.s32 $0x4;
	[dreg:$0x9] =	wrdreg s1;
	s1 =	simm.s32 $0x3  }
.LBB2_1:
0x1b: {  	_ =	strace $0x8000005F;
	s14 =	simm.s32 $0x100;
	s13 =	simm.s32 $0x0  }
.LBB2_2:
0x1c: {  	p0 =	sne.s32 s14, $0x7F00;
	[tilespmem:s13+$0x5030] =	vst v0;
	s15 =	smov.u32 s14;
	s14 =	sadd.s32 $0x100, s14  }
.Ltmp0:
0x1d: {  	[tilespmem:s13+$0x5020] =	vst v0;
	(pc) =	sbr.rel @p0 .LBB2_2-.Ltmp0, $3  }
0x1e: {  	[tilespmem:s13+$0x5000] =	vst v0  }
0x1f: {  	[tilespmem:s13+$0x5010] =	vst v0;
	_ =	sdelay $0x1  }
0x20: {  	s13 =	sshra.s32 s15, $0x2  }
0x21: {  	[tilespmem:s13+$0x5030] =	vst v0  }
0x22: {  	[tilespmem:s13+$0x5020] =	vst v0  }
0x23: {  	[tilespmem:s13+$0x5000] =	vst v0  }
0x24: {  	[tilespmem:s13+$0x5010] =	vst v0  }
0x25: {  	[spmem:s5] =	stream.linear.scatter [tilespmem:s18], [sflag:$0xB], $0x2000, $0x200038;
	[tilespmem:$0x19000] =	vst v63  }
0x26: {  	_ =	swait.ge [sflag:s19], $0x2000  }
0x27: {  	[sflag:s19] =	ssyncset.done $0x0  }
0x28: {  	[sflag:s19] =	ssyncadd.s32 $0xFFFFE000  }
0x29: {  	[spmem:s6] =	stream.linear.scatter [tilespmem:s18], [sflag:$0xB], $0x2000, $0x200038;
	[tilespmem:$0x19000] =	vst v63  }
0x2a: {  	_ =	swait.ge [sflag:s19], $0x2000  }
0x2b: {  	[sflag:s19] =	ssyncset.done $0x0  }
0x2c: {  	[sflag:s19] =	ssyncadd.s32 $0xFFFFE000  }
0x2d: {  	[spmem:s7] =	stream.linear.scatter [tilespmem:s18], [sflag:$0xB], $0x2000, $0x200038;
	[tilespmem:$0x19000] =	vst v63  }
0x2e: {  	_ =	swait.ge [sflag:s19], $0x2000  }
0x2f: {  	[sflag:s19] =	ssyncset.done $0x0  }
0x30: {  	[sflag:s19] =	ssyncadd.s32 $0xFFFFE000  }
0x31: {  	[spmem:s8] =	stream.linear.scatter [tilespmem:s18], [sflag:$0xB], $0x2000, $0x200038;
	[tilespmem:$0x19000] =	vst v63  }
0x32: {  	_ =	swait.ge [sflag:s19], $0x2000  }
0x33: {  	[sflag:s19] =	ssyncset.done $0x0  }
0x34: {  	[sflag:s19] =	ssyncadd.s32 $0xFFFFE000  }
0x35: {  	[spmem:s9] =	stream.linear.scatter [tilespmem:s18], [sflag:$0xB], $0x2000, $0x200038;
	[tilespmem:$0x19000] =	vst v63  }
0x36: {  	_ =	swait.ge [sflag:s19], $0x2000  }
0x37: {  	[sflag:s19] =	ssyncset.done $0x0  }
0x38: {  	[sflag:s19] =	ssyncadd.s32 $0xFFFFE000  }
0x39: {  	_ =	strace $0x9000005F  }
0x3a: {  	_ =	strace $0x80000060  }
0x3b: {  	[bflag:$0x0] =	sbarrier.arrive $0xFFFF  }
0x3c: {  	_ =	strace $0x90000060  }
0x3d: {  	_ =	strace $0x80000061  }
0x3e: {  	s13 =	simm.s32 $0x0;
	s14 =	rddreg [dreg:$0x5]  }
0x3f: {  	[tilespmem:s13], [sflag:$0xB] =	stream.linear.gather [hbm4b:s14+s13], $0x2800, $0x200038;
	[tilespmem:$0x19000] =	vst v63  }
0x40: {  	_ =	swait.ge [sflag:s19], $0x2800  }
0x41: {  	[sflag:s19] =	ssyncset.done $0x0  }
0x42: {  	s15 =	rddreg [dreg:$0x6];
	[sflag:s19] =	ssyncadd.s32 $0xFFFFD800  }
0x43: {  	[tilespmem:s20], [sflag:$0xB] =	stream.linear.gather [hbm4b:s15+s13], $0x2800, $0x200038;
	[tilespmem:$0x19000] =	vst v63  }
0x44: {  	_ =	swait.ge [sflag:s19], $0x2800  }
0x45: {  	[sflag:s19] =	ssyncset.done $0x0  }
0x46: {  	[sflag:s19] =	ssyncadd.s32 $0xFFFFD800  }
0x47: {  	_ =	strace $0x90000061  }
0x48: {  	[tilespmem:s18], [sflag:$0x1] =	stream.indirect.gather [hbm4b:s0+s21], $0x40, s13, s21, $0xb8;
	[tilespmem:$0x19000] =	vst v63  }
0x49: {  	_ = 	snop  }
0x4a: {  	[tilespmem:s22], [sflag:$0x2] =	stream.indirect.gather [hbm4b:s0+s21], $0x40, s21, s21, $0xb8;
	[tilespmem:$0x19000] =	vst v63  }
0x4b: {  	s14 =	simm.s32 $0x100  }
0x4c: {  	[tilespmem:s24], [sflag:$0x3] =	stream.indirect.gather [hbm4b:s0+s21], $0x40, s14, s21, $0xb8;
	[tilespmem:$0x19000] =	vst v63  }
0x4d: {  	s15 =	simm.s32 $0x180  }
0x4e: {  	[tilespmem:s26], [sflag:$0x4] =	stream.indirect.gather [hbm4b:s0+s21], $0x40, s15, s21, $0xb8;
	[tilespmem:$0x19000] =	vst v63  }
0x4f: {  	s14 =	simm.s32 $0x200;
	_ =	strace $0x80000062  }
0x50: {  	[tilespmem:s29], [sflag:$0x5] =	stream.indirect.gather [hbm4b:s0+s21], $0x40, s14, s21, $0x2000b8;
	[tilespmem:$0x19000] =	vst v63  }
0x51: {  	_ =	swait.ge [sflag:s30], $0x2000  }
0x52: {  	[sflag:s30] =	ssyncset.done $0x0  }
0x53: {  	[sflag:s30] =	ssyncadd.s32 $0xFFFFE000  }
0x54: {  	[spmem:s3] =	stream.indirect.scatter.add.f32 [tilespmem:s18], [sflag:$0x6], $0x40, s20, s21, $0x2000b8;
	[tilespmem:$0x19000] =	vst v63  }
0x55: {  	_ =	swait.ge [sflag:s31], $0x2000  }
0x56: {  	[sflag:s31] =	ssyncset.done $0x0  }
0x57: {  	s15 =	simm.s32 $0x280;
	[sflag:s31] =	ssyncadd.s32 $0xFFFFE000  }
0x58: {  	[tilespmem:s18], [sflag:$0x1] =	stream.indirect.gather [hbm4b:s0+s21], $0x40, s15, s21, $0x2000b8;
	[tilespmem:$0x19000] =	vst v63  }
0x59: {  	_ =	swait.ge [sflag:s2], $0x2000  }
0x5a: {  	[sflag:s2] =	ssyncset.done $0x0  }
0x5b: {  	s14 =	simm.s32 $0x2880;
	[sflag:s2] =	ssyncadd.s32 $0xFFFFE000  }
0x5c: {  	[spmem:s3] =	stream.indirect.scatter.add.f32 [tilespmem:s22], [sflag:$0x7], $0x40, s14, s21, $0x2000b8;
	[tilespmem:$0x19000] =	vst v63  }
0x5d: {  	_ =	swait.ge [sflag:s25], $0x2000  }
0x5e: {  	[sflag:s25] =	ssyncset.done $0x0  }
0x5f: {  	s15 =	simm.s32 $0x300;
	[sflag:s25] =	ssyncadd.s32 $0xFFFFE000  }
0x60: {  	[tilespmem:s22], [sflag:$0x2] =	stream.indirect.gather [hbm4b:s0+s21], $0x40, s15, s21, $0x2000b8;
	[tilespmem:$0x19000] =	vst v63  }
0x61: {  	_ =	swait.ge [sflag:s1], $0x2000  }
0x62: {  	[sflag:s1] =	ssyncset.done $0x0  }
0x63: {  	s14 =	simm.s32 $0x2900;
	[sflag:s1] =	ssyncadd.s32 $0xFFFFE000  }
0x64: {  	[spmem:s3] =	stream.indirect.scatter.add.f32 [tilespmem:s24], [sflag:$0x8], $0x40, s14, s21, $0x2000b8;
	[tilespmem:$0x19000] =	vst v63  }
0x65: {  	_ =	swait.ge [sflag:s28], $0x2000  }
0x66: {  	[sflag:s28] =	ssyncset.done $0x0  }
0x67: {  	s15 =	simm.s32 $0x380;
	[sflag:s28] =	ssyncadd.s32 $0xFFFFE000  }
0x68: {  	[tilespmem:s24], [sflag:$0x3] =	stream.indirect.gather [hbm4b:s0+s21], $0x40, s15, s21, $0x2000b8;
	[tilespmem:$0x19000] =	vst v63  }
0x69: {  	_ =	swait.ge [sflag:s23], $0x2000  }
0x6a: {  	[sflag:s23] =	ssyncset.done $0x0  }
0x6b: {  	s14 =	simm.s32 $0x2980;
	[sflag:s23] =	ssyncadd.s32 $0xFFFFE000  }
0x6c: {  	[spmem:s3] =	stream.indirect.scatter.add.f32 [tilespmem:s26], [sflag:$0x9], $0x40, s14, s21, $0x2000b8;
	[tilespmem:$0x19000] =	vst v63  }
0x6d: {  	_ =	swait.ge [sflag:s10], $0x2000  }
0x6e: {  	[sflag:s10] =	ssyncset.done $0x0  }
0x6f: {  	s15 =	simm.s32 $0x400;
	[sflag:s10] =	ssyncadd.s32 $0xFFFFE000  }
0x70: {  	[tilespmem:s26], [sflag:$0x4] =	stream.indirect.gather [hbm4b:s0+s21], $0x40, s15, s21, $0x2000b8;
	[tilespmem:$0x19000] =	vst v63  }
0x71: {  	_ =	swait.ge [sflag:s11], $0x2000  }
0x72: {  	[sflag:s11] =	ssyncset.done $0x0  }
0x73: {  	s14 =	simm.s32 $0x2A00;
	[sflag:s11] =	ssyncadd.s32 $0xFFFFE000  }
0x74: {  	[spmem:s3] =	stream.indirect.scatter.add.f32 [tilespmem:s29], [sflag:$0xA], $0x40, s14, s21, $0x2000b8;
	[tilespmem:$0x19000] =	vst v63  }
0x75: {  	_ =	swait.ge [sflag:s12], $0x2000  }
0x76: {  	[sflag:s12] =	ssyncset.done $0x0  }
0x77: {  	s15 =	simm.s32 $0x480;
	[sflag:s12] =	ssyncadd.s32 $0xFFFFE000  }
0x78: {  	[tilespmem:s29], [sflag:$0x5] =	stream.indirect.gather [hbm4b:s0+s21], $0x40, s15, s21, $0x2000b8;
	[tilespmem:$0x19000] =	vst v63  }
0x79: {  	_ =	swait.ge [sflag:s30], $0x2000  }
0x7a: {  	[sflag:s30] =	ssyncset.done $0x0  }
0x7b: {  	s14 =	simm.s32 $0x2A80;
	[sflag:s30] =	ssyncadd.s32 $0xFFFFE000  }
0x7c: {  	[spmem:s3] =	stream.indirect.scatter.add.f32 [tilespmem:s18], [sflag:$0x6], $0x40, s14, s21, $0x2000b8;
	[tilespmem:$0x19000] =	vst v63  }
0x7d: {  	_ =	swait.ge [sflag:s31], $0x2000  }
0x7e: {  	[sflag:s31] =	ssyncset.done $0x0  }
0x7f: {  	s15 =	simm.s32 $0x500;
	[sflag:s31] =	ssyncadd.s32 $0xFFFFE000  }
0x80: {  	[tilespmem:s18], [sflag:$0x1] =	stream.indirect.gather [hbm4b:s0+s21], $0x40, s15, s21, $0x2000b8;
	[tilespmem:$0x19000] =	vst v63  }
0x81: {  	_ =	swait.ge [sflag:s2], $0x2000  }
0x82: {  	[sflag:s2] =	ssyncset.done $0x0  }
0x83: {  	s14 =	simm.s32 $0x2B00;
	[sflag:s2] =	ssyncadd.s32 $0xFFFFE000  }
0x84: {  	[spmem:s3] =	stream.indirect.scatter.add.f32 [tilespmem:s22], [sflag:$0x7], $0x40, s14, s21, $0x2000b8;
	[tilespmem:$0x19000] =	vst v63  }
0x85: {  	_ =	swait.ge [sflag:s25], $0x2000  }
0x86: {  	[sflag:s25] =	ssyncset.done $0x0  }
0x87: {  	s15 =	simm.s32 $0x580;
	[sflag:s25] =	ssyncadd.s32 $0xFFFFE000  }
0x88: {  	[tilespmem:s22], [sflag:$0x2] =	stream.indirect.gather [hbm4b:s0+s21], $0x40, s15, s21, $0x2000b8;
	[tilespmem:$0x19000] =	vst v63  }
0x89: {  	_ =	swait.ge [sflag:s1], $0x2000  }
0x8a: {  	[sflag:s1] =	ssyncset.done $0x0  }
0x8b: {  	s14 =	simm.s32 $0x2B80;
	[sflag:s1] =	ssyncadd.s32 $0xFFFFE000  }
0x8c: {  	[spmem:s3] =	stream.indirect.scatter.add.f32 [tilespmem:s24], [sflag:$0x8], $0x40, s14, s21, $0x2000b8;
	[tilespmem:$0x19000] =	vst v63  }
0x8d: {  	_ =	swait.ge [sflag:s28], $0x2000  }
0x8e: {  	[sflag:s28] =	ssyncset.done $0x0  }
0x8f: {  	s15 =	simm.s32 $0x600;
	[sflag:s28] =	ssyncadd.s32 $0xFFFFE000  }
0x90: {  	[tilespmem:s24], [sflag:$0x3] =	stream.indirect.gather [hbm4b:s0+s21], $0x40, s15, s21, $0x2000b8;
	[tilespmem:$0x19000] =	vst v63  }
0x91: {  	_ =	swait.ge [sflag:s23], $0x2000  }
0x92: {  	[sflag:s23] =	ssyncset.done $0x0  }
0x93: {  	s14 =	simm.s32 $0x2C00;
	[sflag:s23] =	ssyncadd.s32 $0xFFFFE000  }
0x94: {  	[spmem:s3] =	stream.indirect.scatter.add.f32 [tilespmem:s26], [sflag:$0x9], $0x40, s14, s21, $0x2000b8;
	[tilespmem:$0x19000] =	vst v63  }
0x95: {  	_ =	swait.ge [sflag:s10], $0x2000  }
0x96: {  	[sflag:s10] =	ssyncset.done $0x0  }
0x97: {  	s15 =	simm.s32 $0x680;
	[sflag:s10] =	ssyncadd.s32 $0xFFFFE000  }
0x98: {  	[tilespmem:s26], [sflag:$0x4] =	stream.indirect.gather [hbm4b:s0+s21], $0x40, s15, s21, $0x2000b8;
	[tilespmem:$0x19000] =	vst v63  }
0x99: {  	_ =	swait.ge [sflag:s11], $0x2000  }
0x9a: {  	[sflag:s11] =	ssyncset.done $0x0  }
0x9b: {  	s13 =	simm.s32 $0xA00;
	s14 =	simm.s32 $0x2C80;
	[sflag:s11] =	ssyncadd.s32 $0xFFFFE000  }
.LBB2_4:
0x9c: {  	[spmem:s3] =	stream.indirect.scatter.add.f32 [tilespmem:s29], [sflag:$0xA], $0x40, s14, s21, $0x2000b8;
	[tilespmem:$0x19000] =	vst v63  }
0x9d: {  	s14 =	smov.u32 s13;
	s13 =	sadd.s32 $0xA00, s13;
	_ =	swait.ge [sflag:s12], $0x2000  }
0x9e: {  	s14 =	sshra.s32 s14, $0x2;
	p0 =	sne.s32 s13, $0x8C00;
	[sflag:s12] =	ssyncset.done $0x0  }
0x9f: {  	s15 =	sadd.s32 $0x480, s14;
	[sflag:s12] =	ssyncadd.s32 $0xFFFFE000  }
0xa0: {  	[tilespmem:s29], [sflag:$0x5] =	stream.indirect.gather [hbm4b:s0+s21], $0x40, s15, s21, $0x2000b8;
	[tilespmem:$0x19000] =	vst v63  }
0xa1: {  	_ =	swait.ge [sflag:s30], $0x2000  }
0xa2: {  	[sflag:s30] =	ssyncset.done $0x0  }
0xa3: {  	s15 =	sadd.s32 $0x2A80, s14;
	[sflag:s30] =	ssyncadd.s32 $0xFFFFE000  }
0xa4: {  	[spmem:s3] =	stream.indirect.scatter.add.f32 [tilespmem:s18], [sflag:$0x6], $0x40, s15, s21, $0x2000b8;
	[tilespmem:$0x19000] =	vst v63  }
0xa5: {  	_ =	swait.ge [sflag:s31], $0x2000  }
0xa6: {  	[sflag:s31] =	ssyncset.done $0x0  }
0xa7: {  	s15 =	sadd.s32 $0x500, s14;
	[sflag:s31] =	ssyncadd.s32 $0xFFFFE000  }
0xa8: {  	[tilespmem:s18], [sflag:$0x1] =	stream.indirect.gather [hbm4b:s0+s21], $0x40, s15, s21, $0x2000b8;
	[tilespmem:$0x19000] =	vst v63  }
0xa9: {  	_ =	swait.ge [sflag:s2], $0x2000  }
0xaa: {  	[sflag:s2] =	ssyncset.done $0x0  }
0xab: {  	s15 =	sadd.s32 $0x2B00, s14;
	[sflag:s2] =	ssyncadd.s32 $0xFFFFE000  }
0xac: {  	[spmem:s3] =	stream.indirect.scatter.add.f32 [tilespmem:s22], [sflag:$0x7], $0x40, s15, s21, $0x2000b8;
	[tilespmem:$0x19000] =	vst v63  }
0xad: {  	_ =	swait.ge [sflag:s25], $0x2000  }
0xae: {  	[sflag:s25] =	ssyncset.done $0x0  }
0xaf: {  	s15 =	sadd.s32 $0x580, s14;
	[sflag:s25] =	ssyncadd.s32 $0xFFFFE000  }
0xb0: {  	[tilespmem:s22], [sflag:$0x2] =	stream.indirect.gather [hbm4b:s0+s21], $0x40, s15, s21, $0x2000b8;
	[tilespmem:$0x19000] =	vst v63  }
0xb1: {  	_ =	swait.ge [sflag:s1], $0x2000  }
0xb2: {  	[sflag:s1] =	ssyncset.done $0x0  }
0xb3: {  	s15 =	sadd.s32 $0x2B80, s14;
	[sflag:s1] =	ssyncadd.s32 $0xFFFFE000  }
0xb4: {  	[spmem:s3] =	stream.indirect.scatter.add.f32 [tilespmem:s24], [sflag:$0x8], $0x40, s15, s21, $0x2000b8;
	[tilespmem:$0x19000] =	vst v63  }
0xb5: {  	_ =	swait.ge [sflag:s28], $0x2000  }
0xb6: {  	[sflag:s28] =	ssyncset.done $0x0  }
0xb7: {  	s15 =	sadd.s32 $0x600, s14;
	[sflag:s28] =	ssyncadd.s32 $0xFFFFE000  }
0xb8: {  	[tilespmem:s24], [sflag:$0x3] =	stream.indirect.gather [hbm4b:s0+s21], $0x40, s15, s21, $0x2000b8;
	[tilespmem:$0x19000] =	vst v63  }
0xb9: {  	_ =	swait.ge [sflag:s23], $0x2000  }
0xba: {  	[sflag:s23] =	ssyncset.done $0x0  }
0xbb: {  	s15 =	sadd.s32 $0x2C00, s14;
	[sflag:s23] =	ssyncadd.s32 $0xFFFFE000  }
0xbc: {  	[spmem:s3] =	stream.indirect.scatter.add.f32 [tilespmem:s26], [sflag:$0x9], $0x40, s15, s21, $0x2000b8;
	[tilespmem:$0x19000] =	vst v63  }
0xbd: {  	_ =	swait.ge [sflag:s10], $0x2000  }
0xbe: {  	[sflag:s10] =	ssyncset.done $0x0  }
.Ltmp1:
0xbf: {  	s15 =	sadd.s32 $0x680, s14;
	[sflag:s10] =	ssyncadd.s32 $0xFFFFE000;
	(pc) =	sbr.rel @p0 .LBB2_4-.Ltmp1, $4  }
0xc0: {  	[tilespmem:s26], [sflag:$0x4] =	stream.indirect.gather [hbm4b:s0+s21], $0x40, s15, s21, $0x2000b8;
	[tilespmem:$0x19000] =	vst v63  }
0xc1: {  	_ =	swait.ge [sflag:s11], $0x2000  }
0xc2: {  	[sflag:s11] =	ssyncset.done $0x0  }
0xc3: {  	s14 =	sadd.s32 $0x2C80, s14;
	[sflag:s11] =	ssyncadd.s32 $0xFFFFE000  }
0xc4: {  	[spmem:s3] =	stream.indirect.scatter.add.f32 [tilespmem:s29], [sflag:$0xA], $0x40, s14, s21, $0x2000b8;
	[tilespmem:$0x19000] =	vst v63  }
0xc5: {  	_ =	swait.ge [sflag:s12], $0x2000  }
0xc6: {  	[sflag:s12] =	ssyncset.done $0x0  }
0xc7: {  	s15 =	simm.s32 $0x2780;
	[sflag:s12] =	ssyncadd.s32 $0xFFFFE000  }
0xc8: {  	[tilespmem:s29], [sflag:$0x5] =	stream.indirect.gather [hbm4b:s0+s21], $0x40, s15, s21, $0x2000b8;
	[tilespmem:$0x19000] =	vst v63  }
0xc9: {  	_ =	swait.ge [sflag:s30], $0x2000  }
0xca: {  	s13 =	sshra.s32 s13, $0x2;
	[sflag:s30] =	ssyncset.done $0x0  }
0xcb: {  	s15 =	sadd.s32 $0x2A80, s13;
	[sflag:s30] =	ssyncadd.s32 $0xFFFFE000  }
0xcc: {  	[spmem:s3] =	stream.indirect.scatter.add.f32 [tilespmem:s18], [sflag:$0x6], $0x40, s15, s21, $0x2000b8;
	[tilespmem:$0x19000] =	vst v63  }
0xcd: {  	_ =	swait.ge [sflag:s31], $0x2000  }
0xce: {  	[sflag:s31] =	ssyncset.done $0x0  }
0xcf: {  	[sflag:s31] =	ssyncadd.s32 $0xFFFFE000  }
0xd0: {  	_ =	swait.ge [sflag:s2], $0x2000  }
0xd1: {  	[sflag:s2] =	ssyncset.done $0x0  }
0xd2: {  	s15 =	sadd.s32 $0x2B00, s13;
	[sflag:s2] =	ssyncadd.s32 $0xFFFFE000  }
0xd3: {  	[spmem:s3] =	stream.indirect.scatter.add.f32 [tilespmem:s22], [sflag:$0x7], $0x40, s15, s21, $0x2000b8;
	[tilespmem:$0x19000] =	vst v63  }
0xd4: {  	_ =	swait.ge [sflag:s25], $0x2000  }
0xd5: {  	[sflag:s25] =	ssyncset.done $0x0  }
0xd6: {  	[sflag:s25] =	ssyncadd.s32 $0xFFFFE000  }
0xd7: {  	_ =	swait.ge [sflag:s1], $0x2000  }
0xd8: {  	[sflag:s1] =	ssyncset.done $0x0  }
0xd9: {  	s15 =	sadd.s32 $0x2B80, s13;
	[sflag:s1] =	ssyncadd.s32 $0xFFFFE000  }
0xda: {  	[spmem:s3] =	stream.indirect.scatter.add.f32 [tilespmem:s24], [sflag:$0x8], $0x40, s15, s21, $0x2000b8;
	[tilespmem:$0x19000] =	vst v63  }
0xdb: {  	_ =	swait.ge [sflag:s28], $0x2000  }
0xdc: {  	[sflag:s28] =	ssyncset.done $0x0  }
0xdd: {  	[sflag:s28] =	ssyncadd.s32 $0xFFFFE000  }
0xde: {  	_ =	swait.ge [sflag:s23], $0x2000  }
0xdf: {  	[sflag:s23] =	ssyncset.done $0x0  }
0xe0: {  	s13 =	sadd.s32 $0x2C00, s13;
	[sflag:s23] =	ssyncadd.s32 $0xFFFFE000  }
0xe1: {  	[spmem:s3] =	stream.indirect.scatter.add.f32 [tilespmem:s26], [sflag:$0x9], $0x40, s13, s21, $0x2000b8;
	[tilespmem:$0x19000] =	vst v63  }
0xe2: {  	_ =	swait.ge [sflag:s10], $0x2000  }
0xe3: {  	[sflag:s10] =	ssyncset.done $0x0  }
0xe4: {  	[sflag:s10] =	ssyncadd.s32 $0xFFFFE000  }
0xe5: {  	_ =	swait.ge [sflag:s11], $0x2000  }
0xe6: {  	[sflag:s11] =	ssyncset.done $0x0  }
0xe7: {  	s15 =	simm.s32 $0x4F80;
	[sflag:s11] =	ssyncadd.s32 $0xFFFFE000  }
0xe8: {  	[spmem:s3] =	stream.indirect.scatter.add.f32 [tilespmem:s29], [sflag:$0xA], $0x40, s15, s21, $0x2000b8;
	[tilespmem:$0x19000] =	vst v63  }
0xe9: {  	_ =	strace $0x90000062  }
0xea: {  	_ =	strace $0x80000063  }
0xeb: {  	_ =	swait.ge [sflag:s12], $0x2000  }
0xec: {  	[sflag:s12] =	ssyncset.done $0x0  }
0xed: {  	[sflag:s12] =	ssyncadd.s32 $0xFFFFE000  }
0xee: {  	_ =	strace $0x90000063  }
0xef: {  	_ =	strace $0x80000064  }
0xf0: {  	[bflag:$0x0] =	sbarrier.arrive $0xFFFF  }
0xf1: {  	s14 =	stileid.u32;
	_ =	strace $0x90000064  }
0xf2: {  	s13 =	sshll.u32 s14, $0x6;
	_ =	strace $0x80000065  }
0xf3: {  	s14 =	sshrl.u32 s5, $0x3;
	s13 =	sor.u32 $0x1C0B, s13;
	s15 =	rddreg [dreg:$0x7]  }
0xf4: {  	[hbm:s15], [sflag:s13] =	dma.local [spmem:s14], $0x400  }
0xf5: {  	_ =	swait.ge [sflag:s19], $0x400  }
0xf6: {  	[sflag:s19] =	ssyncset.done $0x0  }
0xf7: {  	s14 =	sshrl.u32 s6, $0x3;
	s15 =	rddreg [dreg:$0x8];
	[sflag:s19] =	ssyncadd.s32 $0xFFFFFC00  }
0xf8: {  	[hbm:s15], [sflag:s13] =	dma.local [spmem:s14], $0x400  }
0xf9: {  	_ =	swait.ge [sflag:s19], $0x400  }
0xfa: {  	[sflag:s19] =	ssyncset.done $0x0  }
0xfb: {  	s14 =	sshrl.u32 s7, $0x3;
	s15 =	rddreg [dreg:$0x9];
	[sflag:s19] =	ssyncadd.s32 $0xFFFFFC00  }
0xfc: {  	[hbm:s15], [sflag:s13] =	dma.local [spmem:s14], $0x400  }
0xfd: {  	_ =	swait.ge [sflag:s19], $0x400  }
0xfe: {  	[sflag:s19] =	ssyncset.done $0x0  }
0xff: {  	s14 =	sshrl.u32 s8, $0x3;
	s15 =	rddreg [dreg:$0xa];
	[sflag:s19] =	ssyncadd.s32 $0xFFFFFC00  }
0x100: {  	[hbm:s15], [sflag:s13] =	dma.local [spmem:s14], $0x400  }
0x101: {  	_ =	swait.ge [sflag:s19], $0x400  }
0x102: {  	s4 =	sadd.s32 $0x1, s4;
	[sflag:s19] =	ssyncset.done $0x0  }
0x103: {  	p0 =	sne.s32 s4, s17;
	s15 =	sshrl.u32 s9, $0x3;
	[sflag:s19] =	ssyncadd.s32 $0xFFFFFC00  }
0x104: {  	[hbm:s16], [sflag:s13] =	dma.local [spmem:s15], $0x400  }
.Ltmp2:
0x105: {  	_ = 	snop;
	(pc) =	sbr.rel @p0 .LBB2_1-.Ltmp2, $4  }
0x106: {  	_ =	swait.ge [sflag:s19], $0x400  }
0x107: {  	[sflag:s19] =	ssyncset.done $0x0  }
0x108: {  	[sflag:s19] =	ssyncadd.s32 $0xFFFFFC00  }
0x109: {  	_ =	strace $0x90000065  }
0x10a: {  	_ =	sfence.sel $0x180000  }
0x10b: {  	[bflag:$0x0] =	sbarrier.arrive $0xFFFF  }
0x10c: {  	_ =	strace $0x9000005E  }
0x10d: {  	s0 =	stileid.u32;
	[bflag:$0x2] =	sbarrier.arrive $0xFFFF  }
0x10e: {  	p0 =	sne.s32 s0, $0x0;
	s0 =	rddreg [dreg:$0x4]  }
0x10f: {  	s0 =	sadd.s32 @!p0 $0x100000, s0  }
0x110: {  	[sflag:s0] =	ssyncadd.tile.s32 @!p0 $0x1;
	_ =	shalt  }
.Lfunc_end2:
_tile_overlayer_lowered:
.L_overlay_start_2:
0x111: {  	(tag) =	ssettag $0x2  }
0x112: {  	s0 =	rddreg [dreg:$0x0];
	s2 =	stileid.u32  }
0x113: {  	s1 =	rddreg [dreg:$0x1];
	p0 =	sne.s32 s2, $0x0  }
0x114: {  	s3 =	rddreg [dreg:$0x2];
	[bflag:$0x3] =	sbarrier.arrive $0xFFFF;
	s2 =	simm.s32 @!p0 $0x1C0B  }
0x115: {  	[timem:s3], [sflag:s2] =	dma.local @!p0 [hbm:s0], s1  }
0x116: {  	s0 =	simm.s32 @!p0 $0xB  }
0x117: {  	_ =	swait.ge @!p0 [sflag:s0], s1  }
0x118: {  	s1 =	ssub.s32 @!p0 $0x0, s1;
	[sflag:s0] =	ssyncset.done @!p0 $0x0  }
0x119: {  	[sflag:s0] =	ssyncadd.s32 @!p0 s1  }
0x11a: {  	[bflag:$0x3] =	sbarrier.arrive $0xFFFF  }
0x11b: {  	_ =	shalt  }

// kernel: kernel.9.cloned.1.call-start
scs
__scs_entry_jumppad:
0x0: {  	(pc) =	sbr.rel $0x88, $3  }
0x1: {  	(tag) =	ssettag $0x0;
	lr =	simm.s32 $0x1  }
0x2: {  	[smem:$0x3F93] =	sst lr;
	_ =	strace $0xD0000000  }
0x3: {  	_ = 	snop  }
0x4: {  	_ = 	snop  }
0x5: {  	_ = 	snop  }
0x6: {  	_ = 	snop  }
0x7: {  	_ = 	snop  }
__scs_overlays_trampoline_lowered:
0x8: {  	[smem:$0x3FA2] =	sst s0  }
0x9: {  	[smem:$0x3FA3] =	sst s1  }
0xa: {  	[smem:$0x3FA4] =	sst s2  }
0xb: {  	[smem:$0x3FA5] =	sst s3  }
0xc: {  	[smem:$0x3FA6] =	sst s4  }
0xd: {  	[smem:$0x3FA7] =	sst s5  }
0xe: {  	[smem:$0x3FA8] =	sst s6  }
0xf: {  	[smem:$0x3FA9] =	sst s7  }
0x10: {  	[smem:$0x3FAA] =	sst s8  }
0x11: {  	[smem:$0x3FAB] =	sst s9;
	s0 =	simm.s32 @!p0 $0x0  }
0x12: {  	s1 =	sld [smem:$0x3F91];
	s0 =	simm.s32 @p0 $0x1  }
0x13: {  	[smem:$0x3FAC] =	sst s0;
	s0 =	simm.s32 @!p1 $0x0  }
0x14: {  	s2 =	sld [smem:$0x3F90];
	s0 =	simm.s32 @p1 $0x1  }
0x15: {  	[smem:$0x3FAD] =	sst s0;
	s0 =	simm.s32 @!p2 $0x0  }
0x16: {  	s3 =	sld [smem:$0x3FDB];
	s0 =	simm.s32 @p2 $0x1  }
0x17: {  	s4 =	simm.s32 $0x1BF5;
	[smem:$0x3FAF] =	sst s0  }
0x18: {  	s0 =	sld [smem:$0x3F92];
	_ =	swait.ge [sflag:s4], $0x0  }
0x19: {  	s7 =	sld [smem:$0x3F93]  }
0x1a: {  	s8 =	sadd.s32 $0xFFFFE003, lr  }
0x1b: {  	s9 =	sadd.s32 $0xFFFFFEF7, lr;
	s5 =	simm.s32 $0xFFFFFFFF;
	p2 =	slt.u32 s8, $0xFFFFF086  }
0x1c: {  	p1 =	slt.u32 s9, $0xF7A;
	s5 =	simm.s32 @!p2 $0x0  }
0x1d: {  	s5 =	simm.s32 @p1 $0x1;
	p0 =	seq.s32 s7, s2  }
0x1e: {  	s7 =	smul.u32 @!p0 $0xF7A, s2;
	p2 =	seq.s32 @!p0 s5, $0x0  }
0x1f: {  	s9 =	smul.u32 $0xF7A, s1;
	s8 =	simm.s32 @!p0 $0x1BF5;
	p2 =	por !p2, p0  }
0x20: {  	[sflag:s8] =	ssyncset.s32 @!p0 $0xFFFFF086;
	s6 =	sadd.s32 @!p0 s3, s7;
	s7 =	simm.s32 @!p0 $0x108  }
0x21: {  	s3 =	sadd.s32 s3, s9;
	s6 =	sadd.s32 @!p0 $0x88, s6;
	s7 =	simm.s32 @p2 $0x1082  }
0x22: {  	[simem:s7], [sflag:s8] =	dma.local @!p0 [hbm:s6], $0xF7A  }
0x23: {  	s9 =	sor.u32 $0xD0000000, s2;
	s6 =	simm.s32 $0x108;
	_ =	swait.ge @!p0 [sflag:s8], $0x0  }
0x24: {  	s3 =	sadd.s32 $0x88, s3;
	s6 =	simm.s32 @!p1 $0x1082;
	[sflag:s4] =	ssyncset.s32 $0xFFFFF086  }
0x25: {  	[simem:s6], [sflag:s4] =	dma.local [hbm:s3], $0xF7A  }
0x26: {  	[smem:$0x3F93] =	sst s1;
	(tag) =	ssettag s2;
	_ =	strace s9  }
0x27: {  	s1 =	sld [smem:$0x3FA3]  }
0x28: {  	s2 =	sld [smem:$0x3FA4]  }
0x29: {  	s4 =	sld [smem:$0x3FA6]  }
0x2a: {  	p0 =	seq.s32 s5, $0x0;
	s5 =	sld [smem:$0x3FA7]  }
0x2b: {  	s6 =	sld [smem:$0x3FA8]  }
0x2c: {  	s7 =	sld [smem:$0x3FA9]  }
0x2d: {  	s3 =	simm.s32 $0x108;
	s8 =	sld [smem:$0x3FAA]  }
0x2e: {  	s3 =	simm.s32 @!p0 $0x1082;
	s9 =	sld [smem:$0x3FAB]  }
0x2f: {  	lr =	sadd.s32 s0, s3;
	s0 =	sld [smem:$0x3FA2]  }
0x30: {  	s3 =	sld [smem:$0x3FA5]  }
0x31: {  	[smem:$0x3FAE] =	sst s10  }
0x32: {  	s10 =	sld [smem:$0x3FAC];
	_ =	sdelay $0x3  }
0x33: {  	p0 =	seq.s32 s10, $0x1;
	s10 =	sld [smem:$0x3FAE];
	_ =	sdelay $0x3  }
0x34: {  	[smem:$0x3FAE] =	sst s10  }
0x35: {  	s10 =	sld [smem:$0x3FAD];
	_ =	sdelay $0x3  }
0x36: {  	p1 =	seq.s32 s10, $0x1;
	s10 =	sld [smem:$0x3FAE];
	_ =	sdelay $0x3  }
0x37: {  	[smem:$0x3FAE] =	sst s10  }
0x38: {  	s10 =	sld [smem:$0x3FAF]  }
0x39: {  	_ = 	snop;
	(pc) =	sbr.ind lr, $3  }
0x3a: {  	_ = 	snop  }
0x3b: {  	_ = 	snop  }
0x3c: {  	p2 =	seq.s32 s10, $0x1;
	s10 =	sld [smem:$0x3FAE]  }
0x3d: {  	_ =	shalt  }
0x3e: {  	_ =	shalt  }
0x3f: {  	_ =	shalt  }
0x40: {  	_ =	shalt  }
0x41: {  	_ =	shalt  }
0x42: {  	_ =	shalt  }
0x43: {  	_ =	shalt  }
0x44: {  	_ =	shalt  }
0x45: {  	_ =	shalt  }
0x46: {  	_ =	shalt  }
0x47: {  	_ =	shalt  }
0x48: {  	_ =	shalt  }
0x49: {  	_ =	shalt  }
0x4a: {  	_ =	shalt  }
0x4b: {  	_ =	shalt  }
0x4c: {  	_ =	shalt  }
0x4d: {  	_ =	shalt  }
0x4e: {  	_ =	shalt  }
0x4f: {  	_ =	shalt  }
0x50: {  	_ =	shalt  }
0x51: {  	_ =	shalt  }
0x52: {  	_ =	shalt  }
0x53: {  	_ =	shalt  }
0x54: {  	_ =	shalt  }
0x55: {  	_ =	shalt  }
0x56: {  	_ =	shalt  }
0x57: {  	_ =	shalt  }
0x58: {  	_ =	shalt  }
0x59: {  	_ =	shalt  }
0x5a: {  	_ =	shalt  }
0x5b: {  	_ =	shalt  }
0x5c: {  	_ =	shalt  }
0x5d: {  	_ =	shalt  }
0x5e: {  	_ =	shalt  }
0x5f: {  	_ =	shalt  }
0x60: {  	_ =	shalt  }
0x61: {  	_ =	shalt  }
0x62: {  	_ =	shalt  }
0x63: {  	_ =	shalt  }
0x64: {  	_ =	shalt  }
0x65: {  	_ =	shalt  }
0x66: {  	_ =	shalt  }
0x67: {  	_ =	shalt  }
0x68: {  	_ =	shalt  }
0x69: {  	_ =	shalt  }
0x6a: {  	_ =	shalt  }
0x6b: {  	_ =	shalt  }
0x6c: {  	_ =	shalt  }
0x6d: {  	_ =	shalt  }
0x6e: {  	_ =	shalt  }
0x6f: {  	_ =	shalt  }
0x70: {  	_ =	shalt  }
0x71: {  	_ =	shalt  }
0x72: {  	_ =	shalt  }
0x73: {  	_ =	shalt  }
0x74: {  	_ =	shalt  }
0x75: {  	_ =	shalt  }
0x76: {  	_ =	shalt  }
0x77: {  	_ =	shalt  }
0x78: {  	_ =	shalt  }
0x79: {  	_ =	shalt  }
0x7a: {  	_ =	shalt  }
0x7b: {  	_ =	shalt  }
0x7c: {  	_ =	shalt  }
0x7d: {  	_ =	shalt  }
0x7e: {  	_ =	shalt  }
0x7f: {  	_ =	shalt  }
0x80: {  	_ =	shalt  }
0x81: {  	_ =	shalt  }
0x82: {  	_ =	shalt  }
0x83: {  	_ =	shalt  }
0x84: {  	_ =	shalt  }
0x85: {  	_ =	shalt  }
0x86: {  	_ =	shalt  }
0x87: {  	_ =	shalt  }
.Lfunc_end0:
.L_simem_size_0:
called_computation_lowered:
.L_overlay_start_0:
0x88: {  	s2 =	sld [smem:$0x3FD9]  }
0x89: {  	s3 =	sld [smem:$0x3FFE];
	_ =	sdelay $0x1  }
0x8a: {  	s1 =	srdreg.scid  }
0x8b: {  	s0 =	sand.u32 $0x1, s1  }
0x8c: {  	s14 =	sshll.u32 s0, $0xA;
	s2 =	sadd.s32 s3, s2  }
0x8d: {  	s2 =	sadd.s32 s2, s14  }
0x8e: {  	[smem:$0x3FBA] =	sst s2  }
0x8f: {  	_ = 	snop  }
0x90: {  	s2 =	sld [smem:$0x3FD0];
	_ =	sdelay $0x2  }
0x91: {  	s4 =	simm.s32 $0xA;
	s5 =	simm.s32 $0x10;
	s15 =	sld [smem:$0x3FC9]  }
0x92: {  	[smem:s5], [sflag:s4] =	dma.local [hbm:s2], $0x1  }
0x93: {  	_ =	swait.eq [sflag:s4], $0x1  }
0x94: {  	[sflag:s4] =	ssyncset.done $0x0  }
0x95: {  	s16 =	sld [smem:$0x10];
	[sflag:s4] =	ssyncadd.s32 $0xFFFFFFFF  }
0x96: {  	s17 =	sld [smem:$0x11];
	(tm) =	ssettm $0x1  }
0x97: {  	s18 =	sld [smem:$0x3FFB];
	_ =	sdelay $0x3  }
0x98: {  	_ =	strace s18  }
0x99: {  	s5 =	sld [smem:$0x3FFC];
	_ =	sdelay $0x3  }
0x9a: {  	_ =	strace s5  }
0x9b: {  	s5 =	sld [smem:$0x3FFD];
	_ =	sdelay $0x3  }
0x9c: {  	_ =	strace s5  }
0x9d: {  	_ =	strace $0x8FFFFFFF  }
0x9e: {  	s19 =	sld [smem:$0x3FDB];
	_ =	sdelay $0x1  }
0x9f: {  	s6 =	simm.s32 $_scs_section_size  }
0xa0: {  	s7 =	simm.s32 $_size__tile_overlayer_lowered;
	s8 =	simm.s32 $_tile_overlayer_lowered  }
0xa1: {  	s22 =	simm.s32 $0x1BFF;
	s21 =	sshll.u32 s8, $0x1;
	s5 =	sadd.s32 s6, s19  }
0xa2: {  	s9 =	simm.s32 $0x0;
	s20 =	sshll.u32 s7, $0x1;
	s7 =	sadd.s32 s21, s5  }
0xa3: {  	[timem:s9], [sflag:s22] =	dma.local [hbm:s7], s20  }
0xa4: {  	_ =	swait.ge [sflag:s22], s20  }
0xa5: {  	s6 =	ssub.s32 $0x0, s20;
	[sflag:s22] =	ssyncset.done $0x0  }
0xa6: {  	[sflag:s22] =	ssyncadd.s32 s6;
	_ =	sdelay $0x1  }
0xa7: {  	s23 =	simm.s32 $0x1B8B  }
0xa8: {  	_ =	swait.ge [sflag:s23], $0x1  }
0xa9: {  	[sflag:s23] =	ssyncset.done $0x0  }
0xaa: {  	s25 =	simm.s32 $0x1B8E;
	s24 =	sld [smem:$0x3FFE];
	[sflag:s23] =	ssyncadd.s32 $0xFFFFFFFF  }
0xab: {  	s26 =	simm.s32 $execute0_lowered;
	[smem:$0x3FD2] =	sst s25  }
0xac: {  	s7 =	sshll.u32 s26, $0x1;
	_ =	strace $0x80000046;
	[dreg:$0x1] =	wrdreg $0xFFFFFFFF  }
0xad: {  	s28 =	simm.s32 $_size_execute0_lowered;
	s5 =	sadd.s32 s5, s7;
	[dreg:$0x0] =	wrdreg $0x0  }
0xae: {  	s7 =	sshll.u32 s28, $0x1;
	[dreg:$0x2] =	wrdreg s5  }
0xaf: {  	[dreg:$0x3] =	wrdreg s7  }
0xb0: {  	[dreg:$0x4] =	wrdreg $0xC0  }
0xb1: {  	_ =	task [dreg:s9], $0x5FFFF  }
0xb2: {  	[dreg:$0x1] =	wrdreg $0xFFFFFFFF  }
0xb3: {  	[dreg:$0x0] =	wrdreg $0x60  }
0xb4: {  	[dreg:$0x2] =	wrdreg s15  }
0xb5: {  	[dreg:$0x3] =	wrdreg s16  }
0xb6: {  	[dreg:$0x4] =	wrdreg s24  }
0xb7: {  	[dreg:$0x5] =	wrdreg s17  }
0xb8: {  	[dreg:$0x6] =	wrdreg $0x140000  }
0xb9: {  	[dreg:$0x7] =	wrdreg $0x1E3000  }
0xba: {  	[dreg:$0x8] =	wrdreg $0x9  }
0xbb: {  	_ =	task.clear_ibuf [dreg:s9], $0x9FFFF;
	_ =	strace $0x90000046  }
0xbc: {  	s29 =	simm.s32 $0x9;
	_ =	strace $0x80000052  }
0xbd: {  	_ =	swait.ge [sflag:s29], $0x1  }
0xbe: {  	[sflag:s29] =	ssyncadd.s32 $0xFFFFFFFF  }
0xbf: {  	_ =	strace $0x90000052  }
0xc0: {  	_ =	sfence  }
0xc1: {  	s30 =	sld [smem:$0x0];
	_ =	sdelay $0x2  }
0xc2: {  	s31 =	sshll.u32 s1, $0xD;
	s1 =	sshrl.u32 s1, $0x2  }
0xc3: {  	s3 =	sand.u32 $0x4000, s31;
	s1 =	sadd.s32 s1, s30  }
0xc4: {  	s0 =	sor.u32 s3, s0;
	s1 =	sshll.u32 s1, $0x11  }
0xc5: {  	s0 =	sor.u32 s1, s0  }
0xc6: {  	s0 =	sadd.s32 $0x8F2B, s0  }
0xc7: {  	[sflag:s0] =	ssyncadd.remote.s32 $0x1  }
0xc8: {  	_ =	sfence.sel $0xFFFF  }
0xc9: {  	[dreg:$0x0] =	wrdreg $0xFFFFFFFF;
	(pc) =	sbr.abs _section_cstart, $3  }
0xca: {  	[dreg:$0x1] =	wrdreg $0xFFFFFFFF  }
0xcb: {  	_ =	task.clear_ibuf [dreg:s9], $0x2FFFF;
	_ =	strace $0x9FFFFFFF  }
0xcc: {  	(tm) =	ssettm $0x7FFFFFFF  }
0xcd: {  	_ =	shalt  }
tec
execute0_lowered:
.L_overlay_start_1:
0x0: {  	(tag) =	ssettag $0x1  }
0x1: {  	s1 =	rddreg [dreg:$0x0]  }
0x2: {  	s0 =	rddreg [dreg:$0x1]  }
0x3: {  	s2 =	rddreg [dreg:$0x2]  }
0x4: {  	s5 =	rddreg [dreg:$0x3]  }
0x5: {  	s3 =	rddreg [dreg:$0x4]  }
0x6: {  	s4 =	rddreg [dreg:$0x5];
	s7 =	simm.s32 $0x0;
	s12 =	stileid.u32  }
0x7: {  	s6 =	srdreg.scid;
	s31 =	simm.s32 $0xE000;
	s23 =	smul.u32 $0xA00, s12  }
0x8: {  	[smem:$0x7FF] =	sst s7;
	s6 =	sand.u32 $0x1, s6;
	s11 =	smul.u32 $0xA000, s12  }
0x9: {  	s28 =	simm.s32 $0x6;
	_ =	strace $0x80000047;
	s16 =	smul.u32 $0xA0000, s6  }
0xa: {  	s8 =	ssub.s32 $0x2, s6;
	p0 =	seq.s32 s6, $0x1;
	s6 =	smul.u32 $0x2800, s6  }
0xb: {  	s9 =	sadd.s32 s23, s2;
	s10 =	sshrl.u32 s8, $0x1;
	s2 =	sadd.s32 $0xD200, s2  }
0xc: {  	s24 =	sadd.s32 s11, s3;
	s25 =	sadd.s32 $0x2000, s11;
	s13 =	sadd.s32 $0x4000, s11  }
0xd: {  	s29 =	sadd.s32 $0x6000, s11;
	s15 =	sadd.s32 $0x8000, s11;
	s0 =	sadd.s32 s0, s23  }
0xe: {  	s8 =	ssub.s32 s8, s10;
	s10 =	smul.u32 $0x280, s12;
	[dreg:$0x7] =	wrdreg s24  }
0xf: {  	s14 =	sadd.s32 s25, s3;
	s30 =	sadd.s32 s13, s3;
	s20 =	sadd.s32 s29, s3  }
0x10: {  	s19 =	sadd.s32 s15, s3;
	[dreg:$0xd] =	wrdreg s0;
	s9 =	sadd.s32 $0x3200, s9  }
0x11: {  	s11 =	sadd.s32 s11, s16;
	s17 =	sadd.s32 s16, s25;
	s18 =	sadd.s32 s16, s13  }
0x12: {  	s22 =	sadd.s32 s16, s29;
	s23 =	sadd.s32 s16, s15;
	s12 =	simm.s32 $0x4  }
0x13: {  	s13 =	simm.s32 $0x9;
	s15 =	simm.s32 $0xA;
	[dreg:$0x8] =	wrdreg s14  }
0x14: {  	s16 =	simm.s32 $0x1E000;
	[dreg:$0xe] =	wrdreg s9;
	s0 =	sshrl.u32 s11, $0x3  }
0x15: {  	s7 =	sshrl.u32 s17, $0x3;
	s9 =	sshrl.u32 s18, $0x3;
	[dreg:$0x9] =	wrdreg s30  }
0x16: {  	s29 =	smax.u32 s8, $0x1;
	s18 =	simm.s32 $0xC;
	[dreg:$0xa] =	wrdreg s20  }
0x17: {  	s14 =	simm.s32 $0x5;
	s17 =	simm.s32 $0xB;
	[dreg:$0xb] =	wrdreg s19  }
0x18: {  	s26 =	sadd.s32 s10, s4;
	s0 =	sadd.s32 s2, s0;
	[dreg:$0x15] =	wrdreg s29  }
0x19: {  	s21 =	sadd.s32 s2, s7;
	s6 =	sadd.s32 s10, s6;
	[dreg:$0xf] =	wrdreg s0  }
0x1a: {  	s7 =	sshrl.u32 s23, $0x3;
	s23 =	simm.s32 $0x1;
	[dreg:$0x10] =	wrdreg s21  }
0x1b: {  	s21 =	sadd.s32 s2, s9;
	s0 =	sshrl.u32 s22, $0x3;
	s6 =	sshrl.u32 s6, $0x3  }
.Ltmp0:
0x1c: {  	s24 =	sadd.s32 s2, s7;
	[dreg:$0xc] =	wrdreg s26;
	(pc) =	sbr.rel .LBB2_1-.Ltmp0, $4  }
0x1d: {  	s9 =	simm.s32 $0x0;
	s0 =	sadd.s32 s2, s0;
	[dreg:$0x13] =	wrdreg s24  }
0x1e: {  	s25 =	sadd.s32 s5, s6;
	s2 =	simm.s32 $0x7;
	[dreg:$0x11] =	wrdreg s21  }
0x1f: {  	s24 =	simm.s32 $0x3;
	s5 =	simm.s32 $0x8;
	[dreg:$0x12] =	wrdreg s0  }
0x20: {  	v0 =	vimm.f32 $0.0e+00;
	v1 =	vimm.f32 $1.000000000e+00;
	[dreg:$0x14] =	wrdreg s25;
	s25 =	simm.s32 $0x80;
	s0 =	simm.s32 $0x12000  }
.LBB2_10:
0x21: {  	[sflag:s17] =	ssyncadd.s32 $0xFFFFFF80  }
0x22: {  	_ =	strace $0x9000004C  }
0x23: {  	s7 =	rddreg [dreg:$0x7]  }
0x24: {  	s21 =	rddreg [dreg:$0x8]  }
0x25: {  	s29 =	rddreg [dreg:$0x9]  }
0x26: {  	s11 =	rddreg [dreg:$0xa]  }
0x27: {  	s19 =	rddreg [dreg:$0xb]  }
0x28: {  	s22 =	rddreg [dreg:$0xc]  }
0x29: {  	s8 =	rddreg [dreg:$0xf]  }
0x2a: {  	s20 =	rddreg [dreg:$0x11]  }
0x2b: {  	s26 =	rddreg [dreg:$0x12]  }
0x2c: {  	s10 =	stileid.u32;
	s18 =	simm.s32 $0xC;
	s9 =	rddreg [dreg:$0x16]  }
.LBB2_16:
0x2d: {  	_ =	strace $0x80000050  }
0x2e: {  	[bflag:$0x0] =	sbarrier.arrive $0xFFFF  }
0x2f: {  	s6 =	sshll.u32 s10, $0x6;
	_ =	strace $0x90000050  }
0x30: {  	s7 =	sshrl.u32 s7, $0x3;
	s6 =	sor.u32 $0x1C0C, s6;
	_ =	strace $0x80000051  }
0x31: {  	[hbm:s8], [sflag:s6] =	dma.local [spmem:s7], $0x400  }
0x32: {  	_ =	swait.ge [sflag:s18], $0x400  }
0x33: {  	[sflag:s18] =	ssyncset.done $0x0  }
0x34: {  	s8 =	sshrl.u32 s21, $0x3;
	s21 =	rddreg [dreg:$0x10];
	[sflag:s18] =	ssyncadd.s32 $0xFFFFFC00  }
0x35: {  	[hbm:s21], [sflag:s6] =	dma.local [spmem:s8], $0x400  }
0x36: {  	_ =	swait.ge [sflag:s18], $0x400  }
0x37: {  	[sflag:s18] =	ssyncset.done $0x0  }
0x38: {  	s8 =	sshrl.u32 s29, $0x3;
	[sflag:s18] =	ssyncadd.s32 $0xFFFFFC00  }
0x39: {  	[hbm:s20], [sflag:s6] =	dma.local [spmem:s8], $0x400  }
0x3a: {  	_ =	swait.ge [sflag:s18], $0x400  }
0x3b: {  	[sflag:s18] =	ssyncset.done $0x0  }
0x3c: {  	s21 =	smov.u32 s20;
	s20 =	sshrl.u32 s11, $0x3;
	[sflag:s18] =	ssyncadd.s32 $0xFFFFFC00  }
0x3d: {  	[hbm:s26], [sflag:s6] =	dma.local [spmem:s20], $0x400  }
0x3e: {  	_ =	swait.ge [sflag:s18], $0x400  }
0x3f: {  	s30 =	smov.u32 s29;
	[sflag:s18] =	ssyncset.done $0x0  }
0x40: {  	s26 =	sshrl.u32 s19, $0x3;
	s29 =	rddreg [dreg:$0x13];
	[sflag:s18] =	ssyncadd.s32 $0xFFFFFC00  }
0x41: {  	[hbm:s29], [sflag:s6] =	dma.local [spmem:s26], $0x400  }
0x42: {  	_ =	swait.ge [sflag:s18], $0x400  }
0x43: {  	s20 =	sshrl.u32 s22, $0x3;
	[sflag:s18] =	ssyncset.done $0x0  }
0x44: {  	s26 =	smov.u32 s22;
	s22 =	rddreg [dreg:$0x14];
	[sflag:s18] =	ssyncadd.s32 $0xFFFFFC00  }
0x45: {  	[hbm:s22], [sflag:s6] =	dma.local [spmem:s20], $0x50  }
0x46: {  	_ =	swait.ge [sflag:s18], $0x50  }
0x47: {  	s9 =	sadd.s32 $0x1, s9;
	s29 =	rddreg [dreg:$0x15]  }
0x48: {  	p1 =	sne.s32 s9, s29  }
.Ltmp1:
0x49: {  	_ = 	snop;
	(pc) =	sbr.rel @!p1 .LBB2_17-.Ltmp1, $4  }
0x4a: {  	_ = 	snop  }
0x4b: {  	[sflag:s18] =	ssyncset.done $0x0  }
0x4c: {  	[sflag:s18] =	ssyncadd.s32 $0xFFFFFFB0  }
0x4d: {  	s20 =	smov.u32 s11;
	_ =	strace $0x90000051  }
.LBB2_1:
0x4e: {  	[dreg:$0x16] =	wrdreg s9  }
0x4f: {  	s7 =	simm.s32 $0x100;
	s6 =	simm.s32 $0x0;
	_ =	strace $0x80000048  }
.LBB2_2:
0x50: {  	p1 =	sne.s32 s7, $0x7F00;
	[tilespmem:s6+$0xA030] =	vst v0;
	s8 =	smov.u32 s7;
	s7 =	sadd.s32 $0x100, s7  }
.Ltmp2:
0x51: {  	[tilespmem:s6+$0xA020] =	vst v0;
	(pc) =	sbr.rel @p1 .LBB2_2-.Ltmp2, $3  }
0x52: {  	[tilespmem:s6+$0xA000] =	vst v0  }
0x53: {  	[tilespmem:s6+$0xA010] =	vst v0;
	_ =	sdelay $0x1  }
0x54: {  	s6 =	sshra.s32 s8, $0x2  }
0x55: {  	[tilespmem:s6+$0xA030] =	vst v0  }
0x56: {  	[tilespmem:s6+$0xA020] =	vst v0  }
0x57: {  	[tilespmem:s6+$0xA000] =	vst v0  }
0x58: {  	[tilespmem:s6+$0xA010] =	vst v0  }
0x59: {  	[tilespmem:$0x1E000] =	vst v1  }
0x5a: {  	[tilespmem:$0x1E010] =	vst v1  }
0x5b: {  	[tilespmem:$0x1E020] =	vst v1  }
0x5c: {  	[tilespmem:$0x1E030] =	vst v1  }
0x5d: {  	[tilespmem:$0x1E040] =	vst v1  }
0x5e: {  	[tilespmem:$0x1E050] =	vst v1  }
0x5f: {  	[tilespmem:$0x1E060] =	vst v1  }
0x60: {  	[tilespmem:$0x1E070] =	vst v1  }
0x61: {  	[tilespmem:$0x1E080] =	vst v0  }
0x62: {  	[tilespmem:$0x1E090] =	vst v0  }
0x63: {  	[tilespmem:$0x1E0A0] =	vst v0  }
0x64: {  	[tilespmem:$0x1E0B0] =	vst v0  }
0x65: {  	[tilespmem:$0x1E0C0] =	vst v0  }
0x66: {  	[tilespmem:$0x1E0D0] =	vst v0  }
0x67: {  	[tilespmem:$0x1E0E0] =	vst v0  }
0x68: {  	[tilespmem:$0x1E0F0] =	vst v0  }
0x69: {  	[tilespmem:$0x1E100] =	vst v0  }
0x6a: {  	[tilespmem:$0x1E110] =	vst v0  }
0x6b: {  	[tilespmem:$0x1E120] =	vst v0  }
0x6c: {  	[tilespmem:$0x1E130] =	vst v0  }
0x6d: {  	[tilespmem:$0x1E140] =	vst v0  }
0x6e: {  	[tilespmem:$0x1E150] =	vst v0  }
0x6f: {  	[tilespmem:$0x1E160] =	vst v0  }
0x70: {  	[tilespmem:$0x1E170] =	vst v0  }
0x71: {  	[tilespmem:$0x1E180] =	vst v0  }
0x72: {  	[tilespmem:$0x1E190] =	vst v0  }
0x73: {  	[tilespmem:$0x1E1A0] =	vst v0  }
0x74: {  	[tilespmem:$0x1E1B0] =	vst v0  }
0x75: {  	[tilespmem:$0x1E1C0] =	vst v0  }
0x76: {  	[tilespmem:$0x1E1D0] =	vst v0  }
0x77: {  	[tilespmem:$0x1E1E0] =	vst v0  }
0x78: {  	[tilespmem:$0x1E1F0] =	vst v0  }
0x79: {  	[tilespmem:$0x1E200] =	vst v0  }
0x7a: {  	[tilespmem:$0x1E210] =	vst v0  }
0x7b: {  	[tilespmem:$0x1E220] =	vst v0  }
0x7c: {  	[tilespmem:$0x1E230] =	vst v0  }
0x7d: {  	[tilespmem:$0x1E240] =	vst v0  }
0x7e: {  	[tilespmem:$0x1E250] =	vst v0  }
0x7f: {  	[tilespmem:$0x1E260] =	vst v0  }
0x80: {  	[tilespmem:$0x1E270] =	vst v0  }
0x81: {  	[tilespmem:$0x1E280] =	vst v0  }
0x82: {  	[tilespmem:$0x1E290] =	vst v0  }
0x83: {  	[tilespmem:$0x1E2A0] =	vst v0  }
0x84: {  	[tilespmem:$0x1E2B0] =	vst v0  }
0x85: {  	[tilespmem:$0x1E2C0] =	vst v0  }
0x86: {  	[tilespmem:$0x1E2D0] =	vst v0  }
0x87: {  	[tilespmem:$0x1E2E0] =	vst v0  }
0x88: {  	s22 =	simm.s32 $0xA000;
	s7 =	rddreg [dreg:$0x7];
	[tilespmem:$0x1E2F0] =	vst v0  }
0x89: {  	[spmem:s7] =	stream.linear.scatter [tilespmem:s22], [sflag:$0xC], $0x2000, $0x200038;
	[tilespmem:$0x1E580] =	vst v63  }
0x8a: {  	_ =	swait.ge [sflag:s18], $0x2000  }
0x8b: {  	[sflag:s18] =	ssyncset.done $0x0  }
0x8c: {  	s8 =	rddreg [dreg:$0x8];
	[sflag:s18] =	ssyncadd.s32 $0xFFFFE000  }
0x8d: {  	[spmem:s8] =	stream.linear.scatter [tilespmem:s22], [sflag:$0xC], $0x2000, $0x200038;
	[tilespmem:$0x1E580] =	vst v63  }
0x8e: {  	_ =	swait.ge [sflag:s18], $0x2000  }
0x8f: {  	[sflag:s18] =	ssyncset.done $0x0  }
0x90: {  	[sflag:s18] =	ssyncadd.s32 $0xFFFFE000  }
0x91: {  	[spmem:s30] =	stream.linear.scatter [tilespmem:s22], [sflag:$0xC], $0x2000, $0x200038;
	[tilespmem:$0x1E580] =	vst v63  }
0x92: {  	_ =	swait.ge [sflag:s18], $0x2000  }
0x93: {  	[sflag:s18] =	ssyncset.done $0x0  }
0x94: {  	[sflag:s18] =	ssyncadd.s32 $0xFFFFE000  }
0x95: {  	[spmem:s20] =	stream.linear.scatter [tilespmem:s22], [sflag:$0xC], $0x2000, $0x200038;
	[tilespmem:$0x1E580] =	vst v63  }
0x96: {  	_ =	swait.ge [sflag:s18], $0x2000  }
0x97: {  	[sflag:s18] =	ssyncset.done $0x0  }
0x98: {  	[sflag:s18] =	ssyncadd.s32 $0xFFFFE000  }
0x99: {  	[spmem:s19] =	stream.linear.scatter [tilespmem:s22], [sflag:$0xC], $0x2000, $0x200038;
	[tilespmem:$0x1E580] =	vst v63  }
0x9a: {  	_ =	swait.ge [sflag:s18], $0x2000  }
0x9b: {  	[sflag:s18] =	ssyncset.done $0x0  }
0x9c: {  	s29 =	simm.s32 $0x1E080;
	[sflag:s18] =	ssyncadd.s32 $0xFFFFE000  }
0x9d: {  	[spmem:s26] =	stream.linear.scatter [tilespmem:s29], [sflag:$0xC], $0x280, $0x200038;
	[tilespmem:$0x1E580] =	vst v63  }
0x9e: {  	_ =	swait.ge [sflag:s18], $0x280  }
0x9f: {  	[sflag:s18] =	ssyncset.done $0x0  }
.Ltmp3:
0xa0: {  	[sflag:s18] =	ssyncadd.s32 $0xFFFFFD80;
	(pc) =	sbr.rel @!p0 .LBB2_4-.Ltmp3, $4  }
0xa1: {  	_ =	strace $0x90000048  }
0xa2: {  	_ =	strace $0x80000049  }
0xa3: {  	[bflag:$0x0] =	sbarrier.arrive $0xFFFF  }
0xa4: {  	_ =	strace $0x90000049  }
0xa5: {  	_ =	strace $0x8000004D  }
0xa6: {  	s8 =	simm.s32 $0x0;
	s6 =	rddreg [dreg:$0xd]  }
0xa7: {  	[tilespmem:s8], [sflag:$0xC] =	stream.linear.gather [hbm4b:s6+s8], $0x5000, $0x200038;
	[tilespmem:$0x1E580] =	vst v63  }
0xa8: {  	_ =	swait.ge [sflag:s18], $0x5000  }
0xa9: {  	[sflag:s18] =	ssyncset.done $0x0  }
0xaa: {  	s7 =	simm.s32 $0x5000;
	s31 =	rddreg [dreg:$0xe];
	[sflag:s18] =	ssyncadd.s32 $0xFFFFB000  }
0xab: {  	[tilespmem:s7], [sflag:$0xC] =	stream.linear.gather [hbm4b:s31+s8], $0x5000, $0x200038;
	[tilespmem:$0x1E580] =	vst v63  }
0xac: {  	_ =	swait.ge [sflag:s18], $0x5000  }
0xad: {  	[sflag:s18] =	ssyncset.done $0x0  }
0xae: {  	s7 =	simm.s32 $0x70;
	[sflag:s18] =	ssyncadd.s32 $0xFFFFB000  }
0xaf: {  	v2 =	vld [tilespmem:s7+$0xFFFFFF90];
	_ =	sdelay $0x1  }
0xb0: {  	v3 =	vld [tilespmem:s7+$0xFFFFFFA0]  }
0xb1: {  	v4 =	vld [tilespmem:s7+$0xFFFFFFB0]  }
0xb2: {  	v6 =	vld [tilespmem:s7+$0xFFFFFFC0]  }
0xb3: {  	v7 =	vld [tilespmem:s7+$0xFFFFFFD0];
	v2 =	vshll.u32 v2, $0x1  }
0xb4: {  	v8 =	vld [tilespmem:s7+$0xFFFFFFE0];
	v2 =	vor.u32 $0x1, v2  }
0xb5: {  	v9 =	vld [tilespmem:s7+$0x0];
	[tilespmem:s7+$0xFFFFFF90] =	vst v2;
	v2 =	vshll.u32 v3, $0x1  }
0xb6: {  	s6 =	simm.s32 $0xF0;
	v10 =	vld [tilespmem:s7+$0xFFFFFFF0];
	v3 =	vshll.u32 v4, $0x1;
	v2 =	vor.u32 $0x1, v2  }
0xb7: {  	v11 =	vld [tilespmem:s6+$0xFFFFFF90];
	[tilespmem:s7+$0xFFFFFFA0] =	vst v2;
	v2 =	vor.u32 $0x1, v3;
	v3 =	vshll.u32 v6, $0x1  }
0xb8: {  	v4 =	vshll.u32 v7, $0x1;
	v5 =	vld [tilespmem:s6+$0xFFFFFFA0];
	[tilespmem:s7+$0xFFFFFFB0] =	vst v2;
	v2 =	vor.u32 $0x1, v3  }
0xb9: {  	v4 =	vor.u32 $0x1, v4;
	v6 =	vshll.u32 v8, $0x1;
	v3 =	vld [tilespmem:s6+$0xFFFFFFB0];
	[tilespmem:s7+$0xFFFFFFC0] =	vst v2  }
0xba: {  	v7 =	vshll.u32 v9, $0x1;
	v6 =	vor.u32 $0x1, v6;
	v2 =	vld [tilespmem:s6+$0xFFFFFFC0];
	[tilespmem:s7+$0xFFFFFFD0] =	vst v4  }
0xbb: {  	v9 =	vor.u32 $0x1, v7;
	v8 =	vshll.u32 v10, $0x1;
	v4 =	vld [tilespmem:s6+$0xFFFFFFD0];
	[tilespmem:s7+$0xFFFFFFE0] =	vst v6  }
0xbc: {  	s8 =	simm.s32 $0x5C0;
	v8 =	vor.u32 $0x1, v8;
	v7 =	vshll.u32 v11, $0x1;
	v6 =	vld [tilespmem:s6+$0xFFFFFFE0];
	[tilespmem:s7+$0x0] =	vst v9  }
.LBB2_12:
0xbd: {  	p1 =	sne.s32 s8, $0x13FC0;
	v7 =	vor.u32 $0x1, v7;
	v5 =	vshll.u32 v5, $0x1;
	v9 =	vld [tilespmem:s6+$0x0];
	[tilespmem:s7+$0xFFFFFFF0] =	vst v8;
	s7 =	smov.u32 s6  }
0xbe: {  	s6 =	sshra.s32 s8, $0x2;
	[tilespmem:s7+$0xFFFFFF90] =	vst v7;
	v5 =	vor.u32 $0x1, v5;
	v3 =	vshll.u32 v3, $0x1;
	v7 =	vld [tilespmem:s7+$0xFFFFFFF0]  }
0xbf: {  	v8 =	vld [tilespmem:s6+$0xFFFFFF90];
	[tilespmem:s7+$0xFFFFFFA0] =	vst v5;
	v3 =	vor.u32 $0x1, v3;
	v2 =	vshll.u32 v2, $0x1  }
.Ltmp4:
0xc0: {  	v5 =	vld [tilespmem:s6+$0xFFFFFFA0];
	[tilespmem:s7+$0xFFFFFFB0] =	vst v3;
	v2 =	vor.u32 $0x1, v2;
	v4 =	vshll.u32 v4, $0x1;
	(pc) =	sbr.rel @p1 .LBB2_12-.Ltmp4, $4  }
0xc1: {  	v3 =	vld [tilespmem:s6+$0xFFFFFFB0];
	[tilespmem:s7+$0xFFFFFFC0] =	vst v2;
	v4 =	vor.u32 $0x1, v4;
	v6 =	vshll.u32 v6, $0x1  }
0xc2: {  	v2 =	vld [tilespmem:s6+$0xFFFFFFC0];
	[tilespmem:s7+$0xFFFFFFD0] =	vst v4;
	v6 =	vor.u32 $0x1, v6;
	v9 =	vshll.u32 v9, $0x1  }
0xc3: {  	v4 =	vld [tilespmem:s6+$0xFFFFFFD0];
	[tilespmem:s7+$0xFFFFFFE0] =	vst v6;
	v10 =	vshll.u32 v7, $0x1;
	v9 =	vor.u32 $0x1, v9  }
0xc4: {  	s8 =	sadd.s32 $0x200, s8;
	v7 =	vshll.u32 v8, $0x1;
	v6 =	vld [tilespmem:s6+$0xFFFFFFE0];
	v8 =	vor.u32 $0x1, v10;
	[tilespmem:s7+$0x0] =	vst v9  }
0xc5: {  	v9 =	vld [tilespmem:s6+$0x0];
	v7 =	vor.u32 $0x1, v7;
	[tilespmem:s7+$0xFFFFFFF0] =	vst v8;
	v5 =	vshll.u32 v5, $0x1  }
0xc6: {  	[tilespmem:s6+$0xFFFFFF90] =	vst v7;
	v5 =	vor.u32 $0x1, v5;
	v3 =	vshll.u32 v3, $0x1;
	v63 =	vld [tilespmem:s6+$0xFFFFFFF0]  }
0xc7: {  	[tilespmem:s6+$0xFFFFFFA0] =	vst v5;
	v3 =	vor.u32 $0x1, v3;
	v2 =	vshll.u32 v2, $0x1  }
0xc8: {  	[tilespmem:s6+$0xFFFFFFB0] =	vst v3;
	v2 =	vor.u32 $0x1, v2;
	v3 =	vshll.u32 v4, $0x1  }
0xc9: {  	[tilespmem:s6+$0xFFFFFFC0] =	vst v2;
	v2 =	vor.u32 $0x1, v3;
	v3 =	vshll.u32 v6, $0x1  }
0xca: {  	[tilespmem:s6+$0xFFFFFFD0] =	vst v2;
	v2 =	vor.u32 $0x1, v3;
	v3 =	vshll.u32 v9, $0x1  }
0xcb: {  	[tilespmem:s6+$0xFFFFFFE0] =	vst v2;
	v2 =	vshll.u32 v63, $0x1;
	v3 =	vor.u32 $0x1, v3  }
0xcc: {  	v2 =	vor.u32 $0x1, v2;
	[tilespmem:s6+$0x0] =	vst v3  }
0xcd: {  	[tilespmem:s6+$0xFFFFFFF0] =	vst v2  }
0xce: {  	s20 =	simm.s32 $0x0;
	s18 =	simm.s32 $0xA000;
	_ =	strace $0x9000004D  }
0xcf: {  	[tilespmem:s18], [sflag:$0x1] =	stream.indirect.gather [hbm4b:s1+s25], $0x40, s20, s25, $0xb8;
	[tilespmem:$0x1E580] =	vst v63  }
0xd0: {  	s31 =	simm.s32 $0xC000  }
0xd1: {  	[tilespmem:s31], [sflag:$0x2] =	stream.indirect.gather [hbm4b:s1+s25], $0x40, s25, s25, $0xb8;
	[tilespmem:$0x1E580] =	vst v63  }
0xd2: {  	s22 =	simm.s32 $0x100;
	s11 =	simm.s32 $0xE000  }
0xd3: {  	[tilespmem:s11], [sflag:$0x3] =	stream.indirect.gather [hbm4b:s1+s25], $0x40, s22, s25, $0xb8;
	[tilespmem:$0x1E580] =	vst v63  }
0xd4: {  	s29 =	simm.s32 $0x180;
	s9 =	simm.s32 $0x10000  }
0xd5: {  	[tilespmem:s9], [sflag:$0x4] =	stream.indirect.gather [hbm4b:s1+s25], $0x40, s29, s25, $0xb8;
	[tilespmem:$0x1E580] =	vst v63  }
0xd6: {  	s7 =	simm.s32 $0x200;
	_ =	strace $0x8000004E  }
0xd7: {  	[tilespmem:s0], [sflag:$0x5] =	stream.indirect.gather [hbm4b:s1+s25], $0x40, s7, s25, $0x2000b8;
	[tilespmem:$0x1E580] =	vst v63  }
0xd8: {  	_ =	swait.ge [sflag:s23], $0x2000  }
0xd9: {  	[sflag:s23] =	ssyncset.done $0x0  }
0xda: {  	s8 =	simm.s32 $0x5000;
	[sflag:s23] =	ssyncadd.s32 $0xFFFFE000  }
0xdb: {  	[spmem:s3] =	stream.indirect.scatter.add.f32 [tilespmem:s18], [sflag:$0x6], $0x40, s8, s25, $0x2000b8;
	[tilespmem:$0x1E580] =	vst v63  }
0xdc: {  	_ =	swait.ge [sflag:s28], $0x2000  }
0xdd: {  	[sflag:s28] =	ssyncset.done $0x0  }
0xde: {  	s10 =	simm.s32 $0x280;
	[sflag:s28] =	ssyncadd.s32 $0xFFFFE000  }
0xdf: {  	[tilespmem:s18], [sflag:$0x1] =	stream.indirect.gather [hbm4b:s1+s25], $0x40, s10, s25, $0x2000b8;
	[tilespmem:$0x1E580] =	vst v63  }
0xe0: {  	s10 =	simm.s32 $0x2  }
0xe1: {  	_ =	swait.ge [sflag:s10], $0x2000  }
0xe2: {  	[sflag:s10] =	ssyncset.done $0x0  }
0xe3: {  	s19 =	simm.s32 $0x5080;
	[sflag:s10] =	ssyncadd.s32 $0xFFFFE000  }
0xe4: {  	[spmem:s3] =	stream.indirect.scatter.add.f32 [tilespmem:s31], [sflag:$0x7], $0x40, s19, s25, $0x2000b8;
	[tilespmem:$0x1E580] =	vst v63  }
0xe5: {  	_ =	swait.ge [sflag:s2], $0x2000  }
0xe6: {  	[sflag:s2] =	ssyncset.done $0x0  }
0xe7: {  	s20 =	simm.s32 $0x300;
	[sflag:s2] =	ssyncadd.s32 $0xFFFFE000  }
0xe8: {  	[tilespmem:s31], [sflag:$0x2] =	stream.indirect.gather [hbm4b:s1+s25], $0x40, s20, s25, $0x2000b8;
	[tilespmem:$0x1E580] =	vst v63  }
0xe9: {  	_ =	swait.ge [sflag:s24], $0x2000  }
0xea: {  	[sflag:s24] =	ssyncset.done $0x0  }
0xeb: {  	s22 =	simm.s32 $0x5100;
	[sflag:s24] =	ssyncadd.s32 $0xFFFFE000  }
0xec: {  	[spmem:s3] =	stream.indirect.scatter.add.f32 [tilespmem:s11], [sflag:$0x8], $0x40, s22, s25, $0x2000b8;
	[tilespmem:$0x1E580] =	vst v63  }
0xed: {  	_ =	swait.ge [sflag:s5], $0x2000  }
0xee: {  	[sflag:s5] =	ssyncset.done $0x0  }
0xef: {  	s29 =	simm.s32 $0x380;
	[sflag:s5] =	ssyncadd.s32 $0xFFFFE000  }
0xf0: {  	[tilespmem:s11], [sflag:$0x3] =	stream.indirect.gather [hbm4b:s1+s25], $0x40, s29, s25, $0x2000b8;
	[tilespmem:$0x1E580] =	vst v63  }
0xf1: {  	_ =	swait.ge [sflag:s12], $0x2000  }
0xf2: {  	[sflag:s12] =	ssyncset.done $0x0  }
0xf3: {  	s7 =	simm.s32 $0x5180;
	[sflag:s12] =	ssyncadd.s32 $0xFFFFE000  }
0xf4: {  	[spmem:s3] =	stream.indirect.scatter.add.f32 [tilespmem:s9], [sflag:$0x9], $0x40, s7, s25, $0x2000b8;
	[tilespmem:$0x1E580] =	vst v63  }
0xf5: {  	_ =	swait.ge [sflag:s13], $0x2000  }
0xf6: {  	[sflag:s13] =	ssyncset.done $0x0  }
0xf7: {  	s8 =	simm.s32 $0x400;
	[sflag:s13] =	ssyncadd.s32 $0xFFFFE000  }
0xf8: {  	[tilespmem:s9], [sflag:$0x4] =	stream.indirect.gather [hbm4b:s1+s25], $0x40, s8, s25, $0x2000b8;
	[tilespmem:$0x1E580] =	vst v63  }
0xf9: {  	_ =	swait.ge [sflag:s14], $0x2000  }
0xfa: {  	[sflag:s14] =	ssyncset.done $0x0  }
0xfb: {  	s19 =	simm.s32 $0x5200;
	[sflag:s14] =	ssyncadd.s32 $0xFFFFE000  }
0xfc: {  	[spmem:s3] =	stream.indirect.scatter.add.f32 [tilespmem:s0], [sflag:$0xA], $0x40, s19, s25, $0x2000b8;
	[tilespmem:$0x1E580] =	vst v63  }
0xfd: {  	_ =	swait.ge [sflag:s15], $0x2000  }
0xfe: {  	[sflag:s15] =	ssyncset.done $0x0  }
0xff: {  	s20 =	simm.s32 $0x480;
	[sflag:s15] =	ssyncadd.s32 $0xFFFFE000  }
0x100: {  	[tilespmem:s0], [sflag:$0x5] =	stream.indirect.gather [hbm4b:s1+s25], $0x40, s20, s25, $0x2000b8;
	[tilespmem:$0x1E580] =	vst v63  }
0x101: {  	_ =	swait.ge [sflag:s23], $0x2000  }
0x102: {  	[sflag:s23] =	ssyncset.done $0x0  }
0x103: {  	s22 =	simm.s32 $0x5280;
	[sflag:s23] =	ssyncadd.s32 $0xFFFFE000  }
0x104: {  	[spmem:s3] =	stream.indirect.scatter.add.f32 [tilespmem:s18], [sflag:$0x6], $0x40, s22, s25, $0x2000b8;
	[tilespmem:$0x1E580] =	vst v63  }
0x105: {  	_ =	swait.ge [sflag:s28], $0x2000  }
0x106: {  	[sflag:s28] =	ssyncset.done $0x0  }
0x107: {  	s29 =	simm.s32 $0x500;
	[sflag:s28] =	ssyncadd.s32 $0xFFFFE000  }
0x108: {  	[tilespmem:s18], [sflag:$0x1] =	stream.indirect.gather [hbm4b:s1+s25], $0x40, s29, s25, $0x2000b8;
	[tilespmem:$0x1E580] =	vst v63  }
0x109: {  	_ =	swait.ge [sflag:s10], $0x2000  }
0x10a: {  	[sflag:s10] =	ssyncset.done $0x0  }
0x10b: {  	s7 =	simm.s32 $0x5300;
	[sflag:s10] =	ssyncadd.s32 $0xFFFFE000  }
0x10c: {  	[spmem:s3] =	stream.indirect.scatter.add.f32 [tilespmem:s31], [sflag:$0x7], $0x40, s7, s25, $0x2000b8;
	[tilespmem:$0x1E580] =	vst v63  }
0x10d: {  	_ =	swait.ge [sflag:s2], $0x2000  }
0x10e: {  	[sflag:s2] =	ssyncset.done $0x0  }
0x10f: {  	s8 =	simm.s32 $0x580;
	[sflag:s2] =	ssyncadd.s32 $0xFFFFE000  }
0x110: {  	[tilespmem:s31], [sflag:$0x2] =	stream.indirect.gather [hbm4b:s1+s25], $0x40, s8, s25, $0x2000b8;
	[tilespmem:$0x1E580] =	vst v63  }
0x111: {  	_ =	swait.ge [sflag:s24], $0x2000  }
0x112: {  	[sflag:s24] =	ssyncset.done $0x0  }
0x113: {  	s19 =	simm.s32 $0x5380;
	[sflag:s24] =	ssyncadd.s32 $0xFFFFE000  }
0x114: {  	[spmem:s3] =	stream.indirect.scatter.add.f32 [tilespmem:s11], [sflag:$0x8], $0x40, s19, s25, $0x2000b8;
	[tilespmem:$0x1E580] =	vst v63  }
0x115: {  	_ =	swait.ge [sflag:s5], $0x2000  }
0x116: {  	[sflag:s5] =	ssyncset.done $0x0  }
0x117: {  	s20 =	simm.s32 $0x600;
	[sflag:s5] =	ssyncadd.s32 $0xFFFFE000  }
0x118: {  	[tilespmem:s11], [sflag:$0x3] =	stream.indirect.gather [hbm4b:s1+s25], $0x40, s20, s25, $0x2000b8;
	[tilespmem:$0x1E580] =	vst v63  }
0x119: {  	_ =	swait.ge [sflag:s12], $0x2000  }
0x11a: {  	[sflag:s12] =	ssyncset.done $0x0  }
0x11b: {  	s22 =	simm.s32 $0x5400;
	[sflag:s12] =	ssyncadd.s32 $0xFFFFE000  }
0x11c: {  	[spmem:s3] =	stream.indirect.scatter.add.f32 [tilespmem:s9], [sflag:$0x9], $0x40, s22, s25, $0x2000b8;
	[tilespmem:$0x1E580] =	vst v63  }
0x11d: {  	_ =	swait.ge [sflag:s13], $0x2000  }
0x11e: {  	[sflag:s13] =	ssyncset.done $0x0  }
0x11f: {  	s29 =	simm.s32 $0x680;
	[sflag:s13] =	ssyncadd.s32 $0xFFFFE000  }
0x120: {  	[tilespmem:s9], [sflag:$0x4] =	stream.indirect.gather [hbm4b:s1+s25], $0x40, s29, s25, $0x2000b8;
	[tilespmem:$0x1E580] =	vst v63  }
0x121: {  	_ =	swait.ge [sflag:s14], $0x2000  }
0x122: {  	[sflag:s14] =	ssyncset.done $0x0  }
0x123: {  	s6 =	simm.s32 $0xA00;
	s7 =	simm.s32 $0x5480;
	[sflag:s14] =	ssyncadd.s32 $0xFFFFE000  }
.LBB2_14:
0x124: {  	[spmem:s3] =	stream.indirect.scatter.add.f32 [tilespmem:s0], [sflag:$0xA], $0x40, s7, s25, $0x2000b8;
	[tilespmem:$0x1E580] =	vst v63  }
0x125: {  	s7 =	smov.u32 s6;
	s6 =	sadd.s32 $0xA00, s6;
	_ =	swait.ge [sflag:s15], $0x2000  }
0x126: {  	s7 =	sshra.s32 s7, $0x2;
	p1 =	sne.s32 s6, $0x12C00;
	[sflag:s15] =	ssyncset.done $0x0  }
0x127: {  	s8 =	sadd.s32 $0x480, s7;
	[sflag:s15] =	ssyncadd.s32 $0xFFFFE000  }
0x128: {  	[tilespmem:s0], [sflag:$0x5] =	stream.indirect.gather [hbm4b:s1+s25], $0x40, s8, s25, $0x2000b8;
	[tilespmem:$0x1E580] =	vst v63  }
0x129: {  	_ =	swait.ge [sflag:s23], $0x2000  }
0x12a: {  	[sflag:s23] =	ssyncset.done $0x0  }
0x12b: {  	s8 =	sadd.s32 $0x5280, s7;
	[sflag:s23] =	ssyncadd.s32 $0xFFFFE000  }
0x12c: {  	[spmem:s3] =	stream.indirect.scatter.add.f32 [tilespmem:s18], [sflag:$0x6], $0x40, s8, s25, $0x2000b8;
	[tilespmem:$0x1E580] =	vst v63  }
0x12d: {  	_ =	swait.ge [sflag:s28], $0x2000  }
0x12e: {  	[sflag:s28] =	ssyncset.done $0x0  }
0x12f: {  	s8 =	sadd.s32 $0x500, s7;
	[sflag:s28] =	ssyncadd.s32 $0xFFFFE000  }
0x130: {  	[tilespmem:s18], [sflag:$0x1] =	stream.indirect.gather [hbm4b:s1+s25], $0x40, s8, s25, $0x2000b8;
	[tilespmem:$0x1E580] =	vst v63  }
0x131: {  	_ =	swait.ge [sflag:s10], $0x2000  }
0x132: {  	[sflag:s10] =	ssyncset.done $0x0  }
0x133: {  	s8 =	sadd.s32 $0x5300, s7;
	[sflag:s10] =	ssyncadd.s32 $0xFFFFE000  }
0x134: {  	[spmem:s3] =	stream.indirect.scatter.add.f32 [tilespmem:s31], [sflag:$0x7], $0x40, s8, s25, $0x2000b8;
	[tilespmem:$0x1E580] =	vst v63  }
0x135: {  	_ =	swait.ge [sflag:s2], $0x2000  }
0x136: {  	[sflag:s2] =	ssyncset.done $0x0  }
0x137: {  	s8 =	sadd.s32 $0x580, s7;
	[sflag:s2] =	ssyncadd.s32 $0xFFFFE000  }
0x138: {  	[tilespmem:s31], [sflag:$0x2] =	stream.indirect.gather [hbm4b:s1+s25], $0x40, s8, s25, $0x2000b8;
	[tilespmem:$0x1E580] =	vst v63  }
0x139: {  	_ =	swait.ge [sflag:s24], $0x2000  }
0x13a: {  	[sflag:s24] =	ssyncset.done $0x0  }
0x13b: {  	s8 =	sadd.s32 $0x5380, s7;
	[sflag:s24] =	ssyncadd.s32 $0xFFFFE000  }
0x13c: {  	[spmem:s3] =	stream.indirect.scatter.add.f32 [tilespmem:s11], [sflag:$0x8], $0x40, s8, s25, $0x2000b8;
	[tilespmem:$0x1E580] =	vst v63  }
0x13d: {  	_ =	swait.ge [sflag:s5], $0x2000  }
0x13e: {  	[sflag:s5] =	ssyncset.done $0x0  }
0x13f: {  	s8 =	sadd.s32 $0x600, s7;
	[sflag:s5] =	ssyncadd.s32 $0xFFFFE000  }
0x140: {  	[tilespmem:s11], [sflag:$0x3] =	stream.indirect.gather [hbm4b:s1+s25], $0x40, s8, s25, $0x2000b8;
	[tilespmem:$0x1E580] =	vst v63  }
0x141: {  	_ =	swait.ge [sflag:s12], $0x2000  }
0x142: {  	[sflag:s12] =	ssyncset.done $0x0  }
0x143: {  	s8 =	sadd.s32 $0x5400, s7;
	[sflag:s12] =	ssyncadd.s32 $0xFFFFE000  }
0x144: {  	[spmem:s3] =	stream.indirect.scatter.add.f32 [tilespmem:s9], [sflag:$0x9], $0x40, s8, s25, $0x2000b8;
	[tilespmem:$0x1E580] =	vst v63  }
0x145: {  	_ =	swait.ge [sflag:s13], $0x2000  }
0x146: {  	[sflag:s13] =	ssyncset.done $0x0  }
.Ltmp5:
0x147: {  	s8 =	sadd.s32 $0x680, s7;
	[sflag:s13] =	ssyncadd.s32 $0xFFFFE000;
	(pc) =	sbr.rel @p1 .LBB2_14-.Ltmp5, $4  }
0x148: {  	[tilespmem:s9], [sflag:$0x4] =	stream.indirect.gather [hbm4b:s1+s25], $0x40, s8, s25, $0x2000b8;
	[tilespmem:$0x1E580] =	vst v63  }
0x149: {  	_ =	swait.ge [sflag:s14], $0x2000  }
0x14a: {  	[sflag:s14] =	ssyncset.done $0x0  }
0x14b: {  	s7 =	sadd.s32 $0x5480, s7;
	[sflag:s14] =	ssyncadd.s32 $0xFFFFE000  }
0x14c: {  	[spmem:s3] =	stream.indirect.scatter.add.f32 [tilespmem:s0], [sflag:$0xA], $0x40, s7, s25, $0x2000b8;
	[tilespmem:$0x1E580] =	vst v63  }
0x14d: {  	_ =	swait.ge [sflag:s15], $0x2000  }
0x14e: {  	[sflag:s15] =	ssyncset.done $0x0  }
0x14f: {  	s22 =	simm.s32 $0x4F80;
	[sflag:s15] =	ssyncadd.s32 $0xFFFFE000  }
0x150: {  	[tilespmem:s0], [sflag:$0x5] =	stream.indirect.gather [hbm4b:s1+s25], $0x40, s22, s25, $0x2000b8;
	[tilespmem:$0x1E580] =	vst v63  }
0x151: {  	_ =	swait.ge [sflag:s23], $0x2000  }
0x152: {  	s6 =	sshra.s32 s6, $0x2;
	[sflag:s23] =	ssyncset.done $0x0  }
0x153: {  	s8 =	sadd.s32 $0x5280, s6;
	[sflag:s23] =	ssyncadd.s32 $0xFFFFE000  }
0x154: {  	[spmem:s3] =	stream.indirect.scatter.add.f32 [tilespmem:s18], [sflag:$0x6], $0x40, s8, s25, $0x2000b8;
	[tilespmem:$0x1E580] =	vst v63  }
0x155: {  	_ =	swait.ge [sflag:s28], $0x2000  }
0x156: {  	[sflag:s28] =	ssyncset.done $0x0  }
0x157: {  	[sflag:s28] =	ssyncadd.s32 $0xFFFFE000  }
0x158: {  	_ =	swait.ge [sflag:s10], $0x2000  }
0x159: {  	[sflag:s10] =	ssyncset.done $0x0  }
0x15a: {  	s19 =	sadd.s32 $0x5300, s6;
	[sflag:s10] =	ssyncadd.s32 $0xFFFFE000  }
0x15b: {  	[spmem:s3] =	stream.indirect.scatter.add.f32 [tilespmem:s31], [sflag:$0x7], $0x40, s19, s25, $0x2000b8;
	[tilespmem:$0x1E580] =	vst v63  }
0x15c: {  	_ =	swait.ge [sflag:s2], $0x2000  }
0x15d: {  	[sflag:s2] =	ssyncset.done $0x0  }
0x15e: {  	[sflag:s2] =	ssyncadd.s32 $0xFFFFE000  }
0x15f: {  	_ =	swait.ge [sflag:s24], $0x2000  }
0x160: {  	[sflag:s24] =	ssyncset.done $0x0  }
0x161: {  	s20 =	sadd.s32 $0x5380, s6;
	[sflag:s24] =	ssyncadd.s32 $0xFFFFE000  }
0x162: {  	[spmem:s3] =	stream.indirect.scatter.add.f32 [tilespmem:s11], [sflag:$0x8], $0x40, s20, s25, $0x2000b8;
	[tilespmem:$0x1E580] =	vst v63  }
0x163: {  	_ =	swait.ge [sflag:s5], $0x2000  }
0x164: {  	[sflag:s5] =	ssyncset.done $0x0  }
0x165: {  	[sflag:s5] =	ssyncadd.s32 $0xFFFFE000  }
0x166: {  	_ =	swait.ge [sflag:s12], $0x2000  }
0x167: {  	[sflag:s12] =	ssyncset.done $0x0  }
0x168: {  	s6 =	sadd.s32 $0x5400, s6;
	[sflag:s12] =	ssyncadd.s32 $0xFFFFE000  }
0x169: {  	[spmem:s3] =	stream.indirect.scatter.add.f32 [tilespmem:s9], [sflag:$0x9], $0x40, s6, s25, $0x2000b8;
	[tilespmem:$0x1E580] =	vst v63  }
0x16a: {  	_ =	swait.ge [sflag:s13], $0x2000  }
0x16b: {  	[sflag:s13] =	ssyncset.done $0x0  }
0x16c: {  	[sflag:s13] =	ssyncadd.s32 $0xFFFFE000  }
0x16d: {  	_ =	swait.ge [sflag:s14], $0x2000  }
0x16e: {  	[sflag:s14] =	ssyncset.done $0x0  }
0x16f: {  	s22 =	simm.s32 $0x9F80;
	[sflag:s14] =	ssyncadd.s32 $0xFFFFE000  }
0x170: {  	[spmem:s3] =	stream.indirect.scatter.add.f32 [tilespmem:s0], [sflag:$0xA], $0x40, s22, s25, $0x2000b8;
	[tilespmem:$0x1E580] =	vst v63  }
0x171: {  	_ =	strace $0x9000004E  }
0x172: {  	_ =	strace $0x8000004F  }
0x173: {  	_ =	swait.ge [sflag:s15], $0x2000  }
0x174: {  	[sflag:s15] =	ssyncset.done $0x0  }
0x175: {  	[sflag:s15] =	ssyncadd.s32 $0xFFFFE000  }
0x176: {  	_ =	strace $0x9000004F  }
0x177: {  	s9 =	rddreg [dreg:$0x16]  }
0x178: {  	s8 =	rddreg [dreg:$0xf]  }
.Ltmp6:
0x179: {  	s7 =	rddreg [dreg:$0x7];
	(pc) =	sbr.rel .LBB2_16-.Ltmp6, $4  }
0x17a: {  	s20 =	smov.u32 s21;
	s21 =	rddreg [dreg:$0x8]  }
0x17b: {  	s29 =	smov.u32 s30;
	s11 =	rddreg [dreg:$0xa]  }
0x17c: {  	s18 =	simm.s32 $0xC;
	s10 =	stileid.u32;
	s19 =	rddreg [dreg:$0xb]  }
0x17d: {  	s31 =	simm.s32 $0xE000;
	s22 =	smov.u32 s26;
	s26 =	rddreg [dreg:$0x12]  }
.LBB2_4:
0x17e: {  	_ =	strace $0x8000004A  }
0x17f: {  	s8 =	simm.s32 $0x0;
	s6 =	rddreg [dreg:$0xd]  }
0x180: {  	[tilespmem:s8], [sflag:$0xC] =	stream.linear.gather [hbm4b:s6+s8], $0x5000, $0x200038;
	[tilespmem:$0x1E580] =	vst v63  }
0x181: {  	_ =	swait.ge [sflag:s18], $0x5000  }
0x182: {  	[sflag:s18] =	ssyncset.done $0x0  }
0x183: {  	s7 =	simm.s32 $0x5000;
	s30 =	rddreg [dreg:$0xe];
	[sflag:s18] =	ssyncadd.s32 $0xFFFFB000  }
0x184: {  	[tilespmem:s7], [sflag:$0xC] =	stream.linear.gather [hbm4b:s30+s8], $0x5000, $0x200038;
	[tilespmem:$0x1E580] =	vst v63  }
0x185: {  	_ =	swait.ge [sflag:s18], $0x5000  }
0x186: {  	[sflag:s18] =	ssyncset.done $0x0  }
0x187: {  	s6 =	simm.s32 $0x70;
	[sflag:s18] =	ssyncadd.s32 $0xFFFFB000  }
0x188: {  	v4 =	vld [tilespmem:s6+$0xFFFFFF90]  }
0x189: {  	v6 =	vld [tilespmem:s6+$0xFFFFFFA0]  }
0x18a: {  	v5 =	vld [tilespmem:s6+$0xFFFFFFB0]  }
0x18b: {  	v3 =	vld [tilespmem:s6+$0xFFFFFFC0]  }
0x18c: {  	v2 =	vld [tilespmem:s6+$0xFFFFFFD0]  }
0x18d: {  	s7 =	simm.s32 $0x3C0;
	v7 =	vshll.u32 v4, $0x1;
	v4 =	vld [tilespmem:s6+$0xFFFFFFE0]  }
.LBB2_5:
0x18e: {  	p1 =	sne.s32 s7, $0x13FC0;
	[tilespmem:s6+$0xFFFFFF90] =	vst v7;
	v6 =	vshll.u32 v6, $0x1;
	v7 =	vld [tilespmem:s6+$0x0]  }
0x18f: {  	s8 =	sshra.s32 s7, $0x2;
	[tilespmem:s6+$0xFFFFFFA0] =	vst v6;
	v5 =	vshll.u32 v5, $0x1;
	v8 =	vld [tilespmem:s6+$0xFFFFFFF0]  }
0x190: {  	v9 =	vld [tilespmem:s8+$0xFFFFFF90];
	[tilespmem:s6+$0xFFFFFFB0] =	vst v5;
	v3 =	vshll.u32 v3, $0x1  }
.Ltmp7:
0x191: {  	v6 =	vld [tilespmem:s8+$0xFFFFFFA0];
	[tilespmem:s6+$0xFFFFFFC0] =	vst v3;
	v2 =	vshll.u32 v2, $0x1;
	(pc) =	sbr.rel @p1 .LBB2_5-.Ltmp7, $4  }
0x192: {  	v5 =	vld [tilespmem:s8+$0xFFFFFFB0];
	[tilespmem:s6+$0xFFFFFFD0] =	vst v2;
	v2 =	vshll.u32 v4, $0x1  }
0x193: {  	v3 =	vld [tilespmem:s8+$0xFFFFFFC0];
	[tilespmem:s6+$0xFFFFFFE0] =	vst v2;
	v4 =	vshll.u32 v7, $0x1  }
0x194: {  	v2 =	vld [tilespmem:s8+$0xFFFFFFD0];
	v8 =	vshll.u32 v8, $0x1;
	[tilespmem:s6+$0x0] =	vst v4  }
0x195: {  	s7 =	sadd.s32 $0x200, s7;
	v7 =	vshll.u32 v9, $0x1;
	v4 =	vld [tilespmem:s8+$0xFFFFFFE0];
	[tilespmem:s6+$0xFFFFFFF0] =	vst v8;
	s6 =	smov.u32 s8  }
0x196: {  	[tilespmem:s6+$0xFFFFFF90] =	vst v7;
	v6 =	vshll.u32 v6, $0x1;
	v62 =	vld [tilespmem:s6+$0x0]  }
0x197: {  	v63 =	vld [tilespmem:s6+$0xFFFFFFF0];
	[tilespmem:s6+$0xFFFFFFA0] =	vst v6;
	v5 =	vshll.u32 v5, $0x1  }
0x198: {  	[tilespmem:s6+$0xFFFFFFB0] =	vst v5;
	v3 =	vshll.u32 v3, $0x1  }
0x199: {  	[tilespmem:s6+$0xFFFFFFC0] =	vst v3;
	v2 =	vshll.u32 v2, $0x1  }
0x19a: {  	[tilespmem:s6+$0xFFFFFFD0] =	vst v2;
	v2 =	vshll.u32 v4, $0x1  }
0x19b: {  	[tilespmem:s6+$0xFFFFFFE0] =	vst v2;
	v2 =	vshll.u32 v62, $0x1  }
0x19c: {  	v3 =	vshll.u32 v63, $0x1;
	[tilespmem:s6+$0x0] =	vst v2  }
0x19d: {  	[tilespmem:s6+$0xFFFFFFF0] =	vst v3  }
0x19e: {  	s19 =	simm.s32 $0x0;
	s18 =	simm.s32 $0xA000;
	_ =	strace $0x9000004A  }
0x19f: {  	[tilespmem:s18], [sflag:$0x1] =	stream.indirect.gather [hbm4b:s1+s25], $0x40, s19, s25, $0xb8;
	[tilespmem:$0x1E580] =	vst v63  }
0x1a0: {  	s20 =	simm.s32 $0xC000  }
0x1a1: {  	[tilespmem:s20], [sflag:$0x2] =	stream.indirect.gather [hbm4b:s1+s25], $0x40, s25, s25, $0xb8;
	[tilespmem:$0x1E580] =	vst v63  }
0x1a2: {  	s21 =	simm.s32 $0x100;
	p1 =	por $0x1, $0x1  }
0x1a3: {  	[tilespmem:s31], [sflag:$0x3] =	stream.indirect.gather [hbm4b:s1+s25], $0x40, s21, s25, $0xb8;
	[tilespmem:$0x1E580] =	vst v63  }
0x1a4: {  	s22 =	simm.s32 $0x180;
	s7 =	simm.s32 $0x10000;
	p1 =	por p1, p1  }
0x1a5: {  	[tilespmem:s7], [sflag:$0x4] =	stream.indirect.gather [hbm4b:s1+s25], $0x40, s22, s25, $0xb8;
	[tilespmem:$0x1E580] =	vst v63  }
0x1a6: {  	s6 =	simm.s32 @!p1 $0xA;
	_ =	strace $0x8000004B  }
0x1a7: {  	_ =	swait.ge @!p1 [sflag:s6], $0x2000  }
0x1a8: {  	[sflag:s6] =	ssyncset.done @!p1 $0x0  }
0x1a9: {  	s26 =	simm.s32 $0x200;
	[sflag:s6] =	ssyncadd.s32 @!p1 $0xFFFFE000  }
0x1aa: {  	[tilespmem:s0], [sflag:$0x5] =	stream.indirect.gather [hbm4b:s1+s25], $0x40, s26, s25, $0x2000b8;
	[tilespmem:$0x1E580] =	vst v63  }
0x1ab: {  	_ =	swait.ge [sflag:s23], $0x2000  }
0x1ac: {  	[sflag:s23] =	ssyncset.done $0x0  }
0x1ad: {  	s29 =	simm.s32 $0x5000;
	[sflag:s23] =	ssyncadd.s32 $0xFFFFE000  }
0x1ae: {  	[spmem:s3] =	stream.indirect.scatter.add.f32 [tilespmem:s18], [sflag:$0x6], $0x40, s29, s25, $0x2000b8;
	[tilespmem:$0x1E580] =	vst v63  }
0x1af: {  	_ = 	snop  }
0x1b0: {  	[spmem:s4] =	stream.indirect.scatter.add.f32 [tilespmem:s16], [sflag:$0xB], $0x1, s29, s25, $0x2000b8;
	[tilespmem:$0x1E580] =	vst v63  }
0x1b1: {  	_ =	swait.ge [sflag:s28], $0x2000  }
0x1b2: {  	p1 =	por $0x0, $0x0;
	[sflag:s28] =	ssyncset.done $0x0  }
0x1b3: {  	s6 =	simm.s32 @p1 $0x2;
	[sflag:s28] =	ssyncadd.s32 $0xFFFFE000  }
0x1b4: {  	_ =	swait.ge @p1 [sflag:s6], $0x2000  }
0x1b5: {  	s7 =	simm.s32 @p1 $0xC000;
	[sflag:s6] =	ssyncset.done @p1 $0x0  }
0x1b6: {  	s8 =	simm.s32 @p1 $0x80;
	[sflag:s6] =	ssyncadd.s32 @p1 $0xFFFFE000;
	s6 =	simm.s32 @p1 $0x5080  }
0x1b7: {  	[spmem:s3] =	stream.indirect.scatter.add.f32 @p1 [tilespmem:s7], [sflag:$0x7], $0x40, s6, s8, $0x2000b8;
	[tilespmem:$0x1E580] =	vst v63  }
0x1b8: {  	s9 =	simm.s32 @p1 $0x7;
	s7 =	simm.s32 @p1 $0x1E000  }
0x1b9: {  	[spmem:s4] =	stream.indirect.scatter.add.f32 @p1 [tilespmem:s7], [sflag:$0xB], $0x1, s6, s8, $0x2000b8;
	[tilespmem:$0x1E580] =	vst v63  }
0x1ba: {  	_ =	swait.ge @p1 [sflag:s9], $0x2000  }
0x1bb: {  	s10 =	simm.s32 @!p1 $0x2;
	s11 =	simm.s32 @!p1 $0xA000;
	[sflag:s9] =	ssyncset.done @p1 $0x0  }
0x1bc: {  	s6 =	simm.s32 @!p1 $0x280;
	[sflag:s9] =	ssyncadd.s32 @p1 $0xFFFFE000;
	s9 =	simm.s32 @!p1 $0x80  }
0x1bd: {  	[tilespmem:s11], [sflag:$0x1] =	stream.indirect.gather @!p1 [hbm4b:s1+s9], $0x40, s6, s9, $0x2000b8;
	[tilespmem:$0x1E580] =	vst v63  }
0x1be: {  	_ =	swait.ge @!p1 [sflag:s10], $0x2000  }
0x1bf: {  	[sflag:s10] =	ssyncset.done @!p1 $0x0  }
0x1c0: {  	s6 =	simm.s32 @!p1 $0x5080;
	[sflag:s10] =	ssyncadd.s32 @!p1 $0xFFFFE000;
	s10 =	simm.s32 @!p1 $0xC000  }
0x1c1: {  	[spmem:s3] =	stream.indirect.scatter.add.f32 @!p1 [tilespmem:s10], [sflag:$0x7], $0x40, s6, s9, $0x2000b8;
	[tilespmem:$0x1E580] =	vst v63  }
0x1c2: {  	s11 =	simm.s32 @!p1 $0x1E000  }
0x1c3: {  	[spmem:s4] =	stream.indirect.scatter.add.f32 @!p1 [tilespmem:s11], [sflag:$0xB], $0x1, s6, s9, $0x2000b8;
	[tilespmem:$0x1E580] =	vst v63  }
0x1c4: {  	s6 =	simm.s32 @!p1 $0x7  }
0x1c5: {  	_ =	swait.ge @!p1 [sflag:s6], $0x2000  }
0x1c6: {  	[sflag:s6] =	ssyncset.done @!p1 $0x0  }
0x1c7: {  	[sflag:s6] =	ssyncadd.s32 @!p1 $0xFFFFE000;
	s6 =	simm.s32 @!p1 $0x300  }
0x1c8: {  	[tilespmem:s10], [sflag:$0x2] =	stream.indirect.gather @!p1 [hbm4b:s1+s9], $0x40, s6, s9, $0x2000b8;
	[tilespmem:$0x1E580] =	vst v63  }
0x1c9: {  	_ =	swait.ge [sflag:s24], $0x2000  }
0x1ca: {  	[sflag:s24] =	ssyncset.done $0x0  }
0x1cb: {  	s30 =	simm.s32 $0x5100;
	[sflag:s24] =	ssyncadd.s32 $0xFFFFE000  }
0x1cc: {  	[spmem:s3] =	stream.indirect.scatter.add.f32 [tilespmem:s31], [sflag:$0x8], $0x40, s30, s25, $0x2000b8;
	[tilespmem:$0x1E580] =	vst v63  }
0x1cd: {  	_ = 	snop  }
0x1ce: {  	[spmem:s4] =	stream.indirect.scatter.add.f32 [tilespmem:s16], [sflag:$0xB], $0x1, s30, s25, $0x2000b8;
	[tilespmem:$0x1E580] =	vst v63  }
0x1cf: {  	_ =	swait.ge [sflag:s5], $0x2000  }
0x1d0: {  	[sflag:s5] =	ssyncset.done $0x0  }
0x1d1: {  	s6 =	simm.s32 @p1 $0x4;
	[sflag:s5] =	ssyncadd.s32 $0xFFFFE000  }
0x1d2: {  	_ =	swait.ge @p1 [sflag:s6], $0x2000  }
0x1d3: {  	[sflag:s6] =	ssyncset.done @p1 $0x0  }
0x1d4: {  	s10 =	simm.s32 @p1 $0x10000;
	[sflag:s6] =	ssyncadd.s32 @p1 $0xFFFFE000;
	s6 =	simm.s32 @p1 $0x5180  }
0x1d5: {  	[spmem:s3] =	stream.indirect.scatter.add.f32 @p1 [tilespmem:s10], [sflag:$0x9], $0x40, s6, s8, $0x2000b8;
	[tilespmem:$0x1E580] =	vst v63  }
0x1d6: {  	_ = 	snop  }
0x1d7: {  	[spmem:s4] =	stream.indirect.scatter.add.f32 @p1 [tilespmem:s7], [sflag:$0xB], $0x1, s6, s8, $0x2000b8;
	[tilespmem:$0x1E580] =	vst v63  }
0x1d8: {  	s6 =	simm.s32 @p1 $0x9  }
0x1d9: {  	_ =	swait.ge @p1 [sflag:s6], $0x2000  }
0x1da: {  	[sflag:s6] =	ssyncset.done @p1 $0x0  }
0x1db: {  	s7 =	simm.s32 @!p1 $0x380;
	[sflag:s6] =	ssyncadd.s32 @p1 $0xFFFFE000;
	s6 =	simm.s32 @!p1 $0xE000  }
0x1dc: {  	[tilespmem:s6], [sflag:$0x3] =	stream.indirect.gather @!p1 [hbm4b:s1+s9], $0x40, s7, s9, $0x2000b8;
	[tilespmem:$0x1E580] =	vst v63  }
0x1dd: {  	s6 =	simm.s32 @!p1 $0x4  }
0x1de: {  	_ =	swait.ge @!p1 [sflag:s6], $0x2000  }
0x1df: {  	[sflag:s6] =	ssyncset.done @!p1 $0x0  }
0x1e0: {  	s7 =	simm.s32 @!p1 $0x10000;
	[sflag:s6] =	ssyncadd.s32 @!p1 $0xFFFFE000;
	s6 =	simm.s32 @!p1 $0x5180  }
0x1e1: {  	[spmem:s3] =	stream.indirect.scatter.add.f32 @!p1 [tilespmem:s7], [sflag:$0x9], $0x40, s6, s9, $0x2000b8;
	[tilespmem:$0x1E580] =	vst v63  }
0x1e2: {  	_ = 	snop  }
0x1e3: {  	[spmem:s4] =	stream.indirect.scatter.add.f32 @!p1 [tilespmem:s11], [sflag:$0xB], $0x1, s6, s9, $0x2000b8;
	[tilespmem:$0x1E580] =	vst v63  }
0x1e4: {  	s6 =	simm.s32 @!p1 $0x9  }
0x1e5: {  	_ =	swait.ge @!p1 [sflag:s6], $0x2000  }
0x1e6: {  	[sflag:s6] =	ssyncset.done @!p1 $0x0  }
0x1e7: {  	[sflag:s6] =	ssyncadd.s32 @!p1 $0xFFFFE000;
	s6 =	simm.s32 @!p1 $0x400  }
0x1e8: {  	[tilespmem:s7], [sflag:$0x4] =	stream.indirect.gather @!p1 [hbm4b:s1+s9], $0x40, s6, s9, $0x2000b8;
	[tilespmem:$0x1E580] =	vst v63  }
0x1e9: {  	p6 =	por $0x0, $0x0;
	_ =	swait.ge [sflag:s14], $0x2000  }
0x1ea: {  	s19 =	simm.s32 $0xA00;
	s20 =	simm.s32 $0x1400;
	[sflag:s14] =	ssyncset.done $0x0  }
0x1eb: {  	s6 =	simm.s32 $0x5200;
	p1 =	por p6, p6;
	[sflag:s14] =	ssyncadd.s32 $0xFFFFE000  }
0x1ec: {  	[spmem:s3] =	stream.indirect.scatter.add.f32 [tilespmem:s0], [sflag:$0xA], $0x40, s6, s25, $0x2000b8;
	[tilespmem:$0x1E580] =	vst v63  }
.LBB2_7:
0x1ed: {  	[spmem:s4] =	stream.indirect.scatter.add.f32 [tilespmem:s16], [sflag:$0xB], $0x1, s6, s25, $0x2000b8;
	[tilespmem:$0x1E580] =	vst v63  }
0x1ee: {  	s8 =	smov.u32 s20  }
0x1ef: {  	s20 =	sadd.s32 $0xA00, s20;
	s7 =	simm.s32 @!p1 $0xA;
	p3 =	seq.s32 s8, $0x0  }
0x1f0: {  	p2 =	sne.s32 s20, $0x14000;
	_ =	swait.ge @!p1 [sflag:s7], $0x2000  }
0x1f1: {  	s6 =	sshra.s32 s19, $0x2;
	[sflag:s7] =	ssyncset.done @!p1 $0x0  }
0x1f2: {  	[sflag:s7] =	ssyncadd.s32 @!p1 $0xFFFFE000;
	s7 =	sadd.s32 $0x200, s6;
	p1 =	por p3, p3  }
0x1f3: {  	[tilespmem:s0], [sflag:$0x5] =	stream.indirect.gather [hbm4b:s1+s25], $0x40, s7, s25, $0x2000b8;
	[tilespmem:$0x1E580] =	vst v63  }
0x1f4: {  	_ =	swait.ge [sflag:s23], $0x2000  }
0x1f5: {  	[sflag:s23] =	ssyncset.done $0x0  }
0x1f6: {  	s7 =	sadd.s32 $0x5000, s6;
	[sflag:s23] =	ssyncadd.s32 $0xFFFFE000  }
0x1f7: {  	[spmem:s3] =	stream.indirect.scatter.add.f32 [tilespmem:s18], [sflag:$0x6], $0x40, s7, s25, $0x2000b8;
	[tilespmem:$0x1E580] =	vst v63  }
0x1f8: {  	_ = 	snop  }
0x1f9: {  	[spmem:s4] =	stream.indirect.scatter.add.f32 [tilespmem:s16], [sflag:$0xB], $0x1, s7, s25, $0x2000b8;
	[tilespmem:$0x1E580] =	vst v63  }
0x1fa: {  	_ =	swait.ge [sflag:s28], $0x2000  }
0x1fb: {  	p3 =	seq.s32 s19, $0x13600;
	[sflag:s28] =	ssyncset.done $0x0  }
0x1fc: {  	s9 =	simm.s32 @p3 $0x2;
	s10 =	sshra.s32 @p3 s19, $0x2;
	[sflag:s28] =	ssyncadd.s32 $0xFFFFE000  }
0x1fd: {  	s7 =	sshra.s32 @!p3 s19, $0x2;
	s19 =	smov.u32 s8;
	_ =	swait.ge @p3 [sflag:s9], $0x2000  }
0x1fe: {  	s8 =	simm.s32 @p3 $0xC000;
	s26 =	sadd.s32 @!p3 $0x280, s7;
	[sflag:s9] =	ssyncset.done @p3 $0x0  }
0x1ff: {  	s11 =	simm.s32 @p3 $0x80;
	[sflag:s9] =	ssyncadd.s32 @p3 $0xFFFFE000;
	s9 =	sadd.s32 @p3 $0x5080, s10  }
0x200: {  	[spmem:s3] =	stream.indirect.scatter.add.f32 @p3 [tilespmem:s8], [sflag:$0x7], $0x40, s9, s11, $0x2000b8;
	[tilespmem:$0x1E580] =	vst v63  }
0x201: {  	s22 =	simm.s32 @p3 $0x1E000;
	s31 =	simm.s32 @p3 $0x7;
	s21 =	sadd.s32 @!p3 $0x300, s7  }
0x202: {  	[spmem:s4] =	stream.indirect.scatter.add.f32 @p3 [tilespmem:s22], [sflag:$0xB], $0x1, s9, s11, $0x2000b8;
	[tilespmem:$0x1E580] =	vst v63  }
0x203: {  	s18 =	sadd.s32 @!p3 $0x380, s7;
	s8 =	sadd.s32 @!p3 $0x400, s7;
	_ =	swait.ge @p3 [sflag:s31], $0x2000  }
0x204: {  	s29 =	simm.s32 @!p3 $0x2;
	[sflag:s31] =	ssyncset.done @p3 $0x0  }
0x205: {  	s9 =	simm.s32 @!p3 $0x80;
	[sflag:s31] =	ssyncadd.s32 @p3 $0xFFFFE000;
	s31 =	simm.s32 @!p3 $0xA000  }
0x206: {  	[tilespmem:s31], [sflag:$0x1] =	stream.indirect.gather @!p3 [hbm4b:s1+s9], $0x40, s26, s9, $0x2000b8;
	[tilespmem:$0x1E580] =	vst v63  }
0x207: {  	_ =	swait.ge @!p3 [sflag:s29], $0x2000  }
0x208: {  	[sflag:s29] =	ssyncset.done @!p3 $0x0  }
0x209: {  	s31 =	simm.s32 @!p3 $0xC000;
	[sflag:s29] =	ssyncadd.s32 @!p3 $0xFFFFE000;
	s29 =	sadd.s32 @!p3 $0x5080, s7  }
0x20a: {  	[spmem:s3] =	stream.indirect.scatter.add.f32 @!p3 [tilespmem:s31], [sflag:$0x7], $0x40, s29, s9, $0x2000b8;
	[tilespmem:$0x1E580] =	vst v63  }
0x20b: {  	s30 =	simm.s32 @!p3 $0x7;
	s26 =	simm.s32 @!p3 $0x1E000  }
0x20c: {  	[spmem:s4] =	stream.indirect.scatter.add.f32 @!p3 [tilespmem:s26], [sflag:$0xB], $0x1, s29, s9, $0x2000b8;
	[tilespmem:$0x1E580] =	vst v63  }
0x20d: {  	_ =	swait.ge @!p3 [sflag:s30], $0x2000  }
0x20e: {  	[sflag:s30] =	ssyncset.done @!p3 $0x0  }
0x20f: {  	[sflag:s30] =	ssyncadd.s32 @!p3 $0xFFFFE000  }
0x210: {  	[tilespmem:s31], [sflag:$0x2] =	stream.indirect.gather @!p3 [hbm4b:s1+s9], $0x40, s21, s9, $0x2000b8;
	[tilespmem:$0x1E580] =	vst v63  }
0x211: {  	s31 =	simm.s32 $0xE000  }
0x212: {  	_ =	swait.ge [sflag:s24], $0x2000  }
0x213: {  	[sflag:s24] =	ssyncset.done $0x0  }
0x214: {  	s21 =	sadd.s32 $0x5100, s6;
	[sflag:s24] =	ssyncadd.s32 $0xFFFFE000  }
0x215: {  	[spmem:s3] =	stream.indirect.scatter.add.f32 [tilespmem:s31], [sflag:$0x8], $0x40, s21, s25, $0x2000b8;
	[tilespmem:$0x1E580] =	vst v63  }
0x216: {  	_ = 	snop  }
0x217: {  	[spmem:s4] =	stream.indirect.scatter.add.f32 [tilespmem:s16], [sflag:$0xB], $0x1, s21, s25, $0x2000b8;
	[tilespmem:$0x1E580] =	vst v63  }
0x218: {  	_ =	swait.ge [sflag:s5], $0x2000  }
0x219: {  	[sflag:s5] =	ssyncset.done $0x0  }
0x21a: {  	s21 =	simm.s32 @p3 $0x4;
	[sflag:s5] =	ssyncadd.s32 $0xFFFFE000  }
0x21b: {  	_ =	swait.ge @p3 [sflag:s21], $0x2000  }
0x21c: {  	[sflag:s21] =	ssyncset.done @p3 $0x0  }
0x21d: {  	s10 =	sadd.s32 @p3 $0x5180, s10;
	[sflag:s21] =	ssyncadd.s32 @p3 $0xFFFFE000;
	s21 =	simm.s32 @p3 $0x10000  }
0x21e: {  	[spmem:s3] =	stream.indirect.scatter.add.f32 @p3 [tilespmem:s21], [sflag:$0x9], $0x40, s10, s11, $0x2000b8;
	[tilespmem:$0x1E580] =	vst v63  }
0x21f: {  	s21 =	simm.s32 @p3 $0x9  }
0x220: {  	[spmem:s4] =	stream.indirect.scatter.add.f32 @p3 [tilespmem:s22], [sflag:$0xB], $0x1, s10, s11, $0x2000b8;
	[tilespmem:$0x1E580] =	vst v63  }
0x221: {  	_ =	swait.ge @p3 [sflag:s21], $0x2000  }
0x222: {  	[sflag:s21] =	ssyncset.done @p3 $0x0  }
0x223: {  	s10 =	simm.s32 @!p3 $0xE000;
	s11 =	simm.s32 @!p3 $0x4;
	[sflag:s21] =	ssyncadd.s32 @p3 $0xFFFFE000  }
0x224: {  	[tilespmem:s10], [sflag:$0x3] =	stream.indirect.gather @!p3 [hbm4b:s1+s9], $0x40, s18, s9, $0x2000b8;
	[tilespmem:$0x1E580] =	vst v63  }
0x225: {  	s18 =	simm.s32 $0xA000  }
0x226: {  	_ =	swait.ge @!p3 [sflag:s11], $0x2000  }
0x227: {  	[sflag:s11] =	ssyncset.done @!p3 $0x0  }
0x228: {  	s7 =	sadd.s32 @!p3 $0x5180, s7;
	s10 =	simm.s32 @!p3 $0x10000;
	[sflag:s11] =	ssyncadd.s32 @!p3 $0xFFFFE000  }
0x229: {  	[spmem:s3] =	stream.indirect.scatter.add.f32 @!p3 [tilespmem:s10], [sflag:$0x9], $0x40, s7, s9, $0x2000b8;
	[tilespmem:$0x1E580] =	vst v63  }
0x22a: {  	s11 =	simm.s32 @!p3 $0x9  }
0x22b: {  	[spmem:s4] =	stream.indirect.scatter.add.f32 @!p3 [tilespmem:s26], [sflag:$0xB], $0x1, s7, s9, $0x2000b8;
	[tilespmem:$0x1E580] =	vst v63  }
0x22c: {  	_ =	swait.ge @!p3 [sflag:s11], $0x2000  }
0x22d: {  	[sflag:s11] =	ssyncset.done @!p3 $0x0  }
0x22e: {  	[sflag:s11] =	ssyncadd.s32 @!p3 $0xFFFFE000  }
0x22f: {  	[tilespmem:s10], [sflag:$0x4] =	stream.indirect.gather @!p3 [hbm4b:s1+s9], $0x40, s8, s9, $0x2000b8;
	[tilespmem:$0x1E580] =	vst v63  }
.Ltmp8:
0x230: {  	_ = 	snop;
	(pc) =	sbr.rel @p2 .LBB2_7-.Ltmp8, $4  }
0x231: {  	_ =	swait.ge [sflag:s14], $0x2000  }
0x232: {  	[sflag:s14] =	ssyncset.done $0x0  }
0x233: {  	s6 =	sadd.s32 $0x5200, s6;
	[sflag:s14] =	ssyncadd.s32 $0xFFFFE000  }
0x234: {  	[spmem:s3] =	stream.indirect.scatter.add.f32 [tilespmem:s0], [sflag:$0xA], $0x40, s6, s25, $0x2000b8;
	[tilespmem:$0x1E580] =	vst v63  }
0x235: {  	[spmem:s4] =	stream.indirect.scatter.add.f32 [tilespmem:s16], [sflag:$0xB], $0x1, s6, s25, $0x2000b8;
	[tilespmem:$0x1E580] =	vst v63  }
0x236: {  	s7 =	simm.s32 @!p1 $0xA  }
0x237: {  	_ =	swait.ge @!p1 [sflag:s7], $0x2000  }
0x238: {  	s22 =	sshra.s32 s19, $0x2;
	[sflag:s7] =	ssyncset.done @!p1 $0x0  }
0x239: {  	s26 =	sadd.s32 $0x200, s22;
	[sflag:s7] =	ssyncadd.s32 @!p1 $0xFFFFE000  }
0x23a: {  	[tilespmem:s0], [sflag:$0x5] =	stream.indirect.gather [hbm4b:s1+s25], $0x40, s26, s25, $0x2000b8;
	[tilespmem:$0x1E580] =	vst v63  }
0x23b: {  	_ =	swait.ge [sflag:s23], $0x2000  }
0x23c: {  	[sflag:s23] =	ssyncset.done $0x0  }
0x23d: {  	s29 =	sadd.s32 $0x5000, s22;
	[sflag:s23] =	ssyncadd.s32 $0xFFFFE000  }
0x23e: {  	[spmem:s3] =	stream.indirect.scatter.add.f32 [tilespmem:s18], [sflag:$0x6], $0x40, s29, s25, $0x2000b8;
	[tilespmem:$0x1E580] =	vst v63  }
0x23f: {  	_ = 	snop  }
0x240: {  	[spmem:s4] =	stream.indirect.scatter.add.f32 [tilespmem:s16], [sflag:$0xB], $0x1, s29, s25, $0x2000b8;
	[tilespmem:$0x1E580] =	vst v63  }
0x241: {  	_ =	swait.ge [sflag:s28], $0x2000  }
0x242: {  	p1 =	seq.s32 s19, $0x13600;
	[sflag:s28] =	ssyncset.done $0x0  }
0x243: {  	s7 =	simm.s32 @p1 $0x2;
	[sflag:s28] =	ssyncadd.s32 $0xFFFFE000  }
0x244: {  	_ =	swait.ge @p1 [sflag:s7], $0x2000  }
0x245: {  	s8 =	sshra.s32 @p1 s19, $0x2;
	s9 =	simm.s32 @p1 $0xC000;
	[sflag:s7] =	ssyncset.done @p1 $0x0  }
0x246: {  	s10 =	simm.s32 @p1 $0x80;
	[sflag:s7] =	ssyncadd.s32 @p1 $0xFFFFE000;
	s7 =	sadd.s32 @p1 $0x5080, s8  }
0x247: {  	[spmem:s3] =	stream.indirect.scatter.add.f32 @p1 [tilespmem:s9], [sflag:$0x7], $0x40, s7, s10, $0x2000b8;
	[tilespmem:$0x1E580] =	vst v63  }
0x248: {  	s11 =	simm.s32 @p1 $0x7;
	s9 =	simm.s32 @p1 $0x1E000  }
0x249: {  	[spmem:s4] =	stream.indirect.scatter.add.f32 @p1 [tilespmem:s9], [sflag:$0xB], $0x1, s7, s10, $0x2000b8;
	[tilespmem:$0x1E580] =	vst v63  }
0x24a: {  	s20 =	simm.s32 @!p1 $0xA000;
	_ =	swait.ge @p1 [sflag:s11], $0x2000  }
0x24b: {  	s7 =	sshra.s32 @!p1 s19, $0x2;
	s19 =	simm.s32 @!p1 $0x2;
	[sflag:s11] =	ssyncset.done @p1 $0x0  }
0x24c: {  	s18 =	sadd.s32 @!p1 $0x280, s7;
	[sflag:s11] =	ssyncadd.s32 @p1 $0xFFFFE000;
	s11 =	simm.s32 @!p1 $0x80  }
0x24d: {  	[tilespmem:s20], [sflag:$0x1] =	stream.indirect.gather @!p1 [hbm4b:s1+s11], $0x40, s18, s11, $0x2000b8;
	[tilespmem:$0x1E580] =	vst v63  }
0x24e: {  	_ =	swait.ge @!p1 [sflag:s19], $0x2000  }
0x24f: {  	[sflag:s19] =	ssyncset.done @!p1 $0x0  }
0x250: {  	s18 =	sadd.s32 @!p1 $0x5080, s7;
	[sflag:s19] =	ssyncadd.s32 @!p1 $0xFFFFE000;
	s19 =	simm.s32 @!p1 $0xC000  }
0x251: {  	[spmem:s3] =	stream.indirect.scatter.add.f32 @!p1 [tilespmem:s19], [sflag:$0x7], $0x40, s18, s11, $0x2000b8;
	[tilespmem:$0x1E580] =	vst v63  }
0x252: {  	s20 =	simm.s32 @!p1 $0x1E000  }
0x253: {  	[spmem:s4] =	stream.indirect.scatter.add.f32 @!p1 [tilespmem:s20], [sflag:$0xB], $0x1, s18, s11, $0x2000b8;
	[tilespmem:$0x1E580] =	vst v63  }
0x254: {  	s18 =	simm.s32 @!p1 $0x7  }
0x255: {  	_ =	swait.ge @!p1 [sflag:s18], $0x2000  }
0x256: {  	[sflag:s18] =	ssyncset.done @!p1 $0x0  }
0x257: {  	[sflag:s18] =	ssyncadd.s32 @!p1 $0xFFFFE000;
	s18 =	sadd.s32 @!p1 $0x300, s7  }
0x258: {  	[tilespmem:s19], [sflag:$0x2] =	stream.indirect.gather @!p1 [hbm4b:s1+s11], $0x40, s18, s11, $0x2000b8;
	[tilespmem:$0x1E580] =	vst v63  }
0x259: {  	_ =	swait.ge [sflag:s24], $0x2000  }
0x25a: {  	[sflag:s24] =	ssyncset.done $0x0  }
0x25b: {  	s30 =	sadd.s32 $0x5100, s22;
	[sflag:s24] =	ssyncadd.s32 $0xFFFFE000  }
0x25c: {  	[spmem:s3] =	stream.indirect.scatter.add.f32 [tilespmem:s31], [sflag:$0x8], $0x40, s30, s25, $0x2000b8;
	[tilespmem:$0x1E580] =	vst v63  }
0x25d: {  	_ = 	snop  }
0x25e: {  	[spmem:s4] =	stream.indirect.scatter.add.f32 [tilespmem:s16], [sflag:$0xB], $0x1, s30, s25, $0x2000b8;
	[tilespmem:$0x1E580] =	vst v63  }
0x25f: {  	_ =	swait.ge [sflag:s5], $0x2000  }
0x260: {  	[sflag:s5] =	ssyncset.done $0x0  }
0x261: {  	s18 =	simm.s32 @p1 $0x4;
	[sflag:s5] =	ssyncadd.s32 $0xFFFFE000  }
0x262: {  	_ =	swait.ge @p1 [sflag:s18], $0x2000  }
0x263: {  	[sflag:s18] =	ssyncset.done @p1 $0x0  }
0x264: {  	s8 =	sadd.s32 @p1 $0x5180, s8;
	[sflag:s18] =	ssyncadd.s32 @p1 $0xFFFFE000;
	s18 =	simm.s32 @p1 $0x10000  }
0x265: {  	[spmem:s3] =	stream.indirect.scatter.add.f32 @p1 [tilespmem:s18], [sflag:$0x9], $0x40, s8, s10, $0x2000b8;
	[tilespmem:$0x1E580] =	vst v63  }
0x266: {  	_ = 	snop  }
0x267: {  	[spmem:s4] =	stream.indirect.scatter.add.f32 @p1 [tilespmem:s9], [sflag:$0xB], $0x1, s8, s10, $0x2000b8;
	[tilespmem:$0x1E580] =	vst v63  }
0x268: {  	s8 =	simm.s32 @p1 $0x9  }
0x269: {  	_ =	swait.ge @p1 [sflag:s8], $0x2000  }
0x26a: {  	[sflag:s8] =	ssyncset.done @p1 $0x0  }
0x26b: {  	s9 =	sadd.s32 @!p1 $0x380, s7;
	[sflag:s8] =	ssyncadd.s32 @p1 $0xFFFFE000;
	s8 =	simm.s32 @!p1 $0xE000  }
0x26c: {  	[tilespmem:s8], [sflag:$0x3] =	stream.indirect.gather @!p1 [hbm4b:s1+s11], $0x40, s9, s11, $0x2000b8;
	[tilespmem:$0x1E580] =	vst v63  }
0x26d: {  	s8 =	simm.s32 @!p1 $0x4  }
0x26e: {  	_ =	swait.ge @!p1 [sflag:s8], $0x2000  }
0x26f: {  	[sflag:s8] =	ssyncset.done @!p1 $0x0  }
0x270: {  	s9 =	simm.s32 @!p1 $0x10000;
	[sflag:s8] =	ssyncadd.s32 @!p1 $0xFFFFE000;
	s8 =	sadd.s32 @!p1 $0x5180, s7  }
0x271: {  	[spmem:s3] =	stream.indirect.scatter.add.f32 @!p1 [tilespmem:s9], [sflag:$0x9], $0x40, s8, s11, $0x2000b8;
	[tilespmem:$0x1E580] =	vst v63  }
0x272: {  	_ = 	snop  }
0x273: {  	[spmem:s4] =	stream.indirect.scatter.add.f32 @!p1 [tilespmem:s20], [sflag:$0xB], $0x1, s8, s11, $0x2000b8;
	[tilespmem:$0x1E580] =	vst v63  }
0x274: {  	s8 =	simm.s32 @!p1 $0x9  }
0x275: {  	_ =	swait.ge @!p1 [sflag:s8], $0x2000  }
0x276: {  	[sflag:s8] =	ssyncset.done @!p1 $0x0  }
0x277: {  	s7 =	sadd.s32 @!p1 $0x400, s7;
	[sflag:s8] =	ssyncadd.s32 @!p1 $0xFFFFE000  }
0x278: {  	[tilespmem:s9], [sflag:$0x4] =	stream.indirect.gather @!p1 [hbm4b:s1+s11], $0x40, s7, s11, $0x2000b8;
	[tilespmem:$0x1E580] =	vst v63  }
0x279: {  	_ =	swait.ge [sflag:s14], $0x2000  }
0x27a: {  	[sflag:s14] =	ssyncset.done $0x0  }
0x27b: {  	s6 =	sadd.s32 $0x5200, s22;
	[sflag:s14] =	ssyncadd.s32 $0xFFFFE000  }
0x27c: {  	[spmem:s3] =	stream.indirect.scatter.add.f32 [tilespmem:s0], [sflag:$0xA], $0x40, s6, s25, $0x2000b8;
	[tilespmem:$0x1E580] =	vst v63  }
0x27d: {  	_ = 	snop  }
0x27e: {  	[spmem:s4] =	stream.indirect.scatter.add.f32 [tilespmem:s16], [sflag:$0xB], $0x1, s6, s25, $0x2000b8;
	[tilespmem:$0x1E580] =	vst v63  }
0x27f: {  	_ =	strace $0x9000004B  }
0x280: {  	_ =	strace $0x8000004C  }
0x281: {  	_ =	swait.ge [sflag:s15], $0x2000  }
0x282: {  	[sflag:s15] =	ssyncset.done $0x0  }
0x283: {  	[sflag:s15] =	ssyncadd.s32 $0xFFFFE000  }
0x284: {  	_ =	swait.ge [sflag:s17], $0x80  }
0x285: {  	s6 =	simm.s32 $0x9F;
	[sflag:s17] =	ssyncset.done $0x0  }
.LBB2_9:
0x286: {  	p1 =	sne.s32 s6, $0x1;
	s6 =	sadd.s32 $0xFFFFFFFF, s6;
	[sflag:s17] =	ssyncadd.s32 $0xFFFFFF80  }
.Ltmp9:
0x287: {  	(pc) =	sbr.rel @p1 .LBB2_9-.Ltmp9, $3  }
0x288: {  	_ =	sdelay $0x1  }
0x289: {  	_ =	swait.ge [sflag:s17], $0x80  }
0x28a: {  	[sflag:s17] =	ssyncset.done $0x0  }
.Ltmp10:
0x28b: {  	_ = 	snop;
	(pc) =	sbr.rel .LBB2_10-.Ltmp10, $1  }
0x28c: {  	_ =	sdelay $0x3  }
.LBB2_17:
0x28d: {  	_ =	sfence.sel $0x180000  }
0x28e: {  	[bflag:$0x0] =	sbarrier.arrive $0xFFFF  }
0x28f: {  	_ =	strace $0x90000047  }
0x290: {  	[bflag:$0x2] =	sbarrier.arrive $0xFFFF  }
0x291: {  	p0 =	sne.s32 s10, $0x0;
	s0 =	rddreg [dreg:$0x6]  }
0x292: {  	s0 =	sadd.s32 @!p0 $0x100000, s0  }
0x293: {  	[sflag:s0] =	ssyncadd.tile.s32 @!p0 $0x1;
	_ =	shalt  }
.Lfunc_end2:
_tile_overlayer_lowered:
.L_overlay_start_2:
0x294: {  	(tag) =	ssettag $0x2  }
0x295: {  	s0 =	rddreg [dreg:$0x0];
	s2 =	stileid.u32  }
0x296: {  	s1 =	rddreg [dreg:$0x1];
	p0 =	sne.s32 s2, $0x0  }
0x297: {  	s3 =	rddreg [dreg:$0x2];
	[bflag:$0x3] =	sbarrier.arrive $0xFFFF;
	s2 =	simm.s32 @!p0 $0x1C0C  }
0x298: {  	[timem:s3], [sflag:s2] =	dma.local @!p0 [hbm:s0], s1  }
0x299: {  	s0 =	simm.s32 @!p0 $0xC  }
0x29a: {  	_ =	swait.ge @!p0 [sflag:s0], s1  }
0x29b: {  	s1 =	ssub.s32 @!p0 $0x0, s1;
	[sflag:s0] =	ssyncset.done @!p0 $0x0  }
0x29c: {  	[sflag:s0] =	ssyncadd.s32 @!p0 s1  }
0x29d: {  	[bflag:$0x3] =	sbarrier.arrive $0xFFFF  }
0x29e: {  	_ =	shalt  }

</sc_bundles>
